<compile_context>
chip_gen: v7x
topology: tpu7x:2x2x1
jax: 0.10.2.dev20260603
libtpu: 0.0.44.dev20260713+nightly
codegen_flags: <defaults>
</compile_context>

<pallas_src>
import functools

import jax
import jax.numpy as jnp
from jax import lax
from jax.experimental import pallas as pl
from jax.experimental.pallas import tpu as pltpu
from jax.experimental.pallas import tpu_sc as plsc

N = 10000
NPAD = 10240
RPT = NPAD // 16
E = 320000
EPAD = 327680
CHUNK = 128
CPT_A = EPAD // 16 // CHUNK
CPT_E = EPAD // 32 // CHUNK
G = 16

_mesh = plsc.VectorSubcoreMesh(core_axis_name="c", subcore_axis_name="s")



@functools.partial(
    pl.kernel,
    out_type=jax.ShapeDtypeStruct((2 * NPAD, 128), jnp.float32),
    mesh=_mesh,
    scratch_types=[
        pltpu.VMEM((CHUNK, 128), jnp.float32),
        pltpu.VMEM((CPT_E, CHUNK), jnp.int32),
        pltpu.VMEM_SHARED((NPAD, 128), jnp.float32),
        pltpu.SemaphoreType.DMA,
    ],
)
def _deg_sc(dst_hbm, ones_hbm, zeros_hbm, out_hbm, ones_v, didx_v, acc, ssem):
    cid = lax.axis_index("c")
    sid = lax.axis_index("s")
    pltpu.sync_copy(ones_hbm, ones_v)
    pltpu.sync_copy(dst_hbm.at[cid, sid], didx_v)
    pltpu.sync_copy(zeros_hbm, acc.at[pl.ds(sid * RPT, RPT)])
    plsc.subcore_barrier()

    @pl.loop(0, CPT_E // G)
    def _(g):
        descs = []
        for j in range(G):
            descs.append(pltpu.async_copy(
                ones_v, acc.at[didx_v.at[g * G + j]], ssem, add=True))
        for dsc in descs:
            dsc.wait()

    plsc.subcore_barrier()
    pltpu.sync_copy(
        acc.at[pl.ds(sid * RPT, RPT)],
        out_hbm.at[pl.ds(cid * NPAD + sid * RPT, RPT)],
    )



@functools.partial(
    pl.kernel,
    out_type=jax.ShapeDtypeStruct((2 * NPAD, 128), jnp.float32),
    mesh=_mesh,
    scratch_types=[
        pltpu.VMEM((G, CHUNK), jnp.int32),
        pltpu.VMEM((G, CHUNK), jnp.int32),
        pltpu.VMEM((CHUNK, 128), jnp.float32),
        pltpu.VMEM((CHUNK, 128), jnp.float32),
        pltpu.VMEM_SHARED((NPAD, 128), jnp.float32),
        pltpu.SemaphoreType.DMA,
        pltpu.SemaphoreType.DMA,
        pltpu.SemaphoreType.DMA,
        pltpu.SemaphoreType.DMA,
    ],
)
def _agg_es(h_hbm, src_hbm, dst_hbm, zeros_hbm, out_hbm,
            sidx_v, didx_v, rows_a, rows_b, acc, sem_a, sem_b, sem_c, sem_d):
    cid = lax.axis_index("c")
    sid = lax.axis_index("s")

    @pl.when(cid == 0)
    def _():
        pltpu.sync_copy(h_hbm.at[pl.ds(sid * RPT, RPT)],
                        acc.at[pl.ds(sid * RPT, RPT)])

    @pl.when(cid == 1)
    def _():
        pltpu.sync_copy(zeros_hbm, acc.at[pl.ds(sid * RPT, RPT)])

    plsc.subcore_barrier()

    @pl.loop(0, CPT_E // G)
    def _(g):
        pltpu.sync_copy(src_hbm.at[cid, sid, pl.ds(g * G, G)], sidx_v)
        pltpu.sync_copy(dst_hbm.at[cid, sid, pl.ds(g * G, G)], didx_v)
        bufs = (rows_a, rows_b)
        gsems = (sem_a, sem_b)
        ssems = (sem_c, sem_d)
        pend_g = [pltpu.async_copy(h_hbm.at[sidx_v.at[0]], bufs[0], gsems[0]),
                  None]
        pend_s = [None, None]
        for j in range(G):
            cur = j % 2
            nxt = 1 - cur
            if j + 1 < G:
                if pend_s[nxt] is not None:
                    pend_s[nxt].wait()
                    pend_s[nxt] = None
                pend_g[nxt] = pltpu.async_copy(
                    h_hbm.at[sidx_v.at[j + 1]], bufs[nxt], gsems[nxt])
            pend_g[cur].wait()
            pend_s[cur] = pltpu.async_copy(
                bufs[cur], acc.at[didx_v.at[j]], ssems[cur], add=True)
        for dsc in pend_s:
            if dsc is not None:
                dsc.wait()

    plsc.subcore_barrier()
    pltpu.sync_copy(
        acc.at[pl.ds(sid * RPT, RPT)],
        out_hbm.at[pl.ds(cid * NPAD + sid * RPT, RPT)],
    )



@functools.partial(
    pl.kernel,
    out_type=jax.ShapeDtypeStruct((2 * NPAD, 128), jnp.float32),
    mesh=_mesh,
    scratch_types=[
        pltpu.VMEM((G, CHUNK), jnp.int32),
        pltpu.VMEM((G, CHUNK), jnp.int32),
        pltpu.VMEM((CHUNK, 128), jnp.float32),
        pltpu.VMEM((CHUNK, 128), jnp.float32),
        pltpu.VMEM_SHARED((NPAD, 128), jnp.float32),
        pltpu.SemaphoreType.DMA,
        pltpu.SemaphoreType.DMA,
        pltpu.SemaphoreType.DMA,
        pltpu.SemaphoreType.DMA,
    ],
)
def _agg_cs(h_hbm, src_hbm, dst_hbm, out_hbm,
            sidx_v, didx_v, rows_a, rows_b, acc, sem_a, sem_b, sem_c, sem_d):
    cid = lax.axis_index("c")
    sid = lax.axis_index("s")
    pltpu.sync_copy(
        h_hbm.at[pl.ds(cid * NPAD + sid * RPT, RPT)],
        acc.at[pl.ds(sid * RPT, RPT)],
    )
    plsc.subcore_barrier()

    @pl.loop(0, CPT_A // G)
    def _(g):
        pltpu.sync_copy(src_hbm.at[cid, sid, pl.ds(g * G, G)], sidx_v)
        pltpu.sync_copy(dst_hbm.at[sid, pl.ds(g * G, G)], didx_v)
        bufs = (rows_a, rows_b)
        gsems = (sem_a, sem_b)
        ssems = (sem_c, sem_d)
        pend_g = [pltpu.async_copy(h_hbm.at[sidx_v.at[0]], bufs[0], gsems[0]),
                  None]
        pend_s = [None, None]
        for j in range(G):
            cur = j % 2
            nxt = 1 - cur
            if j + 1 < G:
                if pend_s[nxt] is not None:
                    pend_s[nxt].wait()
                    pend_s[nxt] = None
                pend_g[nxt] = pltpu.async_copy(
                    h_hbm.at[sidx_v.at[j + 1]], bufs[nxt], gsems[nxt])
            pend_g[cur].wait()
            pend_s[cur] = pltpu.async_copy(
                bufs[cur], acc.at[didx_v.at[j]], ssems[cur], add=True)
        for dsc in pend_s:
            if dsc is not None:
                dsc.wait()

    plsc.subcore_barrier()
    pltpu.sync_copy(
        acc.at[pl.ds(sid * RPT, RPT)],
        out_hbm.at[pl.ds(cid * NPAD + sid * RPT, RPT)],
    )



def _tc1(degp_ref, x_ref, dinv_ref, xs_ref):
    d = degp_ref[...]
    deg = d[:NPAD, 0:1] + d[NPAD:, 0:1] + 1.0
    dinv = lax.rsqrt(deg)
    dinv_ref[...] = dinv
    xs_ref[...] = x_ref[...] * dinv


def _tc2(agg_ref, dinv_ref, w1_ref, b1_ref, out_ref):
    dinv = dinv_ref[...]
    a = (agg_ref[:NPAD, :] + agg_ref[NPAD:, :]) * dinv
    t = jnp.dot(a, w1_ref[...], preferred_element_type=jnp.float32) + b1_ref[...]
    h = jnp.maximum(t, 0.0) * dinv
    out_ref[:NPAD, :] = h[:, :128]
    out_ref[NPAD:, :] = h[:, 128:]


def _tc3(agg_ref, dinv_ref, w2_ref, b2_ref, w3_ref, out_ref):
    dinv = dinv_ref[...]
    a0 = agg_ref[:NPAD, :] * dinv
    a1 = agg_ref[NPAD:, :] * dinv
    t = (jnp.dot(a0, w2_ref[:128, :], preferred_element_type=jnp.float32)
         + jnp.dot(a1, w2_ref[128:, :], preferred_element_type=jnp.float32)
         + b2_ref[...])
    h = jnp.maximum(t, 0.0)
    u = jnp.dot(h, w3_ref[...], preferred_element_type=jnp.float32) * dinv
    out_ref[...] = jnp.concatenate([u, jnp.zeros_like(u)], axis=1)


def _tc4(agg_ref, dinv_ref, b3_ref, out_ref):
    dinv = dinv_ref[...]
    a = (agg_ref[:NPAD, :64] + agg_ref[NPAD:, :64])
    t = a * dinv + b3_ref[...]
    m = jnp.max(t, axis=1, keepdims=True)
    z = t - m
    lse = jnp.log(jnp.sum(jnp.exp(z), axis=1, keepdims=True))
    out_ref[...] = (z - lse)[:N]


def _tc_call(body, out_shapes, *args):
    return pl.pallas_call(body, out_shape=out_shapes)(*args)



def kernel(x, edge_index, W1, b1, W2, b2, W3, b3):
    f32 = jnp.float32
    src = edge_index[0].astype(jnp.int32)
    dst = edge_index[1].astype(jnp.int32)
    padv = N + jnp.arange(EPAD - E, dtype=jnp.int32) % (NPAD - N)
    srcp = jnp.concatenate([src, padv])
    dstp = jnp.concatenate([dst, padv])
    src_es = srcp.reshape(2, 16, CPT_E, CHUNK)
    dst_es = dstp.reshape(2, 16, CPT_E, CHUNK)
    src_cs = jnp.stack([srcp, srcp + NPAD]).reshape(2, 16, CPT_A, CHUNK)
    dst_cs = dstp.reshape(16, CPT_A, CHUNK)
    x_pad = jnp.zeros((NPAD, 128), f32).at[:N, :].set(x)
    zeros128 = jnp.zeros((RPT, 128), f32)
    ones128 = jnp.ones((CHUNK, 128), f32)

    degp = _deg_sc(dst_es, ones128, zeros128)
    dinv, xs = _tc_call(
        _tc1,
        (jax.ShapeDtypeStruct((NPAD, 1), f32),
         jax.ShapeDtypeStruct((NPAD, 128), f32)),
        degp, x_pad)

    a1 = _agg_es(xs, src_es, dst_es, zeros128)
    h1 = _tc_call(_tc2, jax.ShapeDtypeStruct((2 * NPAD, 128), f32),
                  a1, dinv, W1, b1.reshape(1, -1))

    a2 = _agg_cs(h1, src_cs, dst_cs)
    u = _tc_call(_tc3, jax.ShapeDtypeStruct((NPAD, 128), f32),
                 a2, dinv, W2, b2.reshape(1, -1), W3)

    a3 = _agg_es(u, src_es, dst_es, zeros128)
    out = _tc_call(_tc4, jax.ShapeDtypeStruct((N, 64), f32),
                   a3, dinv, b3.reshape(1, -1))
    return out

# --- scband reference (transcript-rebuilt; emitter-appended) ---
"""Pipeline reference for scband-gcn-30605936951897 (READ-ONLY COPY).

The authoritative reference and input builder live on the scoring server;
editing this copy changes nothing except your own understanding.
"""

import jax, jax.numpy as jnp
import numpy as np

IN_CH = 128
HID_CH = 256
OUT_CH = 64
N_NODES = 10000
N_EDGES = 320000


def _glorot(key, shape):
    fan_in, fan_out = shape[0], shape[1]
    limit = float(np.sqrt(6.0 / (fan_in + fan_out)))
    return jax.random.uniform(key, shape, minval=-limit, maxval=limit, dtype=jnp.float32)


def setup_inputs(seed: int = 0) -> dict:
    key = jax.random.key(seed)
    ks = jax.random.split(key, 8)
    x = jax.random.normal(ks[0], (N_NODES, IN_CH), dtype=jnp.float32)
    edge_index = jax.random.randint(ks[1], (2, N_EDGES), 0, N_NODES, dtype=jnp.int64 if jax.config.jax_enable_x64 else jnp.int32).astype(jnp.int32)
    W1 = _glorot(ks[2], (IN_CH, HID_CH))
    b1 = jnp.zeros((HID_CH,), dtype=jnp.float32)
    W2 = _glorot(ks[3], (HID_CH, HID_CH))
    b2 = jnp.zeros((HID_CH,), dtype=jnp.float32)
    W3 = _glorot(ks[4], (HID_CH, OUT_CH))
    b3 = jnp.zeros((OUT_CH,), dtype=jnp.float32)
    return {"x": x, "edge_index": edge_index, "W1": W1, "b1": b1, "W2": W2, "b2": b2, "W3": W3, "b3": b3}


def _gcn_conv(x, src, dst, W, b, num_nodes):
    # GCNConv: x' = D^{-1/2} (A + I) D^{-1/2} (x W) + b
    h = x @ W
    deg = jnp.zeros((num_nodes,), dtype=jnp.float32).at[dst].add(1.0)
    dinv = jnp.where(deg > 0, jax.lax.rsqrt(jnp.maximum(deg, 1e-12)), 0.0)
    norm = dinv[src] * dinv[dst]
    msg = h[src] * norm[:, None]
    out = jax.ops.segment_sum(msg, dst, num_segments=num_nodes)
    return out + b


def reference(x, edge_index, W1, b1, W2, b2, W3, b3):
    num_nodes = x.shape[0]
    loop = jnp.arange(num_nodes, dtype=edge_index.dtype)
    src = jnp.concatenate([edge_index[0], loop])
    dst = jnp.concatenate([edge_index[1], loop])
    h = _gcn_conv(x, src, dst, W1, b1, num_nodes)
    h = jax.nn.relu(h)
    # dropout is identity in eval mode
    h = _gcn_conv(h, src, dst, W2, b2, num_nodes)
    h = jax.nn.relu(h)
    h = _gcn_conv(h, src, dst, W3, b3, num_nodes)
    return jax.nn.log_softmax(h, axis=1)

if __name__ == "__main__":
    import jax
    _d = setup_inputs()
    print(jax.jit(kernel)(*tuple(_d.values())))

</pallas_src>

<mosaic_0001>
#map = affine_map<(d0, d1) -> (0, 0)>
#map1 = affine_map<(d0, d1) -> (0, 0, 0, 0)>
#map2 = affine_map<(d0, d1) -> (0, 0, 0)>
module attributes {stable_mosaic.version = 14 : i64} {
  func.func @_agg_cs(%arg0: i32, %arg1: i32, %arg2: memref<20480x128xf32, #tpu.memory_space<hbm>>, %arg3: memref<2x16x160x128xi32, #tpu.memory_space<hbm>>, %arg4: memref<16x160x128xi32, #tpu.memory_space<hbm>>, %arg5: memref<20480x128xf32, #tpu.memory_space<hbm>>, %arg6: memref<16x128xi32, #tpu.memory_space<vmem>>, %arg7: memref<16x128xi32, #tpu.memory_space<vmem>>, %arg8: memref<128x128xf32, #tpu.memory_space<vmem>>, %arg9: memref<128x128xf32, #tpu.memory_space<vmem>>, %arg10: memref<10240x128xf32, #tpu.memory_space<vmem_shared>>, %arg11: memref<!tpu.dma_semaphore, #tpu.memory_space<semaphore_mem>>, %arg12: memref<!tpu.dma_semaphore, #tpu.memory_space<semaphore_mem>>, %arg13: memref<!tpu.dma_semaphore, #tpu.memory_space<semaphore_mem>>, %arg14: memref<!tpu.dma_semaphore, #tpu.memory_space<semaphore_mem>>) attributes {dimension_semantics = [#tpu.dimension_semantics<core_parallel>, #tpu.dimension_semantics<subcore_parallel>], iteration_bounds = array<i64: 2, 16>, scalar_prefetch = 0 : i64, scratch_operands = 9 : i64, tpu.core_type = #tpu.core_type<sc_vector_subcore>, window_params = [{transform_indices = #map}, {transform_indices = #map1}, {transform_indices = #map2}, {transform_indices = #map}]} {
    %mul3A = arith.constant 10240 : i32
    %mul3A_0 = arith.muli %arg0, %mul3A : i32
    %mul3A_1 = arith.constant 640 : i32
    %mul3A_2 = arith.muli %arg1, %mul3A_1 : i32
    %add3A = arith.addi %mul3A_0, %mul3A_2 : i32
    %mul3A_3 = arith.constant 640 : i32
    %mul3A_4 = arith.muli %arg1, %mul3A_3 : i32
    "tpu.region"() ({
      %run_scoped3A = tpu.sem_alloc : memref<!tpu.dma_semaphore, #tpu.memory_space<semaphore_mem>>
      %dma_start3A = arith.constant 0 : i32
      %dma_start3A_17 = tpu.memref_slice %arg10[%mul3A_4, %dma_start3A] : memref<10240x128xf32, #tpu.memory_space<vmem_shared>> -> memref<640x128xf32, #tpu.memory_space<vmem_shared>>
      %dma_start3A_18 = arith.constant 0 : i32
      %dma_start3A_19 = tpu.memref_slice %arg2[%add3A, %dma_start3A_18] : memref<20480x128xf32, #tpu.memory_space<hbm>> -> memref<640x128xf32, #tpu.memory_space<hbm>>
      tpu.enqueue_dma source(%dma_start3A_19 : memref<640x128xf32, #tpu.memory_space<hbm>>) target(%dma_start3A_17 : memref<640x128xf32, #tpu.memory_space<vmem_shared>>) target_semaphore(%run_scoped3A : memref<!tpu.dma_semaphore, #tpu.memory_space<semaphore_mem>>)
      %dma_wait3A = arith.constant 0 : i32
      %dma_wait3A_20 = tpu.memref_slice %arg10[%mul3A_4, %dma_wait3A] : memref<10240x128xf32, #tpu.memory_space<vmem_shared>> -> memref<640x128xf32, #tpu.memory_space<vmem_shared>>
      %dma_wait3A_21 = arith.constant 0 : i32
      %dma_wait3A_22 = tpu.memref_slice %arg2[%add3A, %dma_wait3A_21] : memref<20480x128xf32, #tpu.memory_space<hbm>> -> memref<640x128xf32, #tpu.memory_space<hbm>>
      tpu.wait_dma2 semaphore(%run_scoped3A : memref<!tpu.dma_semaphore, #tpu.memory_space<semaphore_mem>>) src(%dma_wait3A_22 : memref<640x128xf32, #tpu.memory_space<hbm>>) dst(%dma_wait3A_20 : memref<640x128xf32, #tpu.memory_space<vmem_shared>>)
      tpu.yield
    }) : () -> ()
    %barrier3A = arith.constant 0 : index
    tpu.barrier barrier_id(%barrier3A)
    %scan3A = arith.constant 0 : i32
    %scan3A_5 = arith.constant 10 : i32
    %scan3A_6 = arith.addi %scan3A, %scan3A_5 : i32
    %scan3A_7 = arith.constant 1 : i32
    scf.for %scan3A_17 = %scan3A to %scan3A_6 step %scan3A_7  : i32 {
      %mul3A_18 = arith.constant 1 : i32
      %mul3A_19 = arith.muli %scan3A_17, %mul3A_18 : i32
      %add3A_20 = arith.constant 0 : i32
      %add3A_21 = arith.addi %add3A_20, %mul3A_19 : i32
      %mul3A_22 = arith.constant 16 : i32
      %mul3A_23 = arith.muli %add3A_21, %mul3A_22 : i32
      "tpu.region"() ({
        %run_scoped3A = tpu.sem_alloc : memref<!tpu.dma_semaphore, #tpu.memory_space<semaphore_mem>>
        %dma_start3A_472 = arith.constant 0 : i32
        %dma_start3A_473 = tpu.memref_slice %arg3[%arg0, %arg1, %mul3A_23, %dma_start3A_472] : memref<2x16x160x128xi32, #tpu.memory_space<hbm>> -> memref<1x1x16x128xi32, #tpu.memory_space<hbm>>
        %dma_start3A_474 = tpu.memref_squeeze %dma_start3A_473 : memref<1x1x16x128xi32, #tpu.memory_space<hbm>> -> memref<16x128xi32, #tpu.memory_space<hbm>>
        %dma_start3A_475 = arith.constant 0 : i32
        %dma_start3A_476 = tpu.memref_slice %arg3[%arg0, %arg1, %mul3A_23, %dma_start3A_475] : memref<2x16x160x128xi32, #tpu.memory_space<hbm>> -> memref<1x1x16x128xi32, #tpu.memory_space<hbm>>
        %dma_start3A_477 = tpu.memref_squeeze %dma_start3A_476 : memref<1x1x16x128xi32, #tpu.memory_space<hbm>> -> memref<16x128xi32, #tpu.memory_space<hbm>>
        tpu.enqueue_dma source(%dma_start3A_477 : memref<16x128xi32, #tpu.memory_space<hbm>>) target(%arg6 : memref<16x128xi32, #tpu.memory_space<vmem>>) target_semaphore(%run_scoped3A : memref<!tpu.dma_semaphore, #tpu.memory_space<semaphore_mem>>)
        %dma_wait3A_478 = arith.constant 0 : i32
        %dma_wait3A_479 = tpu.memref_slice %arg3[%arg0, %arg1, %mul3A_23, %dma_wait3A_478] : memref<2x16x160x128xi32, #tpu.memory_space<hbm>> -> memref<1x1x16x128xi32, #tpu.memory_space<hbm>>
        %dma_wait3A_480 = tpu.memref_squeeze %dma_wait3A_479 : memref<1x1x16x128xi32, #tpu.memory_space<hbm>> -> memref<16x128xi32, #tpu.memory_space<hbm>>
        %dma_wait3A_481 = arith.constant 0 : i32
        %dma_wait3A_482 = tpu.memref_slice %arg3[%arg0, %arg1, %mul3A_23, %dma_wait3A_481] : memref<2x16x160x128xi32, #tpu.memory_space<hbm>> -> memref<1x1x16x128xi32, #tpu.memory_space<hbm>>
        %dma_wait3A_483 = tpu.memref_squeeze %dma_wait3A_482 : memref<1x1x16x128xi32, #tpu.memory_space<hbm>> -> memref<16x128xi32, #tpu.memory_space<hbm>>
        tpu.wait_dma2 semaphore(%run_scoped3A : memref<!tpu.dma_semaphore, #tpu.memory_space<semaphore_mem>>) src(%dma_wait3A_483 : memref<16x128xi32, #tpu.memory_space<hbm>>) dst(%arg6 : memref<16x128xi32, #tpu.memory_space<vmem>>)
        tpu.yield
      }) : () -> ()
      %mul3A_24 = arith.constant 16 : i32
      %mul3A_25 = arith.muli %add3A_21, %mul3A_24 : i32
      "tpu.region"() ({
        %run_scoped3A = tpu.sem_alloc : memref<!tpu.dma_semaphore, #tpu.memory_space<semaphore_mem>>
        %dma_start3A_472 = arith.constant 0 : i32
        %dma_start3A_473 = tpu.memref_slice %arg4[%arg1, %mul3A_25, %dma_start3A_472] : memref<16x160x128xi32, #tpu.memory_space<hbm>> -> memref<1x16x128xi32, #tpu.memory_space<hbm>>
        %dma_start3A_474 = tpu.memref_squeeze %dma_start3A_473 : memref<1x16x128xi32, #tpu.memory_space<hbm>> -> memref<16x128xi32, #tpu.memory_space<hbm>>
        %dma_start3A_475 = arith.constant 0 : i32
        %dma_start3A_476 = tpu.memref_slice %arg4[%arg1, %mul3A_25, %dma_start3A_475] : memref<16x160x128xi32, #tpu.memory_space<hbm>> -> memref<1x16x128xi32, #tpu.memory_space<hbm>>
        %dma_start3A_477 = tpu.memref_squeeze %dma_start3A_476 : memref<1x16x128xi32, #tpu.memory_space<hbm>> -> memref<16x128xi32, #tpu.memory_space<hbm>>
        tpu.enqueue_dma source(%dma_start3A_477 : memref<16x128xi32, #tpu.memory_space<hbm>>) target(%arg7 : memref<16x128xi32, #tpu.memory_space<vmem>>) target_semaphore(%run_scoped3A : memref<!tpu.dma_semaphore, #tpu.memory_space<semaphore_mem>>)
        %dma_wait3A_478 = arith.constant 0 : i32
        %dma_wait3A_479 = tpu.memref_slice %arg4[%arg1, %mul3A_25, %dma_wait3A_478] : memref<16x160x128xi32, #tpu.memory_space<hbm>> -> memref<1x16x128xi32, #tpu.memory_space<hbm>>
        %dma_wait3A_480 = tpu.memref_squeeze %dma_wait3A_479 : memref<1x16x128xi32, #tpu.memory_space<hbm>> -> memref<16x128xi32, #tpu.memory_space<hbm>>
        %dma_wait3A_481 = arith.constant 0 : i32
        %dma_wait3A_482 = tpu.memref_slice %arg4[%arg1, %mul3A_25, %dma_wait3A_481] : memref<16x160x128xi32, #tpu.memory_space<hbm>> -> memref<1x16x128xi32, #tpu.memory_space<hbm>>
        %dma_wait3A_483 = tpu.memref_squeeze %dma_wait3A_482 : memref<1x16x128xi32, #tpu.memory_space<hbm>> -> memref<16x128xi32, #tpu.memory_space<hbm>>
        tpu.wait_dma2 semaphore(%run_scoped3A : memref<!tpu.dma_semaphore, #tpu.memory_space<semaphore_mem>>) src(%dma_wait3A_483 : memref<16x128xi32, #tpu.memory_space<hbm>>) dst(%arg7 : memref<16x128xi32, #tpu.memory_space<vmem>>)
        tpu.yield
      }) : () -> ()
      %dma_start3A = arith.constant 0 : i32
      %dma_start3A_26 = arith.constant 0 : i32
      %dma_start3A_27 = tpu.memref_slice %arg6[%dma_start3A, %dma_start3A_26] : memref<16x128xi32, #tpu.memory_space<vmem>> -> memref<1x128xi32, #tpu.memory_space<vmem>>
      %dma_start3A_28 = tpu.memref_squeeze %dma_start3A_27 : memref<1x128xi32, #tpu.memory_space<vmem>> -> memref<128xi32, #tpu.memory_space<vmem>>
      %dma_start3A_29 = arith.constant 0 : i32
      %dma_start3A_30 = arith.constant 0 : i32
      %dma_start3A_31 = tpu.memref_slice %arg2[%dma_start3A_29, %dma_start3A_30] : memref<20480x128xf32, #tpu.memory_space<hbm>> -> memref<20480x128xf32, #tpu.memory_space<hbm>>
      tpu.enqueue_indirect_dma source(%dma_start3A_31 : memref<20480x128xf32, #tpu.memory_space<hbm>>) target(%arg8 : memref<128x128xf32, #tpu.memory_space<vmem>>) offsets(%dma_start3A_28 : memref<128xi32, #tpu.memory_space<vmem>>) semaphore(%arg11 : memref<!tpu.dma_semaphore, #tpu.memory_space<semaphore_mem>>)
      %dma_start3A_32 = arith.constant 1 : i32
      %dma_start3A_33 = arith.constant 0 : i32
      %dma_start3A_34 = tpu.memref_slice %arg6[%dma_start3A_32, %dma_start3A_33] : memref<16x128xi32, #tpu.memory_space<vmem>> -> memref<1x128xi32, #tpu.memory_space<vmem>>
      %dma_start3A_35 = tpu.memref_squeeze %dma_start3A_34 : memref<1x128xi32, #tpu.memory_space<vmem>> -> memref<128xi32, #tpu.memory_space<vmem>>
      %dma_start3A_36 = arith.constant 0 : i32
      %dma_start3A_37 = arith.constant 0 : i32
      %dma_start3A_38 = tpu.memref_slice %arg2[%dma_start3A_36, %dma_start3A_37] : memref<20480x128xf32, #tpu.memory_space<hbm>> -> memref<20480x128xf32, #tpu.memory_space<hbm>>
      tpu.enqueue_indirect_dma source(%dma_start3A_38 : memref<20480x128xf32, #tpu.memory_space<hbm>>) target(%arg9 : memref<128x128xf32, #tpu.memory_space<vmem>>) offsets(%dma_start3A_35 : memref<128xi32, #tpu.memory_space<vmem>>) semaphore(%arg12 : memref<!tpu.dma_semaphore, #tpu.memory_space<semaphore_mem>>)
      %dma_wait3A = arith.constant 0 : i32
      %dma_wait3A_39 = arith.constant 0 : i32
      %dma_wait3A_40 = tpu.memref_slice %arg6[%dma_wait3A, %dma_wait3A_39] : memref<16x128xi32, #tpu.memory_space<vmem>> -> memref<1x128xi32, #tpu.memory_space<vmem>>
      %dma_wait3A_41 = tpu.memref_squeeze %dma_wait3A_40 : memref<1x128xi32, #tpu.memory_space<vmem>> -> memref<128xi32, #tpu.memory_space<vmem>>
      %dma_wait3A_42 = arith.constant 0 : i32
      %dma_wait3A_43 = arith.constant 0 : i32
      %dma_wait3A_44 = tpu.memref_slice %arg2[%dma_wait3A_42, %dma_wait3A_43] : memref<20480x128xf32, #tpu.memory_space<hbm>> -> memref<20480x128xf32, #tpu.memory_space<hbm>>
      tpu.wait_indirect_dma semaphore(%arg11 : memref<!tpu.dma_semaphore, #tpu.memory_space<semaphore_mem>>) src(%dma_wait3A_44 : memref<20480x128xf32, #tpu.memory_space<hbm>>) dst(%arg8 : memref<128x128xf32, #tpu.memory_space<vmem>>)
      %dma_start3A_45 = arith.constant 0 : i32
      %dma_start3A_46 = arith.constant 0 : i32
      %dma_start3A_47 = tpu.memref_slice %arg7[%dma_start3A_45, %dma_start3A_46] : memref<16x128xi32, #tpu.memory_space<vmem>> -> memref<1x128xi32, #tpu.memory_space<vmem>>
      %dma_start3A_48 = tpu.memref_squeeze %dma_start3A_47 : memref<1x128xi32, #tpu.memory_space<vmem>> -> memref<128xi32, #tpu.memory_space<vmem>>
      %dma_start3A_49 = arith.constant 0 : i32
      %dma_start3A_50 = arith.constant 0 : i32
      %dma_start3A_51 = tpu.memref_slice %arg10[%dma_start3A_49, %dma_start3A_50] : memref<10240x128xf32, #tpu.memory_space<vmem_shared>> -> memref<10240x128xf32, #tpu.memory_space<vmem_shared>>
      tpu.enqueue_indirect_dma source(%arg8 : memref<128x128xf32, #tpu.memory_space<vmem>>) target(%dma_start3A_51 : memref<10240x128xf32, #tpu.memory_space<vmem_shared>>) offsets(%dma_start3A_48 : memref<128xi32, #tpu.memory_space<vmem>>) semaphore(%arg13 : memref<!tpu.dma_semaphore, #tpu.memory_space<semaphore_mem>>) {add = true}
      %dma_wait3A_52 = arith.constant 0 : i32
      %dma_wait3A_53 = arith.constant 0 : i32
      %dma_wait3A_54 = tpu.memref_slice %arg7[%dma_wait3A_52, %dma_wait3A_53] : memref<16x128xi32, #tpu.memory_space<vmem>> -> memref<1x128xi32, #tpu.memory_space<vmem>>
      %dma_wait3A_55 = tpu.memref_squeeze %dma_wait3A_54 : memref<1x128xi32, #tpu.memory_space<vmem>> -> memref<128xi32, #tpu.memory_space<vmem>>
      %dma_wait3A_56 = arith.constant 0 : i32
      %dma_wait3A_57 = arith.constant 0 : i32
      %dma_wait3A_58 = tpu.memref_slice %arg10[%dma_wait3A_56, %dma_wait3A_57] : memref<10240x128xf32, #tpu.memory_space<vmem_shared>> -> memref<10240x128xf32, #tpu.memory_space<vmem_shared>>
      tpu.wait_indirect_dma semaphore(%arg13 : memref<!tpu.dma_semaphore, #tpu.memory_space<semaphore_mem>>) src(%arg8 : memref<128x128xf32, #tpu.memory_space<vmem>>) dst(%dma_wait3A_58 : memref<10240x128xf32, #tpu.memory_space<vmem_shared>>)
      %dma_start3A_59 = arith.constant 2 : i32
      %dma_start3A_60 = arith.constant 0 : i32
      %dma_start3A_61 = tpu.memref_slice %arg6[%dma_start3A_59, %dma_start3A_60] : memref<16x128xi32, #tpu.memory_space<vmem>> -> memref<1x128xi32, #tpu.memory_space<vmem>>
      %dma_start3A_62 = tpu.memref_squeeze %dma_start3A_61 : memref<1x128xi32, #tpu.memory_space<vmem>> -> memref<128xi32, #tpu.memory_space<vmem>>
      %dma_start3A_63 = arith.constant 0 : i32
      %dma_start3A_64 = arith.constant 0 : i32
      %dma_start3A_65 = tpu.memref_slice %arg2[%dma_start3A_63, %dma_start3A_64] : memref<20480x128xf32, #tpu.memory_space<hbm>> -> memref<20480x128xf32, #tpu.memory_space<hbm>>
      tpu.enqueue_indirect_dma source(%dma_start3A_65 : memref<20480x128xf32, #tpu.memory_space<hbm>>) target(%arg8 : memref<128x128xf32, #tpu.memory_space<vmem>>) offsets(%dma_start3A_62 : memref<128xi32, #tpu.memory_space<vmem>>) semaphore(%arg11 : memref<!tpu.dma_semaphore, #tpu.memory_space<semaphore_mem>>)
      %dma_wait3A_66 = arith.constant 1 : i32
      %dma_wait3A_67 = arith.constant 0 : i32
      %dma_wait3A_68 = tpu.memref_slice %arg6[%dma_wait3A_66, %dma_wait3A_67] : memref<16x128xi32, #tpu.memory_space<vmem>> -> memref<1x128xi32, #tpu.memory_space<vmem>>
      %dma_wait3A_69 = tpu.memref_squeeze %dma_wait3A_68 : memref<1x128xi32, #tpu.memory_space<vmem>> -> memref<128xi32, #tpu.memory_space<vmem>>
      %dma_wait3A_70 = arith.constant 0 : i32
      %dma_wait3A_71 = arith.constant 0 : i32
      %dma_wait3A_72 = tpu.memref_slice %arg2[%dma_wait3A_70, %dma_wait3A_71] : memref<20480x128xf32, #tpu.memory_space<hbm>> -> memref<20480x128xf32, #tpu.memory_space<hbm>>
      tpu.wait_indirect_dma semaphore(%arg12 : memref<!tpu.dma_semaphore, #tpu.memory_space<semaphore_mem>>) src(%dma_wait3A_72 : memref<20480x128xf32, #tpu.memory_space<hbm>>) dst(%arg9 : memref<128x128xf32, #tpu.memory_space<vmem>>)
      %dma_start3A_73 = arith.constant 1 : i32
      %dma_start3A_74 = arith.constant 0 : i32
      %dma_start3A_75 = tpu.memref_slice %arg7[%dma_start3A_73, %dma_start3A_74] : memref<16x128xi32, #tpu.memory_space<vmem>> -> memref<1x128xi32, #tpu.memory_space<vmem>>
      %dma_start3A_76 = tpu.memref_squeeze %dma_start3A_75 : memref<1x128xi32, #tpu.memory_space<vmem>> -> memref<128xi32, #tpu.memory_space<vmem>>
      %dma_start3A_77 = arith.constant 0 : i32
      %dma_start3A_78 = arith.constant 0 : i32
      %dma_start3A_79 = tpu.memref_slice %arg10[%dma_start3A_77, %dma_start3A_78] : memref<10240x128xf32, #tpu.memory_space<vmem_shared>> -> memref<10240x128xf32, #tpu.memory_space<vmem_shared>>
      tpu.enqueue_indirect_dma source(%arg9 : memref<128x128xf32, #tpu.memory_space<vmem>>) target(%dma_start3A_79 : memref<10240x128xf32, #tpu.memory_space<vmem_shared>>) offsets(%dma_start3A_76 : memref<128xi32, #tpu.memory_space<vmem>>) semaphore(%arg14 : memref<!tpu.dma_semaphore, #tpu.memory_space<semaphore_mem>>) {add = true}
      %dma_wait3A_80 = arith.constant 1 : i32
      %dma_wait3A_81 = arith.constant 0 : i32
      %dma_wait3A_82 = tpu.memref_slice %arg7[%dma_wait3A_80, %dma_wait3A_81] : memref<16x128xi32, #tpu.memory_space<vmem>> -> memref<1x128xi32, #tpu.memory_space<vmem>>
      %dma_wait3A_83 = tpu.memref_squeeze %dma_wait3A_82 : memref<1x128xi32, #tpu.memory_space<vmem>> -> memref<128xi32, #tpu.memory_space<vmem>>
      %dma_wait3A_84 = arith.constant 0 : i32
      %dma_wait3A_85 = arith.constant 0 : i32
      %dma_wait3A_86 = tpu.memref_slice %arg10[%dma_wait3A_84, %dma_wait3A_85] : memref<10240x128xf32, #tpu.memory_space<vmem_shared>> -> memref<10240x128xf32, #tpu.memory_space<vmem_shared>>
      tpu.wait_indirect_dma semaphore(%arg14 : memref<!tpu.dma_semaphore, #tpu.memory_space<semaphore_mem>>) src(%arg9 : memref<128x128xf32, #tpu.memory_space<vmem>>) dst(%dma_wait3A_86 : memref<10240x128xf32, #tpu.memory_space<vmem_shared>>)
      %dma_start3A_87 = arith.constant 3 : i32
      %dma_start3A_88 = arith.constant 0 : i32
      %dma_start3A_89 = tpu.memref_slice %arg6[%dma_start3A_87, %dma_start3A_88] : memref<16x128xi32, #tpu.memory_space<vmem>> -> memref<1x128xi32, #tpu.memory_space<vmem>>
      %dma_start3A_90 = tpu.memref_squeeze %dma_start3A_89 : memref<1x128xi32, #tpu.memory_space<vmem>> -> memref<128xi32, #tpu.memory_space<vmem>>
      %dma_start3A_91 = arith.constant 0 : i32
      %dma_start3A_92 = arith.constant 0 : i32
      %dma_start3A_93 = tpu.memref_slice %arg2[%dma_start3A_91, %dma_start3A_92] : memref<20480x128xf32, #tpu.memory_space<hbm>> -> memref<20480x128xf32, #tpu.memory_space<hbm>>
      tpu.enqueue_indirect_dma source(%dma_start3A_93 : memref<20480x128xf32, #tpu.memory_space<hbm>>) target(%arg9 : memref<128x128xf32, #tpu.memory_space<vmem>>) offsets(%dma_start3A_90 : memref<128xi32, #tpu.memory_space<vmem>>) semaphore(%arg12 : memref<!tpu.dma_semaphore, #tpu.memory_space<semaphore_mem>>)
      %dma_wait3A_94 = arith.constant 2 : i32
      %dma_wait3A_95 = arith.constant 0 : i32
      %dma_wait3A_96 = tpu.memref_slice %arg6[%dma_wait3A_94, %dma_wait3A_95] : memref<16x128xi32, #tpu.memory_space<vmem>> -> memref<1x128xi32, #tpu.memory_space<vmem>>
      %dma_wait3A_97 = tpu.memref_squeeze %dma_wait3A_96 : memref<1x128xi32, #tpu.memory_space<vmem>> -> memref<128xi32, #tpu.memory_space<vmem>>
      %dma_wait3A_98 = arith.constant 0 : i32
      %dma_wait3A_99 = arith.constant 0 : i32
      %dma_wait3A_100 = tpu.memref_slice %arg2[%dma_wait3A_98, %dma_wait3A_99] : memref<20480x128xf32, #tpu.memory_space<hbm>> -> memref<20480x128xf32, #tpu.memory_space<hbm>>
      tpu.wait_indirect_dma semaphore(%arg11 : memref<!tpu.dma_semaphore, #tpu.memory_space<semaphore_mem>>) src(%dma_wait3A_100 : memref<20480x128xf32, #tpu.memory_space<hbm>>) dst(%arg8 : memref<128x128xf32, #tpu.memory_space<vmem>>)
      %dma_start3A_101 = arith.constant 2 : i32
      %dma_start3A_102 = arith.constant 0 : i32
      %dma_start3A_103 = tpu.memref_slice %arg7[%dma_start3A_101, %dma_start3A_102] : memref<16x128xi32, #tpu.memory_space<vmem>> -> memref<1x128xi32, #tpu.memory_space<vmem>>
      %dma_start3A_104 = tpu.memref_squeeze %dma_start3A_103 : memref<1x128xi32, #tpu.memory_space<vmem>> -> memref<128xi32, #tpu.memory_space<vmem>>
      %dma_start3A_105 = arith.constant 0 : i32
      %dma_start3A_106 = arith.constant 0 : i32
      %dma_start3A_107 = tpu.memref_slice %arg10[%dma_start3A_105, %dma_start3A_106] : memref<10240x128xf32, #tpu.memory_space<vmem_shared>> -> memref<10240x128xf32, #tpu.memory_space<vmem_shared>>
      tpu.enqueue_indirect_dma source(%arg8 : memref<128x128xf32, #tpu.memory_space<vmem>>) target(%dma_start3A_107 : memref<10240x128xf32, #tpu.memory_space<vmem_shared>>) offsets(%dma_start3A_104 : memref<128xi32, #tpu.memory_space<vmem>>) semaphore(%arg13 : memref<!tpu.dma_semaphore, #tpu.memory_space<semaphore_mem>>) {add = true}
      %dma_wait3A_108 = arith.constant 2 : i32
      %dma_wait3A_109 = arith.constant 0 : i32
      %dma_wait3A_110 = tpu.memref_slice %arg7[%dma_wait3A_108, %dma_wait3A_109] : memref<16x128xi32, #tpu.memory_space<vmem>> -> memref<1x128xi32, #tpu.memory_space<vmem>>
      %dma_wait3A_111 = tpu.memref_squeeze %dma_wait3A_110 : memref<1x128xi32, #tpu.memory_space<vmem>> -> memref<128xi32, #tpu.memory_space<vmem>>
      %dma_wait3A_112 = arith.constant 0 : i32
      %dma_wait3A_113 = arith.constant 0 : i32
      %dma_wait3A_114 = tpu.memref_slice %arg10[%dma_wait3A_112, %dma_wait3A_113] : memref<10240x128xf32, #tpu.memory_space<vmem_shared>> -> memref<10240x128xf32, #tpu.memory_space<vmem_shared>>
      tpu.wait_indirect_dma semaphore(%arg13 : memref<!tpu.dma_semaphore, #tpu.memory_space<semaphore_mem>>) src(%arg8 : memref<128x128xf32, #tpu.memory_space<vmem>>) dst(%dma_wait3A_114 : memref<10240x128xf32, #tpu.memory_space<vmem_shared>>)
      %dma_start3A_115 = arith.constant 4 : i32
      %dma_start3A_116 = arith.constant 0 : i32
      %dma_start3A_117 = tpu.memref_slice %arg6[%dma_start3A_115, %dma_start3A_116] : memref<16x128xi32, #tpu.memory_space<vmem>> -> memref<1x128xi32, #tpu.memory_space<vmem>>
      %dma_start3A_118 = tpu.memref_squeeze %dma_start3A_117 : memref<1x128xi32, #tpu.memory_space<vmem>> -> memref<128xi32, #tpu.memory_space<vmem>>
      %dma_start3A_119 = arith.constant 0 : i32
      %dma_start3A_120 = arith.constant 0 : i32
      %dma_start3A_121 = tpu.memref_slice %arg2[%dma_start3A_119, %dma_start3A_120] : memref<20480x128xf32, #tpu.memory_space<hbm>> -> memref<20480x128xf32, #tpu.memory_space<hbm>>
      tpu.enqueue_indirect_dma source(%dma_start3A_121 : memref<20480x128xf32, #tpu.memory_space<hbm>>) target(%arg8 : memref<128x128xf32, #tpu.memory_space<vmem>>) offsets(%dma_start3A_118 : memref<128xi32, #tpu.memory_space<vmem>>) semaphore(%arg11 : memref<!tpu.dma_semaphore, #tpu.memory_space<semaphore_mem>>)
      %dma_wait3A_122 = arith.constant 3 : i32
      %dma_wait3A_123 = arith.constant 0 : i32
      %dma_wait3A_124 = tpu.memref_slice %arg6[%dma_wait3A_122, %dma_wait3A_123] : memref<16x128xi32, #tpu.memory_space<vmem>> -> memref<1x128xi32, #tpu.memory_space<vmem>>
      %dma_wait3A_125 = tpu.memref_squeeze %dma_wait3A_124 : memref<1x128xi32, #tpu.memory_space<vmem>> -> memref<128xi32, #tpu.memory_space<vmem>>
      %dma_wait3A_126 = arith.constant 0 : i32
      %dma_wait3A_127 = arith.constant 0 : i32
      %dma_wait3A_128 = tpu.memref_slice %arg2[%dma_wait3A_126, %dma_wait3A_127] : memref<20480x128xf32, #tpu.memory_space<hbm>> -> memref<20480x128xf32, #tpu.memory_space<hbm>>
      tpu.wait_indirect_dma semaphore(%arg12 : memref<!tpu.dma_semaphore, #tpu.memory_space<semaphore_mem>>) src(%dma_wait3A_128 : memref<20480x128xf32, #tpu.memory_space<hbm>>) dst(%arg9 : memref<128x128xf32, #tpu.memory_space<vmem>>)
      %dma_start3A_129 = arith.constant 3 : i32
      %dma_start3A_130 = arith.constant 0 : i32
      %dma_start3A_131 = tpu.memref_slice %arg7[%dma_start3A_129, %dma_start3A_130] : memref<16x128xi32, #tpu.memory_space<vmem>> -> memref<1x128xi32, #tpu.memory_space<vmem>>
      %dma_start3A_132 = tpu.memref_squeeze %dma_start3A_131 : memref<1x128xi32, #tpu.memory_space<vmem>> -> memref<128xi32, #tpu.memory_space<vmem>>
      %dma_start3A_133 = arith.constant 0 : i32
      %dma_start3A_134 = arith.constant 0 : i32
      %dma_start3A_135 = tpu.memref_slice %arg10[%dma_start3A_133, %dma_start3A_134] : memref<10240x128xf32, #tpu.memory_space<vmem_shared>> -> memref<10240x128xf32, #tpu.memory_space<vmem_shared>>
      tpu.enqueue_indirect_dma source(%arg9 : memref<128x128xf32, #tpu.memory_space<vmem>>) target(%dma_start3A_135 : memref<10240x128xf32, #tpu.memory_space<vmem_shared>>) offsets(%dma_start3A_132 : memref<128xi32, #tpu.memory_space<vmem>>) semaphore(%arg14 : memref<!tpu.dma_semaphore, #tpu.memory_space<semaphore_mem>>) {add = true}
      %dma_wait3A_136 = arith.constant 3 : i32
      %dma_wait3A_137 = arith.constant 0 : i32
      %dma_wait3A_138 = tpu.memref_slice %arg7[%dma_wait3A_136, %dma_wait3A_137] : memref<16x128xi32, #tpu.memory_space<vmem>> -> memref<1x128xi32, #tpu.memory_space<vmem>>
      %dma_wait3A_139 = tpu.memref_squeeze %dma_wait3A_138 : memref<1x128xi32, #tpu.memory_space<vmem>> -> memref<128xi32, #tpu.memory_space<vmem>>
      %dma_wait3A_140 = arith.constant 0 : i32
      %dma_wait3A_141 = arith.constant 0 : i32
      %dma_wait3A_142 = tpu.memref_slice %arg10[%dma_wait3A_140, %dma_wait3A_141] : memref<10240x128xf32, #tpu.memory_space<vmem_shared>> -> memref<10240x128xf32, #tpu.memory_space<vmem_shared>>
      tpu.wait_indirect_dma semaphore(%arg14 : memref<!tpu.dma_semaphore, #tpu.memory_space<semaphore_mem>>) src(%arg9 : memref<128x128xf32, #tpu.memory_space<vmem>>) dst(%dma_wait3A_142 : memref<10240x128xf32, #tpu.memory_space<vmem_shared>>)
      %dma_start3A_143 = arith.constant 5 : i32
      %dma_start3A_144 = arith.constant 0 : i32
      %dma_start3A_145 = tpu.memref_slice %arg6[%dma_start3A_143, %dma_start3A_144] : memref<16x128xi32, #tpu.memory_space<vmem>> -> memref<1x128xi32, #tpu.memory_space<vmem>>
      %dma_start3A_146 = tpu.memref_squeeze %dma_start3A_145 : memref<1x128xi32, #tpu.memory_space<vmem>> -> memref<128xi32, #tpu.memory_space<vmem>>
      %dma_start3A_147 = arith.constant 0 : i32
      %dma_start3A_148 = arith.constant 0 : i32
      %dma_start3A_149 = tpu.memref_slice %arg2[%dma_start3A_147, %dma_start3A_148] : memref<20480x128xf32, #tpu.memory_space<hbm>> -> memref<20480x128xf32, #tpu.memory_space<hbm>>
      tpu.enqueue_indirect_dma source(%dma_start3A_149 : memref<20480x128xf32, #tpu.memory_space<hbm>>) target(%arg9 : memref<128x128xf32, #tpu.memory_space<vmem>>) offsets(%dma_start3A_146 : memref<128xi32, #tpu.memory_space<vmem>>) semaphore(%arg12 : memref<!tpu.dma_semaphore, #tpu.memory_space<semaphore_mem>>)
      %dma_wait3A_150 = arith.constant 4 : i32
      %dma_wait3A_151 = arith.constant 0 : i32
      %dma_wait3A_152 = tpu.memref_slice %arg6[%dma_wait3A_150, %dma_wait3A_151] : memref<16x128xi32, #tpu.memory_space<vmem>> -> memref<1x128xi32, #tpu.memory_space<vmem>>
      %dma_wait3A_153 = tpu.memref_squeeze %dma_wait3A_152 : memref<1x128xi32, #tpu.memory_space<vmem>> -> memref<128xi32, #tpu.memory_space<vmem>>
      %dma_wait3A_154 = arith.constant 0 : i32
      %dma_wait3A_155 = arith.constant 0 : i32
      %dma_wait3A_156 = tpu.memref_slice %arg2[%dma_wait3A_154, %dma_wait3A_155] : memref<20480x128xf32, #tpu.memory_space<hbm>> -> memref<20480x128xf32, #tpu.memory_space<hbm>>
      tpu.wait_indirect_dma semaphore(%arg11 : memref<!tpu.dma_semaphore, #tpu.memory_space<semaphore_mem>>) src(%dma_wait3A_156 : memref<20480x128xf32, #tpu.memory_space<hbm>>) dst(%arg8 : memref<128x128xf32, #tpu.memory_space<vmem>>)
      %dma_start3A_157 = arith.constant 4 : i32
      %dma_start3A_158 = arith.constant 0 : i32
      %dma_start3A_159 = tpu.memref_slice %arg7[%dma_start3A_157, %dma_start3A_158] : memref<16x128xi32, #tpu.memory_space<vmem>> -> memref<1x128xi32, #tpu.memory_space<vmem>>
      %dma_start3A_160 = tpu.memref_squeeze %dma_start3A_159 : memref<1x128xi32, #tpu.memory_space<vmem>> -> memref<128xi32, #tpu.memory_space<vmem>>
      %dma_start3A_161 = arith.constant 0 : i32
      %dma_start3A_162 = arith.constant 0 : i32
      %dma_start3A_163 = tpu.memref_slice %arg10[%dma_start3A_161, %dma_start3A_162] : memref<10240x128xf32, #tpu.memory_space<vmem_shared>> -> memref<10240x128xf32, #tpu.memory_space<vmem_shared>>
      tpu.enqueue_indirect_dma source(%arg8 : memref<128x128xf32, #tpu.memory_space<vmem>>) target(%dma_start3A_163 : memref<10240x128xf32, #tpu.memory_space<vmem_shared>>) offsets(%dma_start3A_160 : memref<128xi32, #tpu.memory_space<vmem>>) semaphore(%arg13 : memref<!tpu.dma_semaphore, #tpu.memory_space<semaphore_mem>>) {add = true}
      %dma_wait3A_164 = arith.constant 4 : i32
      %dma_wait3A_165 = arith.constant 0 : i32
      %dma_wait3A_166 = tpu.memref_slice %arg7[%dma_wait3A_164, %dma_wait3A_165] : memref<16x128xi32, #tpu.memory_space<vmem>> -> memref<1x128xi32, #tpu.memory_space<vmem>>
      %dma_wait3A_167 = tpu.memref_squeeze %dma_wait3A_166 : memref<1x128xi32, #tpu.memory_space<vmem>> -> memref<128xi32, #tpu.memory_space<vmem>>
      %dma_wait3A_168 = arith.constant 0 : i32
      %dma_wait3A_169 = arith.constant 0 : i32
      %dma_wait3A_170 = tpu.memref_slice %arg10[%dma_wait3A_168, %dma_wait3A_169] : memref<10240x128xf32, #tpu.memory_space<vmem_shared>> -> memref<10240x128xf32, #tpu.memory_space<vmem_shared>>
      tpu.wait_indirect_dma semaphore(%arg13 : memref<!tpu.dma_semaphore, #tpu.memory_space<semaphore_mem>>) src(%arg8 : memref<128x128xf32, #tpu.memory_space<vmem>>) dst(%dma_wait3A_170 : memref<10240x128xf32, #tpu.memory_space<vmem_shared>>)
      %dma_start3A_171 = arith.constant 6 : i32
      %dma_start3A_172 = arith.constant 0 : i32
      %dma_start3A_173 = tpu.memref_slice %arg6[%dma_start3A_171, %dma_start3A_172] : memref<16x128xi32, #tpu.memory_space<vmem>> -> memref<1x128xi32, #tpu.memory_space<vmem>>
      %dma_start3A_174 = tpu.memref_squeeze %dma_start3A_173 : memref<1x128xi32, #tpu.memory_space<vmem>> -> memref<128xi32, #tpu.memory_space<vmem>>
      %dma_start3A_175 = arith.constant 0 : i32
      %dma_start3A_176 = arith.constant 0 : i32
      %dma_start3A_177 = tpu.memref_slice %arg2[%dma_start3A_175, %dma_start3A_176] : memref<20480x128xf32, #tpu.memory_space<hbm>> -> memref<20480x128xf32, #tpu.memory_space<hbm>>
      tpu.enqueue_indirect_dma source(%dma_start3A_177 : memref<20480x128xf32, #tpu.memory_space<hbm>>) target(%arg8 : memref<128x128xf32, #tpu.memory_space<vmem>>) offsets(%dma_start3A_174 : memref<128xi32, #tpu.memory_space<vmem>>) semaphore(%arg11 : memref<!tpu.dma_semaphore, #tpu.memory_space<semaphore_mem>>)
      %dma_wait3A_178 = arith.constant 5 : i32
      %dma_wait3A_179 = arith.constant 0 : i32
      %dma_wait3A_180 = tpu.memref_slice %arg6[%dma_wait3A_178, %dma_wait3A_179] : memref<16x128xi32, #tpu.memory_space<vmem>> -> memref<1x128xi32, #tpu.memory_space<vmem>>
      %dma_wait3A_181 = tpu.memref_squeeze %dma_wait3A_180 : memref<1x128xi32, #tpu.memory_space<vmem>> -> memref<128xi32, #tpu.memory_space<vmem>>
      %dma_wait3A_182 = arith.constant 0 : i32
      %dma_wait3A_183 = arith.constant 0 : i32
      %dma_wait3A_184 = tpu.memref_slice %arg2[%dma_wait3A_182, %dma_wait3A_183] : memref<20480x128xf32, #tpu.memory_space<hbm>> -> memref<20480x128xf32, #tpu.memory_space<hbm>>
      tpu.wait_indirect_dma semaphore(%arg12 : memref<!tpu.dma_semaphore, #tpu.memory_space<semaphore_mem>>) src(%dma_wait3A_184 : memref<20480x128xf32, #tpu.memory_space<hbm>>) dst(%arg9 : memref<128x128xf32, #tpu.memory_space<vmem>>)
      %dma_start3A_185 = arith.constant 5 : i32
      %dma_start3A_186 = arith.constant 0 : i32
      %dma_start3A_187 = tpu.memref_slice %arg7[%dma_start3A_185, %dma_start3A_186] : memref<16x128xi32, #tpu.memory_space<vmem>> -> memref<1x128xi32, #tpu.memory_space<vmem>>
      %dma_start3A_188 = tpu.memref_squeeze %dma_start3A_187 : memref<1x128xi32, #tpu.memory_space<vmem>> -> memref<128xi32, #tpu.memory_space<vmem>>
      %dma_start3A_189 = arith.constant 0 : i32
      %dma_start3A_190 = arith.constant 0 : i32
      %dma_start3A_191 = tpu.memref_slice %arg10[%dma_start3A_189, %dma_start3A_190] : memref<10240x128xf32, #tpu.memory_space<vmem_shared>> -> memref<10240x128xf32, #tpu.memory_space<vmem_shared>>
      tpu.enqueue_indirect_dma source(%arg9 : memref<128x128xf32, #tpu.memory_space<vmem>>) target(%dma_start3A_191 : memref<10240x128xf32, #tpu.memory_space<vmem_shared>>) offsets(%dma_start3A_188 : memref<128xi32, #tpu.memory_space<vmem>>) semaphore(%arg14 : memref<!tpu.dma_semaphore, #tpu.memory_space<semaphore_mem>>) {add = true}
      %dma_wait3A_192 = arith.constant 5 : i32
      %dma_wait3A_193 = arith.constant 0 : i32
      %dma_wait3A_194 = tpu.memref_slice %arg7[%dma_wait3A_192, %dma_wait3A_193] : memref<16x128xi32, #tpu.memory_space<vmem>> -> memref<1x128xi32, #tpu.memory_space<vmem>>
      %dma_wait3A_195 = tpu.memref_squeeze %dma_wait3A_194 : memref<1x128xi32, #tpu.memory_space<vmem>> -> memref<128xi32, #tpu.memory_space<vmem>>
      %dma_wait3A_196 = arith.constant 0 : i32
      %dma_wait3A_197 = arith.constant 0 : i32
      %dma_wait3A_198 = tpu.memref_slice %arg10[%dma_wait3A_196, %dma_wait3A_197] : memref<10240x128xf32, #tpu.memory_space<vmem_shared>> -> memref<10240x128xf32, #tpu.memory_space<vmem_shared>>
      tpu.wait_indirect_dma semaphore(%arg14 : memref<!tpu.dma_semaphore, #tpu.memory_space<semaphore_mem>>) src(%arg9 : memref<128x128xf32, #tpu.memory_space<vmem>>) dst(%dma_wait3A_198 : memref<10240x128xf32, #tpu.memory_space<vmem_shared>>)
      %dma_start3A_199 = arith.constant 7 : i32
      %dma_start3A_200 = arith.constant 0 : i32
      %dma_start3A_201 = tpu.memref_slice %arg6[%dma_start3A_199, %dma_start3A_200] : memref<16x128xi32, #tpu.memory_space<vmem>> -> memref<1x128xi32, #tpu.memory_space<vmem>>
      %dma_start3A_202 = tpu.memref_squeeze %dma_start3A_201 : memref<1x128xi32, #tpu.memory_space<vmem>> -> memref<128xi32, #tpu.memory_space<vmem>>
      %dma_start3A_203 = arith.constant 0 : i32
      %dma_start3A_204 = arith.constant 0 : i32
      %dma_start3A_205 = tpu.memref_slice %arg2[%dma_start3A_203, %dma_start3A_204] : memref<20480x128xf32, #tpu.memory_space<hbm>> -> memref<20480x128xf32, #tpu.memory_space<hbm>>
      tpu.enqueue_indirect_dma source(%dma_start3A_205 : memref<20480x128xf32, #tpu.memory_space<hbm>>) target(%arg9 : memref<128x128xf32, #tpu.memory_space<vmem>>) offsets(%dma_start3A_202 : memref<128xi32, #tpu.memory_space<vmem>>) semaphore(%arg12 : memref<!tpu.dma_semaphore, #tpu.memory_space<semaphore_mem>>)
      %dma_wait3A_206 = arith.constant 6 : i32
      %dma_wait3A_207 = arith.constant 0 : i32
      %dma_wait3A_208 = tpu.memref_slice %arg6[%dma_wait3A_206, %dma_wait3A_207] : memref<16x128xi32, #tpu.memory_space<vmem>> -> memref<1x128xi32, #tpu.memory_space<vmem>>
      %dma_wait3A_209 = tpu.memref_squeeze %dma_wait3A_208 : memref<1x128xi32, #tpu.memory_space<vmem>> -> memref<128xi32, #tpu.memory_space<vmem>>
      %dma_wait3A_210 = arith.constant 0 : i32
      %dma_wait3A_211 = arith.constant 0 : i32
      %dma_wait3A_212 = tpu.memref_slice %arg2[%dma_wait3A_210, %dma_wait3A_211] : memref<20480x128xf32, #tpu.memory_space<hbm>> -> memref<20480x128xf32, #tpu.memory_space<hbm>>
      tpu.wait_indirect_dma semaphore(%arg11 : memref<!tpu.dma_semaphore, #tpu.memory_space<semaphore_mem>>) src(%dma_wait3A_212 : memref<20480x128xf32, #tpu.memory_space<hbm>>) dst(%arg8 : memref<128x128xf32, #tpu.memory_space<vmem>>)
      %dma_start3A_213 = arith.constant 6 : i32
      %dma_start3A_214 = arith.constant 0 : i32
      %dma_start3A_215 = tpu.memref_slice %arg7[%dma_start3A_213, %dma_start3A_214] : memref<16x128xi32, #tpu.memory_space<vmem>> -> memref<1x128xi32, #tpu.memory_space<vmem>>
      %dma_start3A_216 = tpu.memref_squeeze %dma_start3A_215 : memref<1x128xi32, #tpu.memory_space<vmem>> -> memref<128xi32, #tpu.memory_space<vmem>>
      %dma_start3A_217 = arith.constant 0 : i32
      %dma_start3A_218 = arith.constant 0 : i32
      %dma_start3A_219 = tpu.memref_slice %arg10[%dma_start3A_217, %dma_start3A_218] : memref<10240x128xf32, #tpu.memory_space<vmem_shared>> -> memref<10240x128xf32, #tpu.memory_space<vmem_shared>>
      tpu.enqueue_indirect_dma source(%arg8 : memref<128x128xf32, #tpu.memory_space<vmem>>) target(%dma_start3A_219 : memref<10240x128xf32, #tpu.memory_space<vmem_shared>>) offsets(%dma_start3A_216 : memref<128xi32, #tpu.memory_space<vmem>>) semaphore(%arg13 : memref<!tpu.dma_semaphore, #tpu.memory_space<semaphore_mem>>) {add = true}
      %dma_wait3A_220 = arith.constant 6 : i32
      %dma_wait3A_221 = arith.constant 0 : i32
      %dma_wait3A_222 = tpu.memref_slice %arg7[%dma_wait3A_220, %dma_wait3A_221] : memref<16x128xi32, #tpu.memory_space<vmem>> -> memref<1x128xi32, #tpu.memory_space<vmem>>
      %dma_wait3A_223 = tpu.memref_squeeze %dma_wait3A_222 : memref<1x128xi32, #tpu.memory_space<vmem>> -> memref<128xi32, #tpu.memory_space<vmem>>
      %dma_wait3A_224 = arith.constant 0 : i32
      %dma_wait3A_225 = arith.constant 0 : i32
      %dma_wait3A_226 = tpu.memref_slice %arg10[%dma_wait3A_224, %dma_wait3A_225] : memref<10240x128xf32, #tpu.memory_space<vmem_shared>> -> memref<10240x128xf32, #tpu.memory_space<vmem_shared>>
      tpu.wait_indirect_dma semaphore(%arg13 : memref<!tpu.dma_semaphore, #tpu.memory_space<semaphore_mem>>) src(%arg8 : memref<128x128xf32, #tpu.memory_space<vmem>>) dst(%dma_wait3A_226 : memref<10240x128xf32, #tpu.memory_space<vmem_shared>>)
      %dma_start3A_227 = arith.constant 8 : i32
      %dma_start3A_228 = arith.constant 0 : i32
      %dma_start3A_229 = tpu.memref_slice %arg6[%dma_start3A_227, %dma_start3A_228] : memref<16x128xi32, #tpu.memory_space<vmem>> -> memref<1x128xi32, #tpu.memory_space<vmem>>
      %dma_start3A_230 = tpu.memref_squeeze %dma_start3A_229 : memref<1x128xi32, #tpu.memory_space<vmem>> -> memref<128xi32, #tpu.memory_space<vmem>>
      %dma_start3A_231 = arith.constant 0 : i32
      %dma_start3A_232 = arith.constant 0 : i32
      %dma_start3A_233 = tpu.memref_slice %arg2[%dma_start3A_231, %dma_start3A_232] : memref<20480x128xf32, #tpu.memory_space<hbm>> -> memref<20480x128xf32, #tpu.memory_space<hbm>>
      tpu.enqueue_indirect_dma source(%dma_start3A_233 : memref<20480x128xf32, #tpu.memory_space<hbm>>) target(%arg8 : memref<128x128xf32, #tpu.memory_space<vmem>>) offsets(%dma_start3A_230 : memref<128xi32, #tpu.memory_space<vmem>>) semaphore(%arg11 : memref<!tpu.dma_semaphore, #tpu.memory_space<semaphore_mem>>)
      %dma_wait3A_234 = arith.constant 7 : i32
      %dma_wait3A_235 = arith.constant 0 : i32
      %dma_wait3A_236 = tpu.memref_slice %arg6[%dma_wait3A_234, %dma_wait3A_235] : memref<16x128xi32, #tpu.memory_space<vmem>> -> memref<1x128xi32, #tpu.memory_space<vmem>>
      %dma_wait3A_237 = tpu.memref_squeeze %dma_wait3A_236 : memref<1x128xi32, #tpu.memory_space<vmem>> -> memref<128xi32, #tpu.memory_space<vmem>>
      %dma_wait3A_238 = arith.constant 0 : i32
      %dma_wait3A_239 = arith.constant 0 : i32
      %dma_wait3A_240 = tpu.memref_slice %arg2[%dma_wait3A_238, %dma_wait3A_239] : memref<20480x128xf32, #tpu.memory_space<hbm>> -> memref<20480x128xf32, #tpu.memory_space<hbm>>
      tpu.wait_indirect_dma semaphore(%arg12 : memref<!tpu.dma_semaphore, #tpu.memory_space<semaphore_mem>>) src(%dma_wait3A_240 : memref<20480x128xf32, #tpu.memory_space<hbm>>) dst(%arg9 : memref<128x128xf32, #tpu.memory_space<vmem>>)
      %dma_start3A_241 = arith.constant 7 : i32
      %dma_start3A_242 = arith.constant 0 : i32
      %dma_start3A_243 = tpu.memref_slice %arg7[%dma_start3A_241, %dma_start3A_242] : memref<16x128xi32, #tpu.memory_space<vmem>> -> memref<1x128xi32, #tpu.memory_space<vmem>>
      %dma_start3A_244 = tpu.memref_squeeze %dma_start3A_243 : memref<1x128xi32, #tpu.memory_space<vmem>> -> memref<128xi32, #tpu.memory_space<vmem>>
      %dma_start3A_245 = arith.constant 0 : i32
      %dma_start3A_246 = arith.constant 0 : i32
      %dma_start3A_247 = tpu.memref_slice %arg10[%dma_start3A_245, %dma_start3A_246] : memref<10240x128xf32, #tpu.memory_space<vmem_shared>> -> memref<10240x128xf32, #tpu.memory_space<vmem_shared>>
      tpu.enqueue_indirect_dma source(%arg9 : memref<128x128xf32, #tpu.memory_space<vmem>>) target(%dma_start3A_247 : memref<10240x128xf32, #tpu.memory_space<vmem_shared>>) offsets(%dma_start3A_244 : memref<128xi32, #tpu.memory_space<vmem>>) semaphore(%arg14 : memref<!tpu.dma_semaphore, #tpu.memory_space<semaphore_mem>>) {add = true}
      %dma_wait3A_248 = arith.constant 7 : i32
      %dma_wait3A_249 = arith.constant 0 : i32
      %dma_wait3A_250 = tpu.memref_slice %arg7[%dma_wait3A_248, %dma_wait3A_249] : memref<16x128xi32, #tpu.memory_space<vmem>> -> memref<1x128xi32, #tpu.memory_space<vmem>>
      %dma_wait3A_251 = tpu.memref_squeeze %dma_wait3A_250 : memref<1x128xi32, #tpu.memory_space<vmem>> -> memref<128xi32, #tpu.memory_space<vmem>>
      %dma_wait3A_252 = arith.constant 0 : i32
      %dma_wait3A_253 = arith.constant 0 : i32
      %dma_wait3A_254 = tpu.memref_slice %arg10[%dma_wait3A_252, %dma_wait3A_253] : memref<10240x128xf32, #tpu.memory_space<vmem_shared>> -> memref<10240x128xf32, #tpu.memory_space<vmem_shared>>
      tpu.wait_indirect_dma semaphore(%arg14 : memref<!tpu.dma_semaphore, #tpu.memory_space<semaphore_mem>>) src(%arg9 : memref<128x128xf32, #tpu.memory_space<vmem>>) dst(%dma_wait3A_254 : memref<10240x128xf32, #tpu.memory_space<vmem_shared>>)
      %dma_start3A_255 = arith.constant 9 : i32
      %dma_start3A_256 = arith.constant 0 : i32
      %dma_start3A_257 = tpu.memref_slice %arg6[%dma_start3A_255, %dma_start3A_256] : memref<16x128xi32, #tpu.memory_space<vmem>> -> memref<1x128xi32, #tpu.memory_space<vmem>>
      %dma_start3A_258 = tpu.memref_squeeze %dma_start3A_257 : memref<1x128xi32, #tpu.memory_space<vmem>> -> memref<128xi32, #tpu.memory_space<vmem>>
      %dma_start3A_259 = arith.constant 0 : i32
      %dma_start3A_260 = arith.constant 0 : i32
      %dma_start3A_261 = tpu.memref_slice %arg2[%dma_start3A_259, %dma_start3A_260] : memref<20480x128xf32, #tpu.memory_space<hbm>> -> memref<20480x128xf32, #tpu.memory_space<hbm>>
      tpu.enqueue_indirect_dma source(%dma_start3A_261 : memref<20480x128xf32, #tpu.memory_space<hbm>>) target(%arg9 : memref<128x128xf32, #tpu.memory_space<vmem>>) offsets(%dma_start3A_258 : memref<128xi32, #tpu.memory_space<vmem>>) semaphore(%arg12 : memref<!tpu.dma_semaphore, #tpu.memory_space<semaphore_mem>>)
      %dma_wait3A_262 = arith.constant 8 : i32
      %dma_wait3A_263 = arith.constant 0 : i32
      %dma_wait3A_264 = tpu.memref_slice %arg6[%dma_wait3A_262, %dma_wait3A_263] : memref<16x128xi32, #tpu.memory_space<vmem>> -> memref<1x128xi32, #tpu.memory_space<vmem>>
      %dma_wait3A_265 = tpu.memref_squeeze %dma_wait3A_264 : memref<1x128xi32, #tpu.memory_space<vmem>> -> memref<128xi32, #tpu.memory_space<vmem>>
      %dma_wait3A_266 = arith.constant 0 : i32
      %dma_wait3A_267 = arith.constant 0 : i32
      %dma_wait3A_268 = tpu.memref_slice %arg2[%dma_wait3A_266, %dma_wait3A_267] : memref<20480x128xf32, #tpu.memory_space<hbm>> -> memref<20480x128xf32, #tpu.memory_space<hbm>>
      tpu.wait_indirect_dma semaphore(%arg11 : memref<!tpu.dma_semaphore, #tpu.memory_space<semaphore_mem>>) src(%dma_wait3A_268 : memref<20480x128xf32, #tpu.memory_space<hbm>>) dst(%arg8 : memref<128x128xf32, #tpu.memory_space<vmem>>)
      %dma_start3A_269 = arith.constant 8 : i32
      %dma_start3A_270 = arith.constant 0 : i32
      %dma_start3A_271 = tpu.memref_slice %arg7[%dma_start3A_269, %dma_start3A_270] : memref<16x128xi32, #tpu.memory_space<vmem>> -> memref<1x128xi32, #tpu.memory_space<vmem>>
      %dma_start3A_272 = tpu.memref_squeeze %dma_start3A_271 : memref<1x128xi32, #tpu.memory_space<vmem>> -> memref<128xi32, #tpu.memory_space<vmem>>
      %dma_start3A_273 = arith.constant 0 : i32
      %dma_start3A_274 = arith.constant 0 : i32
      %dma_start3A_275 = tpu.memref_slice %arg10[%dma_start3A_273, %dma_start3A_274] : memref<10240x128xf32, #tpu.memory_space<vmem_shared>> -> memref<10240x128xf32, #tpu.memory_space<vmem_shared>>
      tpu.enqueue_indirect_dma source(%arg8 : memref<128x128xf32, #tpu.memory_space<vmem>>) target(%dma_start3A_275 : memref<10240x128xf32, #tpu.memory_space<vmem_shared>>) offsets(%dma_start3A_272 : memref<128xi32, #tpu.memory_space<vmem>>) semaphore(%arg13 : memref<!tpu.dma_semaphore, #tpu.memory_space<semaphore_mem>>) {add = true}
      %dma_wait3A_276 = arith.constant 8 : i32
      %dma_wait3A_277 = arith.constant 0 : i32
      %dma_wait3A_278 = tpu.memref_slice %arg7[%dma_wait3A_276, %dma_wait3A_277] : memref<16x128xi32, #tpu.memory_space<vmem>> -> memref<1x128xi32, #tpu.memory_space<vmem>>
      %dma_wait3A_279 = tpu.memref_squeeze %dma_wait3A_278 : memref<1x128xi32, #tpu.memory_space<vmem>> -> memref<128xi32, #tpu.memory_space<vmem>>
      %dma_wait3A_280 = arith.constant 0 : i32
      %dma_wait3A_281 = arith.constant 0 : i32
      %dma_wait3A_282 = tpu.memref_slice %arg10[%dma_wait3A_280, %dma_wait3A_281] : memref<10240x128xf32, #tpu.memory_space<vmem_shared>> -> memref<10240x128xf32, #tpu.memory_space<vmem_shared>>
      tpu.wait_indirect_dma semaphore(%arg13 : memref<!tpu.dma_semaphore, #tpu.memory_space<semaphore_mem>>) src(%arg8 : memref<128x128xf32, #tpu.memory_space<vmem>>) dst(%dma_wait3A_282 : memref<10240x128xf32, #tpu.memory_space<vmem_shared>>)
      %dma_start3A_283 = arith.constant 10 : i32
      %dma_start3A_284 = arith.constant 0 : i32
      %dma_start3A_285 = tpu.memref_slice %arg6[%dma_start3A_283, %dma_start3A_284] : memref<16x128xi32, #tpu.memory_space<vmem>> -> memref<1x128xi32, #tpu.memory_space<vmem>>
      %dma_start3A_286 = tpu.memref_squeeze %dma_start3A_285 : memref<1x128xi32, #tpu.memory_space<vmem>> -> memref<128xi32, #tpu.memory_space<vmem>>
      %dma_start3A_287 = arith.constant 0 : i32
      %dma_start3A_288 = arith.constant 0 : i32
      %dma_start3A_289 = tpu.memref_slice %arg2[%dma_start3A_287, %dma_start3A_288] : memref<20480x128xf32, #tpu.memory_space<hbm>> -> memref<20480x128xf32, #tpu.memory_space<hbm>>
      tpu.enqueue_indirect_dma source(%dma_start3A_289 : memref<20480x128xf32, #tpu.memory_space<hbm>>) target(%arg8 : memref<128x128xf32, #tpu.memory_space<vmem>>) offsets(%dma_start3A_286 : memref<128xi32, #tpu.memory_space<vmem>>) semaphore(%arg11 : memref<!tpu.dma_semaphore, #tpu.memory_space<semaphore_mem>>)
      %dma_wait3A_290 = arith.constant 9 : i32
      %dma_wait3A_291 = arith.constant 0 : i32
      %dma_wait3A_292 = tpu.memref_slice %arg6[%dma_wait3A_290, %dma_wait3A_291] : memref<16x128xi32, #tpu.memory_space<vmem>> -> memref<1x128xi32, #tpu.memory_space<vmem>>
      %dma_wait3A_293 = tpu.memref_squeeze %dma_wait3A_292 : memref<1x128xi32, #tpu.memory_space<vmem>> -> memref<128xi32, #tpu.memory_space<vmem>>
      %dma_wait3A_294 = arith.constant 0 : i32
      %dma_wait3A_295 = arith.constant 0 : i32
      %dma_wait3A_296 = tpu.memref_slice %arg2[%dma_wait3A_294, %dma_wait3A_295] : memref<20480x128xf32, #tpu.memory_space<hbm>> -> memref<20480x128xf32, #tpu.memory_space<hbm>>
      tpu.wait_indirect_dma semaphore(%arg12 : memref<!tpu.dma_semaphore, #tpu.memory_space<semaphore_mem>>) src(%dma_wait3A_296 : memref<20480x128xf32, #tpu.memory_space<hbm>>) dst(%arg9 : memref<128x128xf32, #tpu.memory_space<vmem>>)
      %dma_start3A_297 = arith.constant 9 : i32
      %dma_start3A_298 = arith.constant 0 : i32
      %dma_start3A_299 = tpu.memref_slice %arg7[%dma_start3A_297, %dma_start3A_298] : memref<16x128xi32, #tpu.memory_space<vmem>> -> memref<1x128xi32, #tpu.memory_space<vmem>>
      %dma_start3A_300 = tpu.memref_squeeze %dma_start3A_299 : memref<1x128xi32, #tpu.memory_space<vmem>> -> memref<128xi32, #tpu.memory_space<vmem>>
      %dma_start3A_301 = arith.constant 0 : i32
      %dma_start3A_302 = arith.constant 0 : i32
      %dma_start3A_303 = tpu.memref_slice %arg10[%dma_start3A_301, %dma_start3A_302] : memref<10240x128xf32, #tpu.memory_space<vmem_shared>> -> memref<10240x128xf32, #tpu.memory_space<vmem_shared>>
      tpu.enqueue_indirect_dma source(%arg9 : memref<128x128xf32, #tpu.memory_space<vmem>>) target(%dma_start3A_303 : memref<10240x128xf32, #tpu.memory_space<vmem_shared>>) offsets(%dma_start3A_300 : memref<128xi32, #tpu.memory_space<vmem>>) semaphore(%arg14 : memref<!tpu.dma_semaphore, #tpu.memory_space<semaphore_mem>>) {add = true}
      %dma_wait3A_304 = arith.constant 9 : i32
      %dma_wait3A_305 = arith.constant 0 : i32
      %dma_wait3A_306 = tpu.memref_slice %arg7[%dma_wait3A_304, %dma_wait3A_305] : memref<16x128xi32, #tpu.memory_space<vmem>> -> memref<1x128xi32, #tpu.memory_space<vmem>>
      %dma_wait3A_307 = tpu.memref_squeeze %dma_wait3A_306 : memref<1x128xi32, #tpu.memory_space<vmem>> -> memref<128xi32, #tpu.memory_space<vmem>>
      %dma_wait3A_308 = arith.constant 0 : i32
      %dma_wait3A_309 = arith.constant 0 : i32
      %dma_wait3A_310 = tpu.memref_slice %arg10[%dma_wait3A_308, %dma_wait3A_309] : memref<10240x128xf32, #tpu.memory_space<vmem_shared>> -> memref<10240x128xf32, #tpu.memory_space<vmem_shared>>
      tpu.wait_indirect_dma semaphore(%arg14 : memref<!tpu.dma_semaphore, #tpu.memory_space<semaphore_mem>>) src(%arg9 : memref<128x128xf32, #tpu.memory_space<vmem>>) dst(%dma_wait3A_310 : memref<10240x128xf32, #tpu.memory_space<vmem_shared>>)
      %dma_start3A_311 = arith.constant 11 : i32
      %dma_start3A_312 = arith.constant 0 : i32
      %dma_start3A_313 = tpu.memref_slice %arg6[%dma_start3A_311, %dma_start3A_312] : memref<16x128xi32, #tpu.memory_space<vmem>> -> memref<1x128xi32, #tpu.memory_space<vmem>>
      %dma_start3A_314 = tpu.memref_squeeze %dma_start3A_313 : memref<1x128xi32, #tpu.memory_space<vmem>> -> memref<128xi32, #tpu.memory_space<vmem>>
      %dma_start3A_315 = arith.constant 0 : i32
      %dma_start3A_316 = arith.constant 0 : i32
      %dma_start3A_317 = tpu.memref_slice %arg2[%dma_start3A_315, %dma_start3A_316] : memref<20480x128xf32, #tpu.memory_space<hbm>> -> memref<20480x128xf32, #tpu.memory_space<hbm>>
      tpu.enqueue_indirect_dma source(%dma_start3A_317 : memref<20480x128xf32, #tpu.memory_space<hbm>>) target(%arg9 : memref<128x128xf32, #tpu.memory_space<vmem>>) offsets(%dma_start3A_314 : memref<128xi32, #tpu.memory_space<vmem>>) semaphore(%arg12 : memref<!tpu.dma_semaphore, #tpu.memory_space<semaphore_mem>>)
      %dma_wait3A_318 = arith.constant 10 : i32
      %dma_wait3A_319 = arith.constant 0 : i32
      %dma_wait3A_320 = tpu.memref_slice %arg6[%dma_wait3A_318, %dma_wait3A_319] : memref<16x128xi32, #tpu.memory_space<vmem>> -> memref<1x128xi32, #tpu.memory_space<vmem>>
      %dma_wait3A_321 = tpu.memref_squeeze %dma_wait3A_320 : memref<1x128xi32, #tpu.memory_space<vmem>> -> memref<128xi32, #tpu.memory_space<vmem>>
      %dma_wait3A_322 = arith.constant 0 : i32
      %dma_wait3A_323 = arith.constant 0 : i32
      %dma_wait3A_324 = tpu.memref_slice %arg2[%dma_wait3A_322, %dma_wait3A_323] : memref<20480x128xf32, #tpu.memory_space<hbm>> -> memref<20480x128xf32, #tpu.memory_space<hbm>>
      tpu.wait_indirect_dma semaphore(%arg11 : memref<!tpu.dma_semaphore, #tpu.memory_space<semaphore_mem>>) src(%dma_wait3A_324 : memref<20480x128xf32, #tpu.memory_space<hbm>>) dst(%arg8 : memref<128x128xf32, #tpu.memory_space<vmem>>)
      %dma_start3A_325 = arith.constant 10 : i32
      %dma_start3A_326 = arith.constant 0 : i32
      %dma_start3A_327 = tpu.memref_slice %arg7[%dma_start3A_325, %dma_start3A_326] : memref<16x128xi32, #tpu.memory_space<vmem>> -> memref<1x128xi32, #tpu.memory_space<vmem>>
      %dma_start3A_328 = tpu.memref_squeeze %dma_start3A_327 : memref<1x128xi32, #tpu.memory_space<vmem>> -> memref<128xi32, #tpu.memory_space<vmem>>
      %dma_start3A_329 = arith.constant 0 : i32
      %dma_start3A_330 = arith.constant 0 : i32
      %dma_start3A_331 = tpu.memref_slice %arg10[%dma_start3A_329, %dma_start3A_330] : memref<10240x128xf32, #tpu.memory_space<vmem_shared>> -> memref<10240x128xf32, #tpu.memory_space<vmem_shared>>
      tpu.enqueue_indirect_dma source(%arg8 : memref<128x128xf32, #tpu.memory_space<vmem>>) target(%dma_start3A_331 : memref<10240x128xf32, #tpu.memory_space<vmem_shared>>) offsets(%dma_start3A_328 : memref<128xi32, #tpu.memory_space<vmem>>) semaphore(%arg13 : memref<!tpu.dma_semaphore, #tpu.memory_space<semaphore_mem>>) {add = true}
      %dma_wait3A_332 = arith.constant 10 : i32
      %dma_wait3A_333 = arith.constant 0 : i32
      %dma_wait3A_334 = tpu.memref_slice %arg7[%dma_wait3A_332, %dma_wait3A_333] : memref<16x128xi32, #tpu.memory_space<vmem>> -> memref<1x128xi32, #tpu.memory_space<vmem>>
      %dma_wait3A_335 = tpu.memref_squeeze %dma_wait3A_334 : memref<1x128xi32, #tpu.memory_space<vmem>> -> memref<128xi32, #tpu.memory_space<vmem>>
      %dma_wait3A_336 = arith.constant 0 : i32
      %dma_wait3A_337 = arith.constant 0 : i32
      %dma_wait3A_338 = tpu.memref_slice %arg10[%dma_wait3A_336, %dma_wait3A_337] : memref<10240x128xf32, #tpu.memory_space<vmem_shared>> -> memref<10240x128xf32, #tpu.memory_space<vmem_shared>>
      tpu.wait_indirect_dma semaphore(%arg13 : memref<!tpu.dma_semaphore, #tpu.memory_space<semaphore_mem>>) src(%arg8 : memref<128x128xf32, #tpu.memory_space<vmem>>) dst(%dma_wait3A_338 : memref<10240x128xf32, #tpu.memory_space<vmem_shared>>)
      %dma_start3A_339 = arith.constant 12 : i32
      %dma_start3A_340 = arith.constant 0 : i32
      %dma_start3A_341 = tpu.memref_slice %arg6[%dma_start3A_339, %dma_start3A_340] : memref<16x128xi32, #tpu.memory_space<vmem>> -> memref<1x128xi32, #tpu.memory_space<vmem>>
      %dma_start3A_342 = tpu.memref_squeeze %dma_start3A_341 : memref<1x128xi32, #tpu.memory_space<vmem>> -> memref<128xi32, #tpu.memory_space<vmem>>
      %dma_start3A_343 = arith.constant 0 : i32
      %dma_start3A_344 = arith.constant 0 : i32
      %dma_start3A_345 = tpu.memref_slice %arg2[%dma_start3A_343, %dma_start3A_344] : memref<20480x128xf32, #tpu.memory_space<hbm>> -> memref<20480x128xf32, #tpu.memory_space<hbm>>
      tpu.enqueue_indirect_dma source(%dma_start3A_345 : memref<20480x128xf32, #tpu.memory_space<hbm>>) target(%arg8 : memref<128x128xf32, #tpu.memory_space<vmem>>) offsets(%dma_start3A_342 : memref<128xi32, #tpu.memory_space<vmem>>) semaphore(%arg11 : memref<!tpu.dma_semaphore, #tpu.memory_space<semaphore_mem>>)
      %dma_wait3A_346 = arith.constant 11 : i32
      %dma_wait3A_347 = arith.constant 0 : i32
      %dma_wait3A_348 = tpu.memref_slice %arg6[%dma_wait3A_346, %dma_wait3A_347] : memref<16x128xi32, #tpu.memory_space<vmem>> -> memref<1x128xi32, #tpu.memory_space<vmem>>
      %dma_wait3A_349 = tpu.memref_squeeze %dma_wait3A_348 : memref<1x128xi32, #tpu.memory_space<vmem>> -> memref<128xi32, #tpu.memory_space<vmem>>
      %dma_wait3A_350 = arith.constant 0 : i32
      %dma_wait3A_351 = arith.constant 0 : i32
      %dma_wait3A_352 = tpu.memref_slice %arg2[%dma_wait3A_350, %dma_wait3A_351] : memref<20480x128xf32, #tpu.memory_space<hbm>> -> memref<20480x128xf32, #tpu.memory_space<hbm>>
      tpu.wait_indirect_dma semaphore(%arg12 : memref<!tpu.dma_semaphore, #tpu.memory_space<semaphore_mem>>) src(%dma_wait3A_352 : memref<20480x128xf32, #tpu.memory_space<hbm>>) dst(%arg9 : memref<128x128xf32, #tpu.memory_space<vmem>>)
      %dma_start3A_353 = arith.constant 11 : i32
      %dma_start3A_354 = arith.constant 0 : i32
      %dma_start3A_355 = tpu.memref_slice %arg7[%dma_start3A_353, %dma_start3A_354] : memref<16x128xi32, #tpu.memory_space<vmem>> -> memref<1x128xi32, #tpu.memory_space<vmem>>
      %dma_start3A_356 = tpu.memref_squeeze %dma_start3A_355 : memref<1x128xi32, #tpu.memory_space<vmem>> -> memref<128xi32, #tpu.memory_space<vmem>>
      %dma_start3A_357 = arith.constant 0 : i32
      %dma_start3A_358 = arith.constant 0 : i32
      %dma_start3A_359 = tpu.memref_slice %arg10[%dma_start3A_357, %dma_start3A_358] : memref<10240x128xf32, #tpu.memory_space<vmem_shared>> -> memref<10240x128xf32, #tpu.memory_space<vmem_shared>>
      tpu.enqueue_indirect_dma source(%arg9 : memref<128x128xf32, #tpu.memory_space<vmem>>) target(%dma_start3A_359 : memref<10240x128xf32, #tpu.memory_space<vmem_shared>>) offsets(%dma_start3A_356 : memref<128xi32, #tpu.memory_space<vmem>>) semaphore(%arg14 : memref<!tpu.dma_semaphore, #tpu.memory_space<semaphore_mem>>) {add = true}
      %dma_wait3A_360 = arith.constant 11 : i32
      %dma_wait3A_361 = arith.constant 0 : i32
      %dma_wait3A_362 = tpu.memref_slice %arg7[%dma_wait3A_360, %dma_wait3A_361] : memref<16x128xi32, #tpu.memory_space<vmem>> -> memref<1x128xi32, #tpu.memory_space<vmem>>
      %dma_wait3A_363 = tpu.memref_squeeze %dma_wait3A_362 : memref<1x128xi32, #tpu.memory_space<vmem>> -> memref<128xi32, #tpu.memory_space<vmem>>
      %dma_wait3A_364 = arith.constant 0 : i32
      %dma_wait3A_365 = arith.constant 0 : i32
      %dma_wait3A_366 = tpu.memref_slice %arg10[%dma_wait3A_364, %dma_wait3A_365] : memref<10240x128xf32, #tpu.memory_space<vmem_shared>> -> memref<10240x128xf32, #tpu.memory_space<vmem_shared>>
      tpu.wait_indirect_dma semaphore(%arg14 : memref<!tpu.dma_semaphore, #tpu.memory_space<semaphore_mem>>) src(%arg9 : memref<128x128xf32, #tpu.memory_space<vmem>>) dst(%dma_wait3A_366 : memref<10240x128xf32, #tpu.memory_space<vmem_shared>>)
      %dma_start3A_367 = arith.constant 13 : i32
      %dma_start3A_368 = arith.constant 0 : i32
      %dma_start3A_369 = tpu.memref_slice %arg6[%dma_start3A_367, %dma_start3A_368] : memref<16x128xi32, #tpu.memory_space<vmem>> -> memref<1x128xi32, #tpu.memory_space<vmem>>
      %dma_start3A_370 = tpu.memref_squeeze %dma_start3A_369 : memref<1x128xi32, #tpu.memory_space<vmem>> -> memref<128xi32, #tpu.memory_space<vmem>>
      %dma_start3A_371 = arith.constant 0 : i32
      %dma_start3A_372 = arith.constant 0 : i32
      %dma_start3A_373 = tpu.memref_slice %arg2[%dma_start3A_371, %dma_start3A_372] : memref<20480x128xf32, #tpu.memory_space<hbm>> -> memref<20480x128xf32, #tpu.memory_space<hbm>>
      tpu.enqueue_indirect_dma source(%dma_start3A_373 : memref<20480x128xf32, #tpu.memory_space<hbm>>) target(%arg9 : memref<128x128xf32, #tpu.memory_space<vmem>>) offsets(%dma_start3A_370 : memref<128xi32, #tpu.memory_space<vmem>>) semaphore(%arg12 : memref<!tpu.dma_semaphore, #tpu.memory_space<semaphore_mem>>)
      %dma_wait3A_374 = arith.constant 12 : i32
      %dma_wait3A_375 = arith.constant 0 : i32
      %dma_wait3A_376 = tpu.memref_slice %arg6[%dma_wait3A_374, %dma_wait3A_375] : memref<16x128xi32, #tpu.memory_space<vmem>> -> memref<1x128xi32, #tpu.memory_space<vmem>>
      %dma_wait3A_377 = tpu.memref_squeeze %dma_wait3A_376 : memref<1x128xi32, #tpu.memory_space<vmem>> -> memref<128xi32, #tpu.memory_space<vmem>>
      %dma_wait3A_378 = arith.constant 0 : i32
      %dma_wait3A_379 = arith.constant 0 : i32
      %dma_wait3A_380 = tpu.memref_slice %arg2[%dma_wait3A_378, %dma_wait3A_379] : memref<20480x128xf32, #tpu.memory_space<hbm>> -> memref<20480x128xf32, #tpu.memory_space<hbm>>
      tpu.wait_indirect_dma semaphore(%arg11 : memref<!tpu.dma_semaphore, #tpu.memory_space<semaphore_mem>>) src(%dma_wait3A_380 : memref<20480x128xf32, #tpu.memory_space<hbm>>) dst(%arg8 : memref<128x128xf32, #tpu.memory_space<vmem>>)
      %dma_start3A_381 = arith.constant 12 : i32
      %dma_start3A_382 = arith.constant 0 : i32
      %dma_start3A_383 = tpu.memref_slice %arg7[%dma_start3A_381, %dma_start3A_382] : memref<16x128xi32, #tpu.memory_space<vmem>> -> memref<1x128xi32, #tpu.memory_space<vmem>>
      %dma_start3A_384 = tpu.memref_squeeze %dma_start3A_383 : memref<1x128xi32, #tpu.memory_space<vmem>> -> memref<128xi32, #tpu.memory_space<vmem>>
      %dma_start3A_385 = arith.constant 0 : i32
      %dma_start3A_386 = arith.constant 0 : i32
      %dma_start3A_387 = tpu.memref_slice %arg10[%dma_start3A_385, %dma_start3A_386] : memref<10240x128xf32, #tpu.memory_space<vmem_shared>> -> memref<10240x128xf32, #tpu.memory_space<vmem_shared>>
      tpu.enqueue_indirect_dma source(%arg8 : memref<128x128xf32, #tpu.memory_space<vmem>>) target(%dma_start3A_387 : memref<10240x128xf32, #tpu.memory_space<vmem_shared>>) offsets(%dma_start3A_384 : memref<128xi32, #tpu.memory_space<vmem>>) semaphore(%arg13 : memref<!tpu.dma_semaphore, #tpu.memory_space<semaphore_mem>>) {add = true}
      %dma_wait3A_388 = arith.constant 12 : i32
      %dma_wait3A_389 = arith.constant 0 : i32
      %dma_wait3A_390 = tpu.memref_slice %arg7[%dma_wait3A_388, %dma_wait3A_389] : memref<16x128xi32, #tpu.memory_space<vmem>> -> memref<1x128xi32, #tpu.memory_space<vmem>>
      %dma_wait3A_391 = tpu.memref_squeeze %dma_wait3A_390 : memref<1x128xi32, #tpu.memory_space<vmem>> -> memref<128xi32, #tpu.memory_space<vmem>>
      %dma_wait3A_392 = arith.constant 0 : i32
      %dma_wait3A_393 = arith.constant 0 : i32
      %dma_wait3A_394 = tpu.memref_slice %arg10[%dma_wait3A_392, %dma_wait3A_393] : memref<10240x128xf32, #tpu.memory_space<vmem_shared>> -> memref<10240x128xf32, #tpu.memory_space<vmem_shared>>
      tpu.wait_indirect_dma semaphore(%arg13 : memref<!tpu.dma_semaphore, #tpu.memory_space<semaphore_mem>>) src(%arg8 : memref<128x128xf32, #tpu.memory_space<vmem>>) dst(%dma_wait3A_394 : memref<10240x128xf32, #tpu.memory_space<vmem_shared>>)
      %dma_start3A_395 = arith.constant 14 : i32
      %dma_start3A_396 = arith.constant 0 : i32
      %dma_start3A_397 = tpu.memref_slice %arg6[%dma_start3A_395, %dma_start3A_396] : memref<16x128xi32, #tpu.memory_space<vmem>> -> memref<1x128xi32, #tpu.memory_space<vmem>>
      %dma_start3A_398 = tpu.memref_squeeze %dma_start3A_397 : memref<1x128xi32, #tpu.memory_space<vmem>> -> memref<128xi32, #tpu.memory_space<vmem>>
      %dma_start3A_399 = arith.constant 0 : i32
      %dma_start3A_400 = arith.constant 0 : i32
      %dma_start3A_401 = tpu.memref_slice %arg2[%dma_start3A_399, %dma_start3A_400] : memref<20480x128xf32, #tpu.memory_space<hbm>> -> memref<20480x128xf32, #tpu.memory_space<hbm>>
      tpu.enqueue_indirect_dma source(%dma_start3A_401 : memref<20480x128xf32, #tpu.memory_space<hbm>>) target(%arg8 : memref<128x128xf32, #tpu.memory_space<vmem>>) offsets(%dma_start3A_398 : memref<128xi32, #tpu.memory_space<vmem>>) semaphore(%arg11 : memref<!tpu.dma_semaphore, #tpu.memory_space<semaphore_mem>>)
      %dma_wait3A_402 = arith.constant 13 : i32
      %dma_wait3A_403 = arith.constant 0 : i32
      %dma_wait3A_404 = tpu.memref_slice %arg6[%dma_wait3A_402, %dma_wait3A_403] : memref<16x128xi32, #tpu.memory_space<vmem>> -> memref<1x128xi32, #tpu.memory_space<vmem>>
      %dma_wait3A_405 = tpu.memref_squeeze %dma_wait3A_404 : memref<1x128xi32, #tpu.memory_space<vmem>> -> memref<128xi32, #tpu.memory_space<vmem>>
      %dma_wait3A_406 = arith.constant 0 : i32
      %dma_wait3A_407 = arith.constant 0 : i32
      %dma_wait3A_408 = tpu.memref_slice %arg2[%dma_wait3A_406, %dma_wait3A_407] : memref<20480x128xf32, #tpu.memory_space<hbm>> -> memref<20480x128xf32, #tpu.memory_space<hbm>>
      tpu.wait_indirect_dma semaphore(%arg12 : memref<!tpu.dma_semaphore, #tpu.memory_space<semaphore_mem>>) src(%dma_wait3A_408 : memref<20480x128xf32, #tpu.memory_space<hbm>>) dst(%arg9 : memref<128x128xf32, #tpu.memory_space<vmem>>)
      %dma_start3A_409 = arith.constant 13 : i32
      %dma_start3A_410 = arith.constant 0 : i32
      %dma_start3A_411 = tpu.memref_slice %arg7[%dma_start3A_409, %dma_start3A_410] : memref<16x128xi32, #tpu.memory_space<vmem>> -> memref<1x128xi32, #tpu.memory_space<vmem>>
      %dma_start3A_412 = tpu.memref_squeeze %dma_start3A_411 : memref<1x128xi32, #tpu.memory_space<vmem>> -> memref<128xi32, #tpu.memory_space<vmem>>
      %dma_start3A_413 = arith.constant 0 : i32
      %dma_start3A_414 = arith.constant 0 : i32
      %dma_start3A_415 = tpu.memref_slice %arg10[%dma_start3A_413, %dma_start3A_414] : memref<10240x128xf32, #tpu.memory_space<vmem_shared>> -> memref<10240x128xf32, #tpu.memory_space<vmem_shared>>
      tpu.enqueue_indirect_dma source(%arg9 : memref<128x128xf32, #tpu.memory_space<vmem>>) target(%dma_start3A_415 : memref<10240x128xf32, #tpu.memory_space<vmem_shared>>) offsets(%dma_start3A_412 : memref<128xi32, #tpu.memory_space<vmem>>) semaphore(%arg14 : memref<!tpu.dma_semaphore, #tpu.memory_space<semaphore_mem>>) {add = true}
      %dma_wait3A_416 = arith.constant 13 : i32
      %dma_wait3A_417 = arith.constant 0 : i32
      %dma_wait3A_418 = tpu.memref_slice %arg7[%dma_wait3A_416, %dma_wait3A_417] : memref<16x128xi32, #tpu.memory_space<vmem>> -> memref<1x128xi32, #tpu.memory_space<vmem>>
      %dma_wait3A_419 = tpu.memref_squeeze %dma_wait3A_418 : memref<1x128xi32, #tpu.memory_space<vmem>> -> memref<128xi32, #tpu.memory_space<vmem>>
      %dma_wait3A_420 = arith.constant 0 : i32
      %dma_wait3A_421 = arith.constant 0 : i32
      %dma_wait3A_422 = tpu.memref_slice %arg10[%dma_wait3A_420, %dma_wait3A_421] : memref<10240x128xf32, #tpu.memory_space<vmem_shared>> -> memref<10240x128xf32, #tpu.memory_space<vmem_shared>>
      tpu.wait_indirect_dma semaphore(%arg14 : memref<!tpu.dma_semaphore, #tpu.memory_space<semaphore_mem>>) src(%arg9 : memref<128x128xf32, #tpu.memory_space<vmem>>) dst(%dma_wait3A_422 : memref<10240x128xf32, #tpu.memory_space<vmem_shared>>)
      %dma_start3A_423 = arith.constant 15 : i32
      %dma_start3A_424 = arith.constant 0 : i32
      %dma_start3A_425 = tpu.memref_slice %arg6[%dma_start3A_423, %dma_start3A_424] : memref<16x128xi32, #tpu.memory_space<vmem>> -> memref<1x128xi32, #tpu.memory_space<vmem>>
      %dma_start3A_426 = tpu.memref_squeeze %dma_start3A_425 : memref<1x128xi32, #tpu.memory_space<vmem>> -> memref<128xi32, #tpu.memory_space<vmem>>
      %dma_start3A_427 = arith.constant 0 : i32
      %dma_start3A_428 = arith.constant 0 : i32
      %dma_start3A_429 = tpu.memref_slice %arg2[%dma_start3A_427, %dma_start3A_428] : memref<20480x128xf32, #tpu.memory_space<hbm>> -> memref<20480x128xf32, #tpu.memory_space<hbm>>
      tpu.enqueue_indirect_dma source(%dma_start3A_429 : memref<20480x128xf32, #tpu.memory_space<hbm>>) target(%arg9 : memref<128x128xf32, #tpu.memory_space<vmem>>) offsets(%dma_start3A_426 : memref<128xi32, #tpu.memory_space<vmem>>) semaphore(%arg12 : memref<!tpu.dma_semaphore, #tpu.memory_space<semaphore_mem>>)
      %dma_wait3A_430 = arith.constant 14 : i32
      %dma_wait3A_431 = arith.constant 0 : i32
      %dma_wait3A_432 = tpu.memref_slice %arg6[%dma_wait3A_430, %dma_wait3A_431] : memref<16x128xi32, #tpu.memory_space<vmem>> -> memref<1x128xi32, #tpu.memory_space<vmem>>
      %dma_wait3A_433 = tpu.memref_squeeze %dma_wait3A_432 : memref<1x128xi32, #tpu.memory_space<vmem>> -> memref<128xi32, #tpu.memory_space<vmem>>
      %dma_wait3A_434 = arith.constant 0 : i32
      %dma_wait3A_435 = arith.constant 0 : i32
      %dma_wait3A_436 = tpu.memref_slice %arg2[%dma_wait3A_434, %dma_wait3A_435] : memref<20480x128xf32, #tpu.memory_space<hbm>> -> memref<20480x128xf32, #tpu.memory_space<hbm>>
      tpu.wait_indirect_dma semaphore(%arg11 : memref<!tpu.dma_semaphore, #tpu.memory_space<semaphore_mem>>) src(%dma_wait3A_436 : memref<20480x128xf32, #tpu.memory_space<hbm>>) dst(%arg8 : memref<128x128xf32, #tpu.memory_space<vmem>>)
      %dma_start3A_437 = arith.constant 14 : i32
      %dma_start3A_438 = arith.constant 0 : i32
      %dma_start3A_439 = tpu.memref_slice %arg7[%dma_start3A_437, %dma_start3A_438] : memref<16x128xi32, #tpu.memory_space<vmem>> -> memref<1x128xi32, #tpu.memory_space<vmem>>
      %dma_start3A_440 = tpu.memref_squeeze %dma_start3A_439 : memref<1x128xi32, #tpu.memory_space<vmem>> -> memref<128xi32, #tpu.memory_space<vmem>>
      %dma_start3A_441 = arith.constant 0 : i32
      %dma_start3A_442 = arith.constant 0 : i32
      %dma_start3A_443 = tpu.memref_slice %arg10[%dma_start3A_441, %dma_start3A_442] : memref<10240x128xf32, #tpu.memory_space<vmem_shared>> -> memref<10240x128xf32, #tpu.memory_space<vmem_shared>>
      tpu.enqueue_indirect_dma source(%arg8 : memref<128x128xf32, #tpu.memory_space<vmem>>) target(%dma_start3A_443 : memref<10240x128xf32, #tpu.memory_space<vmem_shared>>) offsets(%dma_start3A_440 : memref<128xi32, #tpu.memory_space<vmem>>) semaphore(%arg13 : memref<!tpu.dma_semaphore, #tpu.memory_space<semaphore_mem>>) {add = true}
      %dma_wait3A_444 = arith.constant 15 : i32
      %dma_wait3A_445 = arith.constant 0 : i32
      %dma_wait3A_446 = tpu.memref_slice %arg6[%dma_wait3A_444, %dma_wait3A_445] : memref<16x128xi32, #tpu.memory_space<vmem>> -> memref<1x128xi32, #tpu.memory_space<vmem>>
      %dma_wait3A_447 = tpu.memref_squeeze %dma_wait3A_446 : memref<1x128xi32, #tpu.memory_space<vmem>> -> memref<128xi32, #tpu.memory_space<vmem>>
      %dma_wait3A_448 = arith.constant 0 : i32
      %dma_wait3A_449 = arith.constant 0 : i32
      %dma_wait3A_450 = tpu.memref_slice %arg2[%dma_wait3A_448, %dma_wait3A_449] : memref<20480x128xf32, #tpu.memory_space<hbm>> -> memref<20480x128xf32, #tpu.memory_space<hbm>>
      tpu.wait_indirect_dma semaphore(%arg12 : memref<!tpu.dma_semaphore, #tpu.memory_space<semaphore_mem>>) src(%dma_wait3A_450 : memref<20480x128xf32, #tpu.memory_space<hbm>>) dst(%arg9 : memref<128x128xf32, #tpu.memory_space<vmem>>)
      %dma_start3A_451 = arith.constant 15 : i32
      %dma_start3A_452 = arith.constant 0 : i32
      %dma_start3A_453 = tpu.memref_slice %arg7[%dma_start3A_451, %dma_start3A_452] : memref<16x128xi32, #tpu.memory_space<vmem>> -> memref<1x128xi32, #tpu.memory_space<vmem>>
      %dma_start3A_454 = tpu.memref_squeeze %dma_start3A_453 : memref<1x128xi32, #tpu.memory_space<vmem>> -> memref<128xi32, #tpu.memory_space<vmem>>
      %dma_start3A_455 = arith.constant 0 : i32
      %dma_start3A_456 = arith.constant 0 : i32
      %dma_start3A_457 = tpu.memref_slice %arg10[%dma_start3A_455, %dma_start3A_456] : memref<10240x128xf32, #tpu.memory_space<vmem_shared>> -> memref<10240x128xf32, #tpu.memory_space<vmem_shared>>
      tpu.enqueue_indirect_dma source(%arg9 : memref<128x128xf32, #tpu.memory_space<vmem>>) target(%dma_start3A_457 : memref<10240x128xf32, #tpu.memory_space<vmem_shared>>) offsets(%dma_start3A_454 : memref<128xi32, #tpu.memory_space<vmem>>) semaphore(%arg14 : memref<!tpu.dma_semaphore, #tpu.memory_space<semaphore_mem>>) {add = true}
      %dma_wait3A_458 = arith.constant 14 : i32
      %dma_wait3A_459 = arith.constant 0 : i32
      %dma_wait3A_460 = tpu.memref_slice %arg7[%dma_wait3A_458, %dma_wait3A_459] : memref<16x128xi32, #tpu.memory_space<vmem>> -> memref<1x128xi32, #tpu.memory_space<vmem>>
      %dma_wait3A_461 = tpu.memref_squeeze %dma_wait3A_460 : memref<1x128xi32, #tpu.memory_space<vmem>> -> memref<128xi32, #tpu.memory_space<vmem>>
      %dma_wait3A_462 = arith.constant 0 : i32
      %dma_wait3A_463 = arith.constant 0 : i32
      %dma_wait3A_464 = tpu.memref_slice %arg10[%dma_wait3A_462, %dma_wait3A_463] : memref<10240x128xf32, #tpu.memory_space<vmem_shared>> -> memref<10240x128xf32, #tpu.memory_space<vmem_shared>>
      tpu.wait_indirect_dma semaphore(%arg13 : memref<!tpu.dma_semaphore, #tpu.memory_space<semaphore_mem>>) src(%arg8 : memref<128x128xf32, #tpu.memory_space<vmem>>) dst(%dma_wait3A_464 : memref<10240x128xf32, #tpu.memory_space<vmem_shared>>)
      %dma_wait3A_465 = arith.constant 15 : i32
      %dma_wait3A_466 = arith.constant 0 : i32
      %dma_wait3A_467 = tpu.memref_slice %arg7[%dma_wait3A_465, %dma_wait3A_466] : memref<16x128xi32, #tpu.memory_space<vmem>> -> memref<1x128xi32, #tpu.memory_space<vmem>>
      %dma_wait3A_468 = tpu.memref_squeeze %dma_wait3A_467 : memref<1x128xi32, #tpu.memory_space<vmem>> -> memref<128xi32, #tpu.memory_space<vmem>>
      %dma_wait3A_469 = arith.constant 0 : i32
      %dma_wait3A_470 = arith.constant 0 : i32
      %dma_wait3A_471 = tpu.memref_slice %arg10[%dma_wait3A_469, %dma_wait3A_470] : memref<10240x128xf32, #tpu.memory_space<vmem_shared>> -> memref<10240x128xf32, #tpu.memory_space<vmem_shared>>
      tpu.wait_indirect_dma semaphore(%arg14 : memref<!tpu.dma_semaphore, #tpu.memory_space<semaphore_mem>>) src(%arg9 : memref<128x128xf32, #tpu.memory_space<vmem>>) dst(%dma_wait3A_471 : memref<10240x128xf32, #tpu.memory_space<vmem_shared>>)
    }
    %scan3A_8 = arith.constant 10 : i32
    %barrier3A_9 = arith.constant 0 : index
    tpu.barrier barrier_id(%barrier3A_9)
    %mul3A_10 = arith.constant 640 : i32
    %mul3A_11 = arith.muli %arg1, %mul3A_10 : i32
    %mul3A_12 = arith.constant 10240 : i32
    %mul3A_13 = arith.muli %arg0, %mul3A_12 : i32
    %mul3A_14 = arith.constant 640 : i32
    %mul3A_15 = arith.muli %arg1, %mul3A_14 : i32
    %add3A_16 = arith.addi %mul3A_13, %mul3A_15 : i32
    "tpu.region"() ({
      %run_scoped3A = tpu.sem_alloc : memref<!tpu.dma_semaphore, #tpu.memory_space<semaphore_mem>>
      %dma_start3A = arith.constant 0 : i32
      %dma_start3A_17 = tpu.memref_slice %arg5[%add3A_16, %dma_start3A] : memref<20480x128xf32, #tpu.memory_space<hbm>> -> memref<640x128xf32, #tpu.memory_space<hbm>>
      %dma_start3A_18 = arith.constant 0 : i32
      %dma_start3A_19 = tpu.memref_slice %arg10[%mul3A_11, %dma_start3A_18] : memref<10240x128xf32, #tpu.memory_space<vmem_shared>> -> memref<640x128xf32, #tpu.memory_space<vmem_shared>>
      tpu.enqueue_dma source(%dma_start3A_19 : memref<640x128xf32, #tpu.memory_space<vmem_shared>>) target(%dma_start3A_17 : memref<640x128xf32, #tpu.memory_space<hbm>>) target_semaphore(%run_scoped3A : memref<!tpu.dma_semaphore, #tpu.memory_space<semaphore_mem>>)
      %dma_wait3A = arith.constant 0 : i32
      %dma_wait3A_20 = tpu.memref_slice %arg5[%add3A_16, %dma_wait3A] : memref<20480x128xf32, #tpu.memory_space<hbm>> -> memref<640x128xf32, #tpu.memory_space<hbm>>
      %dma_wait3A_21 = arith.constant 0 : i32
      %dma_wait3A_22 = tpu.memref_slice %arg10[%mul3A_11, %dma_wait3A_21] : memref<10240x128xf32, #tpu.memory_space<vmem_shared>> -> memref<640x128xf32, #tpu.memory_space<vmem_shared>>
      tpu.wait_dma2 semaphore(%run_scoped3A : memref<!tpu.dma_semaphore, #tpu.memory_space<semaphore_mem>>) src(%dma_wait3A_22 : memref<640x128xf32, #tpu.memory_space<vmem_shared>>) dst(%dma_wait3A_20 : memref<640x128xf32, #tpu.memory_space<hbm>>)
      tpu.yield
    }) : () -> ()
    return
  }
}

#map = affine_map<(d0, d1) -> (0, 0)>
#map1 = affine_map<(d0, d1) -> (0, 0, 0, 0)>
module attributes {stable_mosaic.version = 14 : i64} {
  func.func @_agg_es(%arg0: i32, %arg1: i32, %arg2: memref<10240x128xf32, #tpu.memory_space<hbm>>, %arg3: memref<2x16x80x128xi32, #tpu.memory_space<hbm>>, %arg4: memref<2x16x80x128xi32, #tpu.memory_space<hbm>>, %arg5: memref<640x128xf32, #tpu.memory_space<hbm>>, %arg6: memref<20480x128xf32, #tpu.memory_space<hbm>>, %arg7: memref<16x128xi32, #tpu.memory_space<vmem>>, %arg8: memref<16x128xi32, #tpu.memory_space<vmem>>, %arg9: memref<128x128xf32, #tpu.memory_space<vmem>>, %arg10: memref<128x128xf32, #tpu.memory_space<vmem>>, %arg11: memref<10240x128xf32, #tpu.memory_space<vmem_shared>>, %arg12: memref<!tpu.dma_semaphore, #tpu.memory_space<semaphore_mem>>, %arg13: memref<!tpu.dma_semaphore, #tpu.memory_space<semaphore_mem>>, %arg14: memref<!tpu.dma_semaphore, #tpu.memory_space<semaphore_mem>>, %arg15: memref<!tpu.dma_semaphore, #tpu.memory_space<semaphore_mem>>) attributes {dimension_semantics = [#tpu.dimension_semantics<core_parallel>, #tpu.dimension_semantics<subcore_parallel>], iteration_bounds = array<i64: 2, 16>, scalar_prefetch = 0 : i64, scratch_operands = 9 : i64, tpu.core_type = #tpu.core_type<sc_vector_subcore>, window_params = [{transform_indices = #map}, {transform_indices = #map1}, {transform_indices = #map1}, {transform_indices = #map}, {transform_indices = #map}]} {
    %eq3A = arith.constant 0 : i32
    %eq3A_0 = arith.cmpi eq, %arg0, %eq3A : i32
    %convert_element_type3A = arith.extui %eq3A_0 : i1 to i32
    %cond3A = arith.constant 0 : i32
    %cond3A_1 = arith.cmpi ne, %convert_element_type3A, %cond3A : i32
    scf.if %cond3A_1 {
      %mul3A_17 = arith.constant 640 : i32
      %mul3A_18 = arith.muli %arg1, %mul3A_17 : i32
      %mul3A_19 = arith.constant 640 : i32
      %mul3A_20 = arith.muli %arg1, %mul3A_19 : i32
      "tpu.region"() ({
        %run_scoped3A = tpu.sem_alloc : memref<!tpu.dma_semaphore, #tpu.memory_space<semaphore_mem>>
        %dma_start3A = arith.constant 0 : i32
        %dma_start3A_21 = tpu.memref_slice %arg11[%mul3A_20, %dma_start3A] : memref<10240x128xf32, #tpu.memory_space<vmem_shared>> -> memref<640x128xf32, #tpu.memory_space<vmem_shared>>
        %dma_start3A_22 = arith.constant 0 : i32
        %dma_start3A_23 = tpu.memref_slice %arg2[%mul3A_18, %dma_start3A_22] : memref<10240x128xf32, #tpu.memory_space<hbm>> -> memref<640x128xf32, #tpu.memory_space<hbm>>
        tpu.enqueue_dma source(%dma_start3A_23 : memref<640x128xf32, #tpu.memory_space<hbm>>) target(%dma_start3A_21 : memref<640x128xf32, #tpu.memory_space<vmem_shared>>) target_semaphore(%run_scoped3A : memref<!tpu.dma_semaphore, #tpu.memory_space<semaphore_mem>>)
        %dma_wait3A = arith.constant 0 : i32
        %dma_wait3A_24 = tpu.memref_slice %arg11[%mul3A_20, %dma_wait3A] : memref<10240x128xf32, #tpu.memory_space<vmem_shared>> -> memref<640x128xf32, #tpu.memory_space<vmem_shared>>
        %dma_wait3A_25 = arith.constant 0 : i32
        %dma_wait3A_26 = tpu.memref_slice %arg2[%mul3A_18, %dma_wait3A_25] : memref<10240x128xf32, #tpu.memory_space<hbm>> -> memref<640x128xf32, #tpu.memory_space<hbm>>
        tpu.wait_dma2 semaphore(%run_scoped3A : memref<!tpu.dma_semaphore, #tpu.memory_space<semaphore_mem>>) src(%dma_wait3A_26 : memref<640x128xf32, #tpu.memory_space<hbm>>) dst(%dma_wait3A_24 : memref<640x128xf32, #tpu.memory_space<vmem_shared>>)
        tpu.yield
      }) : () -> ()
    } else {
    }
    %eq3A_2 = arith.constant 1 : i32
    %eq3A_3 = arith.cmpi eq, %arg0, %eq3A_2 : i32
    %convert_element_type3A_4 = arith.extui %eq3A_3 : i1 to i32
    %cond3A_5 = arith.constant 0 : i32
    %cond3A_6 = arith.cmpi ne, %convert_element_type3A_4, %cond3A_5 : i32
    scf.if %cond3A_6 {
      %mul3A_17 = arith.constant 640 : i32
      %mul3A_18 = arith.muli %arg1, %mul3A_17 : i32
      "tpu.region"() ({
        %run_scoped3A = tpu.sem_alloc : memref<!tpu.dma_semaphore, #tpu.memory_space<semaphore_mem>>
        %dma_start3A = arith.constant 0 : i32
        %dma_start3A_19 = tpu.memref_slice %arg11[%mul3A_18, %dma_start3A] : memref<10240x128xf32, #tpu.memory_space<vmem_shared>> -> memref<640x128xf32, #tpu.memory_space<vmem_shared>>
        tpu.enqueue_dma source(%arg5 : memref<640x128xf32, #tpu.memory_space<hbm>>) target(%dma_start3A_19 : memref<640x128xf32, #tpu.memory_space<vmem_shared>>) target_semaphore(%run_scoped3A : memref<!tpu.dma_semaphore, #tpu.memory_space<semaphore_mem>>)
        %dma_wait3A = arith.constant 0 : i32
        %dma_wait3A_20 = tpu.memref_slice %arg11[%mul3A_18, %dma_wait3A] : memref<10240x128xf32, #tpu.memory_space<vmem_shared>> -> memref<640x128xf32, #tpu.memory_space<vmem_shared>>
        tpu.wait_dma2 semaphore(%run_scoped3A : memref<!tpu.dma_semaphore, #tpu.memory_space<semaphore_mem>>) src(%arg5 : memref<640x128xf32, #tpu.memory_space<hbm>>) dst(%dma_wait3A_20 : memref<640x128xf32, #tpu.memory_space<vmem_shared>>)
        tpu.yield
      }) : () -> ()
    } else {
    }
    %barrier3A = arith.constant 0 : index
    tpu.barrier barrier_id(%barrier3A)
    %scan3A = arith.constant 0 : i32
    %scan3A_7 = arith.constant 5 : i32
    %scan3A_8 = arith.addi %scan3A, %scan3A_7 : i32
    %scan3A_9 = arith.constant 1 : i32
    scf.for %scan3A_17 = %scan3A to %scan3A_8 step %scan3A_9  : i32 {
      %mul3A_18 = arith.constant 1 : i32
      %mul3A_19 = arith.muli %scan3A_17, %mul3A_18 : i32
      %add3A_20 = arith.constant 0 : i32
      %add3A_21 = arith.addi %add3A_20, %mul3A_19 : i32
      %mul3A_22 = arith.constant 16 : i32
      %mul3A_23 = arith.muli %add3A_21, %mul3A_22 : i32
      "tpu.region"() ({
        %run_scoped3A = tpu.sem_alloc : memref<!tpu.dma_semaphore, #tpu.memory_space<semaphore_mem>>
        %dma_start3A_472 = arith.constant 0 : i32
        %dma_start3A_473 = tpu.memref_slice %arg3[%arg0, %arg1, %mul3A_23, %dma_start3A_472] : memref<2x16x80x128xi32, #tpu.memory_space<hbm>> -> memref<1x1x16x128xi32, #tpu.memory_space<hbm>>
        %dma_start3A_474 = tpu.memref_squeeze %dma_start3A_473 : memref<1x1x16x128xi32, #tpu.memory_space<hbm>> -> memref<16x128xi32, #tpu.memory_space<hbm>>
        %dma_start3A_475 = arith.constant 0 : i32
        %dma_start3A_476 = tpu.memref_slice %arg3[%arg0, %arg1, %mul3A_23, %dma_start3A_475] : memref<2x16x80x128xi32, #tpu.memory_space<hbm>> -> memref<1x1x16x128xi32, #tpu.memory_space<hbm>>
        %dma_start3A_477 = tpu.memref_squeeze %dma_start3A_476 : memref<1x1x16x128xi32, #tpu.memory_space<hbm>> -> memref<16x128xi32, #tpu.memory_space<hbm>>
        tpu.enqueue_dma source(%dma_start3A_477 : memref<16x128xi32, #tpu.memory_space<hbm>>) target(%arg7 : memref<16x128xi32, #tpu.memory_space<vmem>>) target_semaphore(%run_scoped3A : memref<!tpu.dma_semaphore, #tpu.memory_space<semaphore_mem>>)
        %dma_wait3A_478 = arith.constant 0 : i32
        %dma_wait3A_479 = tpu.memref_slice %arg3[%arg0, %arg1, %mul3A_23, %dma_wait3A_478] : memref<2x16x80x128xi32, #tpu.memory_space<hbm>> -> memref<1x1x16x128xi32, #tpu.memory_space<hbm>>
        %dma_wait3A_480 = tpu.memref_squeeze %dma_wait3A_479 : memref<1x1x16x128xi32, #tpu.memory_space<hbm>> -> memref<16x128xi32, #tpu.memory_space<hbm>>
        %dma_wait3A_481 = arith.constant 0 : i32
        %dma_wait3A_482 = tpu.memref_slice %arg3[%arg0, %arg1, %mul3A_23, %dma_wait3A_481] : memref<2x16x80x128xi32, #tpu.memory_space<hbm>> -> memref<1x1x16x128xi32, #tpu.memory_space<hbm>>
        %dma_wait3A_483 = tpu.memref_squeeze %dma_wait3A_482 : memref<1x1x16x128xi32, #tpu.memory_space<hbm>> -> memref<16x128xi32, #tpu.memory_space<hbm>>
        tpu.wait_dma2 semaphore(%run_scoped3A : memref<!tpu.dma_semaphore, #tpu.memory_space<semaphore_mem>>) src(%dma_wait3A_483 : memref<16x128xi32, #tpu.memory_space<hbm>>) dst(%arg7 : memref<16x128xi32, #tpu.memory_space<vmem>>)
        tpu.yield
      }) : () -> ()
      %mul3A_24 = arith.constant 16 : i32
      %mul3A_25 = arith.muli %add3A_21, %mul3A_24 : i32
      "tpu.region"() ({
        %run_scoped3A = tpu.sem_alloc : memref<!tpu.dma_semaphore, #tpu.memory_space<semaphore_mem>>
        %dma_start3A_472 = arith.constant 0 : i32
        %dma_start3A_473 = tpu.memref_slice %arg4[%arg0, %arg1, %mul3A_25, %dma_start3A_472] : memref<2x16x80x128xi32, #tpu.memory_space<hbm>> -> memref<1x1x16x128xi32, #tpu.memory_space<hbm>>
        %dma_start3A_474 = tpu.memref_squeeze %dma_start3A_473 : memref<1x1x16x128xi32, #tpu.memory_space<hbm>> -> memref<16x128xi32, #tpu.memory_space<hbm>>
        %dma_start3A_475 = arith.constant 0 : i32
        %dma_start3A_476 = tpu.memref_slice %arg4[%arg0, %arg1, %mul3A_25, %dma_start3A_475] : memref<2x16x80x128xi32, #tpu.memory_space<hbm>> -> memref<1x1x16x128xi32, #tpu.memory_space<hbm>>
        %dma_start3A_477 = tpu.memref_squeeze %dma_start3A_476 : memref<1x1x16x128xi32, #tpu.memory_space<hbm>> -> memref<16x128xi32, #tpu.memory_space<hbm>>
        tpu.enqueue_dma source(%dma_start3A_477 : memref<16x128xi32, #tpu.memory_space<hbm>>) target(%arg8 : memref<16x128xi32, #tpu.memory_space<vmem>>) target_semaphore(%run_scoped3A : memref<!tpu.dma_semaphore, #tpu.memory_space<semaphore_mem>>)
        %dma_wait3A_478 = arith.constant 0 : i32
        %dma_wait3A_479 = tpu.memref_slice %arg4[%arg0, %arg1, %mul3A_25, %dma_wait3A_478] : memref<2x16x80x128xi32, #tpu.memory_space<hbm>> -> memref<1x1x16x128xi32, #tpu.memory_space<hbm>>
        %dma_wait3A_480 = tpu.memref_squeeze %dma_wait3A_479 : memref<1x1x16x128xi32, #tpu.memory_space<hbm>> -> memref<16x128xi32, #tpu.memory_space<hbm>>
        %dma_wait3A_481 = arith.constant 0 : i32
        %dma_wait3A_482 = tpu.memref_slice %arg4[%arg0, %arg1, %mul3A_25, %dma_wait3A_481] : memref<2x16x80x128xi32, #tpu.memory_space<hbm>> -> memref<1x1x16x128xi32, #tpu.memory_space<hbm>>
        %dma_wait3A_483 = tpu.memref_squeeze %dma_wait3A_482 : memref<1x1x16x128xi32, #tpu.memory_space<hbm>> -> memref<16x128xi32, #tpu.memory_space<hbm>>
        tpu.wait_dma2 semaphore(%run_scoped3A : memref<!tpu.dma_semaphore, #tpu.memory_space<semaphore_mem>>) src(%dma_wait3A_483 : memref<16x128xi32, #tpu.memory_space<hbm>>) dst(%arg8 : memref<16x128xi32, #tpu.memory_space<vmem>>)
        tpu.yield
      }) : () -> ()
      %dma_start3A = arith.constant 0 : i32
      %dma_start3A_26 = arith.constant 0 : i32
      %dma_start3A_27 = tpu.memref_slice %arg7[%dma_start3A, %dma_start3A_26] : memref<16x128xi32, #tpu.memory_space<vmem>> -> memref<1x128xi32, #tpu.memory_space<vmem>>
      %dma_start3A_28 = tpu.memref_squeeze %dma_start3A_27 : memref<1x128xi32, #tpu.memory_space<vmem>> -> memref<128xi32, #tpu.memory_space<vmem>>
      %dma_start3A_29 = arith.constant 0 : i32
      %dma_start3A_30 = arith.constant 0 : i32
      %dma_start3A_31 = tpu.memref_slice %arg2[%dma_start3A_29, %dma_start3A_30] : memref<10240x128xf32, #tpu.memory_space<hbm>> -> memref<10240x128xf32, #tpu.memory_space<hbm>>
      tpu.enqueue_indirect_dma source(%dma_start3A_31 : memref<10240x128xf32, #tpu.memory_space<hbm>>) target(%arg9 : memref<128x128xf32, #tpu.memory_space<vmem>>) offsets(%dma_start3A_28 : memref<128xi32, #tpu.memory_space<vmem>>) semaphore(%arg12 : memref<!tpu.dma_semaphore, #tpu.memory_space<semaphore_mem>>)
      %dma_start3A_32 = arith.constant 1 : i32
      %dma_start3A_33 = arith.constant 0 : i32
      %dma_start3A_34 = tpu.memref_slice %arg7[%dma_start3A_32, %dma_start3A_33] : memref<16x128xi32, #tpu.memory_space<vmem>> -> memref<1x128xi32, #tpu.memory_space<vmem>>
      %dma_start3A_35 = tpu.memref_squeeze %dma_start3A_34 : memref<1x128xi32, #tpu.memory_space<vmem>> -> memref<128xi32, #tpu.memory_space<vmem>>
      %dma_start3A_36 = arith.constant 0 : i32
      %dma_start3A_37 = arith.constant 0 : i32
      %dma_start3A_38 = tpu.memref_slice %arg2[%dma_start3A_36, %dma_start3A_37] : memref<10240x128xf32, #tpu.memory_space<hbm>> -> memref<10240x128xf32, #tpu.memory_space<hbm>>
      tpu.enqueue_indirect_dma source(%dma_start3A_38 : memref<10240x128xf32, #tpu.memory_space<hbm>>) target(%arg10 : memref<128x128xf32, #tpu.memory_space<vmem>>) offsets(%dma_start3A_35 : memref<128xi32, #tpu.memory_space<vmem>>) semaphore(%arg13 : memref<!tpu.dma_semaphore, #tpu.memory_space<semaphore_mem>>)
      %dma_wait3A = arith.constant 0 : i32
      %dma_wait3A_39 = arith.constant 0 : i32
      %dma_wait3A_40 = tpu.memref_slice %arg7[%dma_wait3A, %dma_wait3A_39] : memref<16x128xi32, #tpu.memory_space<vmem>> -> memref<1x128xi32, #tpu.memory_space<vmem>>
      %dma_wait3A_41 = tpu.memref_squeeze %dma_wait3A_40 : memref<1x128xi32, #tpu.memory_space<vmem>> -> memref<128xi32, #tpu.memory_space<vmem>>
      %dma_wait3A_42 = arith.constant 0 : i32
      %dma_wait3A_43 = arith.constant 0 : i32
      %dma_wait3A_44 = tpu.memref_slice %arg2[%dma_wait3A_42, %dma_wait3A_43] : memref<10240x128xf32, #tpu.memory_space<hbm>> -> memref<10240x128xf32, #tpu.memory_space<hbm>>
      tpu.wait_indirect_dma semaphore(%arg12 : memref<!tpu.dma_semaphore, #tpu.memory_space<semaphore_mem>>) src(%dma_wait3A_44 : memref<10240x128xf32, #tpu.memory_space<hbm>>) dst(%arg9 : memref<128x128xf32, #tpu.memory_space<vmem>>)
      %dma_start3A_45 = arith.constant 0 : i32
      %dma_start3A_46 = arith.constant 0 : i32
      %dma_start3A_47 = tpu.memref_slice %arg8[%dma_start3A_45, %dma_start3A_46] : memref<16x128xi32, #tpu.memory_space<vmem>> -> memref<1x128xi32, #tpu.memory_space<vmem>>
      %dma_start3A_48 = tpu.memref_squeeze %dma_start3A_47 : memref<1x128xi32, #tpu.memory_space<vmem>> -> memref<128xi32, #tpu.memory_space<vmem>>
      %dma_start3A_49 = arith.constant 0 : i32
      %dma_start3A_50 = arith.constant 0 : i32
      %dma_start3A_51 = tpu.memref_slice %arg11[%dma_start3A_49, %dma_start3A_50] : memref<10240x128xf32, #tpu.memory_space<vmem_shared>> -> memref<10240x128xf32, #tpu.memory_space<vmem_shared>>
      tpu.enqueue_indirect_dma source(%arg9 : memref<128x128xf32, #tpu.memory_space<vmem>>) target(%dma_start3A_51 : memref<10240x128xf32, #tpu.memory_space<vmem_shared>>) offsets(%dma_start3A_48 : memref<128xi32, #tpu.memory_space<vmem>>) semaphore(%arg14 : memref<!tpu.dma_semaphore, #tpu.memory_space<semaphore_mem>>) {add = true}
      %dma_wait3A_52 = arith.constant 0 : i32
      %dma_wait3A_53 = arith.constant 0 : i32
      %dma_wait3A_54 = tpu.memref_slice %arg8[%dma_wait3A_52, %dma_wait3A_53] : memref<16x128xi32, #tpu.memory_space<vmem>> -> memref<1x128xi32, #tpu.memory_space<vmem>>
      %dma_wait3A_55 = tpu.memref_squeeze %dma_wait3A_54 : memref<1x128xi32, #tpu.memory_space<vmem>> -> memref<128xi32, #tpu.memory_space<vmem>>
      %dma_wait3A_56 = arith.constant 0 : i32
      %dma_wait3A_57 = arith.constant 0 : i32
      %dma_wait3A_58 = tpu.memref_slice %arg11[%dma_wait3A_56, %dma_wait3A_57] : memref<10240x128xf32, #tpu.memory_space<vmem_shared>> -> memref<10240x128xf32, #tpu.memory_space<vmem_shared>>
      tpu.wait_indirect_dma semaphore(%arg14 : memref<!tpu.dma_semaphore, #tpu.memory_space<semaphore_mem>>) src(%arg9 : memref<128x128xf32, #tpu.memory_space<vmem>>) dst(%dma_wait3A_58 : memref<10240x128xf32, #tpu.memory_space<vmem_shared>>)
      %dma_start3A_59 = arith.constant 2 : i32
      %dma_start3A_60 = arith.constant 0 : i32
      %dma_start3A_61 = tpu.memref_slice %arg7[%dma_start3A_59, %dma_start3A_60] : memref<16x128xi32, #tpu.memory_space<vmem>> -> memref<1x128xi32, #tpu.memory_space<vmem>>
      %dma_start3A_62 = tpu.memref_squeeze %dma_start3A_61 : memref<1x128xi32, #tpu.memory_space<vmem>> -> memref<128xi32, #tpu.memory_space<vmem>>
      %dma_start3A_63 = arith.constant 0 : i32
      %dma_start3A_64 = arith.constant 0 : i32
      %dma_start3A_65 = tpu.memref_slice %arg2[%dma_start3A_63, %dma_start3A_64] : memref<10240x128xf32, #tpu.memory_space<hbm>> -> memref<10240x128xf32, #tpu.memory_space<hbm>>
      tpu.enqueue_indirect_dma source(%dma_start3A_65 : memref<10240x128xf32, #tpu.memory_space<hbm>>) target(%arg9 : memref<128x128xf32, #tpu.memory_space<vmem>>) offsets(%dma_start3A_62 : memref<128xi32, #tpu.memory_space<vmem>>) semaphore(%arg12 : memref<!tpu.dma_semaphore, #tpu.memory_space<semaphore_mem>>)
      %dma_wait3A_66 = arith.constant 1 : i32
      %dma_wait3A_67 = arith.constant 0 : i32
      %dma_wait3A_68 = tpu.memref_slice %arg7[%dma_wait3A_66, %dma_wait3A_67] : memref<16x128xi32, #tpu.memory_space<vmem>> -> memref<1x128xi32, #tpu.memory_space<vmem>>
      %dma_wait3A_69 = tpu.memref_squeeze %dma_wait3A_68 : memref<1x128xi32, #tpu.memory_space<vmem>> -> memref<128xi32, #tpu.memory_space<vmem>>
      %dma_wait3A_70 = arith.constant 0 : i32
      %dma_wait3A_71 = arith.constant 0 : i32
      %dma_wait3A_72 = tpu.memref_slice %arg2[%dma_wait3A_70, %dma_wait3A_71] : memref<10240x128xf32, #tpu.memory_space<hbm>> -> memref<10240x128xf32, #tpu.memory_space<hbm>>
      tpu.wait_indirect_dma semaphore(%arg13 : memref<!tpu.dma_semaphore, #tpu.memory_space<semaphore_mem>>) src(%dma_wait3A_72 : memref<10240x128xf32, #tpu.memory_space<hbm>>) dst(%arg10 : memref<128x128xf32, #tpu.memory_space<vmem>>)
      %dma_start3A_73 = arith.constant 1 : i32
      %dma_start3A_74 = arith.constant 0 : i32
      %dma_start3A_75 = tpu.memref_slice %arg8[%dma_start3A_73, %dma_start3A_74] : memref<16x128xi32, #tpu.memory_space<vmem>> -> memref<1x128xi32, #tpu.memory_space<vmem>>
      %dma_start3A_76 = tpu.memref_squeeze %dma_start3A_75 : memref<1x128xi32, #tpu.memory_space<vmem>> -> memref<128xi32, #tpu.memory_space<vmem>>
      %dma_start3A_77 = arith.constant 0 : i32
      %dma_start3A_78 = arith.constant 0 : i32
      %dma_start3A_79 = tpu.memref_slice %arg11[%dma_start3A_77, %dma_start3A_78] : memref<10240x128xf32, #tpu.memory_space<vmem_shared>> -> memref<10240x128xf32, #tpu.memory_space<vmem_shared>>
      tpu.enqueue_indirect_dma source(%arg10 : memref<128x128xf32, #tpu.memory_space<vmem>>) target(%dma_start3A_79 : memref<10240x128xf32, #tpu.memory_space<vmem_shared>>) offsets(%dma_start3A_76 : memref<128xi32, #tpu.memory_space<vmem>>) semaphore(%arg15 : memref<!tpu.dma_semaphore, #tpu.memory_space<semaphore_mem>>) {add = true}
      %dma_wait3A_80 = arith.constant 1 : i32
      %dma_wait3A_81 = arith.constant 0 : i32
      %dma_wait3A_82 = tpu.memref_slice %arg8[%dma_wait3A_80, %dma_wait3A_81] : memref<16x128xi32, #tpu.memory_space<vmem>> -> memref<1x128xi32, #tpu.memory_space<vmem>>
      %dma_wait3A_83 = tpu.memref_squeeze %dma_wait3A_82 : memref<1x128xi32, #tpu.memory_space<vmem>> -> memref<128xi32, #tpu.memory_space<vmem>>
      %dma_wait3A_84 = arith.constant 0 : i32
      %dma_wait3A_85 = arith.constant 0 : i32
      %dma_wait3A_86 = tpu.memref_slice %arg11[%dma_wait3A_84, %dma_wait3A_85] : memref<10240x128xf32, #tpu.memory_space<vmem_shared>> -> memref<10240x128xf32, #tpu.memory_space<vmem_shared>>
      tpu.wait_indirect_dma semaphore(%arg15 : memref<!tpu.dma_semaphore, #tpu.memory_space<semaphore_mem>>) src(%arg10 : memref<128x128xf32, #tpu.memory_space<vmem>>) dst(%dma_wait3A_86 : memref<10240x128xf32, #tpu.memory_space<vmem_shared>>)
      %dma_start3A_87 = arith.constant 3 : i32
      %dma_start3A_88 = arith.constant 0 : i32
      %dma_start3A_89 = tpu.memref_slice %arg7[%dma_start3A_87, %dma_start3A_88] : memref<16x128xi32, #tpu.memory_space<vmem>> -> memref<1x128xi32, #tpu.memory_space<vmem>>
      %dma_start3A_90 = tpu.memref_squeeze %dma_start3A_89 : memref<1x128xi32, #tpu.memory_space<vmem>> -> memref<128xi32, #tpu.memory_space<vmem>>
      %dma_start3A_91 = arith.constant 0 : i32
      %dma_start3A_92 = arith.constant 0 : i32
      %dma_start3A_93 = tpu.memref_slice %arg2[%dma_start3A_91, %dma_start3A_92] : memref<10240x128xf32, #tpu.memory_space<hbm>> -> memref<10240x128xf32, #tpu.memory_space<hbm>>
      tpu.enqueue_indirect_dma source(%dma_start3A_93 : memref<10240x128xf32, #tpu.memory_space<hbm>>) target(%arg10 : memref<128x128xf32, #tpu.memory_space<vmem>>) offsets(%dma_start3A_90 : memref<128xi32, #tpu.memory_space<vmem>>) semaphore(%arg13 : memref<!tpu.dma_semaphore, #tpu.memory_space<semaphore_mem>>)
      %dma_wait3A_94 = arith.constant 2 : i32
      %dma_wait3A_95 = arith.constant 0 : i32
      %dma_wait3A_96 = tpu.memref_slice %arg7[%dma_wait3A_94, %dma_wait3A_95] : memref<16x128xi32, #tpu.memory_space<vmem>> -> memref<1x128xi32, #tpu.memory_space<vmem>>
      %dma_wait3A_97 = tpu.memref_squeeze %dma_wait3A_96 : memref<1x128xi32, #tpu.memory_space<vmem>> -> memref<128xi32, #tpu.memory_space<vmem>>
      %dma_wait3A_98 = arith.constant 0 : i32
      %dma_wait3A_99 = arith.constant 0 : i32
      %dma_wait3A_100 = tpu.memref_slice %arg2[%dma_wait3A_98, %dma_wait3A_99] : memref<10240x128xf32, #tpu.memory_space<hbm>> -> memref<10240x128xf32, #tpu.memory_space<hbm>>
      tpu.wait_indirect_dma semaphore(%arg12 : memref<!tpu.dma_semaphore, #tpu.memory_space<semaphore_mem>>) src(%dma_wait3A_100 : memref<10240x128xf32, #tpu.memory_space<hbm>>) dst(%arg9 : memref<128x128xf32, #tpu.memory_space<vmem>>)
      %dma_start3A_101 = arith.constant 2 : i32
      %dma_start3A_102 = arith.constant 0 : i32
      %dma_start3A_103 = tpu.memref_slice %arg8[%dma_start3A_101, %dma_start3A_102] : memref<16x128xi32, #tpu.memory_space<vmem>> -> memref<1x128xi32, #tpu.memory_space<vmem>>
      %dma_start3A_104 = tpu.memref_squeeze %dma_start3A_103 : memref<1x128xi32, #tpu.memory_space<vmem>> -> memref<128xi32, #tpu.memory_space<vmem>>
      %dma_start3A_105 = arith.constant 0 : i32
      %dma_start3A_106 = arith.constant 0 : i32
      %dma_start3A_107 = tpu.memref_slice %arg11[%dma_start3A_105, %dma_start3A_106] : memref<10240x128xf32, #tpu.memory_space<vmem_shared>> -> memref<10240x128xf32, #tpu.memory_space<vmem_shared>>
      tpu.enqueue_indirect_dma source(%arg9 : memref<128x128xf32, #tpu.memory_space<vmem>>) target(%dma_start3A_107 : memref<10240x128xf32, #tpu.memory_space<vmem_shared>>) offsets(%dma_start3A_104 : memref<128xi32, #tpu.memory_space<vmem>>) semaphore(%arg14 : memref<!tpu.dma_semaphore, #tpu.memory_space<semaphore_mem>>) {add = true}
      %dma_wait3A_108 = arith.constant 2 : i32
      %dma_wait3A_109 = arith.constant 0 : i32
      %dma_wait3A_110 = tpu.memref_slice %arg8[%dma_wait3A_108, %dma_wait3A_109] : memref<16x128xi32, #tpu.memory_space<vmem>> -> memref<1x128xi32, #tpu.memory_space<vmem>>
      %dma_wait3A_111 = tpu.memref_squeeze %dma_wait3A_110 : memref<1x128xi32, #tpu.memory_space<vmem>> -> memref<128xi32, #tpu.memory_space<vmem>>
      %dma_wait3A_112 = arith.constant 0 : i32
      %dma_wait3A_113 = arith.constant 0 : i32
      %dma_wait3A_114 = tpu.memref_slice %arg11[%dma_wait3A_112, %dma_wait3A_113] : memref<10240x128xf32, #tpu.memory_space<vmem_shared>> -> memref<10240x128xf32, #tpu.memory_space<vmem_shared>>
      tpu.wait_indirect_dma semaphore(%arg14 : memref<!tpu.dma_semaphore, #tpu.memory_space<semaphore_mem>>) src(%arg9 : memref<128x128xf32, #tpu.memory_space<vmem>>) dst(%dma_wait3A_114 : memref<10240x128xf32, #tpu.memory_space<vmem_shared>>)
      %dma_start3A_115 = arith.constant 4 : i32
      %dma_start3A_116 = arith.constant 0 : i32
      %dma_start3A_117 = tpu.memref_slice %arg7[%dma_start3A_115, %dma_start3A_116] : memref<16x128xi32, #tpu.memory_space<vmem>> -> memref<1x128xi32, #tpu.memory_space<vmem>>
      %dma_start3A_118 = tpu.memref_squeeze %dma_start3A_117 : memref<1x128xi32, #tpu.memory_space<vmem>> -> memref<128xi32, #tpu.memory_space<vmem>>
      %dma_start3A_119 = arith.constant 0 : i32
      %dma_start3A_120 = arith.constant 0 : i32
      %dma_start3A_121 = tpu.memref_slice %arg2[%dma_start3A_119, %dma_start3A_120] : memref<10240x128xf32, #tpu.memory_space<hbm>> -> memref<10240x128xf32, #tpu.memory_space<hbm>>
      tpu.enqueue_indirect_dma source(%dma_start3A_121 : memref<10240x128xf32, #tpu.memory_space<hbm>>) target(%arg9 : memref<128x128xf32, #tpu.memory_space<vmem>>) offsets(%dma_start3A_118 : memref<128xi32, #tpu.memory_space<vmem>>) semaphore(%arg12 : memref<!tpu.dma_semaphore, #tpu.memory_space<semaphore_mem>>)
      %dma_wait3A_122 = arith.constant 3 : i32
      %dma_wait3A_123 = arith.constant 0 : i32
      %dma_wait3A_124 = tpu.memref_slice %arg7[%dma_wait3A_122, %dma_wait3A_123] : memref<16x128xi32, #tpu.memory_space<vmem>> -> memref<1x128xi32, #tpu.memory_space<vmem>>
      %dma_wait3A_125 = tpu.memref_squeeze %dma_wait3A_124 : memref<1x128xi32, #tpu.memory_space<vmem>> -> memref<128xi32, #tpu.memory_space<vmem>>
      %dma_wait3A_126 = arith.constant 0 : i32
      %dma_wait3A_127 = arith.constant 0 : i32
      %dma_wait3A_128 = tpu.memref_slice %arg2[%dma_wait3A_126, %dma_wait3A_127] : memref<10240x128xf32, #tpu.memory_space<hbm>> -> memref<10240x128xf32, #tpu.memory_space<hbm>>
      tpu.wait_indirect_dma semaphore(%arg13 : memref<!tpu.dma_semaphore, #tpu.memory_space<semaphore_mem>>) src(%dma_wait3A_128 : memref<10240x128xf32, #tpu.memory_space<hbm>>) dst(%arg10 : memref<128x128xf32, #tpu.memory_space<vmem>>)
      %dma_start3A_129 = arith.constant 3 : i32
      %dma_start3A_130 = arith.constant 0 : i32
      %dma_start3A_131 = tpu.memref_slice %arg8[%dma_start3A_129, %dma_start3A_130] : memref<16x128xi32, #tpu.memory_space<vmem>> -> memref<1x128xi32, #tpu.memory_space<vmem>>
      %dma_start3A_132 = tpu.memref_squeeze %dma_start3A_131 : memref<1x128xi32, #tpu.memory_space<vmem>> -> memref<128xi32, #tpu.memory_space<vmem>>
      %dma_start3A_133 = arith.constant 0 : i32
      %dma_start3A_134 = arith.constant 0 : i32
      %dma_start3A_135 = tpu.memref_slice %arg11[%dma_start3A_133, %dma_start3A_134] : memref<10240x128xf32, #tpu.memory_space<vmem_shared>> -> memref<10240x128xf32, #tpu.memory_space<vmem_shared>>
      tpu.enqueue_indirect_dma source(%arg10 : memref<128x128xf32, #tpu.memory_space<vmem>>) target(%dma_start3A_135 : memref<10240x128xf32, #tpu.memory_space<vmem_shared>>) offsets(%dma_start3A_132 : memref<128xi32, #tpu.memory_space<vmem>>) semaphore(%arg15 : memref<!tpu.dma_semaphore, #tpu.memory_space<semaphore_mem>>) {add = true}
      %dma_wait3A_136 = arith.constant 3 : i32
      %dma_wait3A_137 = arith.constant 0 : i32
      %dma_wait3A_138 = tpu.memref_slice %arg8[%dma_wait3A_136, %dma_wait3A_137] : memref<16x128xi32, #tpu.memory_space<vmem>> -> memref<1x128xi32, #tpu.memory_space<vmem>>
      %dma_wait3A_139 = tpu.memref_squeeze %dma_wait3A_138 : memref<1x128xi32, #tpu.memory_space<vmem>> -> memref<128xi32, #tpu.memory_space<vmem>>
      %dma_wait3A_140 = arith.constant 0 : i32
      %dma_wait3A_141 = arith.constant 0 : i32
      %dma_wait3A_142 = tpu.memref_slice %arg11[%dma_wait3A_140, %dma_wait3A_141] : memref<10240x128xf32, #tpu.memory_space<vmem_shared>> -> memref<10240x128xf32, #tpu.memory_space<vmem_shared>>
      tpu.wait_indirect_dma semaphore(%arg15 : memref<!tpu.dma_semaphore, #tpu.memory_space<semaphore_mem>>) src(%arg10 : memref<128x128xf32, #tpu.memory_space<vmem>>) dst(%dma_wait3A_142 : memref<10240x128xf32, #tpu.memory_space<vmem_shared>>)
      %dma_start3A_143 = arith.constant 5 : i32
      %dma_start3A_144 = arith.constant 0 : i32
      %dma_start3A_145 = tpu.memref_slice %arg7[%dma_start3A_143, %dma_start3A_144] : memref<16x128xi32, #tpu.memory_space<vmem>> -> memref<1x128xi32, #tpu.memory_space<vmem>>
      %dma_start3A_146 = tpu.memref_squeeze %dma_start3A_145 : memref<1x128xi32, #tpu.memory_space<vmem>> -> memref<128xi32, #tpu.memory_space<vmem>>
      %dma_start3A_147 = arith.constant 0 : i32
      %dma_start3A_148 = arith.constant 0 : i32
      %dma_start3A_149 = tpu.memref_slice %arg2[%dma_start3A_147, %dma_start3A_148] : memref<10240x128xf32, #tpu.memory_space<hbm>> -> memref<10240x128xf32, #tpu.memory_space<hbm>>
      tpu.enqueue_indirect_dma source(%dma_start3A_149 : memref<10240x128xf32, #tpu.memory_space<hbm>>) target(%arg10 : memref<128x128xf32, #tpu.memory_space<vmem>>) offsets(%dma_start3A_146 : memref<128xi32, #tpu.memory_space<vmem>>) semaphore(%arg13 : memref<!tpu.dma_semaphore, #tpu.memory_space<semaphore_mem>>)
      %dma_wait3A_150 = arith.constant 4 : i32
      %dma_wait3A_151 = arith.constant 0 : i32
      %dma_wait3A_152 = tpu.memref_slice %arg7[%dma_wait3A_150, %dma_wait3A_151] : memref<16x128xi32, #tpu.memory_space<vmem>> -> memref<1x128xi32, #tpu.memory_space<vmem>>
      %dma_wait3A_153 = tpu.memref_squeeze %dma_wait3A_152 : memref<1x128xi32, #tpu.memory_space<vmem>> -> memref<128xi32, #tpu.memory_space<vmem>>
      %dma_wait3A_154 = arith.constant 0 : i32
      %dma_wait3A_155 = arith.constant 0 : i32
      %dma_wait3A_156 = tpu.memref_slice %arg2[%dma_wait3A_154, %dma_wait3A_155] : memref<10240x128xf32, #tpu.memory_space<hbm>> -> memref<10240x128xf32, #tpu.memory_space<hbm>>
      tpu.wait_indirect_dma semaphore(%arg12 : memref<!tpu.dma_semaphore, #tpu.memory_space<semaphore_mem>>) src(%dma_wait3A_156 : memref<10240x128xf32, #tpu.memory_space<hbm>>) dst(%arg9 : memref<128x128xf32, #tpu.memory_space<vmem>>)
      %dma_start3A_157 = arith.constant 4 : i32
      %dma_start3A_158 = arith.constant 0 : i32
      %dma_start3A_159 = tpu.memref_slice %arg8[%dma_start3A_157, %dma_start3A_158] : memref<16x128xi32, #tpu.memory_space<vmem>> -> memref<1x128xi32, #tpu.memory_space<vmem>>
      %dma_start3A_160 = tpu.memref_squeeze %dma_start3A_159 : memref<1x128xi32, #tpu.memory_space<vmem>> -> memref<128xi32, #tpu.memory_space<vmem>>
      %dma_start3A_161 = arith.constant 0 : i32
      %dma_start3A_162 = arith.constant 0 : i32
      %dma_start3A_163 = tpu.memref_slice %arg11[%dma_start3A_161, %dma_start3A_162] : memref<10240x128xf32, #tpu.memory_space<vmem_shared>> -> memref<10240x128xf32, #tpu.memory_space<vmem_shared>>
      tpu.enqueue_indirect_dma source(%arg9 : memref<128x128xf32, #tpu.memory_space<vmem>>) target(%dma_start3A_163 : memref<10240x128xf32, #tpu.memory_space<vmem_shared>>) offsets(%dma_start3A_160 : memref<128xi32, #tpu.memory_space<vmem>>) semaphore(%arg14 : memref<!tpu.dma_semaphore, #tpu.memory_space<semaphore_mem>>) {add = true}
      %dma_wait3A_164 = arith.constant 4 : i32
      %dma_wait3A_165 = arith.constant 0 : i32
      %dma_wait3A_166 = tpu.memref_slice %arg8[%dma_wait3A_164, %dma_wait3A_165] : memref<16x128xi32, #tpu.memory_space<vmem>> -> memref<1x128xi32, #tpu.memory_space<vmem>>
      %dma_wait3A_167 = tpu.memref_squeeze %dma_wait3A_166 : memref<1x128xi32, #tpu.memory_space<vmem>> -> memref<128xi32, #tpu.memory_space<vmem>>
      %dma_wait3A_168 = arith.constant 0 : i32
      %dma_wait3A_169 = arith.constant 0 : i32
      %dma_wait3A_170 = tpu.memref_slice %arg11[%dma_wait3A_168, %dma_wait3A_169] : memref<10240x128xf32, #tpu.memory_space<vmem_shared>> -> memref<10240x128xf32, #tpu.memory_space<vmem_shared>>
      tpu.wait_indirect_dma semaphore(%arg14 : memref<!tpu.dma_semaphore, #tpu.memory_space<semaphore_mem>>) src(%arg9 : memref<128x128xf32, #tpu.memory_space<vmem>>) dst(%dma_wait3A_170 : memref<10240x128xf32, #tpu.memory_space<vmem_shared>>)
      %dma_start3A_171 = arith.constant 6 : i32
      %dma_start3A_172 = arith.constant 0 : i32
      %dma_start3A_173 = tpu.memref_slice %arg7[%dma_start3A_171, %dma_start3A_172] : memref<16x128xi32, #tpu.memory_space<vmem>> -> memref<1x128xi32, #tpu.memory_space<vmem>>
      %dma_start3A_174 = tpu.memref_squeeze %dma_start3A_173 : memref<1x128xi32, #tpu.memory_space<vmem>> -> memref<128xi32, #tpu.memory_space<vmem>>
      %dma_start3A_175 = arith.constant 0 : i32
      %dma_start3A_176 = arith.constant 0 : i32
      %dma_start3A_177 = tpu.memref_slice %arg2[%dma_start3A_175, %dma_start3A_176] : memref<10240x128xf32, #tpu.memory_space<hbm>> -> memref<10240x128xf32, #tpu.memory_space<hbm>>
      tpu.enqueue_indirect_dma source(%dma_start3A_177 : memref<10240x128xf32, #tpu.memory_space<hbm>>) target(%arg9 : memref<128x128xf32, #tpu.memory_space<vmem>>) offsets(%dma_start3A_174 : memref<128xi32, #tpu.memory_space<vmem>>) semaphore(%arg12 : memref<!tpu.dma_semaphore, #tpu.memory_space<semaphore_mem>>)
      %dma_wait3A_178 = arith.constant 5 : i32
      %dma_wait3A_179 = arith.constant 0 : i32
      %dma_wait3A_180 = tpu.memref_slice %arg7[%dma_wait3A_178, %dma_wait3A_179] : memref<16x128xi32, #tpu.memory_space<vmem>> -> memref<1x128xi32, #tpu.memory_space<vmem>>
      %dma_wait3A_181 = tpu.memref_squeeze %dma_wait3A_180 : memref<1x128xi32, #tpu.memory_space<vmem>> -> memref<128xi32, #tpu.memory_space<vmem>>
      %dma_wait3A_182 = arith.constant 0 : i32
      %dma_wait3A_183 = arith.constant 0 : i32
      %dma_wait3A_184 = tpu.memref_slice %arg2[%dma_wait3A_182, %dma_wait3A_183] : memref<10240x128xf32, #tpu.memory_space<hbm>> -> memref<10240x128xf32, #tpu.memory_space<hbm>>
      tpu.wait_indirect_dma semaphore(%arg13 : memref<!tpu.dma_semaphore, #tpu.memory_space<semaphore_mem>>) src(%dma_wait3A_184 : memref<10240x128xf32, #tpu.memory_space<hbm>>) dst(%arg10 : memref<128x128xf32, #tpu.memory_space<vmem>>)
      %dma_start3A_185 = arith.constant 5 : i32
      %dma_start3A_186 = arith.constant 0 : i32
      %dma_start3A_187 = tpu.memref_slice %arg8[%dma_start3A_185, %dma_start3A_186] : memref<16x128xi32, #tpu.memory_space<vmem>> -> memref<1x128xi32, #tpu.memory_space<vmem>>
      %dma_start3A_188 = tpu.memref_squeeze %dma_start3A_187 : memref<1x128xi32, #tpu.memory_space<vmem>> -> memref<128xi32, #tpu.memory_space<vmem>>
      %dma_start3A_189 = arith.constant 0 : i32
      %dma_start3A_190 = arith.constant 0 : i32
      %dma_start3A_191 = tpu.memref_slice %arg11[%dma_start3A_189, %dma_start3A_190] : memref<10240x128xf32, #tpu.memory_space<vmem_shared>> -> memref<10240x128xf32, #tpu.memory_space<vmem_shared>>
      tpu.enqueue_indirect_dma source(%arg10 : memref<128x128xf32, #tpu.memory_space<vmem>>) target(%dma_start3A_191 : memref<10240x128xf32, #tpu.memory_space<vmem_shared>>) offsets(%dma_start3A_188 : memref<128xi32, #tpu.memory_space<vmem>>) semaphore(%arg15 : memref<!tpu.dma_semaphore, #tpu.memory_space<semaphore_mem>>) {add = true}
      %dma_wait3A_192 = arith.constant 5 : i32
      %dma_wait3A_193 = arith.constant 0 : i32
      %dma_wait3A_194 = tpu.memref_slice %arg8[%dma_wait3A_192, %dma_wait3A_193] : memref<16x128xi32, #tpu.memory_space<vmem>> -> memref<1x128xi32, #tpu.memory_space<vmem>>
      %dma_wait3A_195 = tpu.memref_squeeze %dma_wait3A_194 : memref<1x128xi32, #tpu.memory_space<vmem>> -> memref<128xi32, #tpu.memory_space<vmem>>
      %dma_wait3A_196 = arith.constant 0 : i32
      %dma_wait3A_197 = arith.constant 0 : i32
      %dma_wait3A_198 = tpu.memref_slice %arg11[%dma_wait3A_196, %dma_wait3A_197] : memref<10240x128xf32, #tpu.memory_space<vmem_shared>> -> memref<10240x128xf32, #tpu.memory_space<vmem_shared>>
      tpu.wait_indirect_dma semaphore(%arg15 : memref<!tpu.dma_semaphore, #tpu.memory_space<semaphore_mem>>) src(%arg10 : memref<128x128xf32, #tpu.memory_space<vmem>>) dst(%dma_wait3A_198 : memref<10240x128xf32, #tpu.memory_space<vmem_shared>>)
      %dma_start3A_199 = arith.constant 7 : i32
      %dma_start3A_200 = arith.constant 0 : i32
      %dma_start3A_201 = tpu.memref_slice %arg7[%dma_start3A_199, %dma_start3A_200] : memref<16x128xi32, #tpu.memory_space<vmem>> -> memref<1x128xi32, #tpu.memory_space<vmem>>
      %dma_start3A_202 = tpu.memref_squeeze %dma_start3A_201 : memref<1x128xi32, #tpu.memory_space<vmem>> -> memref<128xi32, #tpu.memory_space<vmem>>
      %dma_start3A_203 = arith.constant 0 : i32
      %dma_start3A_204 = arith.constant 0 : i32
      %dma_start3A_205 = tpu.memref_slice %arg2[%dma_start3A_203, %dma_start3A_204] : memref<10240x128xf32, #tpu.memory_space<hbm>> -> memref<10240x128xf32, #tpu.memory_space<hbm>>
      tpu.enqueue_indirect_dma source(%dma_start3A_205 : memref<10240x128xf32, #tpu.memory_space<hbm>>) target(%arg10 : memref<128x128xf32, #tpu.memory_space<vmem>>) offsets(%dma_start3A_202 : memref<128xi32, #tpu.memory_space<vmem>>) semaphore(%arg13 : memref<!tpu.dma_semaphore, #tpu.memory_space<semaphore_mem>>)
      %dma_wait3A_206 = arith.constant 6 : i32
      %dma_wait3A_207 = arith.constant 0 : i32
      %dma_wait3A_208 = tpu.memref_slice %arg7[%dma_wait3A_206, %dma_wait3A_207] : memref<16x128xi32, #tpu.memory_space<vmem>> -> memref<1x128xi32, #tpu.memory_space<vmem>>
      %dma_wait3A_209 = tpu.memref_squeeze %dma_wait3A_208 : memref<1x128xi32, #tpu.memory_space<vmem>> -> memref<128xi32, #tpu.memory_space<vmem>>
      %dma_wait3A_210 = arith.constant 0 : i32
      %dma_wait3A_211 = arith.constant 0 : i32
      %dma_wait3A_212 = tpu.memref_slice %arg2[%dma_wait3A_210, %dma_wait3A_211] : memref<10240x128xf32, #tpu.memory_space<hbm>> -> memref<10240x128xf32, #tpu.memory_space<hbm>>
      tpu.wait_indirect_dma semaphore(%arg12 : memref<!tpu.dma_semaphore, #tpu.memory_space<semaphore_mem>>) src(%dma_wait3A_212 : memref<10240x128xf32, #tpu.memory_space<hbm>>) dst(%arg9 : memref<128x128xf32, #tpu.memory_space<vmem>>)
      %dma_start3A_213 = arith.constant 6 : i32
      %dma_start3A_214 = arith.constant 0 : i32
      %dma_start3A_215 = tpu.memref_slice %arg8[%dma_start3A_213, %dma_start3A_214] : memref<16x128xi32, #tpu.memory_space<vmem>> -> memref<1x128xi32, #tpu.memory_space<vmem>>
      %dma_start3A_216 = tpu.memref_squeeze %dma_start3A_215 : memref<1x128xi32, #tpu.memory_space<vmem>> -> memref<128xi32, #tpu.memory_space<vmem>>
      %dma_start3A_217 = arith.constant 0 : i32
      %dma_start3A_218 = arith.constant 0 : i32
      %dma_start3A_219 = tpu.memref_slice %arg11[%dma_start3A_217, %dma_start3A_218] : memref<10240x128xf32, #tpu.memory_space<vmem_shared>> -> memref<10240x128xf32, #tpu.memory_space<vmem_shared>>
      tpu.enqueue_indirect_dma source(%arg9 : memref<128x128xf32, #tpu.memory_space<vmem>>) target(%dma_start3A_219 : memref<10240x128xf32, #tpu.memory_space<vmem_shared>>) offsets(%dma_start3A_216 : memref<128xi32, #tpu.memory_space<vmem>>) semaphore(%arg14 : memref<!tpu.dma_semaphore, #tpu.memory_space<semaphore_mem>>) {add = true}
      %dma_wait3A_220 = arith.constant 6 : i32
      %dma_wait3A_221 = arith.constant 0 : i32
      %dma_wait3A_222 = tpu.memref_slice %arg8[%dma_wait3A_220, %dma_wait3A_221] : memref<16x128xi32, #tpu.memory_space<vmem>> -> memref<1x128xi32, #tpu.memory_space<vmem>>
      %dma_wait3A_223 = tpu.memref_squeeze %dma_wait3A_222 : memref<1x128xi32, #tpu.memory_space<vmem>> -> memref<128xi32, #tpu.memory_space<vmem>>
      %dma_wait3A_224 = arith.constant 0 : i32
      %dma_wait3A_225 = arith.constant 0 : i32
      %dma_wait3A_226 = tpu.memref_slice %arg11[%dma_wait3A_224, %dma_wait3A_225] : memref<10240x128xf32, #tpu.memory_space<vmem_shared>> -> memref<10240x128xf32, #tpu.memory_space<vmem_shared>>
      tpu.wait_indirect_dma semaphore(%arg14 : memref<!tpu.dma_semaphore, #tpu.memory_space<semaphore_mem>>) src(%arg9 : memref<128x128xf32, #tpu.memory_space<vmem>>) dst(%dma_wait3A_226 : memref<10240x128xf32, #tpu.memory_space<vmem_shared>>)
      %dma_start3A_227 = arith.constant 8 : i32
      %dma_start3A_228 = arith.constant 0 : i32
      %dma_start3A_229 = tpu.memref_slice %arg7[%dma_start3A_227, %dma_start3A_228] : memref<16x128xi32, #tpu.memory_space<vmem>> -> memref<1x128xi32, #tpu.memory_space<vmem>>
      %dma_start3A_230 = tpu.memref_squeeze %dma_start3A_229 : memref<1x128xi32, #tpu.memory_space<vmem>> -> memref<128xi32, #tpu.memory_space<vmem>>
      %dma_start3A_231 = arith.constant 0 : i32
      %dma_start3A_232 = arith.constant 0 : i32
      %dma_start3A_233 = tpu.memref_slice %arg2[%dma_start3A_231, %dma_start3A_232] : memref<10240x128xf32, #tpu.memory_space<hbm>> -> memref<10240x128xf32, #tpu.memory_space<hbm>>
      tpu.enqueue_indirect_dma source(%dma_start3A_233 : memref<10240x128xf32, #tpu.memory_space<hbm>>) target(%arg9 : memref<128x128xf32, #tpu.memory_space<vmem>>) offsets(%dma_start3A_230 : memref<128xi32, #tpu.memory_space<vmem>>) semaphore(%arg12 : memref<!tpu.dma_semaphore, #tpu.memory_space<semaphore_mem>>)
      %dma_wait3A_234 = arith.constant 7 : i32
      %dma_wait3A_235 = arith.constant 0 : i32
      %dma_wait3A_236 = tpu.memref_slice %arg7[%dma_wait3A_234, %dma_wait3A_235] : memref<16x128xi32, #tpu.memory_space<vmem>> -> memref<1x128xi32, #tpu.memory_space<vmem>>
      %dma_wait3A_237 = tpu.memref_squeeze %dma_wait3A_236 : memref<1x128xi32, #tpu.memory_space<vmem>> -> memref<128xi32, #tpu.memory_space<vmem>>
      %dma_wait3A_238 = arith.constant 0 : i32
      %dma_wait3A_239 = arith.constant 0 : i32
      %dma_wait3A_240 = tpu.memref_slice %arg2[%dma_wait3A_238, %dma_wait3A_239] : memref<10240x128xf32, #tpu.memory_space<hbm>> -> memref<10240x128xf32, #tpu.memory_space<hbm>>
      tpu.wait_indirect_dma semaphore(%arg13 : memref<!tpu.dma_semaphore, #tpu.memory_space<semaphore_mem>>) src(%dma_wait3A_240 : memref<10240x128xf32, #tpu.memory_space<hbm>>) dst(%arg10 : memref<128x128xf32, #tpu.memory_space<vmem>>)
      %dma_start3A_241 = arith.constant 7 : i32
      %dma_start3A_242 = arith.constant 0 : i32
      %dma_start3A_243 = tpu.memref_slice %arg8[%dma_start3A_241, %dma_start3A_242] : memref<16x128xi32, #tpu.memory_space<vmem>> -> memref<1x128xi32, #tpu.memory_space<vmem>>
      %dma_start3A_244 = tpu.memref_squeeze %dma_start3A_243 : memref<1x128xi32, #tpu.memory_space<vmem>> -> memref<128xi32, #tpu.memory_space<vmem>>
      %dma_start3A_245 = arith.constant 0 : i32
      %dma_start3A_246 = arith.constant 0 : i32
      %dma_start3A_247 = tpu.memref_slice %arg11[%dma_start3A_245, %dma_start3A_246] : memref<10240x128xf32, #tpu.memory_space<vmem_shared>> -> memref<10240x128xf32, #tpu.memory_space<vmem_shared>>
      tpu.enqueue_indirect_dma source(%arg10 : memref<128x128xf32, #tpu.memory_space<vmem>>) target(%dma_start3A_247 : memref<10240x128xf32, #tpu.memory_space<vmem_shared>>) offsets(%dma_start3A_244 : memref<128xi32, #tpu.memory_space<vmem>>) semaphore(%arg15 : memref<!tpu.dma_semaphore, #tpu.memory_space<semaphore_mem>>) {add = true}
      %dma_wait3A_248 = arith.constant 7 : i32
      %dma_wait3A_249 = arith.constant 0 : i32
      %dma_wait3A_250 = tpu.memref_slice %arg8[%dma_wait3A_248, %dma_wait3A_249] : memref<16x128xi32, #tpu.memory_space<vmem>> -> memref<1x128xi32, #tpu.memory_space<vmem>>
      %dma_wait3A_251 = tpu.memref_squeeze %dma_wait3A_250 : memref<1x128xi32, #tpu.memory_space<vmem>> -> memref<128xi32, #tpu.memory_space<vmem>>
      %dma_wait3A_252 = arith.constant 0 : i32
      %dma_wait3A_253 = arith.constant 0 : i32
      %dma_wait3A_254 = tpu.memref_slice %arg11[%dma_wait3A_252, %dma_wait3A_253] : memref<10240x128xf32, #tpu.memory_space<vmem_shared>> -> memref<10240x128xf32, #tpu.memory_space<vmem_shared>>
      tpu.wait_indirect_dma semaphore(%arg15 : memref<!tpu.dma_semaphore, #tpu.memory_space<semaphore_mem>>) src(%arg10 : memref<128x128xf32, #tpu.memory_space<vmem>>) dst(%dma_wait3A_254 : memref<10240x128xf32, #tpu.memory_space<vmem_shared>>)
      %dma_start3A_255 = arith.constant 9 : i32
      %dma_start3A_256 = arith.constant 0 : i32
      %dma_start3A_257 = tpu.memref_slice %arg7[%dma_start3A_255, %dma_start3A_256] : memref<16x128xi32, #tpu.memory_space<vmem>> -> memref<1x128xi32, #tpu.memory_space<vmem>>
      %dma_start3A_258 = tpu.memref_squeeze %dma_start3A_257 : memref<1x128xi32, #tpu.memory_space<vmem>> -> memref<128xi32, #tpu.memory_space<vmem>>
      %dma_start3A_259 = arith.constant 0 : i32
      %dma_start3A_260 = arith.constant 0 : i32
      %dma_start3A_261 = tpu.memref_slice %arg2[%dma_start3A_259, %dma_start3A_260] : memref<10240x128xf32, #tpu.memory_space<hbm>> -> memref<10240x128xf32, #tpu.memory_space<hbm>>
      tpu.enqueue_indirect_dma source(%dma_start3A_261 : memref<10240x128xf32, #tpu.memory_space<hbm>>) target(%arg10 : memref<128x128xf32, #tpu.memory_space<vmem>>) offsets(%dma_start3A_258 : memref<128xi32, #tpu.memory_space<vmem>>) semaphore(%arg13 : memref<!tpu.dma_semaphore, #tpu.memory_space<semaphore_mem>>)
      %dma_wait3A_262 = arith.constant 8 : i32
      %dma_wait3A_263 = arith.constant 0 : i32
      %dma_wait3A_264 = tpu.memref_slice %arg7[%dma_wait3A_262, %dma_wait3A_263] : memref<16x128xi32, #tpu.memory_space<vmem>> -> memref<1x128xi32, #tpu.memory_space<vmem>>
      %dma_wait3A_265 = tpu.memref_squeeze %dma_wait3A_264 : memref<1x128xi32, #tpu.memory_space<vmem>> -> memref<128xi32, #tpu.memory_space<vmem>>
      %dma_wait3A_266 = arith.constant 0 : i32
      %dma_wait3A_267 = arith.constant 0 : i32
      %dma_wait3A_268 = tpu.memref_slice %arg2[%dma_wait3A_266, %dma_wait3A_267] : memref<10240x128xf32, #tpu.memory_space<hbm>> -> memref<10240x128xf32, #tpu.memory_space<hbm>>
      tpu.wait_indirect_dma semaphore(%arg12 : memref<!tpu.dma_semaphore, #tpu.memory_space<semaphore_mem>>) src(%dma_wait3A_268 : memref<10240x128xf32, #tpu.memory_space<hbm>>) dst(%arg9 : memref<128x128xf32, #tpu.memory_space<vmem>>)
      %dma_start3A_269 = arith.constant 8 : i32
      %dma_start3A_270 = arith.constant 0 : i32
      %dma_start3A_271 = tpu.memref_slice %arg8[%dma_start3A_269, %dma_start3A_270] : memref<16x128xi32, #tpu.memory_space<vmem>> -> memref<1x128xi32, #tpu.memory_space<vmem>>
      %dma_start3A_272 = tpu.memref_squeeze %dma_start3A_271 : memref<1x128xi32, #tpu.memory_space<vmem>> -> memref<128xi32, #tpu.memory_space<vmem>>
      %dma_start3A_273 = arith.constant 0 : i32
      %dma_start3A_274 = arith.constant 0 : i32
      %dma_start3A_275 = tpu.memref_slice %arg11[%dma_start3A_273, %dma_start3A_274] : memref<10240x128xf32, #tpu.memory_space<vmem_shared>> -> memref<10240x128xf32, #tpu.memory_space<vmem_shared>>
      tpu.enqueue_indirect_dma source(%arg9 : memref<128x128xf32, #tpu.memory_space<vmem>>) target(%dma_start3A_275 : memref<10240x128xf32, #tpu.memory_space<vmem_shared>>) offsets(%dma_start3A_272 : memref<128xi32, #tpu.memory_space<vmem>>) semaphore(%arg14 : memref<!tpu.dma_semaphore, #tpu.memory_space<semaphore_mem>>) {add = true}
      %dma_wait3A_276 = arith.constant 8 : i32
      %dma_wait3A_277 = arith.constant 0 : i32
      %dma_wait3A_278 = tpu.memref_slice %arg8[%dma_wait3A_276, %dma_wait3A_277] : memref<16x128xi32, #tpu.memory_space<vmem>> -> memref<1x128xi32, #tpu.memory_space<vmem>>
      %dma_wait3A_279 = tpu.memref_squeeze %dma_wait3A_278 : memref<1x128xi32, #tpu.memory_space<vmem>> -> memref<128xi32, #tpu.memory_space<vmem>>
      %dma_wait3A_280 = arith.constant 0 : i32
      %dma_wait3A_281 = arith.constant 0 : i32
      %dma_wait3A_282 = tpu.memref_slice %arg11[%dma_wait3A_280, %dma_wait3A_281] : memref<10240x128xf32, #tpu.memory_space<vmem_shared>> -> memref<10240x128xf32, #tpu.memory_space<vmem_shared>>
      tpu.wait_indirect_dma semaphore(%arg14 : memref<!tpu.dma_semaphore, #tpu.memory_space<semaphore_mem>>) src(%arg9 : memref<128x128xf32, #tpu.memory_space<vmem>>) dst(%dma_wait3A_282 : memref<10240x128xf32, #tpu.memory_space<vmem_shared>>)
      %dma_start3A_283 = arith.constant 10 : i32
      %dma_start3A_284 = arith.constant 0 : i32
      %dma_start3A_285 = tpu.memref_slice %arg7[%dma_start3A_283, %dma_start3A_284] : memref<16x128xi32, #tpu.memory_space<vmem>> -> memref<1x128xi32, #tpu.memory_space<vmem>>
      %dma_start3A_286 = tpu.memref_squeeze %dma_start3A_285 : memref<1x128xi32, #tpu.memory_space<vmem>> -> memref<128xi32, #tpu.memory_space<vmem>>
      %dma_start3A_287 = arith.constant 0 : i32
      %dma_start3A_288 = arith.constant 0 : i32
      %dma_start3A_289 = tpu.memref_slice %arg2[%dma_start3A_287, %dma_start3A_288] : memref<10240x128xf32, #tpu.memory_space<hbm>> -> memref<10240x128xf32, #tpu.memory_space<hbm>>
      tpu.enqueue_indirect_dma source(%dma_start3A_289 : memref<10240x128xf32, #tpu.memory_space<hbm>>) target(%arg9 : memref<128x128xf32, #tpu.memory_space<vmem>>) offsets(%dma_start3A_286 : memref<128xi32, #tpu.memory_space<vmem>>) semaphore(%arg12 : memref<!tpu.dma_semaphore, #tpu.memory_space<semaphore_mem>>)
      %dma_wait3A_290 = arith.constant 9 : i32
      %dma_wait3A_291 = arith.constant 0 : i32
      %dma_wait3A_292 = tpu.memref_slice %arg7[%dma_wait3A_290, %dma_wait3A_291] : memref<16x128xi32, #tpu.memory_space<vmem>> -> memref<1x128xi32, #tpu.memory_space<vmem>>
      %dma_wait3A_293 = tpu.memref_squeeze %dma_wait3A_292 : memref<1x128xi32, #tpu.memory_space<vmem>> -> memref<128xi32, #tpu.memory_space<vmem>>
      %dma_wait3A_294 = arith.constant 0 : i32
      %dma_wait3A_295 = arith.constant 0 : i32
      %dma_wait3A_296 = tpu.memref_slice %arg2[%dma_wait3A_294, %dma_wait3A_295] : memref<10240x128xf32, #tpu.memory_space<hbm>> -> memref<10240x128xf32, #tpu.memory_space<hbm>>
      tpu.wait_indirect_dma semaphore(%arg13 : memref<!tpu.dma_semaphore, #tpu.memory_space<semaphore_mem>>) src(%dma_wait3A_296 : memref<10240x128xf32, #tpu.memory_space<hbm>>) dst(%arg10 : memref<128x128xf32, #tpu.memory_space<vmem>>)
      %dma_start3A_297 = arith.constant 9 : i32
      %dma_start3A_298 = arith.constant 0 : i32
      %dma_start3A_299 = tpu.memref_slice %arg8[%dma_start3A_297, %dma_start3A_298] : memref<16x128xi32, #tpu.memory_space<vmem>> -> memref<1x128xi32, #tpu.memory_space<vmem>>
      %dma_start3A_300 = tpu.memref_squeeze %dma_start3A_299 : memref<1x128xi32, #tpu.memory_space<vmem>> -> memref<128xi32, #tpu.memory_space<vmem>>
      %dma_start3A_301 = arith.constant 0 : i32
      %dma_start3A_302 = arith.constant 0 : i32
      %dma_start3A_303 = tpu.memref_slice %arg11[%dma_start3A_301, %dma_start3A_302] : memref<10240x128xf32, #tpu.memory_space<vmem_shared>> -> memref<10240x128xf32, #tpu.memory_space<vmem_shared>>
      tpu.enqueue_indirect_dma source(%arg10 : memref<128x128xf32, #tpu.memory_space<vmem>>) target(%dma_start3A_303 : memref<10240x128xf32, #tpu.memory_space<vmem_shared>>) offsets(%dma_start3A_300 : memref<128xi32, #tpu.memory_space<vmem>>) semaphore(%arg15 : memref<!tpu.dma_semaphore, #tpu.memory_space<semaphore_mem>>) {add = true}
      %dma_wait3A_304 = arith.constant 9 : i32
      %dma_wait3A_305 = arith.constant 0 : i32
      %dma_wait3A_306 = tpu.memref_slice %arg8[%dma_wait3A_304, %dma_wait3A_305] : memref<16x128xi32, #tpu.memory_space<vmem>> -> memref<1x128xi32, #tpu.memory_space<vmem>>
      %dma_wait3A_307 = tpu.memref_squeeze %dma_wait3A_306 : memref<1x128xi32, #tpu.memory_space<vmem>> -> memref<128xi32, #tpu.memory_space<vmem>>
      %dma_wait3A_308 = arith.constant 0 : i32
      %dma_wait3A_309 = arith.constant 0 : i32
      %dma_wait3A_310 = tpu.memref_slice %arg11[%dma_wait3A_308, %dma_wait3A_309] : memref<10240x128xf32, #tpu.memory_space<vmem_shared>> -> memref<10240x128xf32, #tpu.memory_space<vmem_shared>>
      tpu.wait_indirect_dma semaphore(%arg15 : memref<!tpu.dma_semaphore, #tpu.memory_space<semaphore_mem>>) src(%arg10 : memref<128x128xf32, #tpu.memory_space<vmem>>) dst(%dma_wait3A_310 : memref<10240x128xf32, #tpu.memory_space<vmem_shared>>)
      %dma_start3A_311 = arith.constant 11 : i32
      %dma_start3A_312 = arith.constant 0 : i32
      %dma_start3A_313 = tpu.memref_slice %arg7[%dma_start3A_311, %dma_start3A_312] : memref<16x128xi32, #tpu.memory_space<vmem>> -> memref<1x128xi32, #tpu.memory_space<vmem>>
      %dma_start3A_314 = tpu.memref_squeeze %dma_start3A_313 : memref<1x128xi32, #tpu.memory_space<vmem>> -> memref<128xi32, #tpu.memory_space<vmem>>
      %dma_start3A_315 = arith.constant 0 : i32
      %dma_start3A_316 = arith.constant 0 : i32
      %dma_start3A_317 = tpu.memref_slice %arg2[%dma_start3A_315, %dma_start3A_316] : memref<10240x128xf32, #tpu.memory_space<hbm>> -> memref<10240x128xf32, #tpu.memory_space<hbm>>
      tpu.enqueue_indirect_dma source(%dma_start3A_317 : memref<10240x128xf32, #tpu.memory_space<hbm>>) target(%arg10 : memref<128x128xf32, #tpu.memory_space<vmem>>) offsets(%dma_start3A_314 : memref<128xi32, #tpu.memory_space<vmem>>) semaphore(%arg13 : memref<!tpu.dma_semaphore, #tpu.memory_space<semaphore_mem>>)
      %dma_wait3A_318 = arith.constant 10 : i32
      %dma_wait3A_319 = arith.constant 0 : i32
      %dma_wait3A_320 = tpu.memref_slice %arg7[%dma_wait3A_318, %dma_wait3A_319] : memref<16x128xi32, #tpu.memory_space<vmem>> -> memref<1x128xi32, #tpu.memory_space<vmem>>
      %dma_wait3A_321 = tpu.memref_squeeze %dma_wait3A_320 : memref<1x128xi32, #tpu.memory_space<vmem>> -> memref<128xi32, #tpu.memory_space<vmem>>
      %dma_wait3A_322 = arith.constant 0 : i32
      %dma_wait3A_323 = arith.constant 0 : i32
      %dma_wait3A_324 = tpu.memref_slice %arg2[%dma_wait3A_322, %dma_wait3A_323] : memref<10240x128xf32, #tpu.memory_space<hbm>> -> memref<10240x128xf32, #tpu.memory_space<hbm>>
      tpu.wait_indirect_dma semaphore(%arg12 : memref<!tpu.dma_semaphore, #tpu.memory_space<semaphore_mem>>) src(%dma_wait3A_324 : memref<10240x128xf32, #tpu.memory_space<hbm>>) dst(%arg9 : memref<128x128xf32, #tpu.memory_space<vmem>>)
      %dma_start3A_325 = arith.constant 10 : i32
      %dma_start3A_326 = arith.constant 0 : i32
      %dma_start3A_327 = tpu.memref_slice %arg8[%dma_start3A_325, %dma_start3A_326] : memref<16x128xi32, #tpu.memory_space<vmem>> -> memref<1x128xi32, #tpu.memory_space<vmem>>
      %dma_start3A_328 = tpu.memref_squeeze %dma_start3A_327 : memref<1x128xi32, #tpu.memory_space<vmem>> -> memref<128xi32, #tpu.memory_space<vmem>>
      %dma_start3A_329 = arith.constant 0 : i32
      %dma_start3A_330 = arith.constant 0 : i32
      %dma_start3A_331 = tpu.memref_slice %arg11[%dma_start3A_329, %dma_start3A_330] : memref<10240x128xf32, #tpu.memory_space<vmem_shared>> -> memref<10240x128xf32, #tpu.memory_space<vmem_shared>>
      tpu.enqueue_indirect_dma source(%arg9 : memref<128x128xf32, #tpu.memory_space<vmem>>) target(%dma_start3A_331 : memref<10240x128xf32, #tpu.memory_space<vmem_shared>>) offsets(%dma_start3A_328 : memref<128xi32, #tpu.memory_space<vmem>>) semaphore(%arg14 : memref<!tpu.dma_semaphore, #tpu.memory_space<semaphore_mem>>) {add = true}
      %dma_wait3A_332 = arith.constant 10 : i32
      %dma_wait3A_333 = arith.constant 0 : i32
      %dma_wait3A_334 = tpu.memref_slice %arg8[%dma_wait3A_332, %dma_wait3A_333] : memref<16x128xi32, #tpu.memory_space<vmem>> -> memref<1x128xi32, #tpu.memory_space<vmem>>
      %dma_wait3A_335 = tpu.memref_squeeze %dma_wait3A_334 : memref<1x128xi32, #tpu.memory_space<vmem>> -> memref<128xi32, #tpu.memory_space<vmem>>
      %dma_wait3A_336 = arith.constant 0 : i32
      %dma_wait3A_337 = arith.constant 0 : i32
      %dma_wait3A_338 = tpu.memref_slice %arg11[%dma_wait3A_336, %dma_wait3A_337] : memref<10240x128xf32, #tpu.memory_space<vmem_shared>> -> memref<10240x128xf32, #tpu.memory_space<vmem_shared>>
      tpu.wait_indirect_dma semaphore(%arg14 : memref<!tpu.dma_semaphore, #tpu.memory_space<semaphore_mem>>) src(%arg9 : memref<128x128xf32, #tpu.memory_space<vmem>>) dst(%dma_wait3A_338 : memref<10240x128xf32, #tpu.memory_space<vmem_shared>>)
      %dma_start3A_339 = arith.constant 12 : i32
      %dma_start3A_340 = arith.constant 0 : i32
      %dma_start3A_341 = tpu.memref_slice %arg7[%dma_start3A_339, %dma_start3A_340] : memref<16x128xi32, #tpu.memory_space<vmem>> -> memref<1x128xi32, #tpu.memory_space<vmem>>
      %dma_start3A_342 = tpu.memref_squeeze %dma_start3A_341 : memref<1x128xi32, #tpu.memory_space<vmem>> -> memref<128xi32, #tpu.memory_space<vmem>>
      %dma_start3A_343 = arith.constant 0 : i32
      %dma_start3A_344 = arith.constant 0 : i32
      %dma_start3A_345 = tpu.memref_slice %arg2[%dma_start3A_343, %dma_start3A_344] : memref<10240x128xf32, #tpu.memory_space<hbm>> -> memref<10240x128xf32, #tpu.memory_space<hbm>>
      tpu.enqueue_indirect_dma source(%dma_start3A_345 : memref<10240x128xf32, #tpu.memory_space<hbm>>) target(%arg9 : memref<128x128xf32, #tpu.memory_space<vmem>>) offsets(%dma_start3A_342 : memref<128xi32, #tpu.memory_space<vmem>>) semaphore(%arg12 : memref<!tpu.dma_semaphore, #tpu.memory_space<semaphore_mem>>)
      %dma_wait3A_346 = arith.constant 11 : i32
      %dma_wait3A_347 = arith.constant 0 : i32
      %dma_wait3A_348 = tpu.memref_slice %arg7[%dma_wait3A_346, %dma_wait3A_347] : memref<16x128xi32, #tpu.memory_space<vmem>> -> memref<1x128xi32, #tpu.memory_space<vmem>>
      %dma_wait3A_349 = tpu.memref_squeeze %dma_wait3A_348 : memref<1x128xi32, #tpu.memory_space<vmem>> -> memref<128xi32, #tpu.memory_space<vmem>>
      %dma_wait3A_350 = arith.constant 0 : i32
      %dma_wait3A_351 = arith.constant 0 : i32
      %dma_wait3A_352 = tpu.memref_slice %arg2[%dma_wait3A_350, %dma_wait3A_351] : memref<10240x128xf32, #tpu.memory_space<hbm>> -> memref<10240x128xf32, #tpu.memory_space<hbm>>
      tpu.wait_indirect_dma semaphore(%arg13 : memref<!tpu.dma_semaphore, #tpu.memory_space<semaphore_mem>>) src(%dma_wait3A_352 : memref<10240x128xf32, #tpu.memory_space<hbm>>) dst(%arg10 : memref<128x128xf32, #tpu.memory_space<vmem>>)
      %dma_start3A_353 = arith.constant 11 : i32
      %dma_start3A_354 = arith.constant 0 : i32
      %dma_start3A_355 = tpu.memref_slice %arg8[%dma_start3A_353, %dma_start3A_354] : memref<16x128xi32, #tpu.memory_space<vmem>> -> memref<1x128xi32, #tpu.memory_space<vmem>>
      %dma_start3A_356 = tpu.memref_squeeze %dma_start3A_355 : memref<1x128xi32, #tpu.memory_space<vmem>> -> memref<128xi32, #tpu.memory_space<vmem>>
      %dma_start3A_357 = arith.constant 0 : i32
      %dma_start3A_358 = arith.constant 0 : i32
      %dma_start3A_359 = tpu.memref_slice %arg11[%dma_start3A_357, %dma_start3A_358] : memref<10240x128xf32, #tpu.memory_space<vmem_shared>> -> memref<10240x128xf32, #tpu.memory_space<vmem_shared>>
      tpu.enqueue_indirect_dma source(%arg10 : memref<128x128xf32, #tpu.memory_space<vmem>>) target(%dma_start3A_359 : memref<10240x128xf32, #tpu.memory_space<vmem_shared>>) offsets(%dma_start3A_356 : memref<128xi32, #tpu.memory_space<vmem>>) semaphore(%arg15 : memref<!tpu.dma_semaphore, #tpu.memory_space<semaphore_mem>>) {add = true}
      %dma_wait3A_360 = arith.constant 11 : i32
      %dma_wait3A_361 = arith.constant 0 : i32
      %dma_wait3A_362 = tpu.memref_slice %arg8[%dma_wait3A_360, %dma_wait3A_361] : memref<16x128xi32, #tpu.memory_space<vmem>> -> memref<1x128xi32, #tpu.memory_space<vmem>>
      %dma_wait3A_363 = tpu.memref_squeeze %dma_wait3A_362 : memref<1x128xi32, #tpu.memory_space<vmem>> -> memref<128xi32, #tpu.memory_space<vmem>>
      %dma_wait3A_364 = arith.constant 0 : i32
      %dma_wait3A_365 = arith.constant 0 : i32
      %dma_wait3A_366 = tpu.memref_slice %arg11[%dma_wait3A_364, %dma_wait3A_365] : memref<10240x128xf32, #tpu.memory_space<vmem_shared>> -> memref<10240x128xf32, #tpu.memory_space<vmem_shared>>
      tpu.wait_indirect_dma semaphore(%arg15 : memref<!tpu.dma_semaphore, #tpu.memory_space<semaphore_mem>>) src(%arg10 : memref<128x128xf32, #tpu.memory_space<vmem>>) dst(%dma_wait3A_366 : memref<10240x128xf32, #tpu.memory_space<vmem_shared>>)
      %dma_start3A_367 = arith.constant 13 : i32
      %dma_start3A_368 = arith.constant 0 : i32
      %dma_start3A_369 = tpu.memref_slice %arg7[%dma_start3A_367, %dma_start3A_368] : memref<16x128xi32, #tpu.memory_space<vmem>> -> memref<1x128xi32, #tpu.memory_space<vmem>>
      %dma_start3A_370 = tpu.memref_squeeze %dma_start3A_369 : memref<1x128xi32, #tpu.memory_space<vmem>> -> memref<128xi32, #tpu.memory_space<vmem>>
      %dma_start3A_371 = arith.constant 0 : i32
      %dma_start3A_372 = arith.constant 0 : i32
      %dma_start3A_373 = tpu.memref_slice %arg2[%dma_start3A_371, %dma_start3A_372] : memref<10240x128xf32, #tpu.memory_space<hbm>> -> memref<10240x128xf32, #tpu.memory_space<hbm>>
      tpu.enqueue_indirect_dma source(%dma_start3A_373 : memref<10240x128xf32, #tpu.memory_space<hbm>>) target(%arg10 : memref<128x128xf32, #tpu.memory_space<vmem>>) offsets(%dma_start3A_370 : memref<128xi32, #tpu.memory_space<vmem>>) semaphore(%arg13 : memref<!tpu.dma_semaphore, #tpu.memory_space<semaphore_mem>>)
      %dma_wait3A_374 = arith.constant 12 : i32
      %dma_wait3A_375 = arith.constant 0 : i32
      %dma_wait3A_376 = tpu.memref_slice %arg7[%dma_wait3A_374, %dma_wait3A_375] : memref<16x128xi32, #tpu.memory_space<vmem>> -> memref<1x128xi32, #tpu.memory_space<vmem>>
      %dma_wait3A_377 = tpu.memref_squeeze %dma_wait3A_376 : memref<1x128xi32, #tpu.memory_space<vmem>> -> memref<128xi32, #tpu.memory_space<vmem>>
      %dma_wait3A_378 = arith.constant 0 : i32
      %dma_wait3A_379 = arith.constant 0 : i32
      %dma_wait3A_380 = tpu.memref_slice %arg2[%dma_wait3A_378, %dma_wait3A_379] : memref<10240x128xf32, #tpu.memory_space<hbm>> -> memref<10240x128xf32, #tpu.memory_space<hbm>>
      tpu.wait_indirect_dma semaphore(%arg12 : memref<!tpu.dma_semaphore, #tpu.memory_space<semaphore_mem>>) src(%dma_wait3A_380 : memref<10240x128xf32, #tpu.memory_space<hbm>>) dst(%arg9 : memref<128x128xf32, #tpu.memory_space<vmem>>)
      %dma_start3A_381 = arith.constant 12 : i32
      %dma_start3A_382 = arith.constant 0 : i32
      %dma_start3A_383 = tpu.memref_slice %arg8[%dma_start3A_381, %dma_start3A_382] : memref<16x128xi32, #tpu.memory_space<vmem>> -> memref<1x128xi32, #tpu.memory_space<vmem>>
      %dma_start3A_384 = tpu.memref_squeeze %dma_start3A_383 : memref<1x128xi32, #tpu.memory_space<vmem>> -> memref<128xi32, #tpu.memory_space<vmem>>
      %dma_start3A_385 = arith.constant 0 : i32
      %dma_start3A_386 = arith.constant 0 : i32
      %dma_start3A_387 = tpu.memref_slice %arg11[%dma_start3A_385, %dma_start3A_386] : memref<10240x128xf32, #tpu.memory_space<vmem_shared>> -> memref<10240x128xf32, #tpu.memory_space<vmem_shared>>
      tpu.enqueue_indirect_dma source(%arg9 : memref<128x128xf32, #tpu.memory_space<vmem>>) target(%dma_start3A_387 : memref<10240x128xf32, #tpu.memory_space<vmem_shared>>) offsets(%dma_start3A_384 : memref<128xi32, #tpu.memory_space<vmem>>) semaphore(%arg14 : memref<!tpu.dma_semaphore, #tpu.memory_space<semaphore_mem>>) {add = true}
      %dma_wait3A_388 = arith.constant 12 : i32
      %dma_wait3A_389 = arith.constant 0 : i32
      %dma_wait3A_390 = tpu.memref_slice %arg8[%dma_wait3A_388, %dma_wait3A_389] : memref<16x128xi32, #tpu.memory_space<vmem>> -> memref<1x128xi32, #tpu.memory_space<vmem>>
      %dma_wait3A_391 = tpu.memref_squeeze %dma_wait3A_390 : memref<1x128xi32, #tpu.memory_space<vmem>> -> memref<128xi32, #tpu.memory_space<vmem>>
      %dma_wait3A_392 = arith.constant 0 : i32
      %dma_wait3A_393 = arith.constant 0 : i32
      %dma_wait3A_394 = tpu.memref_slice %arg11[%dma_wait3A_392, %dma_wait3A_393] : memref<10240x128xf32, #tpu.memory_space<vmem_shared>> -> memref<10240x128xf32, #tpu.memory_space<vmem_shared>>
      tpu.wait_indirect_dma semaphore(%arg14 : memref<!tpu.dma_semaphore, #tpu.memory_space<semaphore_mem>>) src(%arg9 : memref<128x128xf32, #tpu.memory_space<vmem>>) dst(%dma_wait3A_394 : memref<10240x128xf32, #tpu.memory_space<vmem_shared>>)
      %dma_start3A_395 = arith.constant 14 : i32
      %dma_start3A_396 = arith.constant 0 : i32
      %dma_start3A_397 = tpu.memref_slice %arg7[%dma_start3A_395, %dma_start3A_396] : memref<16x128xi32, #tpu.memory_space<vmem>> -> memref<1x128xi32, #tpu.memory_space<vmem>>
      %dma_start3A_398 = tpu.memref_squeeze %dma_start3A_397 : memref<1x128xi32, #tpu.memory_space<vmem>> -> memref<128xi32, #tpu.memory_space<vmem>>
      %dma_start3A_399 = arith.constant 0 : i32
      %dma_start3A_400 = arith.constant 0 : i32
      %dma_start3A_401 = tpu.memref_slice %arg2[%dma_start3A_399, %dma_start3A_400] : memref<10240x128xf32, #tpu.memory_space<hbm>> -> memref<10240x128xf32, #tpu.memory_space<hbm>>
      tpu.enqueue_indirect_dma source(%dma_start3A_401 : memref<10240x128xf32, #tpu.memory_space<hbm>>) target(%arg9 : memref<128x128xf32, #tpu.memory_space<vmem>>) offsets(%dma_start3A_398 : memref<128xi32, #tpu.memory_space<vmem>>) semaphore(%arg12 : memref<!tpu.dma_semaphore, #tpu.memory_space<semaphore_mem>>)
      %dma_wait3A_402 = arith.constant 13 : i32
      %dma_wait3A_403 = arith.constant 0 : i32
      %dma_wait3A_404 = tpu.memref_slice %arg7[%dma_wait3A_402, %dma_wait3A_403] : memref<16x128xi32, #tpu.memory_space<vmem>> -> memref<1x128xi32, #tpu.memory_space<vmem>>
      %dma_wait3A_405 = tpu.memref_squeeze %dma_wait3A_404 : memref<1x128xi32, #tpu.memory_space<vmem>> -> memref<128xi32, #tpu.memory_space<vmem>>
      %dma_wait3A_406 = arith.constant 0 : i32
      %dma_wait3A_407 = arith.constant 0 : i32
      %dma_wait3A_408 = tpu.memref_slice %arg2[%dma_wait3A_406, %dma_wait3A_407] : memref<10240x128xf32, #tpu.memory_space<hbm>> -> memref<10240x128xf32, #tpu.memory_space<hbm>>
      tpu.wait_indirect_dma semaphore(%arg13 : memref<!tpu.dma_semaphore, #tpu.memory_space<semaphore_mem>>) src(%dma_wait3A_408 : memref<10240x128xf32, #tpu.memory_space<hbm>>) dst(%arg10 : memref<128x128xf32, #tpu.memory_space<vmem>>)
      %dma_start3A_409 = arith.constant 13 : i32
      %dma_start3A_410 = arith.constant 0 : i32
      %dma_start3A_411 = tpu.memref_slice %arg8[%dma_start3A_409, %dma_start3A_410] : memref<16x128xi32, #tpu.memory_space<vmem>> -> memref<1x128xi32, #tpu.memory_space<vmem>>
      %dma_start3A_412 = tpu.memref_squeeze %dma_start3A_411 : memref<1x128xi32, #tpu.memory_space<vmem>> -> memref<128xi32, #tpu.memory_space<vmem>>
      %dma_start3A_413 = arith.constant 0 : i32
      %dma_start3A_414 = arith.constant 0 : i32
      %dma_start3A_415 = tpu.memref_slice %arg11[%dma_start3A_413, %dma_start3A_414] : memref<10240x128xf32, #tpu.memory_space<vmem_shared>> -> memref<10240x128xf32, #tpu.memory_space<vmem_shared>>
      tpu.enqueue_indirect_dma source(%arg10 : memref<128x128xf32, #tpu.memory_space<vmem>>) target(%dma_start3A_415 : memref<10240x128xf32, #tpu.memory_space<vmem_shared>>) offsets(%dma_start3A_412 : memref<128xi32, #tpu.memory_space<vmem>>) semaphore(%arg15 : memref<!tpu.dma_semaphore, #tpu.memory_space<semaphore_mem>>) {add = true}
      %dma_wait3A_416 = arith.constant 13 : i32
      %dma_wait3A_417 = arith.constant 0 : i32
      %dma_wait3A_418 = tpu.memref_slice %arg8[%dma_wait3A_416, %dma_wait3A_417] : memref<16x128xi32, #tpu.memory_space<vmem>> -> memref<1x128xi32, #tpu.memory_space<vmem>>
      %dma_wait3A_419 = tpu.memref_squeeze %dma_wait3A_418 : memref<1x128xi32, #tpu.memory_space<vmem>> -> memref<128xi32, #tpu.memory_space<vmem>>
      %dma_wait3A_420 = arith.constant 0 : i32
      %dma_wait3A_421 = arith.constant 0 : i32
      %dma_wait3A_422 = tpu.memref_slice %arg11[%dma_wait3A_420, %dma_wait3A_421] : memref<10240x128xf32, #tpu.memory_space<vmem_shared>> -> memref<10240x128xf32, #tpu.memory_space<vmem_shared>>
      tpu.wait_indirect_dma semaphore(%arg15 : memref<!tpu.dma_semaphore, #tpu.memory_space<semaphore_mem>>) src(%arg10 : memref<128x128xf32, #tpu.memory_space<vmem>>) dst(%dma_wait3A_422 : memref<10240x128xf32, #tpu.memory_space<vmem_shared>>)
      %dma_start3A_423 = arith.constant 15 : i32
      %dma_start3A_424 = arith.constant 0 : i32
      %dma_start3A_425 = tpu.memref_slice %arg7[%dma_start3A_423, %dma_start3A_424] : memref<16x128xi32, #tpu.memory_space<vmem>> -> memref<1x128xi32, #tpu.memory_space<vmem>>
      %dma_start3A_426 = tpu.memref_squeeze %dma_start3A_425 : memref<1x128xi32, #tpu.memory_space<vmem>> -> memref<128xi32, #tpu.memory_space<vmem>>
      %dma_start3A_427 = arith.constant 0 : i32
      %dma_start3A_428 = arith.constant 0 : i32
      %dma_start3A_429 = tpu.memref_slice %arg2[%dma_start3A_427, %dma_start3A_428] : memref<10240x128xf32, #tpu.memory_space<hbm>> -> memref<10240x128xf32, #tpu.memory_space<hbm>>
      tpu.enqueue_indirect_dma source(%dma_start3A_429 : memref<10240x128xf32, #tpu.memory_space<hbm>>) target(%arg10 : memref<128x128xf32, #tpu.memory_space<vmem>>) offsets(%dma_start3A_426 : memref<128xi32, #tpu.memory_space<vmem>>) semaphore(%arg13 : memref<!tpu.dma_semaphore, #tpu.memory_space<semaphore_mem>>)
      %dma_wait3A_430 = arith.constant 14 : i32
      %dma_wait3A_431 = arith.constant 0 : i32
      %dma_wait3A_432 = tpu.memref_slice %arg7[%dma_wait3A_430, %dma_wait3A_431] : memref<16x128xi32, #tpu.memory_space<vmem>> -> memref<1x128xi32, #tpu.memory_space<vmem>>
      %dma_wait3A_433 = tpu.memref_squeeze %dma_wait3A_432 : memref<1x128xi32, #tpu.memory_space<vmem>> -> memref<128xi32, #tpu.memory_space<vmem>>
      %dma_wait3A_434 = arith.constant 0 : i32
      %dma_wait3A_435 = arith.constant 0 : i32
      %dma_wait3A_436 = tpu.memref_slice %arg2[%dma_wait3A_434, %dma_wait3A_435] : memref<10240x128xf32, #tpu.memory_space<hbm>> -> memref<10240x128xf32, #tpu.memory_space<hbm>>
      tpu.wait_indirect_dma semaphore(%arg12 : memref<!tpu.dma_semaphore, #tpu.memory_space<semaphore_mem>>) src(%dma_wait3A_436 : memref<10240x128xf32, #tpu.memory_space<hbm>>) dst(%arg9 : memref<128x128xf32, #tpu.memory_space<vmem>>)
      %dma_start3A_437 = arith.constant 14 : i32
      %dma_start3A_438 = arith.constant 0 : i32
      %dma_start3A_439 = tpu.memref_slice %arg8[%dma_start3A_437, %dma_start3A_438] : memref<16x128xi32, #tpu.memory_space<vmem>> -> memref<1x128xi32, #tpu.memory_space<vmem>>
      %dma_start3A_440 = tpu.memref_squeeze %dma_start3A_439 : memref<1x128xi32, #tpu.memory_space<vmem>> -> memref<128xi32, #tpu.memory_space<vmem>>
      %dma_start3A_441 = arith.constant 0 : i32
      %dma_start3A_442 = arith.constant 0 : i32
      %dma_start3A_443 = tpu.memref_slice %arg11[%dma_start3A_441, %dma_start3A_442] : memref<10240x128xf32, #tpu.memory_space<vmem_shared>> -> memref<10240x128xf32, #tpu.memory_space<vmem_shared>>
      tpu.enqueue_indirect_dma source(%arg9 : memref<128x128xf32, #tpu.memory_space<vmem>>) target(%dma_start3A_443 : memref<10240x128xf32, #tpu.memory_space<vmem_shared>>) offsets(%dma_start3A_440 : memref<128xi32, #tpu.memory_space<vmem>>) semaphore(%arg14 : memref<!tpu.dma_semaphore, #tpu.memory_space<semaphore_mem>>) {add = true}
      %dma_wait3A_444 = arith.constant 15 : i32
      %dma_wait3A_445 = arith.constant 0 : i32
      %dma_wait3A_446 = tpu.memref_slice %arg7[%dma_wait3A_444, %dma_wait3A_445] : memref<16x128xi32, #tpu.memory_space<vmem>> -> memref<1x128xi32, #tpu.memory_space<vmem>>
      %dma_wait3A_447 = tpu.memref_squeeze %dma_wait3A_446 : memref<1x128xi32, #tpu.memory_space<vmem>> -> memref<128xi32, #tpu.memory_space<vmem>>
      %dma_wait3A_448 = arith.constant 0 : i32
      %dma_wait3A_449 = arith.constant 0 : i32
      %dma_wait3A_450 = tpu.memref_slice %arg2[%dma_wait3A_448, %dma_wait3A_449] : memref<10240x128xf32, #tpu.memory_space<hbm>> -> memref<10240x128xf32, #tpu.memory_space<hbm>>
      tpu.wait_indirect_dma semaphore(%arg13 : memref<!tpu.dma_semaphore, #tpu.memory_space<semaphore_mem>>) src(%dma_wait3A_450 : memref<10240x128xf32, #tpu.memory_space<hbm>>) dst(%arg10 : memref<128x128xf32, #tpu.memory_space<vmem>>)
      %dma_start3A_451 = arith.constant 15 : i32
      %dma_start3A_452 = arith.constant 0 : i32
      %dma_start3A_453 = tpu.memref_slice %arg8[%dma_start3A_451, %dma_start3A_452] : memref<16x128xi32, #tpu.memory_space<vmem>> -> memref<1x128xi32, #tpu.memory_space<vmem>>
      %dma_start3A_454 = tpu.memref_squeeze %dma_start3A_453 : memref<1x128xi32, #tpu.memory_space<vmem>> -> memref<128xi32, #tpu.memory_space<vmem>>
      %dma_start3A_455 = arith.constant 0 : i32
      %dma_start3A_456 = arith.constant 0 : i32
      %dma_start3A_457 = tpu.memref_slice %arg11[%dma_start3A_455, %dma_start3A_456] : memref<10240x128xf32, #tpu.memory_space<vmem_shared>> -> memref<10240x128xf32, #tpu.memory_space<vmem_shared>>
      tpu.enqueue_indirect_dma source(%arg10 : memref<128x128xf32, #tpu.memory_space<vmem>>) target(%dma_start3A_457 : memref<10240x128xf32, #tpu.memory_space<vmem_shared>>) offsets(%dma_start3A_454 : memref<128xi32, #tpu.memory_space<vmem>>) semaphore(%arg15 : memref<!tpu.dma_semaphore, #tpu.memory_space<semaphore_mem>>) {add = true}
      %dma_wait3A_458 = arith.constant 14 : i32
      %dma_wait3A_459 = arith.constant 0 : i32
      %dma_wait3A_460 = tpu.memref_slice %arg8[%dma_wait3A_458, %dma_wait3A_459] : memref<16x128xi32, #tpu.memory_space<vmem>> -> memref<1x128xi32, #tpu.memory_space<vmem>>
      %dma_wait3A_461 = tpu.memref_squeeze %dma_wait3A_460 : memref<1x128xi32, #tpu.memory_space<vmem>> -> memref<128xi32, #tpu.memory_space<vmem>>
      %dma_wait3A_462 = arith.constant 0 : i32
      %dma_wait3A_463 = arith.constant 0 : i32
      %dma_wait3A_464 = tpu.memref_slice %arg11[%dma_wait3A_462, %dma_wait3A_463] : memref<10240x128xf32, #tpu.memory_space<vmem_shared>> -> memref<10240x128xf32, #tpu.memory_space<vmem_shared>>
      tpu.wait_indirect_dma semaphore(%arg14 : memref<!tpu.dma_semaphore, #tpu.memory_space<semaphore_mem>>) src(%arg9 : memref<128x128xf32, #tpu.memory_space<vmem>>) dst(%dma_wait3A_464 : memref<10240x128xf32, #tpu.memory_space<vmem_shared>>)
      %dma_wait3A_465 = arith.constant 15 : i32
      %dma_wait3A_466 = arith.constant 0 : i32
      %dma_wait3A_467 = tpu.memref_slice %arg8[%dma_wait3A_465, %dma_wait3A_466] : memref<16x128xi32, #tpu.memory_space<vmem>> -> memref<1x128xi32, #tpu.memory_space<vmem>>
      %dma_wait3A_468 = tpu.memref_squeeze %dma_wait3A_467 : memref<1x128xi32, #tpu.memory_space<vmem>> -> memref<128xi32, #tpu.memory_space<vmem>>
      %dma_wait3A_469 = arith.constant 0 : i32
      %dma_wait3A_470 = arith.constant 0 : i32
      %dma_wait3A_471 = tpu.memref_slice %arg11[%dma_wait3A_469, %dma_wait3A_470] : memref<10240x128xf32, #tpu.memory_space<vmem_shared>> -> memref<10240x128xf32, #tpu.memory_space<vmem_shared>>
      tpu.wait_indirect_dma semaphore(%arg15 : memref<!tpu.dma_semaphore, #tpu.memory_space<semaphore_mem>>) src(%arg10 : memref<128x128xf32, #tpu.memory_space<vmem>>) dst(%dma_wait3A_471 : memref<10240x128xf32, #tpu.memory_space<vmem_shared>>)
    }
    %scan3A_10 = arith.constant 5 : i32
    %barrier3A_11 = arith.constant 0 : index
    tpu.barrier barrier_id(%barrier3A_11)
    %mul3A = arith.constant 640 : i32
    %mul3A_12 = arith.muli %arg1, %mul3A : i32
    %mul3A_13 = arith.constant 10240 : i32
    %mul3A_14 = arith.muli %arg0, %mul3A_13 : i32
    %mul3A_15 = arith.constant 640 : i32
    %mul3A_16 = arith.muli %arg1, %mul3A_15 : i32
    %add3A = arith.addi %mul3A_14, %mul3A_16 : i32
    "tpu.region"() ({
      %run_scoped3A = tpu.sem_alloc : memref<!tpu.dma_semaphore, #tpu.memory_space<semaphore_mem>>
      %dma_start3A = arith.constant 0 : i32
      %dma_start3A_17 = tpu.memref_slice %arg6[%add3A, %dma_start3A] : memref<20480x128xf32, #tpu.memory_space<hbm>> -> memref<640x128xf32, #tpu.memory_space<hbm>>
      %dma_start3A_18 = arith.constant 0 : i32
      %dma_start3A_19 = tpu.memref_slice %arg11[%mul3A_12, %dma_start3A_18] : memref<10240x128xf32, #tpu.memory_space<vmem_shared>> -> memref<640x128xf32, #tpu.memory_space<vmem_shared>>
      tpu.enqueue_dma source(%dma_start3A_19 : memref<640x128xf32, #tpu.memory_space<vmem_shared>>) target(%dma_start3A_17 : memref<640x128xf32, #tpu.memory_space<hbm>>) target_semaphore(%run_scoped3A : memref<!tpu.dma_semaphore, #tpu.memory_space<semaphore_mem>>)
      %dma_wait3A = arith.constant 0 : i32
      %dma_wait3A_20 = tpu.memref_slice %arg6[%add3A, %dma_wait3A] : memref<20480x128xf32, #tpu.memory_space<hbm>> -> memref<640x128xf32, #tpu.memory_space<hbm>>
      %dma_wait3A_21 = arith.constant 0 : i32
      %dma_wait3A_22 = tpu.memref_slice %arg11[%mul3A_12, %dma_wait3A_21] : memref<10240x128xf32, #tpu.memory_space<vmem_shared>> -> memref<640x128xf32, #tpu.memory_space<vmem_shared>>
      tpu.wait_dma2 semaphore(%run_scoped3A : memref<!tpu.dma_semaphore, #tpu.memory_space<semaphore_mem>>) src(%dma_wait3A_22 : memref<640x128xf32, #tpu.memory_space<vmem_shared>>) dst(%dma_wait3A_20 : memref<640x128xf32, #tpu.memory_space<hbm>>)
      tpu.yield
    }) : () -> ()
    return
  }
}

#map = affine_map<(d0, d1) -> (0, 0, 0, 0)>
#map1 = affine_map<(d0, d1) -> (0, 0)>
module attributes {stable_mosaic.version = 14 : i64} {
  func.func @_deg_sc(%arg0: i32, %arg1: i32, %arg2: memref<2x16x80x128xi32, #tpu.memory_space<hbm>>, %arg3: memref<128x128xf32, #tpu.memory_space<hbm>>, %arg4: memref<640x128xf32, #tpu.memory_space<hbm>>, %arg5: memref<20480x128xf32, #tpu.memory_space<hbm>>, %arg6: memref<128x128xf32, #tpu.memory_space<vmem>>, %arg7: memref<80x128xi32, #tpu.memory_space<vmem>>, %arg8: memref<10240x128xf32, #tpu.memory_space<vmem_shared>>, %arg9: memref<!tpu.dma_semaphore, #tpu.memory_space<semaphore_mem>>) attributes {dimension_semantics = [#tpu.dimension_semantics<core_parallel>, #tpu.dimension_semantics<subcore_parallel>], iteration_bounds = array<i64: 2, 16>, scalar_prefetch = 0 : i64, scratch_operands = 4 : i64, tpu.core_type = #tpu.core_type<sc_vector_subcore>, window_params = [{transform_indices = #map}, {transform_indices = #map1}, {transform_indices = #map1}, {transform_indices = #map1}]} {
    "tpu.region"() ({
      %run_scoped3A = tpu.sem_alloc : memref<!tpu.dma_semaphore, #tpu.memory_space<semaphore_mem>>
      tpu.enqueue_dma source(%arg3 : memref<128x128xf32, #tpu.memory_space<hbm>>) target(%arg6 : memref<128x128xf32, #tpu.memory_space<vmem>>) target_semaphore(%run_scoped3A : memref<!tpu.dma_semaphore, #tpu.memory_space<semaphore_mem>>)
      tpu.wait_dma2 semaphore(%run_scoped3A : memref<!tpu.dma_semaphore, #tpu.memory_space<semaphore_mem>>) src(%arg3 : memref<128x128xf32, #tpu.memory_space<hbm>>) dst(%arg6 : memref<128x128xf32, #tpu.memory_space<vmem>>)
      tpu.yield
    }) : () -> ()
    "tpu.region"() ({
      %run_scoped3A = tpu.sem_alloc : memref<!tpu.dma_semaphore, #tpu.memory_space<semaphore_mem>>
      %dma_start3A = arith.constant 0 : i32
      %dma_start3A_12 = arith.constant 0 : i32
      %dma_start3A_13 = tpu.memref_slice %arg2[%arg0, %arg1, %dma_start3A, %dma_start3A_12] : memref<2x16x80x128xi32, #tpu.memory_space<hbm>> -> memref<1x1x80x128xi32, #tpu.memory_space<hbm>>
      %dma_start3A_14 = tpu.memref_squeeze %dma_start3A_13 : memref<1x1x80x128xi32, #tpu.memory_space<hbm>> -> memref<80x128xi32, #tpu.memory_space<hbm>>
      %dma_start3A_15 = arith.constant 0 : i32
      %dma_start3A_16 = arith.constant 0 : i32
      %dma_start3A_17 = tpu.memref_slice %arg2[%arg0, %arg1, %dma_start3A_15, %dma_start3A_16] : memref<2x16x80x128xi32, #tpu.memory_space<hbm>> -> memref<1x1x80x128xi32, #tpu.memory_space<hbm>>
      %dma_start3A_18 = tpu.memref_squeeze %dma_start3A_17 : memref<1x1x80x128xi32, #tpu.memory_space<hbm>> -> memref<80x128xi32, #tpu.memory_space<hbm>>
      tpu.enqueue_dma source(%dma_start3A_18 : memref<80x128xi32, #tpu.memory_space<hbm>>) target(%arg7 : memref<80x128xi32, #tpu.memory_space<vmem>>) target_semaphore(%run_scoped3A : memref<!tpu.dma_semaphore, #tpu.memory_space<semaphore_mem>>)
      %dma_wait3A = arith.constant 0 : i32
      %dma_wait3A_19 = arith.constant 0 : i32
      %dma_wait3A_20 = tpu.memref_slice %arg2[%arg0, %arg1, %dma_wait3A, %dma_wait3A_19] : memref<2x16x80x128xi32, #tpu.memory_space<hbm>> -> memref<1x1x80x128xi32, #tpu.memory_space<hbm>>
      %dma_wait3A_21 = tpu.memref_squeeze %dma_wait3A_20 : memref<1x1x80x128xi32, #tpu.memory_space<hbm>> -> memref<80x128xi32, #tpu.memory_space<hbm>>
      %dma_wait3A_22 = arith.constant 0 : i32
      %dma_wait3A_23 = arith.constant 0 : i32
      %dma_wait3A_24 = tpu.memref_slice %arg2[%arg0, %arg1, %dma_wait3A_22, %dma_wait3A_23] : memref<2x16x80x128xi32, #tpu.memory_space<hbm>> -> memref<1x1x80x128xi32, #tpu.memory_space<hbm>>
      %dma_wait3A_25 = tpu.memref_squeeze %dma_wait3A_24 : memref<1x1x80x128xi32, #tpu.memory_space<hbm>> -> memref<80x128xi32, #tpu.memory_space<hbm>>
      tpu.wait_dma2 semaphore(%run_scoped3A : memref<!tpu.dma_semaphore, #tpu.memory_space<semaphore_mem>>) src(%dma_wait3A_25 : memref<80x128xi32, #tpu.memory_space<hbm>>) dst(%arg7 : memref<80x128xi32, #tpu.memory_space<vmem>>)
      tpu.yield
    }) : () -> ()
    %mul3A = arith.constant 640 : i32
    %mul3A_0 = arith.muli %arg1, %mul3A : i32
    "tpu.region"() ({
      %run_scoped3A = tpu.sem_alloc : memref<!tpu.dma_semaphore, #tpu.memory_space<semaphore_mem>>
      %dma_start3A = arith.constant 0 : i32
      %dma_start3A_12 = tpu.memref_slice %arg8[%mul3A_0, %dma_start3A] : memref<10240x128xf32, #tpu.memory_space<vmem_shared>> -> memref<640x128xf32, #tpu.memory_space<vmem_shared>>
      tpu.enqueue_dma source(%arg4 : memref<640x128xf32, #tpu.memory_space<hbm>>) target(%dma_start3A_12 : memref<640x128xf32, #tpu.memory_space<vmem_shared>>) target_semaphore(%run_scoped3A : memref<!tpu.dma_semaphore, #tpu.memory_space<semaphore_mem>>)
      %dma_wait3A = arith.constant 0 : i32
      %dma_wait3A_13 = tpu.memref_slice %arg8[%mul3A_0, %dma_wait3A] : memref<10240x128xf32, #tpu.memory_space<vmem_shared>> -> memref<640x128xf32, #tpu.memory_space<vmem_shared>>
      tpu.wait_dma2 semaphore(%run_scoped3A : memref<!tpu.dma_semaphore, #tpu.memory_space<semaphore_mem>>) src(%arg4 : memref<640x128xf32, #tpu.memory_space<hbm>>) dst(%dma_wait3A_13 : memref<640x128xf32, #tpu.memory_space<vmem_shared>>)
      tpu.yield
    }) : () -> ()
    %barrier3A = arith.constant 0 : index
    tpu.barrier barrier_id(%barrier3A)
    %scan3A = arith.constant 0 : i32
    %scan3A_1 = arith.constant 5 : i32
    %scan3A_2 = arith.addi %scan3A, %scan3A_1 : i32
    %scan3A_3 = arith.constant 1 : i32
    scf.for %scan3A_12 = %scan3A to %scan3A_2 step %scan3A_3  : i32 {
      %mul3A_13 = arith.constant 1 : i32
      %mul3A_14 = arith.muli %scan3A_12, %mul3A_13 : i32
      %add3A_15 = arith.constant 0 : i32
      %add3A_16 = arith.addi %add3A_15, %mul3A_14 : i32
      %mul3A_17 = arith.constant 16 : i32
      %mul3A_18 = arith.muli %add3A_16, %mul3A_17 : i32
      %add3A_19 = arith.constant 0 : i32
      %add3A_20 = arith.addi %mul3A_18, %add3A_19 : i32
      %dma_start3A = arith.constant 0 : i32
      %dma_start3A_21 = tpu.memref_slice %arg7[%add3A_20, %dma_start3A] : memref<80x128xi32, #tpu.memory_space<vmem>> -> memref<1x128xi32, #tpu.memory_space<vmem>>
      %dma_start3A_22 = tpu.memref_squeeze %dma_start3A_21 : memref<1x128xi32, #tpu.memory_space<vmem>> -> memref<128xi32, #tpu.memory_space<vmem>>
      %dma_start3A_23 = arith.constant 0 : i32
      %dma_start3A_24 = arith.constant 0 : i32
      %dma_start3A_25 = tpu.memref_slice %arg8[%dma_start3A_23, %dma_start3A_24] : memref<10240x128xf32, #tpu.memory_space<vmem_shared>> -> memref<10240x128xf32, #tpu.memory_space<vmem_shared>>
      tpu.enqueue_indirect_dma source(%arg6 : memref<128x128xf32, #tpu.memory_space<vmem>>) target(%dma_start3A_25 : memref<10240x128xf32, #tpu.memory_space<vmem_shared>>) offsets(%dma_start3A_22 : memref<128xi32, #tpu.memory_space<vmem>>) semaphore(%arg9 : memref<!tpu.dma_semaphore, #tpu.memory_space<semaphore_mem>>) {add = true}
      %mul3A_26 = arith.constant 16 : i32
      %mul3A_27 = arith.muli %add3A_16, %mul3A_26 : i32
      %add3A_28 = arith.constant 1 : i32
      %add3A_29 = arith.addi %mul3A_27, %add3A_28 : i32
      %dma_start3A_30 = arith.constant 0 : i32
      %dma_start3A_31 = tpu.memref_slice %arg7[%add3A_29, %dma_start3A_30] : memref<80x128xi32, #tpu.memory_space<vmem>> -> memref<1x128xi32, #tpu.memory_space<vmem>>
      %dma_start3A_32 = tpu.memref_squeeze %dma_start3A_31 : memref<1x128xi32, #tpu.memory_space<vmem>> -> memref<128xi32, #tpu.memory_space<vmem>>
      %dma_start3A_33 = arith.constant 0 : i32
      %dma_start3A_34 = arith.constant 0 : i32
      %dma_start3A_35 = tpu.memref_slice %arg8[%dma_start3A_33, %dma_start3A_34] : memref<10240x128xf32, #tpu.memory_space<vmem_shared>> -> memref<10240x128xf32, #tpu.memory_space<vmem_shared>>
      tpu.enqueue_indirect_dma source(%arg6 : memref<128x128xf32, #tpu.memory_space<vmem>>) target(%dma_start3A_35 : memref<10240x128xf32, #tpu.memory_space<vmem_shared>>) offsets(%dma_start3A_32 : memref<128xi32, #tpu.memory_space<vmem>>) semaphore(%arg9 : memref<!tpu.dma_semaphore, #tpu.memory_space<semaphore_mem>>) {add = true}
      %mul3A_36 = arith.constant 16 : i32
      %mul3A_37 = arith.muli %add3A_16, %mul3A_36 : i32
      %add3A_38 = arith.constant 2 : i32
      %add3A_39 = arith.addi %mul3A_37, %add3A_38 : i32
      %dma_start3A_40 = arith.constant 0 : i32
      %dma_start3A_41 = tpu.memref_slice %arg7[%add3A_39, %dma_start3A_40] : memref<80x128xi32, #tpu.memory_space<vmem>> -> memref<1x128xi32, #tpu.memory_space<vmem>>
      %dma_start3A_42 = tpu.memref_squeeze %dma_start3A_41 : memref<1x128xi32, #tpu.memory_space<vmem>> -> memref<128xi32, #tpu.memory_space<vmem>>
      %dma_start3A_43 = arith.constant 0 : i32
      %dma_start3A_44 = arith.constant 0 : i32
      %dma_start3A_45 = tpu.memref_slice %arg8[%dma_start3A_43, %dma_start3A_44] : memref<10240x128xf32, #tpu.memory_space<vmem_shared>> -> memref<10240x128xf32, #tpu.memory_space<vmem_shared>>
      tpu.enqueue_indirect_dma source(%arg6 : memref<128x128xf32, #tpu.memory_space<vmem>>) target(%dma_start3A_45 : memref<10240x128xf32, #tpu.memory_space<vmem_shared>>) offsets(%dma_start3A_42 : memref<128xi32, #tpu.memory_space<vmem>>) semaphore(%arg9 : memref<!tpu.dma_semaphore, #tpu.memory_space<semaphore_mem>>) {add = true}
      %mul3A_46 = arith.constant 16 : i32
      %mul3A_47 = arith.muli %add3A_16, %mul3A_46 : i32
      %add3A_48 = arith.constant 3 : i32
      %add3A_49 = arith.addi %mul3A_47, %add3A_48 : i32
      %dma_start3A_50 = arith.constant 0 : i32
      %dma_start3A_51 = tpu.memref_slice %arg7[%add3A_49, %dma_start3A_50] : memref<80x128xi32, #tpu.memory_space<vmem>> -> memref<1x128xi32, #tpu.memory_space<vmem>>
      %dma_start3A_52 = tpu.memref_squeeze %dma_start3A_51 : memref<1x128xi32, #tpu.memory_space<vmem>> -> memref<128xi32, #tpu.memory_space<vmem>>
      %dma_start3A_53 = arith.constant 0 : i32
      %dma_start3A_54 = arith.constant 0 : i32
      %dma_start3A_55 = tpu.memref_slice %arg8[%dma_start3A_53, %dma_start3A_54] : memref<10240x128xf32, #tpu.memory_space<vmem_shared>> -> memref<10240x128xf32, #tpu.memory_space<vmem_shared>>
      tpu.enqueue_indirect_dma source(%arg6 : memref<128x128xf32, #tpu.memory_space<vmem>>) target(%dma_start3A_55 : memref<10240x128xf32, #tpu.memory_space<vmem_shared>>) offsets(%dma_start3A_52 : memref<128xi32, #tpu.memory_space<vmem>>) semaphore(%arg9 : memref<!tpu.dma_semaphore, #tpu.memory_space<semaphore_mem>>) {add = true}
      %mul3A_56 = arith.constant 16 : i32
      %mul3A_57 = arith.muli %add3A_16, %mul3A_56 : i32
      %add3A_58 = arith.constant 4 : i32
      %add3A_59 = arith.addi %mul3A_57, %add3A_58 : i32
      %dma_start3A_60 = arith.constant 0 : i32
      %dma_start3A_61 = tpu.memref_slice %arg7[%add3A_59, %dma_start3A_60] : memref<80x128xi32, #tpu.memory_space<vmem>> -> memref<1x128xi32, #tpu.memory_space<vmem>>
      %dma_start3A_62 = tpu.memref_squeeze %dma_start3A_61 : memref<1x128xi32, #tpu.memory_space<vmem>> -> memref<128xi32, #tpu.memory_space<vmem>>
      %dma_start3A_63 = arith.constant 0 : i32
      %dma_start3A_64 = arith.constant 0 : i32
      %dma_start3A_65 = tpu.memref_slice %arg8[%dma_start3A_63, %dma_start3A_64] : memref<10240x128xf32, #tpu.memory_space<vmem_shared>> -> memref<10240x128xf32, #tpu.memory_space<vmem_shared>>
      tpu.enqueue_indirect_dma source(%arg6 : memref<128x128xf32, #tpu.memory_space<vmem>>) target(%dma_start3A_65 : memref<10240x128xf32, #tpu.memory_space<vmem_shared>>) offsets(%dma_start3A_62 : memref<128xi32, #tpu.memory_space<vmem>>) semaphore(%arg9 : memref<!tpu.dma_semaphore, #tpu.memory_space<semaphore_mem>>) {add = true}
      %mul3A_66 = arith.constant 16 : i32
      %mul3A_67 = arith.muli %add3A_16, %mul3A_66 : i32
      %add3A_68 = arith.constant 5 : i32
      %add3A_69 = arith.addi %mul3A_67, %add3A_68 : i32
      %dma_start3A_70 = arith.constant 0 : i32
      %dma_start3A_71 = tpu.memref_slice %arg7[%add3A_69, %dma_start3A_70] : memref<80x128xi32, #tpu.memory_space<vmem>> -> memref<1x128xi32, #tpu.memory_space<vmem>>
      %dma_start3A_72 = tpu.memref_squeeze %dma_start3A_71 : memref<1x128xi32, #tpu.memory_space<vmem>> -> memref<128xi32, #tpu.memory_space<vmem>>
      %dma_start3A_73 = arith.constant 0 : i32
      %dma_start3A_74 = arith.constant 0 : i32
      %dma_start3A_75 = tpu.memref_slice %arg8[%dma_start3A_73, %dma_start3A_74] : memref<10240x128xf32, #tpu.memory_space<vmem_shared>> -> memref<10240x128xf32, #tpu.memory_space<vmem_shared>>
      tpu.enqueue_indirect_dma source(%arg6 : memref<128x128xf32, #tpu.memory_space<vmem>>) target(%dma_start3A_75 : memref<10240x128xf32, #tpu.memory_space<vmem_shared>>) offsets(%dma_start3A_72 : memref<128xi32, #tpu.memory_space<vmem>>) semaphore(%arg9 : memref<!tpu.dma_semaphore, #tpu.memory_space<semaphore_mem>>) {add = true}
      %mul3A_76 = arith.constant 16 : i32
      %mul3A_77 = arith.muli %add3A_16, %mul3A_76 : i32
      %add3A_78 = arith.constant 6 : i32
      %add3A_79 = arith.addi %mul3A_77, %add3A_78 : i32
      %dma_start3A_80 = arith.constant 0 : i32
      %dma_start3A_81 = tpu.memref_slice %arg7[%add3A_79, %dma_start3A_80] : memref<80x128xi32, #tpu.memory_space<vmem>> -> memref<1x128xi32, #tpu.memory_space<vmem>>
      %dma_start3A_82 = tpu.memref_squeeze %dma_start3A_81 : memref<1x128xi32, #tpu.memory_space<vmem>> -> memref<128xi32, #tpu.memory_space<vmem>>
      %dma_start3A_83 = arith.constant 0 : i32
      %dma_start3A_84 = arith.constant 0 : i32
      %dma_start3A_85 = tpu.memref_slice %arg8[%dma_start3A_83, %dma_start3A_84] : memref<10240x128xf32, #tpu.memory_space<vmem_shared>> -> memref<10240x128xf32, #tpu.memory_space<vmem_shared>>
      tpu.enqueue_indirect_dma source(%arg6 : memref<128x128xf32, #tpu.memory_space<vmem>>) target(%dma_start3A_85 : memref<10240x128xf32, #tpu.memory_space<vmem_shared>>) offsets(%dma_start3A_82 : memref<128xi32, #tpu.memory_space<vmem>>) semaphore(%arg9 : memref<!tpu.dma_semaphore, #tpu.memory_space<semaphore_mem>>) {add = true}
      %mul3A_86 = arith.constant 16 : i32
      %mul3A_87 = arith.muli %add3A_16, %mul3A_86 : i32
      %add3A_88 = arith.constant 7 : i32
      %add3A_89 = arith.addi %mul3A_87, %add3A_88 : i32
      %dma_start3A_90 = arith.constant 0 : i32
      %dma_start3A_91 = tpu.memref_slice %arg7[%add3A_89, %dma_start3A_90] : memref<80x128xi32, #tpu.memory_space<vmem>> -> memref<1x128xi32, #tpu.memory_space<vmem>>
      %dma_start3A_92 = tpu.memref_squeeze %dma_start3A_91 : memref<1x128xi32, #tpu.memory_space<vmem>> -> memref<128xi32, #tpu.memory_space<vmem>>
      %dma_start3A_93 = arith.constant 0 : i32
      %dma_start3A_94 = arith.constant 0 : i32
      %dma_start3A_95 = tpu.memref_slice %arg8[%dma_start3A_93, %dma_start3A_94] : memref<10240x128xf32, #tpu.memory_space<vmem_shared>> -> memref<10240x128xf32, #tpu.memory_space<vmem_shared>>
      tpu.enqueue_indirect_dma source(%arg6 : memref<128x128xf32, #tpu.memory_space<vmem>>) target(%dma_start3A_95 : memref<10240x128xf32, #tpu.memory_space<vmem_shared>>) offsets(%dma_start3A_92 : memref<128xi32, #tpu.memory_space<vmem>>) semaphore(%arg9 : memref<!tpu.dma_semaphore, #tpu.memory_space<semaphore_mem>>) {add = true}
      %mul3A_96 = arith.constant 16 : i32
      %mul3A_97 = arith.muli %add3A_16, %mul3A_96 : i32
      %add3A_98 = arith.constant 8 : i32
      %add3A_99 = arith.addi %mul3A_97, %add3A_98 : i32
      %dma_start3A_100 = arith.constant 0 : i32
      %dma_start3A_101 = tpu.memref_slice %arg7[%add3A_99, %dma_start3A_100] : memref<80x128xi32, #tpu.memory_space<vmem>> -> memref<1x128xi32, #tpu.memory_space<vmem>>
      %dma_start3A_102 = tpu.memref_squeeze %dma_start3A_101 : memref<1x128xi32, #tpu.memory_space<vmem>> -> memref<128xi32, #tpu.memory_space<vmem>>
      %dma_start3A_103 = arith.constant 0 : i32
      %dma_start3A_104 = arith.constant 0 : i32
      %dma_start3A_105 = tpu.memref_slice %arg8[%dma_start3A_103, %dma_start3A_104] : memref<10240x128xf32, #tpu.memory_space<vmem_shared>> -> memref<10240x128xf32, #tpu.memory_space<vmem_shared>>
      tpu.enqueue_indirect_dma source(%arg6 : memref<128x128xf32, #tpu.memory_space<vmem>>) target(%dma_start3A_105 : memref<10240x128xf32, #tpu.memory_space<vmem_shared>>) offsets(%dma_start3A_102 : memref<128xi32, #tpu.memory_space<vmem>>) semaphore(%arg9 : memref<!tpu.dma_semaphore, #tpu.memory_space<semaphore_mem>>) {add = true}
      %mul3A_106 = arith.constant 16 : i32
      %mul3A_107 = arith.muli %add3A_16, %mul3A_106 : i32
      %add3A_108 = arith.constant 9 : i32
      %add3A_109 = arith.addi %mul3A_107, %add3A_108 : i32
      %dma_start3A_110 = arith.constant 0 : i32
      %dma_start3A_111 = tpu.memref_slice %arg7[%add3A_109, %dma_start3A_110] : memref<80x128xi32, #tpu.memory_space<vmem>> -> memref<1x128xi32, #tpu.memory_space<vmem>>
      %dma_start3A_112 = tpu.memref_squeeze %dma_start3A_111 : memref<1x128xi32, #tpu.memory_space<vmem>> -> memref<128xi32, #tpu.memory_space<vmem>>
      %dma_start3A_113 = arith.constant 0 : i32
      %dma_start3A_114 = arith.constant 0 : i32
      %dma_start3A_115 = tpu.memref_slice %arg8[%dma_start3A_113, %dma_start3A_114] : memref<10240x128xf32, #tpu.memory_space<vmem_shared>> -> memref<10240x128xf32, #tpu.memory_space<vmem_shared>>
      tpu.enqueue_indirect_dma source(%arg6 : memref<128x128xf32, #tpu.memory_space<vmem>>) target(%dma_start3A_115 : memref<10240x128xf32, #tpu.memory_space<vmem_shared>>) offsets(%dma_start3A_112 : memref<128xi32, #tpu.memory_space<vmem>>) semaphore(%arg9 : memref<!tpu.dma_semaphore, #tpu.memory_space<semaphore_mem>>) {add = true}
      %mul3A_116 = arith.constant 16 : i32
      %mul3A_117 = arith.muli %add3A_16, %mul3A_116 : i32
      %add3A_118 = arith.constant 10 : i32
      %add3A_119 = arith.addi %mul3A_117, %add3A_118 : i32
      %dma_start3A_120 = arith.constant 0 : i32
      %dma_start3A_121 = tpu.memref_slice %arg7[%add3A_119, %dma_start3A_120] : memref<80x128xi32, #tpu.memory_space<vmem>> -> memref<1x128xi32, #tpu.memory_space<vmem>>
      %dma_start3A_122 = tpu.memref_squeeze %dma_start3A_121 : memref<1x128xi32, #tpu.memory_space<vmem>> -> memref<128xi32, #tpu.memory_space<vmem>>
      %dma_start3A_123 = arith.constant 0 : i32
      %dma_start3A_124 = arith.constant 0 : i32
      %dma_start3A_125 = tpu.memref_slice %arg8[%dma_start3A_123, %dma_start3A_124] : memref<10240x128xf32, #tpu.memory_space<vmem_shared>> -> memref<10240x128xf32, #tpu.memory_space<vmem_shared>>
      tpu.enqueue_indirect_dma source(%arg6 : memref<128x128xf32, #tpu.memory_space<vmem>>) target(%dma_start3A_125 : memref<10240x128xf32, #tpu.memory_space<vmem_shared>>) offsets(%dma_start3A_122 : memref<128xi32, #tpu.memory_space<vmem>>) semaphore(%arg9 : memref<!tpu.dma_semaphore, #tpu.memory_space<semaphore_mem>>) {add = true}
      %mul3A_126 = arith.constant 16 : i32
      %mul3A_127 = arith.muli %add3A_16, %mul3A_126 : i32
      %add3A_128 = arith.constant 11 : i32
      %add3A_129 = arith.addi %mul3A_127, %add3A_128 : i32
      %dma_start3A_130 = arith.constant 0 : i32
      %dma_start3A_131 = tpu.memref_slice %arg7[%add3A_129, %dma_start3A_130] : memref<80x128xi32, #tpu.memory_space<vmem>> -> memref<1x128xi32, #tpu.memory_space<vmem>>
      %dma_start3A_132 = tpu.memref_squeeze %dma_start3A_131 : memref<1x128xi32, #tpu.memory_space<vmem>> -> memref<128xi32, #tpu.memory_space<vmem>>
      %dma_start3A_133 = arith.constant 0 : i32
      %dma_start3A_134 = arith.constant 0 : i32
      %dma_start3A_135 = tpu.memref_slice %arg8[%dma_start3A_133, %dma_start3A_134] : memref<10240x128xf32, #tpu.memory_space<vmem_shared>> -> memref<10240x128xf32, #tpu.memory_space<vmem_shared>>
      tpu.enqueue_indirect_dma source(%arg6 : memref<128x128xf32, #tpu.memory_space<vmem>>) target(%dma_start3A_135 : memref<10240x128xf32, #tpu.memory_space<vmem_shared>>) offsets(%dma_start3A_132 : memref<128xi32, #tpu.memory_space<vmem>>) semaphore(%arg9 : memref<!tpu.dma_semaphore, #tpu.memory_space<semaphore_mem>>) {add = true}
      %mul3A_136 = arith.constant 16 : i32
      %mul3A_137 = arith.muli %add3A_16, %mul3A_136 : i32
      %add3A_138 = arith.constant 12 : i32
      %add3A_139 = arith.addi %mul3A_137, %add3A_138 : i32
      %dma_start3A_140 = arith.constant 0 : i32
      %dma_start3A_141 = tpu.memref_slice %arg7[%add3A_139, %dma_start3A_140] : memref<80x128xi32, #tpu.memory_space<vmem>> -> memref<1x128xi32, #tpu.memory_space<vmem>>
      %dma_start3A_142 = tpu.memref_squeeze %dma_start3A_141 : memref<1x128xi32, #tpu.memory_space<vmem>> -> memref<128xi32, #tpu.memory_space<vmem>>
      %dma_start3A_143 = arith.constant 0 : i32
      %dma_start3A_144 = arith.constant 0 : i32
      %dma_start3A_145 = tpu.memref_slice %arg8[%dma_start3A_143, %dma_start3A_144] : memref<10240x128xf32, #tpu.memory_space<vmem_shared>> -> memref<10240x128xf32, #tpu.memory_space<vmem_shared>>
      tpu.enqueue_indirect_dma source(%arg6 : memref<128x128xf32, #tpu.memory_space<vmem>>) target(%dma_start3A_145 : memref<10240x128xf32, #tpu.memory_space<vmem_shared>>) offsets(%dma_start3A_142 : memref<128xi32, #tpu.memory_space<vmem>>) semaphore(%arg9 : memref<!tpu.dma_semaphore, #tpu.memory_space<semaphore_mem>>) {add = true}
      %mul3A_146 = arith.constant 16 : i32
      %mul3A_147 = arith.muli %add3A_16, %mul3A_146 : i32
      %add3A_148 = arith.constant 13 : i32
      %add3A_149 = arith.addi %mul3A_147, %add3A_148 : i32
      %dma_start3A_150 = arith.constant 0 : i32
      %dma_start3A_151 = tpu.memref_slice %arg7[%add3A_149, %dma_start3A_150] : memref<80x128xi32, #tpu.memory_space<vmem>> -> memref<1x128xi32, #tpu.memory_space<vmem>>
      %dma_start3A_152 = tpu.memref_squeeze %dma_start3A_151 : memref<1x128xi32, #tpu.memory_space<vmem>> -> memref<128xi32, #tpu.memory_space<vmem>>
      %dma_start3A_153 = arith.constant 0 : i32
      %dma_start3A_154 = arith.constant 0 : i32
      %dma_start3A_155 = tpu.memref_slice %arg8[%dma_start3A_153, %dma_start3A_154] : memref<10240x128xf32, #tpu.memory_space<vmem_shared>> -> memref<10240x128xf32, #tpu.memory_space<vmem_shared>>
      tpu.enqueue_indirect_dma source(%arg6 : memref<128x128xf32, #tpu.memory_space<vmem>>) target(%dma_start3A_155 : memref<10240x128xf32, #tpu.memory_space<vmem_shared>>) offsets(%dma_start3A_152 : memref<128xi32, #tpu.memory_space<vmem>>) semaphore(%arg9 : memref<!tpu.dma_semaphore, #tpu.memory_space<semaphore_mem>>) {add = true}
      %mul3A_156 = arith.constant 16 : i32
      %mul3A_157 = arith.muli %add3A_16, %mul3A_156 : i32
      %add3A_158 = arith.constant 14 : i32
      %add3A_159 = arith.addi %mul3A_157, %add3A_158 : i32
      %dma_start3A_160 = arith.constant 0 : i32
      %dma_start3A_161 = tpu.memref_slice %arg7[%add3A_159, %dma_start3A_160] : memref<80x128xi32, #tpu.memory_space<vmem>> -> memref<1x128xi32, #tpu.memory_space<vmem>>
      %dma_start3A_162 = tpu.memref_squeeze %dma_start3A_161 : memref<1x128xi32, #tpu.memory_space<vmem>> -> memref<128xi32, #tpu.memory_space<vmem>>
      %dma_start3A_163 = arith.constant 0 : i32
      %dma_start3A_164 = arith.constant 0 : i32
      %dma_start3A_165 = tpu.memref_slice %arg8[%dma_start3A_163, %dma_start3A_164] : memref<10240x128xf32, #tpu.memory_space<vmem_shared>> -> memref<10240x128xf32, #tpu.memory_space<vmem_shared>>
      tpu.enqueue_indirect_dma source(%arg6 : memref<128x128xf32, #tpu.memory_space<vmem>>) target(%dma_start3A_165 : memref<10240x128xf32, #tpu.memory_space<vmem_shared>>) offsets(%dma_start3A_162 : memref<128xi32, #tpu.memory_space<vmem>>) semaphore(%arg9 : memref<!tpu.dma_semaphore, #tpu.memory_space<semaphore_mem>>) {add = true}
      %mul3A_166 = arith.constant 16 : i32
      %mul3A_167 = arith.muli %add3A_16, %mul3A_166 : i32
      %add3A_168 = arith.constant 15 : i32
      %add3A_169 = arith.addi %mul3A_167, %add3A_168 : i32
      %dma_start3A_170 = arith.constant 0 : i32
      %dma_start3A_171 = tpu.memref_slice %arg7[%add3A_169, %dma_start3A_170] : memref<80x128xi32, #tpu.memory_space<vmem>> -> memref<1x128xi32, #tpu.memory_space<vmem>>
      %dma_start3A_172 = tpu.memref_squeeze %dma_start3A_171 : memref<1x128xi32, #tpu.memory_space<vmem>> -> memref<128xi32, #tpu.memory_space<vmem>>
      %dma_start3A_173 = arith.constant 0 : i32
      %dma_start3A_174 = arith.constant 0 : i32
      %dma_start3A_175 = tpu.memref_slice %arg8[%dma_start3A_173, %dma_start3A_174] : memref<10240x128xf32, #tpu.memory_space<vmem_shared>> -> memref<10240x128xf32, #tpu.memory_space<vmem_shared>>
      tpu.enqueue_indirect_dma source(%arg6 : memref<128x128xf32, #tpu.memory_space<vmem>>) target(%dma_start3A_175 : memref<10240x128xf32, #tpu.memory_space<vmem_shared>>) offsets(%dma_start3A_172 : memref<128xi32, #tpu.memory_space<vmem>>) semaphore(%arg9 : memref<!tpu.dma_semaphore, #tpu.memory_space<semaphore_mem>>) {add = true}
      %dma_wait3A = arith.constant 0 : i32
      %dma_wait3A_176 = tpu.memref_slice %arg7[%add3A_20, %dma_wait3A] : memref<80x128xi32, #tpu.memory_space<vmem>> -> memref<1x128xi32, #tpu.memory_space<vmem>>
      %dma_wait3A_177 = tpu.memref_squeeze %dma_wait3A_176 : memref<1x128xi32, #tpu.memory_space<vmem>> -> memref<128xi32, #tpu.memory_space<vmem>>
      %dma_wait3A_178 = arith.constant 0 : i32
      %dma_wait3A_179 = arith.constant 0 : i32
      %dma_wait3A_180 = tpu.memref_slice %arg8[%dma_wait3A_178, %dma_wait3A_179] : memref<10240x128xf32, #tpu.memory_space<vmem_shared>> -> memref<10240x128xf32, #tpu.memory_space<vmem_shared>>
      tpu.wait_indirect_dma semaphore(%arg9 : memref<!tpu.dma_semaphore, #tpu.memory_space<semaphore_mem>>) src(%arg6 : memref<128x128xf32, #tpu.memory_space<vmem>>) dst(%dma_wait3A_180 : memref<10240x128xf32, #tpu.memory_space<vmem_shared>>)
      %dma_wait3A_181 = arith.constant 0 : i32
      %dma_wait3A_182 = tpu.memref_slice %arg7[%add3A_29, %dma_wait3A_181] : memref<80x128xi32, #tpu.memory_space<vmem>> -> memref<1x128xi32, #tpu.memory_space<vmem>>
      %dma_wait3A_183 = tpu.memref_squeeze %dma_wait3A_182 : memref<1x128xi32, #tpu.memory_space<vmem>> -> memref<128xi32, #tpu.memory_space<vmem>>
      %dma_wait3A_184 = arith.constant 0 : i32
      %dma_wait3A_185 = arith.constant 0 : i32
      %dma_wait3A_186 = tpu.memref_slice %arg8[%dma_wait3A_184, %dma_wait3A_185] : memref<10240x128xf32, #tpu.memory_space<vmem_shared>> -> memref<10240x128xf32, #tpu.memory_space<vmem_shared>>
      tpu.wait_indirect_dma semaphore(%arg9 : memref<!tpu.dma_semaphore, #tpu.memory_space<semaphore_mem>>) src(%arg6 : memref<128x128xf32, #tpu.memory_space<vmem>>) dst(%dma_wait3A_186 : memref<10240x128xf32, #tpu.memory_space<vmem_shared>>)
      %dma_wait3A_187 = arith.constant 0 : i32
      %dma_wait3A_188 = tpu.memref_slice %arg7[%add3A_39, %dma_wait3A_187] : memref<80x128xi32, #tpu.memory_space<vmem>> -> memref<1x128xi32, #tpu.memory_space<vmem>>
      %dma_wait3A_189 = tpu.memref_squeeze %dma_wait3A_188 : memref<1x128xi32, #tpu.memory_space<vmem>> -> memref<128xi32, #tpu.memory_space<vmem>>
      %dma_wait3A_190 = arith.constant 0 : i32
      %dma_wait3A_191 = arith.constant 0 : i32
      %dma_wait3A_192 = tpu.memref_slice %arg8[%dma_wait3A_190, %dma_wait3A_191] : memref<10240x128xf32, #tpu.memory_space<vmem_shared>> -> memref<10240x128xf32, #tpu.memory_space<vmem_shared>>
      tpu.wait_indirect_dma semaphore(%arg9 : memref<!tpu.dma_semaphore, #tpu.memory_space<semaphore_mem>>) src(%arg6 : memref<128x128xf32, #tpu.memory_space<vmem>>) dst(%dma_wait3A_192 : memref<10240x128xf32, #tpu.memory_space<vmem_shared>>)
      %dma_wait3A_193 = arith.constant 0 : i32
      %dma_wait3A_194 = tpu.memref_slice %arg7[%add3A_49, %dma_wait3A_193] : memref<80x128xi32, #tpu.memory_space<vmem>> -> memref<1x128xi32, #tpu.memory_space<vmem>>
      %dma_wait3A_195 = tpu.memref_squeeze %dma_wait3A_194 : memref<1x128xi32, #tpu.memory_space<vmem>> -> memref<128xi32, #tpu.memory_space<vmem>>
      %dma_wait3A_196 = arith.constant 0 : i32
      %dma_wait3A_197 = arith.constant 0 : i32
      %dma_wait3A_198 = tpu.memref_slice %arg8[%dma_wait3A_196, %dma_wait3A_197] : memref<10240x128xf32, #tpu.memory_space<vmem_shared>> -> memref<10240x128xf32, #tpu.memory_space<vmem_shared>>
      tpu.wait_indirect_dma semaphore(%arg9 : memref<!tpu.dma_semaphore, #tpu.memory_space<semaphore_mem>>) src(%arg6 : memref<128x128xf32, #tpu.memory_space<vmem>>) dst(%dma_wait3A_198 : memref<10240x128xf32, #tpu.memory_space<vmem_shared>>)
      %dma_wait3A_199 = arith.constant 0 : i32
      %dma_wait3A_200 = tpu.memref_slice %arg7[%add3A_59, %dma_wait3A_199] : memref<80x128xi32, #tpu.memory_space<vmem>> -> memref<1x128xi32, #tpu.memory_space<vmem>>
      %dma_wait3A_201 = tpu.memref_squeeze %dma_wait3A_200 : memref<1x128xi32, #tpu.memory_space<vmem>> -> memref<128xi32, #tpu.memory_space<vmem>>
      %dma_wait3A_202 = arith.constant 0 : i32
      %dma_wait3A_203 = arith.constant 0 : i32
      %dma_wait3A_204 = tpu.memref_slice %arg8[%dma_wait3A_202, %dma_wait3A_203] : memref<10240x128xf32, #tpu.memory_space<vmem_shared>> -> memref<10240x128xf32, #tpu.memory_space<vmem_shared>>
      tpu.wait_indirect_dma semaphore(%arg9 : memref<!tpu.dma_semaphore, #tpu.memory_space<semaphore_mem>>) src(%arg6 : memref<128x128xf32, #tpu.memory_space<vmem>>) dst(%dma_wait3A_204 : memref<10240x128xf32, #tpu.memory_space<vmem_shared>>)
      %dma_wait3A_205 = arith.constant 0 : i32
      %dma_wait3A_206 = tpu.memref_slice %arg7[%add3A_69, %dma_wait3A_205] : memref<80x128xi32, #tpu.memory_space<vmem>> -> memref<1x128xi32, #tpu.memory_space<vmem>>
      %dma_wait3A_207 = tpu.memref_squeeze %dma_wait3A_206 : memref<1x128xi32, #tpu.memory_space<vmem>> -> memref<128xi32, #tpu.memory_space<vmem>>
      %dma_wait3A_208 = arith.constant 0 : i32
      %dma_wait3A_209 = arith.constant 0 : i32
      %dma_wait3A_210 = tpu.memref_slice %arg8[%dma_wait3A_208, %dma_wait3A_209] : memref<10240x128xf32, #tpu.memory_space<vmem_shared>> -> memref<10240x128xf32, #tpu.memory_space<vmem_shared>>
      tpu.wait_indirect_dma semaphore(%arg9 : memref<!tpu.dma_semaphore, #tpu.memory_space<semaphore_mem>>) src(%arg6 : memref<128x128xf32, #tpu.memory_space<vmem>>) dst(%dma_wait3A_210 : memref<10240x128xf32, #tpu.memory_space<vmem_shared>>)
      %dma_wait3A_211 = arith.constant 0 : i32
      %dma_wait3A_212 = tpu.memref_slice %arg7[%add3A_79, %dma_wait3A_211] : memref<80x128xi32, #tpu.memory_space<vmem>> -> memref<1x128xi32, #tpu.memory_space<vmem>>
      %dma_wait3A_213 = tpu.memref_squeeze %dma_wait3A_212 : memref<1x128xi32, #tpu.memory_space<vmem>> -> memref<128xi32, #tpu.memory_space<vmem>>
      %dma_wait3A_214 = arith.constant 0 : i32
      %dma_wait3A_215 = arith.constant 0 : i32
      %dma_wait3A_216 = tpu.memref_slice %arg8[%dma_wait3A_214, %dma_wait3A_215] : memref<10240x128xf32, #tpu.memory_space<vmem_shared>> -> memref<10240x128xf32, #tpu.memory_space<vmem_shared>>
      tpu.wait_indirect_dma semaphore(%arg9 : memref<!tpu.dma_semaphore, #tpu.memory_space<semaphore_mem>>) src(%arg6 : memref<128x128xf32, #tpu.memory_space<vmem>>) dst(%dma_wait3A_216 : memref<10240x128xf32, #tpu.memory_space<vmem_shared>>)
      %dma_wait3A_217 = arith.constant 0 : i32
      %dma_wait3A_218 = tpu.memref_slice %arg7[%add3A_89, %dma_wait3A_217] : memref<80x128xi32, #tpu.memory_space<vmem>> -> memref<1x128xi32, #tpu.memory_space<vmem>>
      %dma_wait3A_219 = tpu.memref_squeeze %dma_wait3A_218 : memref<1x128xi32, #tpu.memory_space<vmem>> -> memref<128xi32, #tpu.memory_space<vmem>>
      %dma_wait3A_220 = arith.constant 0 : i32
      %dma_wait3A_221 = arith.constant 0 : i32
      %dma_wait3A_222 = tpu.memref_slice %arg8[%dma_wait3A_220, %dma_wait3A_221] : memref<10240x128xf32, #tpu.memory_space<vmem_shared>> -> memref<10240x128xf32, #tpu.memory_space<vmem_shared>>
      tpu.wait_indirect_dma semaphore(%arg9 : memref<!tpu.dma_semaphore, #tpu.memory_space<semaphore_mem>>) src(%arg6 : memref<128x128xf32, #tpu.memory_space<vmem>>) dst(%dma_wait3A_222 : memref<10240x128xf32, #tpu.memory_space<vmem_shared>>)
      %dma_wait3A_223 = arith.constant 0 : i32
      %dma_wait3A_224 = tpu.memref_slice %arg7[%add3A_99, %dma_wait3A_223] : memref<80x128xi32, #tpu.memory_space<vmem>> -> memref<1x128xi32, #tpu.memory_space<vmem>>
      %dma_wait3A_225 = tpu.memref_squeeze %dma_wait3A_224 : memref<1x128xi32, #tpu.memory_space<vmem>> -> memref<128xi32, #tpu.memory_space<vmem>>
      %dma_wait3A_226 = arith.constant 0 : i32
      %dma_wait3A_227 = arith.constant 0 : i32
      %dma_wait3A_228 = tpu.memref_slice %arg8[%dma_wait3A_226, %dma_wait3A_227] : memref<10240x128xf32, #tpu.memory_space<vmem_shared>> -> memref<10240x128xf32, #tpu.memory_space<vmem_shared>>
      tpu.wait_indirect_dma semaphore(%arg9 : memref<!tpu.dma_semaphore, #tpu.memory_space<semaphore_mem>>) src(%arg6 : memref<128x128xf32, #tpu.memory_space<vmem>>) dst(%dma_wait3A_228 : memref<10240x128xf32, #tpu.memory_space<vmem_shared>>)
      %dma_wait3A_229 = arith.constant 0 : i32
      %dma_wait3A_230 = tpu.memref_slice %arg7[%add3A_109, %dma_wait3A_229] : memref<80x128xi32, #tpu.memory_space<vmem>> -> memref<1x128xi32, #tpu.memory_space<vmem>>
      %dma_wait3A_231 = tpu.memref_squeeze %dma_wait3A_230 : memref<1x128xi32, #tpu.memory_space<vmem>> -> memref<128xi32, #tpu.memory_space<vmem>>
      %dma_wait3A_232 = arith.constant 0 : i32
      %dma_wait3A_233 = arith.constant 0 : i32
      %dma_wait3A_234 = tpu.memref_slice %arg8[%dma_wait3A_232, %dma_wait3A_233] : memref<10240x128xf32, #tpu.memory_space<vmem_shared>> -> memref<10240x128xf32, #tpu.memory_space<vmem_shared>>
      tpu.wait_indirect_dma semaphore(%arg9 : memref<!tpu.dma_semaphore, #tpu.memory_space<semaphore_mem>>) src(%arg6 : memref<128x128xf32, #tpu.memory_space<vmem>>) dst(%dma_wait3A_234 : memref<10240x128xf32, #tpu.memory_space<vmem_shared>>)
      %dma_wait3A_235 = arith.constant 0 : i32
      %dma_wait3A_236 = tpu.memref_slice %arg7[%add3A_119, %dma_wait3A_235] : memref<80x128xi32, #tpu.memory_space<vmem>> -> memref<1x128xi32, #tpu.memory_space<vmem>>
      %dma_wait3A_237 = tpu.memref_squeeze %dma_wait3A_236 : memref<1x128xi32, #tpu.memory_space<vmem>> -> memref<128xi32, #tpu.memory_space<vmem>>
      %dma_wait3A_238 = arith.constant 0 : i32
      %dma_wait3A_239 = arith.constant 0 : i32
      %dma_wait3A_240 = tpu.memref_slice %arg8[%dma_wait3A_238, %dma_wait3A_239] : memref<10240x128xf32, #tpu.memory_space<vmem_shared>> -> memref<10240x128xf32, #tpu.memory_space<vmem_shared>>
      tpu.wait_indirect_dma semaphore(%arg9 : memref<!tpu.dma_semaphore, #tpu.memory_space<semaphore_mem>>) src(%arg6 : memref<128x128xf32, #tpu.memory_space<vmem>>) dst(%dma_wait3A_240 : memref<10240x128xf32, #tpu.memory_space<vmem_shared>>)
      %dma_wait3A_241 = arith.constant 0 : i32
      %dma_wait3A_242 = tpu.memref_slice %arg7[%add3A_129, %dma_wait3A_241] : memref<80x128xi32, #tpu.memory_space<vmem>> -> memref<1x128xi32, #tpu.memory_space<vmem>>
      %dma_wait3A_243 = tpu.memref_squeeze %dma_wait3A_242 : memref<1x128xi32, #tpu.memory_space<vmem>> -> memref<128xi32, #tpu.memory_space<vmem>>
      %dma_wait3A_244 = arith.constant 0 : i32
      %dma_wait3A_245 = arith.constant 0 : i32
      %dma_wait3A_246 = tpu.memref_slice %arg8[%dma_wait3A_244, %dma_wait3A_245] : memref<10240x128xf32, #tpu.memory_space<vmem_shared>> -> memref<10240x128xf32, #tpu.memory_space<vmem_shared>>
      tpu.wait_indirect_dma semaphore(%arg9 : memref<!tpu.dma_semaphore, #tpu.memory_space<semaphore_mem>>) src(%arg6 : memref<128x128xf32, #tpu.memory_space<vmem>>) dst(%dma_wait3A_246 : memref<10240x128xf32, #tpu.memory_space<vmem_shared>>)
      %dma_wait3A_247 = arith.constant 0 : i32
      %dma_wait3A_248 = tpu.memref_slice %arg7[%add3A_139, %dma_wait3A_247] : memref<80x128xi32, #tpu.memory_space<vmem>> -> memref<1x128xi32, #tpu.memory_space<vmem>>
      %dma_wait3A_249 = tpu.memref_squeeze %dma_wait3A_248 : memref<1x128xi32, #tpu.memory_space<vmem>> -> memref<128xi32, #tpu.memory_space<vmem>>
      %dma_wait3A_250 = arith.constant 0 : i32
      %dma_wait3A_251 = arith.constant 0 : i32
      %dma_wait3A_252 = tpu.memref_slice %arg8[%dma_wait3A_250, %dma_wait3A_251] : memref<10240x128xf32, #tpu.memory_space<vmem_shared>> -> memref<10240x128xf32, #tpu.memory_space<vmem_shared>>
      tpu.wait_indirect_dma semaphore(%arg9 : memref<!tpu.dma_semaphore, #tpu.memory_space<semaphore_mem>>) src(%arg6 : memref<128x128xf32, #tpu.memory_space<vmem>>) dst(%dma_wait3A_252 : memref<10240x128xf32, #tpu.memory_space<vmem_shared>>)
      %dma_wait3A_253 = arith.constant 0 : i32
      %dma_wait3A_254 = tpu.memref_slice %arg7[%add3A_149, %dma_wait3A_253] : memref<80x128xi32, #tpu.memory_space<vmem>> -> memref<1x128xi32, #tpu.memory_space<vmem>>
      %dma_wait3A_255 = tpu.memref_squeeze %dma_wait3A_254 : memref<1x128xi32, #tpu.memory_space<vmem>> -> memref<128xi32, #tpu.memory_space<vmem>>
      %dma_wait3A_256 = arith.constant 0 : i32
      %dma_wait3A_257 = arith.constant 0 : i32
      %dma_wait3A_258 = tpu.memref_slice %arg8[%dma_wait3A_256, %dma_wait3A_257] : memref<10240x128xf32, #tpu.memory_space<vmem_shared>> -> memref<10240x128xf32, #tpu.memory_space<vmem_shared>>
      tpu.wait_indirect_dma semaphore(%arg9 : memref<!tpu.dma_semaphore, #tpu.memory_space<semaphore_mem>>) src(%arg6 : memref<128x128xf32, #tpu.memory_space<vmem>>) dst(%dma_wait3A_258 : memref<10240x128xf32, #tpu.memory_space<vmem_shared>>)
      %dma_wait3A_259 = arith.constant 0 : i32
      %dma_wait3A_260 = tpu.memref_slice %arg7[%add3A_159, %dma_wait3A_259] : memref<80x128xi32, #tpu.memory_space<vmem>> -> memref<1x128xi32, #tpu.memory_space<vmem>>
      %dma_wait3A_261 = tpu.memref_squeeze %dma_wait3A_260 : memref<1x128xi32, #tpu.memory_space<vmem>> -> memref<128xi32, #tpu.memory_space<vmem>>
      %dma_wait3A_262 = arith.constant 0 : i32
      %dma_wait3A_263 = arith.constant 0 : i32
      %dma_wait3A_264 = tpu.memref_slice %arg8[%dma_wait3A_262, %dma_wait3A_263] : memref<10240x128xf32, #tpu.memory_space<vmem_shared>> -> memref<10240x128xf32, #tpu.memory_space<vmem_shared>>
      tpu.wait_indirect_dma semaphore(%arg9 : memref<!tpu.dma_semaphore, #tpu.memory_space<semaphore_mem>>) src(%arg6 : memref<128x128xf32, #tpu.memory_space<vmem>>) dst(%dma_wait3A_264 : memref<10240x128xf32, #tpu.memory_space<vmem_shared>>)
      %dma_wait3A_265 = arith.constant 0 : i32
      %dma_wait3A_266 = tpu.memref_slice %arg7[%add3A_169, %dma_wait3A_265] : memref<80x128xi32, #tpu.memory_space<vmem>> -> memref<1x128xi32, #tpu.memory_space<vmem>>
      %dma_wait3A_267 = tpu.memref_squeeze %dma_wait3A_266 : memref<1x128xi32, #tpu.memory_space<vmem>> -> memref<128xi32, #tpu.memory_space<vmem>>
      %dma_wait3A_268 = arith.constant 0 : i32
      %dma_wait3A_269 = arith.constant 0 : i32
      %dma_wait3A_270 = tpu.memref_slice %arg8[%dma_wait3A_268, %dma_wait3A_269] : memref<10240x128xf32, #tpu.memory_space<vmem_shared>> -> memref<10240x128xf32, #tpu.memory_space<vmem_shared>>
      tpu.wait_indirect_dma semaphore(%arg9 : memref<!tpu.dma_semaphore, #tpu.memory_space<semaphore_mem>>) src(%arg6 : memref<128x128xf32, #tpu.memory_space<vmem>>) dst(%dma_wait3A_270 : memref<10240x128xf32, #tpu.memory_space<vmem_shared>>)
    }
    %scan3A_4 = arith.constant 5 : i32
    %barrier3A_5 = arith.constant 0 : index
    tpu.barrier barrier_id(%barrier3A_5)
    %mul3A_6 = arith.constant 640 : i32
    %mul3A_7 = arith.muli %arg1, %mul3A_6 : i32
    %mul3A_8 = arith.constant 10240 : i32
    %mul3A_9 = arith.muli %arg0, %mul3A_8 : i32
    %mul3A_10 = arith.constant 640 : i32
    %mul3A_11 = arith.muli %arg1, %mul3A_10 : i32
    %add3A = arith.addi %mul3A_9, %mul3A_11 : i32
    "tpu.region"() ({
      %run_scoped3A = tpu.sem_alloc : memref<!tpu.dma_semaphore, #tpu.memory_space<semaphore_mem>>
      %dma_start3A = arith.constant 0 : i32
      %dma_start3A_12 = tpu.memref_slice %arg5[%add3A, %dma_start3A] : memref<20480x128xf32, #tpu.memory_space<hbm>> -> memref<640x128xf32, #tpu.memory_space<hbm>>
      %dma_start3A_13 = arith.constant 0 : i32
      %dma_start3A_14 = tpu.memref_slice %arg8[%mul3A_7, %dma_start3A_13] : memref<10240x128xf32, #tpu.memory_space<vmem_shared>> -> memref<640x128xf32, #tpu.memory_space<vmem_shared>>
      tpu.enqueue_dma source(%dma_start3A_14 : memref<640x128xf32, #tpu.memory_space<vmem_shared>>) target(%dma_start3A_12 : memref<640x128xf32, #tpu.memory_space<hbm>>) target_semaphore(%run_scoped3A : memref<!tpu.dma_semaphore, #tpu.memory_space<semaphore_mem>>)
      %dma_wait3A = arith.constant 0 : i32
      %dma_wait3A_15 = tpu.memref_slice %arg5[%add3A, %dma_wait3A] : memref<20480x128xf32, #tpu.memory_space<hbm>> -> memref<640x128xf32, #tpu.memory_space<hbm>>
      %dma_wait3A_16 = arith.constant 0 : i32
      %dma_wait3A_17 = tpu.memref_slice %arg8[%mul3A_7, %dma_wait3A_16] : memref<10240x128xf32, #tpu.memory_space<vmem_shared>> -> memref<640x128xf32, #tpu.memory_space<vmem_shared>>
      tpu.wait_dma2 semaphore(%run_scoped3A : memref<!tpu.dma_semaphore, #tpu.memory_space<semaphore_mem>>) src(%dma_wait3A_17 : memref<640x128xf32, #tpu.memory_space<vmem_shared>>) dst(%dma_wait3A_15 : memref<640x128xf32, #tpu.memory_space<hbm>>)
      tpu.yield
    }) : () -> ()
    return
  }
}

#map = affine_map<(d0, d1) -> (0, 0)>
#map1 = affine_map<(d0, d1) -> (0, 0, 0, 0)>
module attributes {stable_mosaic.version = 14 : i64} {
  func.func @_agg_es(%arg0: i32, %arg1: i32, %arg2: memref<10240x128xf32, #tpu.memory_space<hbm>>, %arg3: memref<2x16x80x128xi32, #tpu.memory_space<hbm>>, %arg4: memref<2x16x80x128xi32, #tpu.memory_space<hbm>>, %arg5: memref<640x128xf32, #tpu.memory_space<hbm>>, %arg6: memref<20480x128xf32, #tpu.memory_space<hbm>>, %arg7: memref<16x128xi32, #tpu.memory_space<vmem>>, %arg8: memref<16x128xi32, #tpu.memory_space<vmem>>, %arg9: memref<128x128xf32, #tpu.memory_space<vmem>>, %arg10: memref<128x128xf32, #tpu.memory_space<vmem>>, %arg11: memref<10240x128xf32, #tpu.memory_space<vmem_shared>>, %arg12: memref<!tpu.dma_semaphore, #tpu.memory_space<semaphore_mem>>, %arg13: memref<!tpu.dma_semaphore, #tpu.memory_space<semaphore_mem>>, %arg14: memref<!tpu.dma_semaphore, #tpu.memory_space<semaphore_mem>>, %arg15: memref<!tpu.dma_semaphore, #tpu.memory_space<semaphore_mem>>) attributes {dimension_semantics = [#tpu.dimension_semantics<core_parallel>, #tpu.dimension_semantics<subcore_parallel>], iteration_bounds = array<i64: 2, 16>, scalar_prefetch = 0 : i64, scratch_operands = 9 : i64, tpu.core_type = #tpu.core_type<sc_vector_subcore>, window_params = [{transform_indices = #map}, {transform_indices = #map1}, {transform_indices = #map1}, {transform_indices = #map}, {transform_indices = #map}]} {
    %eq3A = arith.constant 0 : i32
    %eq3A_0 = arith.cmpi eq, %arg0, %eq3A : i32
    %convert_element_type3A = arith.extui %eq3A_0 : i1 to i32
    %cond3A = arith.constant 0 : i32
    %cond3A_1 = arith.cmpi ne, %convert_element_type3A, %cond3A : i32
    scf.if %cond3A_1 {
      %mul3A_17 = arith.constant 640 : i32
      %mul3A_18 = arith.muli %arg1, %mul3A_17 : i32
      %mul3A_19 = arith.constant 640 : i32
      %mul3A_20 = arith.muli %arg1, %mul3A_19 : i32
      "tpu.region"() ({
        %run_scoped3A = tpu.sem_alloc : memref<!tpu.dma_semaphore, #tpu.memory_space<semaphore_mem>>
        %dma_start3A = arith.constant 0 : i32
        %dma_start3A_21 = tpu.memref_slice %arg11[%mul3A_20, %dma_start3A] : memref<10240x128xf32, #tpu.memory_space<vmem_shared>> -> memref<640x128xf32, #tpu.memory_space<vmem_shared>>
        %dma_start3A_22 = arith.constant 0 : i32
        %dma_start3A_23 = tpu.memref_slice %arg2[%mul3A_18, %dma_start3A_22] : memref<10240x128xf32, #tpu.memory_space<hbm>> -> memref<640x128xf32, #tpu.memory_space<hbm>>
        tpu.enqueue_dma source(%dma_start3A_23 : memref<640x128xf32, #tpu.memory_space<hbm>>) target(%dma_start3A_21 : memref<640x128xf32, #tpu.memory_space<vmem_shared>>) target_semaphore(%run_scoped3A : memref<!tpu.dma_semaphore, #tpu.memory_space<semaphore_mem>>)
        %dma_wait3A = arith.constant 0 : i32
        %dma_wait3A_24 = tpu.memref_slice %arg11[%mul3A_20, %dma_wait3A] : memref<10240x128xf32, #tpu.memory_space<vmem_shared>> -> memref<640x128xf32, #tpu.memory_space<vmem_shared>>
        %dma_wait3A_25 = arith.constant 0 : i32
        %dma_wait3A_26 = tpu.memref_slice %arg2[%mul3A_18, %dma_wait3A_25] : memref<10240x128xf32, #tpu.memory_space<hbm>> -> memref<640x128xf32, #tpu.memory_space<hbm>>
        tpu.wait_dma2 semaphore(%run_scoped3A : memref<!tpu.dma_semaphore, #tpu.memory_space<semaphore_mem>>) src(%dma_wait3A_26 : memref<640x128xf32, #tpu.memory_space<hbm>>) dst(%dma_wait3A_24 : memref<640x128xf32, #tpu.memory_space<vmem_shared>>)
        tpu.yield
      }) : () -> ()
    } else {
    }
    %eq3A_2 = arith.constant 1 : i32
    %eq3A_3 = arith.cmpi eq, %arg0, %eq3A_2 : i32
    %convert_element_type3A_4 = arith.extui %eq3A_3 : i1 to i32
    %cond3A_5 = arith.constant 0 : i32
    %cond3A_6 = arith.cmpi ne, %convert_element_type3A_4, %cond3A_5 : i32
    scf.if %cond3A_6 {
      %mul3A_17 = arith.constant 640 : i32
      %mul3A_18 = arith.muli %arg1, %mul3A_17 : i32
      "tpu.region"() ({
        %run_scoped3A = tpu.sem_alloc : memref<!tpu.dma_semaphore, #tpu.memory_space<semaphore_mem>>
        %dma_start3A = arith.constant 0 : i32
        %dma_start3A_19 = tpu.memref_slice %arg11[%mul3A_18, %dma_start3A] : memref<10240x128xf32, #tpu.memory_space<vmem_shared>> -> memref<640x128xf32, #tpu.memory_space<vmem_shared>>
        tpu.enqueue_dma source(%arg5 : memref<640x128xf32, #tpu.memory_space<hbm>>) target(%dma_start3A_19 : memref<640x128xf32, #tpu.memory_space<vmem_shared>>) target_semaphore(%run_scoped3A : memref<!tpu.dma_semaphore, #tpu.memory_space<semaphore_mem>>)
        %dma_wait3A = arith.constant 0 : i32
        %dma_wait3A_20 = tpu.memref_slice %arg11[%mul3A_18, %dma_wait3A] : memref<10240x128xf32, #tpu.memory_space<vmem_shared>> -> memref<640x128xf32, #tpu.memory_space<vmem_shared>>
        tpu.wait_dma2 semaphore(%run_scoped3A : memref<!tpu.dma_semaphore, #tpu.memory_space<semaphore_mem>>) src(%arg5 : memref<640x128xf32, #tpu.memory_space<hbm>>) dst(%dma_wait3A_20 : memref<640x128xf32, #tpu.memory_space<vmem_shared>>)
        tpu.yield
      }) : () -> ()
    } else {
    }
    %barrier3A = arith.constant 0 : index
    tpu.barrier barrier_id(%barrier3A)
    %scan3A = arith.constant 0 : i32
    %scan3A_7 = arith.constant 5 : i32
    %scan3A_8 = arith.addi %scan3A, %scan3A_7 : i32
    %scan3A_9 = arith.constant 1 : i32
    scf.for %scan3A_17 = %scan3A to %scan3A_8 step %scan3A_9  : i32 {
      %mul3A_18 = arith.constant 1 : i32
      %mul3A_19 = arith.muli %scan3A_17, %mul3A_18 : i32
      %add3A_20 = arith.constant 0 : i32
      %add3A_21 = arith.addi %add3A_20, %mul3A_19 : i32
      %mul3A_22 = arith.constant 16 : i32
      %mul3A_23 = arith.muli %add3A_21, %mul3A_22 : i32
      "tpu.region"() ({
        %run_scoped3A = tpu.sem_alloc : memref<!tpu.dma_semaphore, #tpu.memory_space<semaphore_mem>>
        %dma_start3A_472 = arith.constant 0 : i32
        %dma_start3A_473 = tpu.memref_slice %arg3[%arg0, %arg1, %mul3A_23, %dma_start3A_472] : memref<2x16x80x128xi32, #tpu.memory_space<hbm>> -> memref<1x1x16x128xi32, #tpu.memory_space<hbm>>
        %dma_start3A_474 = tpu.memref_squeeze %dma_start3A_473 : memref<1x1x16x128xi32, #tpu.memory_space<hbm>> -> memref<16x128xi32, #tpu.memory_space<hbm>>
        %dma_start3A_475 = arith.constant 0 : i32
        %dma_start3A_476 = tpu.memref_slice %arg3[%arg0, %arg1, %mul3A_23, %dma_start3A_475] : memref<2x16x80x128xi32, #tpu.memory_space<hbm>> -> memref<1x1x16x128xi32, #tpu.memory_space<hbm>>
        %dma_start3A_477 = tpu.memref_squeeze %dma_start3A_476 : memref<1x1x16x128xi32, #tpu.memory_space<hbm>> -> memref<16x128xi32, #tpu.memory_space<hbm>>
        tpu.enqueue_dma source(%dma_start3A_477 : memref<16x128xi32, #tpu.memory_space<hbm>>) target(%arg7 : memref<16x128xi32, #tpu.memory_space<vmem>>) target_semaphore(%run_scoped3A : memref<!tpu.dma_semaphore, #tpu.memory_space<semaphore_mem>>)
        %dma_wait3A_478 = arith.constant 0 : i32
        %dma_wait3A_479 = tpu.memref_slice %arg3[%arg0, %arg1, %mul3A_23, %dma_wait3A_478] : memref<2x16x80x128xi32, #tpu.memory_space<hbm>> -> memref<1x1x16x128xi32, #tpu.memory_space<hbm>>
        %dma_wait3A_480 = tpu.memref_squeeze %dma_wait3A_479 : memref<1x1x16x128xi32, #tpu.memory_space<hbm>> -> memref<16x128xi32, #tpu.memory_space<hbm>>
        %dma_wait3A_481 = arith.constant 0 : i32
        %dma_wait3A_482 = tpu.memref_slice %arg3[%arg0, %arg1, %mul3A_23, %dma_wait3A_481] : memref<2x16x80x128xi32, #tpu.memory_space<hbm>> -> memref<1x1x16x128xi32, #tpu.memory_space<hbm>>
        %dma_wait3A_483 = tpu.memref_squeeze %dma_wait3A_482 : memref<1x1x16x128xi32, #tpu.memory_space<hbm>> -> memref<16x128xi32, #tpu.memory_space<hbm>>
        tpu.wait_dma2 semaphore(%run_scoped3A : memref<!tpu.dma_semaphore, #tpu.memory_space<semaphore_mem>>) src(%dma_wait3A_483 : memref<16x128xi32, #tpu.memory_space<hbm>>) dst(%arg7 : memref<16x128xi32, #tpu.memory_space<vmem>>)
        tpu.yield
      }) : () -> ()
      %mul3A_24 = arith.constant 16 : i32
      %mul3A_25 = arith.muli %add3A_21, %mul3A_24 : i32
      "tpu.region"() ({
        %run_scoped3A = tpu.sem_alloc : memref<!tpu.dma_semaphore, #tpu.memory_space<semaphore_mem>>
        %dma_start3A_472 = arith.constant 0 : i32
        %dma_start3A_473 = tpu.memref_slice %arg4[%arg0, %arg1, %mul3A_25, %dma_start3A_472] : memref<2x16x80x128xi32, #tpu.memory_space<hbm>> -> memref<1x1x16x128xi32, #tpu.memory_space<hbm>>
        %dma_start3A_474 = tpu.memref_squeeze %dma_start3A_473 : memref<1x1x16x128xi32, #tpu.memory_space<hbm>> -> memref<16x128xi32, #tpu.memory_space<hbm>>
        %dma_start3A_475 = arith.constant 0 : i32
        %dma_start3A_476 = tpu.memref_slice %arg4[%arg0, %arg1, %mul3A_25, %dma_start3A_475] : memref<2x16x80x128xi32, #tpu.memory_space<hbm>> -> memref<1x1x16x128xi32, #tpu.memory_space<hbm>>
        %dma_start3A_477 = tpu.memref_squeeze %dma_start3A_476 : memref<1x1x16x128xi32, #tpu.memory_space<hbm>> -> memref<16x128xi32, #tpu.memory_space<hbm>>
        tpu.enqueue_dma source(%dma_start3A_477 : memref<16x128xi32, #tpu.memory_space<hbm>>) target(%arg8 : memref<16x128xi32, #tpu.memory_space<vmem>>) target_semaphore(%run_scoped3A : memref<!tpu.dma_semaphore, #tpu.memory_space<semaphore_mem>>)
        %dma_wait3A_478 = arith.constant 0 : i32
        %dma_wait3A_479 = tpu.memref_slice %arg4[%arg0, %arg1, %mul3A_25, %dma_wait3A_478] : memref<2x16x80x128xi32, #tpu.memory_space<hbm>> -> memref<1x1x16x128xi32, #tpu.memory_space<hbm>>
        %dma_wait3A_480 = tpu.memref_squeeze %dma_wait3A_479 : memref<1x1x16x128xi32, #tpu.memory_space<hbm>> -> memref<16x128xi32, #tpu.memory_space<hbm>>
        %dma_wait3A_481 = arith.constant 0 : i32
        %dma_wait3A_482 = tpu.memref_slice %arg4[%arg0, %arg1, %mul3A_25, %dma_wait3A_481] : memref<2x16x80x128xi32, #tpu.memory_space<hbm>> -> memref<1x1x16x128xi32, #tpu.memory_space<hbm>>
        %dma_wait3A_483 = tpu.memref_squeeze %dma_wait3A_482 : memref<1x1x16x128xi32, #tpu.memory_space<hbm>> -> memref<16x128xi32, #tpu.memory_space<hbm>>
        tpu.wait_dma2 semaphore(%run_scoped3A : memref<!tpu.dma_semaphore, #tpu.memory_space<semaphore_mem>>) src(%dma_wait3A_483 : memref<16x128xi32, #tpu.memory_space<hbm>>) dst(%arg8 : memref<16x128xi32, #tpu.memory_space<vmem>>)
        tpu.yield
      }) : () -> ()
      %dma_start3A = arith.constant 0 : i32
      %dma_start3A_26 = arith.constant 0 : i32
      %dma_start3A_27 = tpu.memref_slice %arg7[%dma_start3A, %dma_start3A_26] : memref<16x128xi32, #tpu.memory_space<vmem>> -> memref<1x128xi32, #tpu.memory_space<vmem>>
      %dma_start3A_28 = tpu.memref_squeeze %dma_start3A_27 : memref<1x128xi32, #tpu.memory_space<vmem>> -> memref<128xi32, #tpu.memory_space<vmem>>
      %dma_start3A_29 = arith.constant 0 : i32
      %dma_start3A_30 = arith.constant 0 : i32
      %dma_start3A_31 = tpu.memref_slice %arg2[%dma_start3A_29, %dma_start3A_30] : memref<10240x128xf32, #tpu.memory_space<hbm>> -> memref<10240x128xf32, #tpu.memory_space<hbm>>
      tpu.enqueue_indirect_dma source(%dma_start3A_31 : memref<10240x128xf32, #tpu.memory_space<hbm>>) target(%arg9 : memref<128x128xf32, #tpu.memory_space<vmem>>) offsets(%dma_start3A_28 : memref<128xi32, #tpu.memory_space<vmem>>) semaphore(%arg12 : memref<!tpu.dma_semaphore, #tpu.memory_space<semaphore_mem>>)
      %dma_start3A_32 = arith.constant 1 : i32
      %dma_start3A_33 = arith.constant 0 : i32
      %dma_start3A_34 = tpu.memref_slice %arg7[%dma_start3A_32, %dma_start3A_33] : memref<16x128xi32, #tpu.memory_space<vmem>> -> memref<1x128xi32, #tpu.memory_space<vmem>>
      %dma_start3A_35 = tpu.memref_squeeze %dma_start3A_34 : memref<1x128xi32, #tpu.memory_space<vmem>> -> memref<128xi32, #tpu.memory_space<vmem>>
      %dma_start3A_36 = arith.constant 0 : i32
      %dma_start3A_37 = arith.constant 0 : i32
      %dma_start3A_38 = tpu.memref_slice %arg2[%dma_start3A_36, %dma_start3A_37] : memref<10240x128xf32, #tpu.memory_space<hbm>> -> memref<10240x128xf32, #tpu.memory_space<hbm>>
      tpu.enqueue_indirect_dma source(%dma_start3A_38 : memref<10240x128xf32, #tpu.memory_space<hbm>>) target(%arg10 : memref<128x128xf32, #tpu.memory_space<vmem>>) offsets(%dma_start3A_35 : memref<128xi32, #tpu.memory_space<vmem>>) semaphore(%arg13 : memref<!tpu.dma_semaphore, #tpu.memory_space<semaphore_mem>>)
      %dma_wait3A = arith.constant 0 : i32
      %dma_wait3A_39 = arith.constant 0 : i32
      %dma_wait3A_40 = tpu.memref_slice %arg7[%dma_wait3A, %dma_wait3A_39] : memref<16x128xi32, #tpu.memory_space<vmem>> -> memref<1x128xi32, #tpu.memory_space<vmem>>
      %dma_wait3A_41 = tpu.memref_squeeze %dma_wait3A_40 : memref<1x128xi32, #tpu.memory_space<vmem>> -> memref<128xi32, #tpu.memory_space<vmem>>
      %dma_wait3A_42 = arith.constant 0 : i32
      %dma_wait3A_43 = arith.constant 0 : i32
      %dma_wait3A_44 = tpu.memref_slice %arg2[%dma_wait3A_42, %dma_wait3A_43] : memref<10240x128xf32, #tpu.memory_space<hbm>> -> memref<10240x128xf32, #tpu.memory_space<hbm>>
      tpu.wait_indirect_dma semaphore(%arg12 : memref<!tpu.dma_semaphore, #tpu.memory_space<semaphore_mem>>) src(%dma_wait3A_44 : memref<10240x128xf32, #tpu.memory_space<hbm>>) dst(%arg9 : memref<128x128xf32, #tpu.memory_space<vmem>>)
      %dma_start3A_45 = arith.constant 0 : i32
      %dma_start3A_46 = arith.constant 0 : i32
      %dma_start3A_47 = tpu.memref_slice %arg8[%dma_start3A_45, %dma_start3A_46] : memref<16x128xi32, #tpu.memory_space<vmem>> -> memref<1x128xi32, #tpu.memory_space<vmem>>
      %dma_start3A_48 = tpu.memref_squeeze %dma_start3A_47 : memref<1x128xi32, #tpu.memory_space<vmem>> -> memref<128xi32, #tpu.memory_space<vmem>>
      %dma_start3A_49 = arith.constant 0 : i32
      %dma_start3A_50 = arith.constant 0 : i32
      %dma_start3A_51 = tpu.memref_slice %arg11[%dma_start3A_49, %dma_start3A_50] : memref<10240x128xf32, #tpu.memory_space<vmem_shared>> -> memref<10240x128xf32, #tpu.memory_space<vmem_shared>>
      tpu.enqueue_indirect_dma source(%arg9 : memref<128x128xf32, #tpu.memory_space<vmem>>) target(%dma_start3A_51 : memref<10240x128xf32, #tpu.memory_space<vmem_shared>>) offsets(%dma_start3A_48 : memref<128xi32, #tpu.memory_space<vmem>>) semaphore(%arg14 : memref<!tpu.dma_semaphore, #tpu.memory_space<semaphore_mem>>) {add = true}
      %dma_wait3A_52 = arith.constant 0 : i32
      %dma_wait3A_53 = arith.constant 0 : i32
      %dma_wait3A_54 = tpu.memref_slice %arg8[%dma_wait3A_52, %dma_wait3A_53] : memref<16x128xi32, #tpu.memory_space<vmem>> -> memref<1x128xi32, #tpu.memory_space<vmem>>
      %dma_wait3A_55 = tpu.memref_squeeze %dma_wait3A_54 : memref<1x128xi32, #tpu.memory_space<vmem>> -> memref<128xi32, #tpu.memory_space<vmem>>
      %dma_wait3A_56 = arith.constant 0 : i32
      %dma_wait3A_57 = arith.constant 0 : i32
      %dma_wait3A_58 = tpu.memref_slice %arg11[%dma_wait3A_56, %dma_wait3A_57] : memref<10240x128xf32, #tpu.memory_space<vmem_shared>> -> memref<10240x128xf32, #tpu.memory_space<vmem_shared>>
      tpu.wait_indirect_dma semaphore(%arg14 : memref<!tpu.dma_semaphore, #tpu.memory_space<semaphore_mem>>) src(%arg9 : memref<128x128xf32, #tpu.memory_space<vmem>>) dst(%dma_wait3A_58 : memref<10240x128xf32, #tpu.memory_space<vmem_shared>>)
      %dma_start3A_59 = arith.constant 2 : i32
      %dma_start3A_60 = arith.constant 0 : i32
      %dma_start3A_61 = tpu.memref_slice %arg7[%dma_start3A_59, %dma_start3A_60] : memref<16x128xi32, #tpu.memory_space<vmem>> -> memref<1x128xi32, #tpu.memory_space<vmem>>
      %dma_start3A_62 = tpu.memref_squeeze %dma_start3A_61 : memref<1x128xi32, #tpu.memory_space<vmem>> -> memref<128xi32, #tpu.memory_space<vmem>>
      %dma_start3A_63 = arith.constant 0 : i32
      %dma_start3A_64 = arith.constant 0 : i32
      %dma_start3A_65 = tpu.memref_slice %arg2[%dma_start3A_63, %dma_start3A_64] : memref<10240x128xf32, #tpu.memory_space<hbm>> -> memref<10240x128xf32, #tpu.memory_space<hbm>>
      tpu.enqueue_indirect_dma source(%dma_start3A_65 : memref<10240x128xf32, #tpu.memory_space<hbm>>) target(%arg9 : memref<128x128xf32, #tpu.memory_space<vmem>>) offsets(%dma_start3A_62 : memref<128xi32, #tpu.memory_space<vmem>>) semaphore(%arg12 : memref<!tpu.dma_semaphore, #tpu.memory_space<semaphore_mem>>)
      %dma_wait3A_66 = arith.constant 1 : i32
      %dma_wait3A_67 = arith.constant 0 : i32
      %dma_wait3A_68 = tpu.memref_slice %arg7[%dma_wait3A_66, %dma_wait3A_67] : memref<16x128xi32, #tpu.memory_space<vmem>> -> memref<1x128xi32, #tpu.memory_space<vmem>>
      %dma_wait3A_69 = tpu.memref_squeeze %dma_wait3A_68 : memref<1x128xi32, #tpu.memory_space<vmem>> -> memref<128xi32, #tpu.memory_space<vmem>>
      %dma_wait3A_70 = arith.constant 0 : i32
      %dma_wait3A_71 = arith.constant 0 : i32
      %dma_wait3A_72 = tpu.memref_slice %arg2[%dma_wait3A_70, %dma_wait3A_71] : memref<10240x128xf32, #tpu.memory_space<hbm>> -> memref<10240x128xf32, #tpu.memory_space<hbm>>
      tpu.wait_indirect_dma semaphore(%arg13 : memref<!tpu.dma_semaphore, #tpu.memory_space<semaphore_mem>>) src(%dma_wait3A_72 : memref<10240x128xf32, #tpu.memory_space<hbm>>) dst(%arg10 : memref<128x128xf32, #tpu.memory_space<vmem>>)
      %dma_start3A_73 = arith.constant 1 : i32
      %dma_start3A_74 = arith.constant 0 : i32
      %dma_start3A_75 = tpu.memref_slice %arg8[%dma_start3A_73, %dma_start3A_74] : memref<16x128xi32, #tpu.memory_space<vmem>> -> memref<1x128xi32, #tpu.memory_space<vmem>>
      %dma_start3A_76 = tpu.memref_squeeze %dma_start3A_75 : memref<1x128xi32, #tpu.memory_space<vmem>> -> memref<128xi32, #tpu.memory_space<vmem>>
      %dma_start3A_77 = arith.constant 0 : i32
      %dma_start3A_78 = arith.constant 0 : i32
      %dma_start3A_79 = tpu.memref_slice %arg11[%dma_start3A_77, %dma_start3A_78] : memref<10240x128xf32, #tpu.memory_space<vmem_shared>> -> memref<10240x128xf32, #tpu.memory_space<vmem_shared>>
      tpu.enqueue_indirect_dma source(%arg10 : memref<128x128xf32, #tpu.memory_space<vmem>>) target(%dma_start3A_79 : memref<10240x128xf32, #tpu.memory_space<vmem_shared>>) offsets(%dma_start3A_76 : memref<128xi32, #tpu.memory_space<vmem>>) semaphore(%arg15 : memref<!tpu.dma_semaphore, #tpu.memory_space<semaphore_mem>>) {add = true}
      %dma_wait3A_80 = arith.constant 1 : i32
      %dma_wait3A_81 = arith.constant 0 : i32
      %dma_wait3A_82 = tpu.memref_slice %arg8[%dma_wait3A_80, %dma_wait3A_81] : memref<16x128xi32, #tpu.memory_space<vmem>> -> memref<1x128xi32, #tpu.memory_space<vmem>>
      %dma_wait3A_83 = tpu.memref_squeeze %dma_wait3A_82 : memref<1x128xi32, #tpu.memory_space<vmem>> -> memref<128xi32, #tpu.memory_space<vmem>>
      %dma_wait3A_84 = arith.constant 0 : i32
      %dma_wait3A_85 = arith.constant 0 : i32
      %dma_wait3A_86 = tpu.memref_slice %arg11[%dma_wait3A_84, %dma_wait3A_85] : memref<10240x128xf32, #tpu.memory_space<vmem_shared>> -> memref<10240x128xf32, #tpu.memory_space<vmem_shared>>
      tpu.wait_indirect_dma semaphore(%arg15 : memref<!tpu.dma_semaphore, #tpu.memory_space<semaphore_mem>>) src(%arg10 : memref<128x128xf32, #tpu.memory_space<vmem>>) dst(%dma_wait3A_86 : memref<10240x128xf32, #tpu.memory_space<vmem_shared>>)
      %dma_start3A_87 = arith.constant 3 : i32
      %dma_start3A_88 = arith.constant 0 : i32
      %dma_start3A_89 = tpu.memref_slice %arg7[%dma_start3A_87, %dma_start3A_88] : memref<16x128xi32, #tpu.memory_space<vmem>> -> memref<1x128xi32, #tpu.memory_space<vmem>>
      %dma_start3A_90 = tpu.memref_squeeze %dma_start3A_89 : memref<1x128xi32, #tpu.memory_space<vmem>> -> memref<128xi32, #tpu.memory_space<vmem>>
      %dma_start3A_91 = arith.constant 0 : i32
      %dma_start3A_92 = arith.constant 0 : i32
      %dma_start3A_93 = tpu.memref_slice %arg2[%dma_start3A_91, %dma_start3A_92] : memref<10240x128xf32, #tpu.memory_space<hbm>> -> memref<10240x128xf32, #tpu.memory_space<hbm>>
      tpu.enqueue_indirect_dma source(%dma_start3A_93 : memref<10240x128xf32, #tpu.memory_space<hbm>>) target(%arg10 : memref<128x128xf32, #tpu.memory_space<vmem>>) offsets(%dma_start3A_90 : memref<128xi32, #tpu.memory_space<vmem>>) semaphore(%arg13 : memref<!tpu.dma_semaphore, #tpu.memory_space<semaphore_mem>>)
      %dma_wait3A_94 = arith.constant 2 : i32
      %dma_wait3A_95 = arith.constant 0 : i32
      %dma_wait3A_96 = tpu.memref_slice %arg7[%dma_wait3A_94, %dma_wait3A_95] : memref<16x128xi32, #tpu.memory_space<vmem>> -> memref<1x128xi32, #tpu.memory_space<vmem>>
      %dma_wait3A_97 = tpu.memref_squeeze %dma_wait3A_96 : memref<1x128xi32, #tpu.memory_space<vmem>> -> memref<128xi32, #tpu.memory_space<vmem>>
      %dma_wait3A_98 = arith.constant 0 : i32
      %dma_wait3A_99 = arith.constant 0 : i32
      %dma_wait3A_100 = tpu.memref_slice %arg2[%dma_wait3A_98, %dma_wait3A_99] : memref<10240x128xf32, #tpu.memory_space<hbm>> -> memref<10240x128xf32, #tpu.memory_space<hbm>>
      tpu.wait_indirect_dma semaphore(%arg12 : memref<!tpu.dma_semaphore, #tpu.memory_space<semaphore_mem>>) src(%dma_wait3A_100 : memref<10240x128xf32, #tpu.memory_space<hbm>>) dst(%arg9 : memref<128x128xf32, #tpu.memory_space<vmem>>)
      %dma_start3A_101 = arith.constant 2 : i32
      %dma_start3A_102 = arith.constant 0 : i32
      %dma_start3A_103 = tpu.memref_slice %arg8[%dma_start3A_101, %dma_start3A_102] : memref<16x128xi32, #tpu.memory_space<vmem>> -> memref<1x128xi32, #tpu.memory_space<vmem>>
      %dma_start3A_104 = tpu.memref_squeeze %dma_start3A_103 : memref<1x128xi32, #tpu.memory_space<vmem>> -> memref<128xi32, #tpu.memory_space<vmem>>
      %dma_start3A_105 = arith.constant 0 : i32
      %dma_start3A_106 = arith.constant 0 : i32
      %dma_start3A_107 = tpu.memref_slice %arg11[%dma_start3A_105, %dma_start3A_106] : memref<10240x128xf32, #tpu.memory_space<vmem_shared>> -> memref<10240x128xf32, #tpu.memory_space<vmem_shared>>
      tpu.enqueue_indirect_dma source(%arg9 : memref<128x128xf32, #tpu.memory_space<vmem>>) target(%dma_start3A_107 : memref<10240x128xf32, #tpu.memory_space<vmem_shared>>) offsets(%dma_start3A_104 : memref<128xi32, #tpu.memory_space<vmem>>) semaphore(%arg14 : memref<!tpu.dma_semaphore, #tpu.memory_space<semaphore_mem>>) {add = true}
      %dma_wait3A_108 = arith.constant 2 : i32
      %dma_wait3A_109 = arith.constant 0 : i32
      %dma_wait3A_110 = tpu.memref_slice %arg8[%dma_wait3A_108, %dma_wait3A_109] : memref<16x128xi32, #tpu.memory_space<vmem>> -> memref<1x128xi32, #tpu.memory_space<vmem>>
      %dma_wait3A_111 = tpu.memref_squeeze %dma_wait3A_110 : memref<1x128xi32, #tpu.memory_space<vmem>> -> memref<128xi32, #tpu.memory_space<vmem>>
      %dma_wait3A_112 = arith.constant 0 : i32
      %dma_wait3A_113 = arith.constant 0 : i32
      %dma_wait3A_114 = tpu.memref_slice %arg11[%dma_wait3A_112, %dma_wait3A_113] : memref<10240x128xf32, #tpu.memory_space<vmem_shared>> -> memref<10240x128xf32, #tpu.memory_space<vmem_shared>>
      tpu.wait_indirect_dma semaphore(%arg14 : memref<!tpu.dma_semaphore, #tpu.memory_space<semaphore_mem>>) src(%arg9 : memref<128x128xf32, #tpu.memory_space<vmem>>) dst(%dma_wait3A_114 : memref<10240x128xf32, #tpu.memory_space<vmem_shared>>)
      %dma_start3A_115 = arith.constant 4 : i32
      %dma_start3A_116 = arith.constant 0 : i32
      %dma_start3A_117 = tpu.memref_slice %arg7[%dma_start3A_115, %dma_start3A_116] : memref<16x128xi32, #tpu.memory_space<vmem>> -> memref<1x128xi32, #tpu.memory_space<vmem>>
      %dma_start3A_118 = tpu.memref_squeeze %dma_start3A_117 : memref<1x128xi32, #tpu.memory_space<vmem>> -> memref<128xi32, #tpu.memory_space<vmem>>
      %dma_start3A_119 = arith.constant 0 : i32
      %dma_start3A_120 = arith.constant 0 : i32
      %dma_start3A_121 = tpu.memref_slice %arg2[%dma_start3A_119, %dma_start3A_120] : memref<10240x128xf32, #tpu.memory_space<hbm>> -> memref<10240x128xf32, #tpu.memory_space<hbm>>
      tpu.enqueue_indirect_dma source(%dma_start3A_121 : memref<10240x128xf32, #tpu.memory_space<hbm>>) target(%arg9 : memref<128x128xf32, #tpu.memory_space<vmem>>) offsets(%dma_start3A_118 : memref<128xi32, #tpu.memory_space<vmem>>) semaphore(%arg12 : memref<!tpu.dma_semaphore, #tpu.memory_space<semaphore_mem>>)
      %dma_wait3A_122 = arith.constant 3 : i32
      %dma_wait3A_123 = arith.constant 0 : i32
      %dma_wait3A_124 = tpu.memref_slice %arg7[%dma_wait3A_122, %dma_wait3A_123] : memref<16x128xi32, #tpu.memory_space<vmem>> -> memref<1x128xi32, #tpu.memory_space<vmem>>
      %dma_wait3A_125 = tpu.memref_squeeze %dma_wait3A_124 : memref<1x128xi32, #tpu.memory_space<vmem>> -> memref<128xi32, #tpu.memory_space<vmem>>
      %dma_wait3A_126 = arith.constant 0 : i32
      %dma_wait3A_127 = arith.constant 0 : i32
      %dma_wait3A_128 = tpu.memref_slice %arg2[%dma_wait3A_126, %dma_wait3A_127] : memref<10240x128xf32, #tpu.memory_space<hbm>> -> memref<10240x128xf32, #tpu.memory_space<hbm>>
      tpu.wait_indirect_dma semaphore(%arg13 : memref<!tpu.dma_semaphore, #tpu.memory_space<semaphore_mem>>) src(%dma_wait3A_128 : memref<10240x128xf32, #tpu.memory_space<hbm>>) dst(%arg10 : memref<128x128xf32, #tpu.memory_space<vmem>>)
      %dma_start3A_129 = arith.constant 3 : i32
      %dma_start3A_130 = arith.constant 0 : i32
      %dma_start3A_131 = tpu.memref_slice %arg8[%dma_start3A_129, %dma_start3A_130] : memref<16x128xi32, #tpu.memory_space<vmem>> -> memref<1x128xi32, #tpu.memory_space<vmem>>
      %dma_start3A_132 = tpu.memref_squeeze %dma_start3A_131 : memref<1x128xi32, #tpu.memory_space<vmem>> -> memref<128xi32, #tpu.memory_space<vmem>>
      %dma_start3A_133 = arith.constant 0 : i32
      %dma_start3A_134 = arith.constant 0 : i32
      %dma_start3A_135 = tpu.memref_slice %arg11[%dma_start3A_133, %dma_start3A_134] : memref<10240x128xf32, #tpu.memory_space<vmem_shared>> -> memref<10240x128xf32, #tpu.memory_space<vmem_shared>>
      tpu.enqueue_indirect_dma source(%arg10 : memref<128x128xf32, #tpu.memory_space<vmem>>) target(%dma_start3A_135 : memref<10240x128xf32, #tpu.memory_space<vmem_shared>>) offsets(%dma_start3A_132 : memref<128xi32, #tpu.memory_space<vmem>>) semaphore(%arg15 : memref<!tpu.dma_semaphore, #tpu.memory_space<semaphore_mem>>) {add = true}
      %dma_wait3A_136 = arith.constant 3 : i32
      %dma_wait3A_137 = arith.constant 0 : i32
      %dma_wait3A_138 = tpu.memref_slice %arg8[%dma_wait3A_136, %dma_wait3A_137] : memref<16x128xi32, #tpu.memory_space<vmem>> -> memref<1x128xi32, #tpu.memory_space<vmem>>
      %dma_wait3A_139 = tpu.memref_squeeze %dma_wait3A_138 : memref<1x128xi32, #tpu.memory_space<vmem>> -> memref<128xi32, #tpu.memory_space<vmem>>
      %dma_wait3A_140 = arith.constant 0 : i32
      %dma_wait3A_141 = arith.constant 0 : i32
      %dma_wait3A_142 = tpu.memref_slice %arg11[%dma_wait3A_140, %dma_wait3A_141] : memref<10240x128xf32, #tpu.memory_space<vmem_shared>> -> memref<10240x128xf32, #tpu.memory_space<vmem_shared>>
      tpu.wait_indirect_dma semaphore(%arg15 : memref<!tpu.dma_semaphore, #tpu.memory_space<semaphore_mem>>) src(%arg10 : memref<128x128xf32, #tpu.memory_space<vmem>>) dst(%dma_wait3A_142 : memref<10240x128xf32, #tpu.memory_space<vmem_shared>>)
      %dma_start3A_143 = arith.constant 5 : i32
      %dma_start3A_144 = arith.constant 0 : i32
      %dma_start3A_145 = tpu.memref_slice %arg7[%dma_start3A_143, %dma_start3A_144] : memref<16x128xi32, #tpu.memory_space<vmem>> -> memref<1x128xi32, #tpu.memory_space<vmem>>
      %dma_start3A_146 = tpu.memref_squeeze %dma_start3A_145 : memref<1x128xi32, #tpu.memory_space<vmem>> -> memref<128xi32, #tpu.memory_space<vmem>>
      %dma_start3A_147 = arith.constant 0 : i32
      %dma_start3A_148 = arith.constant 0 : i32
      %dma_start3A_149 = tpu.memref_slice %arg2[%dma_start3A_147, %dma_start3A_148] : memref<10240x128xf32, #tpu.memory_space<hbm>> -> memref<10240x128xf32, #tpu.memory_space<hbm>>
      tpu.enqueue_indirect_dma source(%dma_start3A_149 : memref<10240x128xf32, #tpu.memory_space<hbm>>) target(%arg10 : memref<128x128xf32, #tpu.memory_space<vmem>>) offsets(%dma_start3A_146 : memref<128xi32, #tpu.memory_space<vmem>>) semaphore(%arg13 : memref<!tpu.dma_semaphore, #tpu.memory_space<semaphore_mem>>)
      %dma_wait3A_150 = arith.constant 4 : i32
      %dma_wait3A_151 = arith.constant 0 : i32
      %dma_wait3A_152 = tpu.memref_slice %arg7[%dma_wait3A_150, %dma_wait3A_151] : memref<16x128xi32, #tpu.memory_space<vmem>> -> memref<1x128xi32, #tpu.memory_space<vmem>>
      %dma_wait3A_153 = tpu.memref_squeeze %dma_wait3A_152 : memref<1x128xi32, #tpu.memory_space<vmem>> -> memref<128xi32, #tpu.memory_space<vmem>>
      %dma_wait3A_154 = arith.constant 0 : i32
      %dma_wait3A_155 = arith.constant 0 : i32
      %dma_wait3A_156 = tpu.memref_slice %arg2[%dma_wait3A_154, %dma_wait3A_155] : memref<10240x128xf32, #tpu.memory_space<hbm>> -> memref<10240x128xf32, #tpu.memory_space<hbm>>
      tpu.wait_indirect_dma semaphore(%arg12 : memref<!tpu.dma_semaphore, #tpu.memory_space<semaphore_mem>>) src(%dma_wait3A_156 : memref<10240x128xf32, #tpu.memory_space<hbm>>) dst(%arg9 : memref<128x128xf32, #tpu.memory_space<vmem>>)
      %dma_start3A_157 = arith.constant 4 : i32
      %dma_start3A_158 = arith.constant 0 : i32
      %dma_start3A_159 = tpu.memref_slice %arg8[%dma_start3A_157, %dma_start3A_158] : memref<16x128xi32, #tpu.memory_space<vmem>> -> memref<1x128xi32, #tpu.memory_space<vmem>>
      %dma_start3A_160 = tpu.memref_squeeze %dma_start3A_159 : memref<1x128xi32, #tpu.memory_space<vmem>> -> memref<128xi32, #tpu.memory_space<vmem>>
      %dma_start3A_161 = arith.constant 0 : i32
      %dma_start3A_162 = arith.constant 0 : i32
      %dma_start3A_163 = tpu.memref_slice %arg11[%dma_start3A_161, %dma_start3A_162] : memref<10240x128xf32, #tpu.memory_space<vmem_shared>> -> memref<10240x128xf32, #tpu.memory_space<vmem_shared>>
      tpu.enqueue_indirect_dma source(%arg9 : memref<128x128xf32, #tpu.memory_space<vmem>>) target(%dma_start3A_163 : memref<10240x128xf32, #tpu.memory_space<vmem_shared>>) offsets(%dma_start3A_160 : memref<128xi32, #tpu.memory_space<vmem>>) semaphore(%arg14 : memref<!tpu.dma_semaphore, #tpu.memory_space<semaphore_mem>>) {add = true}
      %dma_wait3A_164 = arith.constant 4 : i32
      %dma_wait3A_165 = arith.constant 0 : i32
      %dma_wait3A_166 = tpu.memref_slice %arg8[%dma_wait3A_164, %dma_wait3A_165] : memref<16x128xi32, #tpu.memory_space<vmem>> -> memref<1x128xi32, #tpu.memory_space<vmem>>
      %dma_wait3A_167 = tpu.memref_squeeze %dma_wait3A_166 : memref<1x128xi32, #tpu.memory_space<vmem>> -> memref<128xi32, #tpu.memory_space<vmem>>
      %dma_wait3A_168 = arith.constant 0 : i32
      %dma_wait3A_169 = arith.constant 0 : i32
      %dma_wait3A_170 = tpu.memref_slice %arg11[%dma_wait3A_168, %dma_wait3A_169] : memref<10240x128xf32, #tpu.memory_space<vmem_shared>> -> memref<10240x128xf32, #tpu.memory_space<vmem_shared>>
      tpu.wait_indirect_dma semaphore(%arg14 : memref<!tpu.dma_semaphore, #tpu.memory_space<semaphore_mem>>) src(%arg9 : memref<128x128xf32, #tpu.memory_space<vmem>>) dst(%dma_wait3A_170 : memref<10240x128xf32, #tpu.memory_space<vmem_shared>>)
      %dma_start3A_171 = arith.constant 6 : i32
      %dma_start3A_172 = arith.constant 0 : i32
      %dma_start3A_173 = tpu.memref_slice %arg7[%dma_start3A_171, %dma_start3A_172] : memref<16x128xi32, #tpu.memory_space<vmem>> -> memref<1x128xi32, #tpu.memory_space<vmem>>
      %dma_start3A_174 = tpu.memref_squeeze %dma_start3A_173 : memref<1x128xi32, #tpu.memory_space<vmem>> -> memref<128xi32, #tpu.memory_space<vmem>>
      %dma_start3A_175 = arith.constant 0 : i32
      %dma_start3A_176 = arith.constant 0 : i32
      %dma_start3A_177 = tpu.memref_slice %arg2[%dma_start3A_175, %dma_start3A_176] : memref<10240x128xf32, #tpu.memory_space<hbm>> -> memref<10240x128xf32, #tpu.memory_space<hbm>>
      tpu.enqueue_indirect_dma source(%dma_start3A_177 : memref<10240x128xf32, #tpu.memory_space<hbm>>) target(%arg9 : memref<128x128xf32, #tpu.memory_space<vmem>>) offsets(%dma_start3A_174 : memref<128xi32, #tpu.memory_space<vmem>>) semaphore(%arg12 : memref<!tpu.dma_semaphore, #tpu.memory_space<semaphore_mem>>)
      %dma_wait3A_178 = arith.constant 5 : i32
      %dma_wait3A_179 = arith.constant 0 : i32
      %dma_wait3A_180 = tpu.memref_slice %arg7[%dma_wait3A_178, %dma_wait3A_179] : memref<16x128xi32, #tpu.memory_space<vmem>> -> memref<1x128xi32, #tpu.memory_space<vmem>>
      %dma_wait3A_181 = tpu.memref_squeeze %dma_wait3A_180 : memref<1x128xi32, #tpu.memory_space<vmem>> -> memref<128xi32, #tpu.memory_space<vmem>>
      %dma_wait3A_182 = arith.constant 0 : i32
      %dma_wait3A_183 = arith.constant 0 : i32
      %dma_wait3A_184 = tpu.memref_slice %arg2[%dma_wait3A_182, %dma_wait3A_183] : memref<10240x128xf32, #tpu.memory_space<hbm>> -> memref<10240x128xf32, #tpu.memory_space<hbm>>
      tpu.wait_indirect_dma semaphore(%arg13 : memref<!tpu.dma_semaphore, #tpu.memory_space<semaphore_mem>>) src(%dma_wait3A_184 : memref<10240x128xf32, #tpu.memory_space<hbm>>) dst(%arg10 : memref<128x128xf32, #tpu.memory_space<vmem>>)
      %dma_start3A_185 = arith.constant 5 : i32
      %dma_start3A_186 = arith.constant 0 : i32
      %dma_start3A_187 = tpu.memref_slice %arg8[%dma_start3A_185, %dma_start3A_186] : memref<16x128xi32, #tpu.memory_space<vmem>> -> memref<1x128xi32, #tpu.memory_space<vmem>>
      %dma_start3A_188 = tpu.memref_squeeze %dma_start3A_187 : memref<1x128xi32, #tpu.memory_space<vmem>> -> memref<128xi32, #tpu.memory_space<vmem>>
      %dma_start3A_189 = arith.constant 0 : i32
      %dma_start3A_190 = arith.constant 0 : i32
      %dma_start3A_191 = tpu.memref_slice %arg11[%dma_start3A_189, %dma_start3A_190] : memref<10240x128xf32, #tpu.memory_space<vmem_shared>> -> memref<10240x128xf32, #tpu.memory_space<vmem_shared>>
      tpu.enqueue_indirect_dma source(%arg10 : memref<128x128xf32, #tpu.memory_space<vmem>>) target(%dma_start3A_191 : memref<10240x128xf32, #tpu.memory_space<vmem_shared>>) offsets(%dma_start3A_188 : memref<128xi32, #tpu.memory_space<vmem>>) semaphore(%arg15 : memref<!tpu.dma_semaphore, #tpu.memory_space<semaphore_mem>>) {add = true}
      %dma_wait3A_192 = arith.constant 5 : i32
      %dma_wait3A_193 = arith.constant 0 : i32
      %dma_wait3A_194 = tpu.memref_slice %arg8[%dma_wait3A_192, %dma_wait3A_193] : memref<16x128xi32, #tpu.memory_space<vmem>> -> memref<1x128xi32, #tpu.memory_space<vmem>>
      %dma_wait3A_195 = tpu.memref_squeeze %dma_wait3A_194 : memref<1x128xi32, #tpu.memory_space<vmem>> -> memref<128xi32, #tpu.memory_space<vmem>>
      %dma_wait3A_196 = arith.constant 0 : i32
      %dma_wait3A_197 = arith.constant 0 : i32
      %dma_wait3A_198 = tpu.memref_slice %arg11[%dma_wait3A_196, %dma_wait3A_197] : memref<10240x128xf32, #tpu.memory_space<vmem_shared>> -> memref<10240x128xf32, #tpu.memory_space<vmem_shared>>
      tpu.wait_indirect_dma semaphore(%arg15 : memref<!tpu.dma_semaphore, #tpu.memory_space<semaphore_mem>>) src(%arg10 : memref<128x128xf32, #tpu.memory_space<vmem>>) dst(%dma_wait3A_198 : memref<10240x128xf32, #tpu.memory_space<vmem_shared>>)
      %dma_start3A_199 = arith.constant 7 : i32
      %dma_start3A_200 = arith.constant 0 : i32
      %dma_start3A_201 = tpu.memref_slice %arg7[%dma_start3A_199, %dma_start3A_200] : memref<16x128xi32, #tpu.memory_space<vmem>> -> memref<1x128xi32, #tpu.memory_space<vmem>>
      %dma_start3A_202 = tpu.memref_squeeze %dma_start3A_201 : memref<1x128xi32, #tpu.memory_space<vmem>> -> memref<128xi32, #tpu.memory_space<vmem>>
      %dma_start3A_203 = arith.constant 0 : i32
      %dma_start3A_204 = arith.constant 0 : i32
      %dma_start3A_205 = tpu.memref_slice %arg2[%dma_start3A_203, %dma_start3A_204] : memref<10240x128xf32, #tpu.memory_space<hbm>> -> memref<10240x128xf32, #tpu.memory_space<hbm>>
      tpu.enqueue_indirect_dma source(%dma_start3A_205 : memref<10240x128xf32, #tpu.memory_space<hbm>>) target(%arg10 : memref<128x128xf32, #tpu.memory_space<vmem>>) offsets(%dma_start3A_202 : memref<128xi32, #tpu.memory_space<vmem>>) semaphore(%arg13 : memref<!tpu.dma_semaphore, #tpu.memory_space<semaphore_mem>>)
      %dma_wait3A_206 = arith.constant 6 : i32
      %dma_wait3A_207 = arith.constant 0 : i32
      %dma_wait3A_208 = tpu.memref_slice %arg7[%dma_wait3A_206, %dma_wait3A_207] : memref<16x128xi32, #tpu.memory_space<vmem>> -> memref<1x128xi32, #tpu.memory_space<vmem>>
      %dma_wait3A_209 = tpu.memref_squeeze %dma_wait3A_208 : memref<1x128xi32, #tpu.memory_space<vmem>> -> memref<128xi32, #tpu.memory_space<vmem>>
      %dma_wait3A_210 = arith.constant 0 : i32
      %dma_wait3A_211 = arith.constant 0 : i32
      %dma_wait3A_212 = tpu.memref_slice %arg2[%dma_wait3A_210, %dma_wait3A_211] : memref<10240x128xf32, #tpu.memory_space<hbm>> -> memref<10240x128xf32, #tpu.memory_space<hbm>>
      tpu.wait_indirect_dma semaphore(%arg12 : memref<!tpu.dma_semaphore, #tpu.memory_space<semaphore_mem>>) src(%dma_wait3A_212 : memref<10240x128xf32, #tpu.memory_space<hbm>>) dst(%arg9 : memref<128x128xf32, #tpu.memory_space<vmem>>)
      %dma_start3A_213 = arith.constant 6 : i32
      %dma_start3A_214 = arith.constant 0 : i32
      %dma_start3A_215 = tpu.memref_slice %arg8[%dma_start3A_213, %dma_start3A_214] : memref<16x128xi32, #tpu.memory_space<vmem>> -> memref<1x128xi32, #tpu.memory_space<vmem>>
      %dma_start3A_216 = tpu.memref_squeeze %dma_start3A_215 : memref<1x128xi32, #tpu.memory_space<vmem>> -> memref<128xi32, #tpu.memory_space<vmem>>
      %dma_start3A_217 = arith.constant 0 : i32
      %dma_start3A_218 = arith.constant 0 : i32
      %dma_start3A_219 = tpu.memref_slice %arg11[%dma_start3A_217, %dma_start3A_218] : memref<10240x128xf32, #tpu.memory_space<vmem_shared>> -> memref<10240x128xf32, #tpu.memory_space<vmem_shared>>
      tpu.enqueue_indirect_dma source(%arg9 : memref<128x128xf32, #tpu.memory_space<vmem>>) target(%dma_start3A_219 : memref<10240x128xf32, #tpu.memory_space<vmem_shared>>) offsets(%dma_start3A_216 : memref<128xi32, #tpu.memory_space<vmem>>) semaphore(%arg14 : memref<!tpu.dma_semaphore, #tpu.memory_space<semaphore_mem>>) {add = true}
      %dma_wait3A_220 = arith.constant 6 : i32
      %dma_wait3A_221 = arith.constant 0 : i32
      %dma_wait3A_222 = tpu.memref_slice %arg8[%dma_wait3A_220, %dma_wait3A_221] : memref<16x128xi32, #tpu.memory_space<vmem>> -> memref<1x128xi32, #tpu.memory_space<vmem>>
      %dma_wait3A_223 = tpu.memref_squeeze %dma_wait3A_222 : memref<1x128xi32, #tpu.memory_space<vmem>> -> memref<128xi32, #tpu.memory_space<vmem>>
      %dma_wait3A_224 = arith.constant 0 : i32
      %dma_wait3A_225 = arith.constant 0 : i32
      %dma_wait3A_226 = tpu.memref_slice %arg11[%dma_wait3A_224, %dma_wait3A_225] : memref<10240x128xf32, #tpu.memory_space<vmem_shared>> -> memref<10240x128xf32, #tpu.memory_space<vmem_shared>>
      tpu.wait_indirect_dma semaphore(%arg14 : memref<!tpu.dma_semaphore, #tpu.memory_space<semaphore_mem>>) src(%arg9 : memref<128x128xf32, #tpu.memory_space<vmem>>) dst(%dma_wait3A_226 : memref<10240x128xf32, #tpu.memory_space<vmem_shared>>)
      %dma_start3A_227 = arith.constant 8 : i32
      %dma_start3A_228 = arith.constant 0 : i32
      %dma_start3A_229 = tpu.memref_slice %arg7[%dma_start3A_227, %dma_start3A_228] : memref<16x128xi32, #tpu.memory_space<vmem>> -> memref<1x128xi32, #tpu.memory_space<vmem>>
      %dma_start3A_230 = tpu.memref_squeeze %dma_start3A_229 : memref<1x128xi32, #tpu.memory_space<vmem>> -> memref<128xi32, #tpu.memory_space<vmem>>
      %dma_start3A_231 = arith.constant 0 : i32
      %dma_start3A_232 = arith.constant 0 : i32
      %dma_start3A_233 = tpu.memref_slice %arg2[%dma_start3A_231, %dma_start3A_232] : memref<10240x128xf32, #tpu.memory_space<hbm>> -> memref<10240x128xf32, #tpu.memory_space<hbm>>
      tpu.enqueue_indirect_dma source(%dma_start3A_233 : memref<10240x128xf32, #tpu.memory_space<hbm>>) target(%arg9 : memref<128x128xf32, #tpu.memory_space<vmem>>) offsets(%dma_start3A_230 : memref<128xi32, #tpu.memory_space<vmem>>) semaphore(%arg12 : memref<!tpu.dma_semaphore, #tpu.memory_space<semaphore_mem>>)
      %dma_wait3A_234 = arith.constant 7 : i32
      %dma_wait3A_235 = arith.constant 0 : i32
      %dma_wait3A_236 = tpu.memref_slice %arg7[%dma_wait3A_234, %dma_wait3A_235] : memref<16x128xi32, #tpu.memory_space<vmem>> -> memref<1x128xi32, #tpu.memory_space<vmem>>
      %dma_wait3A_237 = tpu.memref_squeeze %dma_wait3A_236 : memref<1x128xi32, #tpu.memory_space<vmem>> -> memref<128xi32, #tpu.memory_space<vmem>>
      %dma_wait3A_238 = arith.constant 0 : i32
      %dma_wait3A_239 = arith.constant 0 : i32
      %dma_wait3A_240 = tpu.memref_slice %arg2[%dma_wait3A_238, %dma_wait3A_239] : memref<10240x128xf32, #tpu.memory_space<hbm>> -> memref<10240x128xf32, #tpu.memory_space<hbm>>
      tpu.wait_indirect_dma semaphore(%arg13 : memref<!tpu.dma_semaphore, #tpu.memory_space<semaphore_mem>>) src(%dma_wait3A_240 : memref<10240x128xf32, #tpu.memory_space<hbm>>) dst(%arg10 : memref<128x128xf32, #tpu.memory_space<vmem>>)
      %dma_start3A_241 = arith.constant 7 : i32
      %dma_start3A_242 = arith.constant 0 : i32
      %dma_start3A_243 = tpu.memref_slice %arg8[%dma_start3A_241, %dma_start3A_242] : memref<16x128xi32, #tpu.memory_space<vmem>> -> memref<1x128xi32, #tpu.memory_space<vmem>>
      %dma_start3A_244 = tpu.memref_squeeze %dma_start3A_243 : memref<1x128xi32, #tpu.memory_space<vmem>> -> memref<128xi32, #tpu.memory_space<vmem>>
      %dma_start3A_245 = arith.constant 0 : i32
      %dma_start3A_246 = arith.constant 0 : i32
      %dma_start3A_247 = tpu.memref_slice %arg11[%dma_start3A_245, %dma_start3A_246] : memref<10240x128xf32, #tpu.memory_space<vmem_shared>> -> memref<10240x128xf32, #tpu.memory_space<vmem_shared>>
      tpu.enqueue_indirect_dma source(%arg10 : memref<128x128xf32, #tpu.memory_space<vmem>>) target(%dma_start3A_247 : memref<10240x128xf32, #tpu.memory_space<vmem_shared>>) offsets(%dma_start3A_244 : memref<128xi32, #tpu.memory_space<vmem>>) semaphore(%arg15 : memref<!tpu.dma_semaphore, #tpu.memory_space<semaphore_mem>>) {add = true}
      %dma_wait3A_248 = arith.constant 7 : i32
      %dma_wait3A_249 = arith.constant 0 : i32
      %dma_wait3A_250 = tpu.memref_slice %arg8[%dma_wait3A_248, %dma_wait3A_249] : memref<16x128xi32, #tpu.memory_space<vmem>> -> memref<1x128xi32, #tpu.memory_space<vmem>>
      %dma_wait3A_251 = tpu.memref_squeeze %dma_wait3A_250 : memref<1x128xi32, #tpu.memory_space<vmem>> -> memref<128xi32, #tpu.memory_space<vmem>>
      %dma_wait3A_252 = arith.constant 0 : i32
      %dma_wait3A_253 = arith.constant 0 : i32
      %dma_wait3A_254 = tpu.memref_slice %arg11[%dma_wait3A_252, %dma_wait3A_253] : memref<10240x128xf32, #tpu.memory_space<vmem_shared>> -> memref<10240x128xf32, #tpu.memory_space<vmem_shared>>
      tpu.wait_indirect_dma semaphore(%arg15 : memref<!tpu.dma_semaphore, #tpu.memory_space<semaphore_mem>>) src(%arg10 : memref<128x128xf32, #tpu.memory_space<vmem>>) dst(%dma_wait3A_254 : memref<10240x128xf32, #tpu.memory_space<vmem_shared>>)
      %dma_start3A_255 = arith.constant 9 : i32
      %dma_start3A_256 = arith.constant 0 : i32
      %dma_start3A_257 = tpu.memref_slice %arg7[%dma_start3A_255, %dma_start3A_256] : memref<16x128xi32, #tpu.memory_space<vmem>> -> memref<1x128xi32, #tpu.memory_space<vmem>>
      %dma_start3A_258 = tpu.memref_squeeze %dma_start3A_257 : memref<1x128xi32, #tpu.memory_space<vmem>> -> memref<128xi32, #tpu.memory_space<vmem>>
      %dma_start3A_259 = arith.constant 0 : i32
      %dma_start3A_260 = arith.constant 0 : i32
      %dma_start3A_261 = tpu.memref_slice %arg2[%dma_start3A_259, %dma_start3A_260] : memref<10240x128xf32, #tpu.memory_space<hbm>> -> memref<10240x128xf32, #tpu.memory_space<hbm>>
      tpu.enqueue_indirect_dma source(%dma_start3A_261 : memref<10240x128xf32, #tpu.memory_space<hbm>>) target(%arg10 : memref<128x128xf32, #tpu.memory_space<vmem>>) offsets(%dma_start3A_258 : memref<128xi32, #tpu.memory_space<vmem>>) semaphore(%arg13 : memref<!tpu.dma_semaphore, #tpu.memory_space<semaphore_mem>>)
      %dma_wait3A_262 = arith.constant 8 : i32
      %dma_wait3A_263 = arith.constant 0 : i32
      %dma_wait3A_264 = tpu.memref_slice %arg7[%dma_wait3A_262, %dma_wait3A_263] : memref<16x128xi32, #tpu.memory_space<vmem>> -> memref<1x128xi32, #tpu.memory_space<vmem>>
      %dma_wait3A_265 = tpu.memref_squeeze %dma_wait3A_264 : memref<1x128xi32, #tpu.memory_space<vmem>> -> memref<128xi32, #tpu.memory_space<vmem>>
      %dma_wait3A_266 = arith.constant 0 : i32
      %dma_wait3A_267 = arith.constant 0 : i32
      %dma_wait3A_268 = tpu.memref_slice %arg2[%dma_wait3A_266, %dma_wait3A_267] : memref<10240x128xf32, #tpu.memory_space<hbm>> -> memref<10240x128xf32, #tpu.memory_space<hbm>>
      tpu.wait_indirect_dma semaphore(%arg12 : memref<!tpu.dma_semaphore, #tpu.memory_space<semaphore_mem>>) src(%dma_wait3A_268 : memref<10240x128xf32, #tpu.memory_space<hbm>>) dst(%arg9 : memref<128x128xf32, #tpu.memory_space<vmem>>)
      %dma_start3A_269 = arith.constant 8 : i32
      %dma_start3A_270 = arith.constant 0 : i32
      %dma_start3A_271 = tpu.memref_slice %arg8[%dma_start3A_269, %dma_start3A_270] : memref<16x128xi32, #tpu.memory_space<vmem>> -> memref<1x128xi32, #tpu.memory_space<vmem>>
      %dma_start3A_272 = tpu.memref_squeeze %dma_start3A_271 : memref<1x128xi32, #tpu.memory_space<vmem>> -> memref<128xi32, #tpu.memory_space<vmem>>
      %dma_start3A_273 = arith.constant 0 : i32
      %dma_start3A_274 = arith.constant 0 : i32
      %dma_start3A_275 = tpu.memref_slice %arg11[%dma_start3A_273, %dma_start3A_274] : memref<10240x128xf32, #tpu.memory_space<vmem_shared>> -> memref<10240x128xf32, #tpu.memory_space<vmem_shared>>
      tpu.enqueue_indirect_dma source(%arg9 : memref<128x128xf32, #tpu.memory_space<vmem>>) target(%dma_start3A_275 : memref<10240x128xf32, #tpu.memory_space<vmem_shared>>) offsets(%dma_start3A_272 : memref<128xi32, #tpu.memory_space<vmem>>) semaphore(%arg14 : memref<!tpu.dma_semaphore, #tpu.memory_space<semaphore_mem>>) {add = true}
      %dma_wait3A_276 = arith.constant 8 : i32
      %dma_wait3A_277 = arith.constant 0 : i32
      %dma_wait3A_278 = tpu.memref_slice %arg8[%dma_wait3A_276, %dma_wait3A_277] : memref<16x128xi32, #tpu.memory_space<vmem>> -> memref<1x128xi32, #tpu.memory_space<vmem>>
      %dma_wait3A_279 = tpu.memref_squeeze %dma_wait3A_278 : memref<1x128xi32, #tpu.memory_space<vmem>> -> memref<128xi32, #tpu.memory_space<vmem>>
      %dma_wait3A_280 = arith.constant 0 : i32
      %dma_wait3A_281 = arith.constant 0 : i32
      %dma_wait3A_282 = tpu.memref_slice %arg11[%dma_wait3A_280, %dma_wait3A_281] : memref<10240x128xf32, #tpu.memory_space<vmem_shared>> -> memref<10240x128xf32, #tpu.memory_space<vmem_shared>>
      tpu.wait_indirect_dma semaphore(%arg14 : memref<!tpu.dma_semaphore, #tpu.memory_space<semaphore_mem>>) src(%arg9 : memref<128x128xf32, #tpu.memory_space<vmem>>) dst(%dma_wait3A_282 : memref<10240x128xf32, #tpu.memory_space<vmem_shared>>)
      %dma_start3A_283 = arith.constant 10 : i32
      %dma_start3A_284 = arith.constant 0 : i32
      %dma_start3A_285 = tpu.memref_slice %arg7[%dma_start3A_283, %dma_start3A_284] : memref<16x128xi32, #tpu.memory_space<vmem>> -> memref<1x128xi32, #tpu.memory_space<vmem>>
      %dma_start3A_286 = tpu.memref_squeeze %dma_start3A_285 : memref<1x128xi32, #tpu.memory_space<vmem>> -> memref<128xi32, #tpu.memory_space<vmem>>
      %dma_start3A_287 = arith.constant 0 : i32
      %dma_start3A_288 = arith.constant 0 : i32
      %dma_start3A_289 = tpu.memref_slice %arg2[%dma_start3A_287, %dma_start3A_288] : memref<10240x128xf32, #tpu.memory_space<hbm>> -> memref<10240x128xf32, #tpu.memory_space<hbm>>
      tpu.enqueue_indirect_dma source(%dma_start3A_289 : memref<10240x128xf32, #tpu.memory_space<hbm>>) target(%arg9 : memref<128x128xf32, #tpu.memory_space<vmem>>) offsets(%dma_start3A_286 : memref<128xi32, #tpu.memory_space<vmem>>) semaphore(%arg12 : memref<!tpu.dma_semaphore, #tpu.memory_space<semaphore_mem>>)
      %dma_wait3A_290 = arith.constant 9 : i32
      %dma_wait3A_291 = arith.constant 0 : i32
      %dma_wait3A_292 = tpu.memref_slice %arg7[%dma_wait3A_290, %dma_wait3A_291] : memref<16x128xi32, #tpu.memory_space<vmem>> -> memref<1x128xi32, #tpu.memory_space<vmem>>
      %dma_wait3A_293 = tpu.memref_squeeze %dma_wait3A_292 : memref<1x128xi32, #tpu.memory_space<vmem>> -> memref<128xi32, #tpu.memory_space<vmem>>
      %dma_wait3A_294 = arith.constant 0 : i32
      %dma_wait3A_295 = arith.constant 0 : i32
      %dma_wait3A_296 = tpu.memref_slice %arg2[%dma_wait3A_294, %dma_wait3A_295] : memref<10240x128xf32, #tpu.memory_space<hbm>> -> memref<10240x128xf32, #tpu.memory_space<hbm>>
      tpu.wait_indirect_dma semaphore(%arg13 : memref<!tpu.dma_semaphore, #tpu.memory_space<semaphore_mem>>) src(%dma_wait3A_296 : memref<10240x128xf32, #tpu.memory_space<hbm>>) dst(%arg10 : memref<128x128xf32, #tpu.memory_space<vmem>>)
      %dma_start3A_297 = arith.constant 9 : i32
      %dma_start3A_298 = arith.constant 0 : i32
      %dma_start3A_299 = tpu.memref_slice %arg8[%dma_start3A_297, %dma_start3A_298] : memref<16x128xi32, #tpu.memory_space<vmem>> -> memref<1x128xi32, #tpu.memory_space<vmem>>
      %dma_start3A_300 = tpu.memref_squeeze %dma_start3A_299 : memref<1x128xi32, #tpu.memory_space<vmem>> -> memref<128xi32, #tpu.memory_space<vmem>>
      %dma_start3A_301 = arith.constant 0 : i32
      %dma_start3A_302 = arith.constant 0 : i32
      %dma_start3A_303 = tpu.memref_slice %arg11[%dma_start3A_301, %dma_start3A_302] : memref<10240x128xf32, #tpu.memory_space<vmem_shared>> -> memref<10240x128xf32, #tpu.memory_space<vmem_shared>>
      tpu.enqueue_indirect_dma source(%arg10 : memref<128x128xf32, #tpu.memory_space<vmem>>) target(%dma_start3A_303 : memref<10240x128xf32, #tpu.memory_space<vmem_shared>>) offsets(%dma_start3A_300 : memref<128xi32, #tpu.memory_space<vmem>>) semaphore(%arg15 : memref<!tpu.dma_semaphore, #tpu.memory_space<semaphore_mem>>) {add = true}
      %dma_wait3A_304 = arith.constant 9 : i32
      %dma_wait3A_305 = arith.constant 0 : i32
      %dma_wait3A_306 = tpu.memref_slice %arg8[%dma_wait3A_304, %dma_wait3A_305] : memref<16x128xi32, #tpu.memory_space<vmem>> -> memref<1x128xi32, #tpu.memory_space<vmem>>
      %dma_wait3A_307 = tpu.memref_squeeze %dma_wait3A_306 : memref<1x128xi32, #tpu.memory_space<vmem>> -> memref<128xi32, #tpu.memory_space<vmem>>
      %dma_wait3A_308 = arith.constant 0 : i32
      %dma_wait3A_309 = arith.constant 0 : i32
      %dma_wait3A_310 = tpu.memref_slice %arg11[%dma_wait3A_308, %dma_wait3A_309] : memref<10240x128xf32, #tpu.memory_space<vmem_shared>> -> memref<10240x128xf32, #tpu.memory_space<vmem_shared>>
      tpu.wait_indirect_dma semaphore(%arg15 : memref<!tpu.dma_semaphore, #tpu.memory_space<semaphore_mem>>) src(%arg10 : memref<128x128xf32, #tpu.memory_space<vmem>>) dst(%dma_wait3A_310 : memref<10240x128xf32, #tpu.memory_space<vmem_shared>>)
      %dma_start3A_311 = arith.constant 11 : i32
      %dma_start3A_312 = arith.constant 0 : i32
      %dma_start3A_313 = tpu.memref_slice %arg7[%dma_start3A_311, %dma_start3A_312] : memref<16x128xi32, #tpu.memory_space<vmem>> -> memref<1x128xi32, #tpu.memory_space<vmem>>
      %dma_start3A_314 = tpu.memref_squeeze %dma_start3A_313 : memref<1x128xi32, #tpu.memory_space<vmem>> -> memref<128xi32, #tpu.memory_space<vmem>>
      %dma_start3A_315 = arith.constant 0 : i32
      %dma_start3A_316 = arith.constant 0 : i32
      %dma_start3A_317 = tpu.memref_slice %arg2[%dma_start3A_315, %dma_start3A_316] : memref<10240x128xf32, #tpu.memory_space<hbm>> -> memref<10240x128xf32, #tpu.memory_space<hbm>>
      tpu.enqueue_indirect_dma source(%dma_start3A_317 : memref<10240x128xf32, #tpu.memory_space<hbm>>) target(%arg10 : memref<128x128xf32, #tpu.memory_space<vmem>>) offsets(%dma_start3A_314 : memref<128xi32, #tpu.memory_space<vmem>>) semaphore(%arg13 : memref<!tpu.dma_semaphore, #tpu.memory_space<semaphore_mem>>)
      %dma_wait3A_318 = arith.constant 10 : i32
      %dma_wait3A_319 = arith.constant 0 : i32
      %dma_wait3A_320 = tpu.memref_slice %arg7[%dma_wait3A_318, %dma_wait3A_319] : memref<16x128xi32, #tpu.memory_space<vmem>> -> memref<1x128xi32, #tpu.memory_space<vmem>>
      %dma_wait3A_321 = tpu.memref_squeeze %dma_wait3A_320 : memref<1x128xi32, #tpu.memory_space<vmem>> -> memref<128xi32, #tpu.memory_space<vmem>>
      %dma_wait3A_322 = arith.constant 0 : i32
      %dma_wait3A_323 = arith.constant 0 : i32
      %dma_wait3A_324 = tpu.memref_slice %arg2[%dma_wait3A_322, %dma_wait3A_323] : memref<10240x128xf32, #tpu.memory_space<hbm>> -> memref<10240x128xf32, #tpu.memory_space<hbm>>
      tpu.wait_indirect_dma semaphore(%arg12 : memref<!tpu.dma_semaphore, #tpu.memory_space<semaphore_mem>>) src(%dma_wait3A_324 : memref<10240x128xf32, #tpu.memory_space<hbm>>) dst(%arg9 : memref<128x128xf32, #tpu.memory_space<vmem>>)
      %dma_start3A_325 = arith.constant 10 : i32
      %dma_start3A_326 = arith.constant 0 : i32
      %dma_start3A_327 = tpu.memref_slice %arg8[%dma_start3A_325, %dma_start3A_326] : memref<16x128xi32, #tpu.memory_space<vmem>> -> memref<1x128xi32, #tpu.memory_space<vmem>>
      %dma_start3A_328 = tpu.memref_squeeze %dma_start3A_327 : memref<1x128xi32, #tpu.memory_space<vmem>> -> memref<128xi32, #tpu.memory_space<vmem>>
      %dma_start3A_329 = arith.constant 0 : i32
      %dma_start3A_330 = arith.constant 0 : i32
      %dma_start3A_331 = tpu.memref_slice %arg11[%dma_start3A_329, %dma_start3A_330] : memref<10240x128xf32, #tpu.memory_space<vmem_shared>> -> memref<10240x128xf32, #tpu.memory_space<vmem_shared>>
      tpu.enqueue_indirect_dma source(%arg9 : memref<128x128xf32, #tpu.memory_space<vmem>>) target(%dma_start3A_331 : memref<10240x128xf32, #tpu.memory_space<vmem_shared>>) offsets(%dma_start3A_328 : memref<128xi32, #tpu.memory_space<vmem>>) semaphore(%arg14 : memref<!tpu.dma_semaphore, #tpu.memory_space<semaphore_mem>>) {add = true}
      %dma_wait3A_332 = arith.constant 10 : i32
      %dma_wait3A_333 = arith.constant 0 : i32
      %dma_wait3A_334 = tpu.memref_slice %arg8[%dma_wait3A_332, %dma_wait3A_333] : memref<16x128xi32, #tpu.memory_space<vmem>> -> memref<1x128xi32, #tpu.memory_space<vmem>>
      %dma_wait3A_335 = tpu.memref_squeeze %dma_wait3A_334 : memref<1x128xi32, #tpu.memory_space<vmem>> -> memref<128xi32, #tpu.memory_space<vmem>>
      %dma_wait3A_336 = arith.constant 0 : i32
      %dma_wait3A_337 = arith.constant 0 : i32
      %dma_wait3A_338 = tpu.memref_slice %arg11[%dma_wait3A_336, %dma_wait3A_337] : memref<10240x128xf32, #tpu.memory_space<vmem_shared>> -> memref<10240x128xf32, #tpu.memory_space<vmem_shared>>
      tpu.wait_indirect_dma semaphore(%arg14 : memref<!tpu.dma_semaphore, #tpu.memory_space<semaphore_mem>>) src(%arg9 : memref<128x128xf32, #tpu.memory_space<vmem>>) dst(%dma_wait3A_338 : memref<10240x128xf32, #tpu.memory_space<vmem_shared>>)
      %dma_start3A_339 = arith.constant 12 : i32
      %dma_start3A_340 = arith.constant 0 : i32
      %dma_start3A_341 = tpu.memref_slice %arg7[%dma_start3A_339, %dma_start3A_340] : memref<16x128xi32, #tpu.memory_space<vmem>> -> memref<1x128xi32, #tpu.memory_space<vmem>>
      %dma_start3A_342 = tpu.memref_squeeze %dma_start3A_341 : memref<1x128xi32, #tpu.memory_space<vmem>> -> memref<128xi32, #tpu.memory_space<vmem>>
      %dma_start3A_343 = arith.constant 0 : i32
      %dma_start3A_344 = arith.constant 0 : i32
      %dma_start3A_345 = tpu.memref_slice %arg2[%dma_start3A_343, %dma_start3A_344] : memref<10240x128xf32, #tpu.memory_space<hbm>> -> memref<10240x128xf32, #tpu.memory_space<hbm>>
      tpu.enqueue_indirect_dma source(%dma_start3A_345 : memref<10240x128xf32, #tpu.memory_space<hbm>>) target(%arg9 : memref<128x128xf32, #tpu.memory_space<vmem>>) offsets(%dma_start3A_342 : memref<128xi32, #tpu.memory_space<vmem>>) semaphore(%arg12 : memref<!tpu.dma_semaphore, #tpu.memory_space<semaphore_mem>>)
      %dma_wait3A_346 = arith.constant 11 : i32
      %dma_wait3A_347 = arith.constant 0 : i32
      %dma_wait3A_348 = tpu.memref_slice %arg7[%dma_wait3A_346, %dma_wait3A_347] : memref<16x128xi32, #tpu.memory_space<vmem>> -> memref<1x128xi32, #tpu.memory_space<vmem>>
      %dma_wait3A_349 = tpu.memref_squeeze %dma_wait3A_348 : memref<1x128xi32, #tpu.memory_space<vmem>> -> memref<128xi32, #tpu.memory_space<vmem>>
      %dma_wait3A_350 = arith.constant 0 : i32
      %dma_wait3A_351 = arith.constant 0 : i32
      %dma_wait3A_352 = tpu.memref_slice %arg2[%dma_wait3A_350, %dma_wait3A_351] : memref<10240x128xf32, #tpu.memory_space<hbm>> -> memref<10240x128xf32, #tpu.memory_space<hbm>>
      tpu.wait_indirect_dma semaphore(%arg13 : memref<!tpu.dma_semaphore, #tpu.memory_space<semaphore_mem>>) src(%dma_wait3A_352 : memref<10240x128xf32, #tpu.memory_space<hbm>>) dst(%arg10 : memref<128x128xf32, #tpu.memory_space<vmem>>)
      %dma_start3A_353 = arith.constant 11 : i32
      %dma_start3A_354 = arith.constant 0 : i32
      %dma_start3A_355 = tpu.memref_slice %arg8[%dma_start3A_353, %dma_start3A_354] : memref<16x128xi32, #tpu.memory_space<vmem>> -> memref<1x128xi32, #tpu.memory_space<vmem>>
      %dma_start3A_356 = tpu.memref_squeeze %dma_start3A_355 : memref<1x128xi32, #tpu.memory_space<vmem>> -> memref<128xi32, #tpu.memory_space<vmem>>
      %dma_start3A_357 = arith.constant 0 : i32
      %dma_start3A_358 = arith.constant 0 : i32
      %dma_start3A_359 = tpu.memref_slice %arg11[%dma_start3A_357, %dma_start3A_358] : memref<10240x128xf32, #tpu.memory_space<vmem_shared>> -> memref<10240x128xf32, #tpu.memory_space<vmem_shared>>
      tpu.enqueue_indirect_dma source(%arg10 : memref<128x128xf32, #tpu.memory_space<vmem>>) target(%dma_start3A_359 : memref<10240x128xf32, #tpu.memory_space<vmem_shared>>) offsets(%dma_start3A_356 : memref<128xi32, #tpu.memory_space<vmem>>) semaphore(%arg15 : memref<!tpu.dma_semaphore, #tpu.memory_space<semaphore_mem>>) {add = true}
      %dma_wait3A_360 = arith.constant 11 : i32
      %dma_wait3A_361 = arith.constant 0 : i32
      %dma_wait3A_362 = tpu.memref_slice %arg8[%dma_wait3A_360, %dma_wait3A_361] : memref<16x128xi32, #tpu.memory_space<vmem>> -> memref<1x128xi32, #tpu.memory_space<vmem>>
      %dma_wait3A_363 = tpu.memref_squeeze %dma_wait3A_362 : memref<1x128xi32, #tpu.memory_space<vmem>> -> memref<128xi32, #tpu.memory_space<vmem>>
      %dma_wait3A_364 = arith.constant 0 : i32
      %dma_wait3A_365 = arith.constant 0 : i32
      %dma_wait3A_366 = tpu.memref_slice %arg11[%dma_wait3A_364, %dma_wait3A_365] : memref<10240x128xf32, #tpu.memory_space<vmem_shared>> -> memref<10240x128xf32, #tpu.memory_space<vmem_shared>>
      tpu.wait_indirect_dma semaphore(%arg15 : memref<!tpu.dma_semaphore, #tpu.memory_space<semaphore_mem>>) src(%arg10 : memref<128x128xf32, #tpu.memory_space<vmem>>) dst(%dma_wait3A_366 : memref<10240x128xf32, #tpu.memory_space<vmem_shared>>)
      %dma_start3A_367 = arith.constant 13 : i32
      %dma_start3A_368 = arith.constant 0 : i32
      %dma_start3A_369 = tpu.memref_slice %arg7[%dma_start3A_367, %dma_start3A_368] : memref<16x128xi32, #tpu.memory_space<vmem>> -> memref<1x128xi32, #tpu.memory_space<vmem>>
      %dma_start3A_370 = tpu.memref_squeeze %dma_start3A_369 : memref<1x128xi32, #tpu.memory_space<vmem>> -> memref<128xi32, #tpu.memory_space<vmem>>
      %dma_start3A_371 = arith.constant 0 : i32
      %dma_start3A_372 = arith.constant 0 : i32
      %dma_start3A_373 = tpu.memref_slice %arg2[%dma_start3A_371, %dma_start3A_372] : memref<10240x128xf32, #tpu.memory_space<hbm>> -> memref<10240x128xf32, #tpu.memory_space<hbm>>
      tpu.enqueue_indirect_dma source(%dma_start3A_373 : memref<10240x128xf32, #tpu.memory_space<hbm>>) target(%arg10 : memref<128x128xf32, #tpu.memory_space<vmem>>) offsets(%dma_start3A_370 : memref<128xi32, #tpu.memory_space<vmem>>) semaphore(%arg13 : memref<!tpu.dma_semaphore, #tpu.memory_space<semaphore_mem>>)
      %dma_wait3A_374 = arith.constant 12 : i32
      %dma_wait3A_375 = arith.constant 0 : i32
      %dma_wait3A_376 = tpu.memref_slice %arg7[%dma_wait3A_374, %dma_wait3A_375] : memref<16x128xi32, #tpu.memory_space<vmem>> -> memref<1x128xi32, #tpu.memory_space<vmem>>
      %dma_wait3A_377 = tpu.memref_squeeze %dma_wait3A_376 : memref<1x128xi32, #tpu.memory_space<vmem>> -> memref<128xi32, #tpu.memory_space<vmem>>
      %dma_wait3A_378 = arith.constant 0 : i32
      %dma_wait3A_379 = arith.constant 0 : i32
      %dma_wait3A_380 = tpu.memref_slice %arg2[%dma_wait3A_378, %dma_wait3A_379] : memref<10240x128xf32, #tpu.memory_space<hbm>> -> memref<10240x128xf32, #tpu.memory_space<hbm>>
      tpu.wait_indirect_dma semaphore(%arg12 : memref<!tpu.dma_semaphore, #tpu.memory_space<semaphore_mem>>) src(%dma_wait3A_380 : memref<10240x128xf32, #tpu.memory_space<hbm>>) dst(%arg9 : memref<128x128xf32, #tpu.memory_space<vmem>>)
      %dma_start3A_381 = arith.constant 12 : i32
      %dma_start3A_382 = arith.constant 0 : i32
      %dma_start3A_383 = tpu.memref_slice %arg8[%dma_start3A_381, %dma_start3A_382] : memref<16x128xi32, #tpu.memory_space<vmem>> -> memref<1x128xi32, #tpu.memory_space<vmem>>
      %dma_start3A_384 = tpu.memref_squeeze %dma_start3A_383 : memref<1x128xi32, #tpu.memory_space<vmem>> -> memref<128xi32, #tpu.memory_space<vmem>>
      %dma_start3A_385 = arith.constant 0 : i32
      %dma_start3A_386 = arith.constant 0 : i32
      %dma_start3A_387 = tpu.memref_slice %arg11[%dma_start3A_385, %dma_start3A_386] : memref<10240x128xf32, #tpu.memory_space<vmem_shared>> -> memref<10240x128xf32, #tpu.memory_space<vmem_shared>>
      tpu.enqueue_indirect_dma source(%arg9 : memref<128x128xf32, #tpu.memory_space<vmem>>) target(%dma_start3A_387 : memref<10240x128xf32, #tpu.memory_space<vmem_shared>>) offsets(%dma_start3A_384 : memref<128xi32, #tpu.memory_space<vmem>>) semaphore(%arg14 : memref<!tpu.dma_semaphore, #tpu.memory_space<semaphore_mem>>) {add = true}
      %dma_wait3A_388 = arith.constant 12 : i32
      %dma_wait3A_389 = arith.constant 0 : i32
      %dma_wait3A_390 = tpu.memref_slice %arg8[%dma_wait3A_388, %dma_wait3A_389] : memref<16x128xi32, #tpu.memory_space<vmem>> -> memref<1x128xi32, #tpu.memory_space<vmem>>
      %dma_wait3A_391 = tpu.memref_squeeze %dma_wait3A_390 : memref<1x128xi32, #tpu.memory_space<vmem>> -> memref<128xi32, #tpu.memory_space<vmem>>
      %dma_wait3A_392 = arith.constant 0 : i32
      %dma_wait3A_393 = arith.constant 0 : i32
      %dma_wait3A_394 = tpu.memref_slice %arg11[%dma_wait3A_392, %dma_wait3A_393] : memref<10240x128xf32, #tpu.memory_space<vmem_shared>> -> memref<10240x128xf32, #tpu.memory_space<vmem_shared>>
      tpu.wait_indirect_dma semaphore(%arg14 : memref<!tpu.dma_semaphore, #tpu.memory_space<semaphore_mem>>) src(%arg9 : memref<128x128xf32, #tpu.memory_space<vmem>>) dst(%dma_wait3A_394 : memref<10240x128xf32, #tpu.memory_space<vmem_shared>>)
      %dma_start3A_395 = arith.constant 14 : i32
      %dma_start3A_396 = arith.constant 0 : i32
      %dma_start3A_397 = tpu.memref_slice %arg7[%dma_start3A_395, %dma_start3A_396] : memref<16x128xi32, #tpu.memory_space<vmem>> -> memref<1x128xi32, #tpu.memory_space<vmem>>
      %dma_start3A_398 = tpu.memref_squeeze %dma_start3A_397 : memref<1x128xi32, #tpu.memory_space<vmem>> -> memref<128xi32, #tpu.memory_space<vmem>>
      %dma_start3A_399 = arith.constant 0 : i32
      %dma_start3A_400 = arith.constant 0 : i32
      %dma_start3A_401 = tpu.memref_slice %arg2[%dma_start3A_399, %dma_start3A_400] : memref<10240x128xf32, #tpu.memory_space<hbm>> -> memref<10240x128xf32, #tpu.memory_space<hbm>>
      tpu.enqueue_indirect_dma source(%dma_start3A_401 : memref<10240x128xf32, #tpu.memory_space<hbm>>) target(%arg9 : memref<128x128xf32, #tpu.memory_space<vmem>>) offsets(%dma_start3A_398 : memref<128xi32, #tpu.memory_space<vmem>>) semaphore(%arg12 : memref<!tpu.dma_semaphore, #tpu.memory_space<semaphore_mem>>)
      %dma_wait3A_402 = arith.constant 13 : i32
      %dma_wait3A_403 = arith.constant 0 : i32
      %dma_wait3A_404 = tpu.memref_slice %arg7[%dma_wait3A_402, %dma_wait3A_403] : memref<16x128xi32, #tpu.memory_space<vmem>> -> memref<1x128xi32, #tpu.memory_space<vmem>>
      %dma_wait3A_405 = tpu.memref_squeeze %dma_wait3A_404 : memref<1x128xi32, #tpu.memory_space<vmem>> -> memref<128xi32, #tpu.memory_space<vmem>>
      %dma_wait3A_406 = arith.constant 0 : i32
      %dma_wait3A_407 = arith.constant 0 : i32
      %dma_wait3A_408 = tpu.memref_slice %arg2[%dma_wait3A_406, %dma_wait3A_407] : memref<10240x128xf32, #tpu.memory_space<hbm>> -> memref<10240x128xf32, #tpu.memory_space<hbm>>
      tpu.wait_indirect_dma semaphore(%arg13 : memref<!tpu.dma_semaphore, #tpu.memory_space<semaphore_mem>>) src(%dma_wait3A_408 : memref<10240x128xf32, #tpu.memory_space<hbm>>) dst(%arg10 : memref<128x128xf32, #tpu.memory_space<vmem>>)
      %dma_start3A_409 = arith.constant 13 : i32
      %dma_start3A_410 = arith.constant 0 : i32
      %dma_start3A_411 = tpu.memref_slice %arg8[%dma_start3A_409, %dma_start3A_410] : memref<16x128xi32, #tpu.memory_space<vmem>> -> memref<1x128xi32, #tpu.memory_space<vmem>>
      %dma_start3A_412 = tpu.memref_squeeze %dma_start3A_411 : memref<1x128xi32, #tpu.memory_space<vmem>> -> memref<128xi32, #tpu.memory_space<vmem>>
      %dma_start3A_413 = arith.constant 0 : i32
      %dma_start3A_414 = arith.constant 0 : i32
      %dma_start3A_415 = tpu.memref_slice %arg11[%dma_start3A_413, %dma_start3A_414] : memref<10240x128xf32, #tpu.memory_space<vmem_shared>> -> memref<10240x128xf32, #tpu.memory_space<vmem_shared>>
      tpu.enqueue_indirect_dma source(%arg10 : memref<128x128xf32, #tpu.memory_space<vmem>>) target(%dma_start3A_415 : memref<10240x128xf32, #tpu.memory_space<vmem_shared>>) offsets(%dma_start3A_412 : memref<128xi32, #tpu.memory_space<vmem>>) semaphore(%arg15 : memref<!tpu.dma_semaphore, #tpu.memory_space<semaphore_mem>>) {add = true}
      %dma_wait3A_416 = arith.constant 13 : i32
      %dma_wait3A_417 = arith.constant 0 : i32
      %dma_wait3A_418 = tpu.memref_slice %arg8[%dma_wait3A_416, %dma_wait3A_417] : memref<16x128xi32, #tpu.memory_space<vmem>> -> memref<1x128xi32, #tpu.memory_space<vmem>>
      %dma_wait3A_419 = tpu.memref_squeeze %dma_wait3A_418 : memref<1x128xi32, #tpu.memory_space<vmem>> -> memref<128xi32, #tpu.memory_space<vmem>>
      %dma_wait3A_420 = arith.constant 0 : i32
      %dma_wait3A_421 = arith.constant 0 : i32
      %dma_wait3A_422 = tpu.memref_slice %arg11[%dma_wait3A_420, %dma_wait3A_421] : memref<10240x128xf32, #tpu.memory_space<vmem_shared>> -> memref<10240x128xf32, #tpu.memory_space<vmem_shared>>
      tpu.wait_indirect_dma semaphore(%arg15 : memref<!tpu.dma_semaphore, #tpu.memory_space<semaphore_mem>>) src(%arg10 : memref<128x128xf32, #tpu.memory_space<vmem>>) dst(%dma_wait3A_422 : memref<10240x128xf32, #tpu.memory_space<vmem_shared>>)
      %dma_start3A_423 = arith.constant 15 : i32
      %dma_start3A_424 = arith.constant 0 : i32
      %dma_start3A_425 = tpu.memref_slice %arg7[%dma_start3A_423, %dma_start3A_424] : memref<16x128xi32, #tpu.memory_space<vmem>> -> memref<1x128xi32, #tpu.memory_space<vmem>>
      %dma_start3A_426 = tpu.memref_squeeze %dma_start3A_425 : memref<1x128xi32, #tpu.memory_space<vmem>> -> memref<128xi32, #tpu.memory_space<vmem>>
      %dma_start3A_427 = arith.constant 0 : i32
      %dma_start3A_428 = arith.constant 0 : i32
      %dma_start3A_429 = tpu.memref_slice %arg2[%dma_start3A_427, %dma_start3A_428] : memref<10240x128xf32, #tpu.memory_space<hbm>> -> memref<10240x128xf32, #tpu.memory_space<hbm>>
      tpu.enqueue_indirect_dma source(%dma_start3A_429 : memref<10240x128xf32, #tpu.memory_space<hbm>>) target(%arg10 : memref<128x128xf32, #tpu.memory_space<vmem>>) offsets(%dma_start3A_426 : memref<128xi32, #tpu.memory_space<vmem>>) semaphore(%arg13 : memref<!tpu.dma_semaphore, #tpu.memory_space<semaphore_mem>>)
      %dma_wait3A_430 = arith.constant 14 : i32
      %dma_wait3A_431 = arith.constant 0 : i32
      %dma_wait3A_432 = tpu.memref_slice %arg7[%dma_wait3A_430, %dma_wait3A_431] : memref<16x128xi32, #tpu.memory_space<vmem>> -> memref<1x128xi32, #tpu.memory_space<vmem>>
      %dma_wait3A_433 = tpu.memref_squeeze %dma_wait3A_432 : memref<1x128xi32, #tpu.memory_space<vmem>> -> memref<128xi32, #tpu.memory_space<vmem>>
      %dma_wait3A_434 = arith.constant 0 : i32
      %dma_wait3A_435 = arith.constant 0 : i32
      %dma_wait3A_436 = tpu.memref_slice %arg2[%dma_wait3A_434, %dma_wait3A_435] : memref<10240x128xf32, #tpu.memory_space<hbm>> -> memref<10240x128xf32, #tpu.memory_space<hbm>>
      tpu.wait_indirect_dma semaphore(%arg12 : memref<!tpu.dma_semaphore, #tpu.memory_space<semaphore_mem>>) src(%dma_wait3A_436 : memref<10240x128xf32, #tpu.memory_space<hbm>>) dst(%arg9 : memref<128x128xf32, #tpu.memory_space<vmem>>)
      %dma_start3A_437 = arith.constant 14 : i32
      %dma_start3A_438 = arith.constant 0 : i32
      %dma_start3A_439 = tpu.memref_slice %arg8[%dma_start3A_437, %dma_start3A_438] : memref<16x128xi32, #tpu.memory_space<vmem>> -> memref<1x128xi32, #tpu.memory_space<vmem>>
      %dma_start3A_440 = tpu.memref_squeeze %dma_start3A_439 : memref<1x128xi32, #tpu.memory_space<vmem>> -> memref<128xi32, #tpu.memory_space<vmem>>
      %dma_start3A_441 = arith.constant 0 : i32
      %dma_start3A_442 = arith.constant 0 : i32
      %dma_start3A_443 = tpu.memref_slice %arg11[%dma_start3A_441, %dma_start3A_442] : memref<10240x128xf32, #tpu.memory_space<vmem_shared>> -> memref<10240x128xf32, #tpu.memory_space<vmem_shared>>
      tpu.enqueue_indirect_dma source(%arg9 : memref<128x128xf32, #tpu.memory_space<vmem>>) target(%dma_start3A_443 : memref<10240x128xf32, #tpu.memory_space<vmem_shared>>) offsets(%dma_start3A_440 : memref<128xi32, #tpu.memory_space<vmem>>) semaphore(%arg14 : memref<!tpu.dma_semaphore, #tpu.memory_space<semaphore_mem>>) {add = true}
      %dma_wait3A_444 = arith.constant 15 : i32
      %dma_wait3A_445 = arith.constant 0 : i32
      %dma_wait3A_446 = tpu.memref_slice %arg7[%dma_wait3A_444, %dma_wait3A_445] : memref<16x128xi32, #tpu.memory_space<vmem>> -> memref<1x128xi32, #tpu.memory_space<vmem>>
      %dma_wait3A_447 = tpu.memref_squeeze %dma_wait3A_446 : memref<1x128xi32, #tpu.memory_space<vmem>> -> memref<128xi32, #tpu.memory_space<vmem>>
      %dma_wait3A_448 = arith.constant 0 : i32
      %dma_wait3A_449 = arith.constant 0 : i32
      %dma_wait3A_450 = tpu.memref_slice %arg2[%dma_wait3A_448, %dma_wait3A_449] : memref<10240x128xf32, #tpu.memory_space<hbm>> -> memref<10240x128xf32, #tpu.memory_space<hbm>>
      tpu.wait_indirect_dma semaphore(%arg13 : memref<!tpu.dma_semaphore, #tpu.memory_space<semaphore_mem>>) src(%dma_wait3A_450 : memref<10240x128xf32, #tpu.memory_space<hbm>>) dst(%arg10 : memref<128x128xf32, #tpu.memory_space<vmem>>)
      %dma_start3A_451 = arith.constant 15 : i32
      %dma_start3A_452 = arith.constant 0 : i32
      %dma_start3A_453 = tpu.memref_slice %arg8[%dma_start3A_451, %dma_start3A_452] : memref<16x128xi32, #tpu.memory_space<vmem>> -> memref<1x128xi32, #tpu.memory_space<vmem>>
      %dma_start3A_454 = tpu.memref_squeeze %dma_start3A_453 : memref<1x128xi32, #tpu.memory_space<vmem>> -> memref<128xi32, #tpu.memory_space<vmem>>
      %dma_start3A_455 = arith.constant 0 : i32
      %dma_start3A_456 = arith.constant 0 : i32
      %dma_start3A_457 = tpu.memref_slice %arg11[%dma_start3A_455, %dma_start3A_456] : memref<10240x128xf32, #tpu.memory_space<vmem_shared>> -> memref<10240x128xf32, #tpu.memory_space<vmem_shared>>
      tpu.enqueue_indirect_dma source(%arg10 : memref<128x128xf32, #tpu.memory_space<vmem>>) target(%dma_start3A_457 : memref<10240x128xf32, #tpu.memory_space<vmem_shared>>) offsets(%dma_start3A_454 : memref<128xi32, #tpu.memory_space<vmem>>) semaphore(%arg15 : memref<!tpu.dma_semaphore, #tpu.memory_space<semaphore_mem>>) {add = true}
      %dma_wait3A_458 = arith.constant 14 : i32
      %dma_wait3A_459 = arith.constant 0 : i32
      %dma_wait3A_460 = tpu.memref_slice %arg8[%dma_wait3A_458, %dma_wait3A_459] : memref<16x128xi32, #tpu.memory_space<vmem>> -> memref<1x128xi32, #tpu.memory_space<vmem>>
      %dma_wait3A_461 = tpu.memref_squeeze %dma_wait3A_460 : memref<1x128xi32, #tpu.memory_space<vmem>> -> memref<128xi32, #tpu.memory_space<vmem>>
      %dma_wait3A_462 = arith.constant 0 : i32
      %dma_wait3A_463 = arith.constant 0 : i32
      %dma_wait3A_464 = tpu.memref_slice %arg11[%dma_wait3A_462, %dma_wait3A_463] : memref<10240x128xf32, #tpu.memory_space<vmem_shared>> -> memref<10240x128xf32, #tpu.memory_space<vmem_shared>>
      tpu.wait_indirect_dma semaphore(%arg14 : memref<!tpu.dma_semaphore, #tpu.memory_space<semaphore_mem>>) src(%arg9 : memref<128x128xf32, #tpu.memory_space<vmem>>) dst(%dma_wait3A_464 : memref<10240x128xf32, #tpu.memory_space<vmem_shared>>)
      %dma_wait3A_465 = arith.constant 15 : i32
      %dma_wait3A_466 = arith.constant 0 : i32
      %dma_wait3A_467 = tpu.memref_slice %arg8[%dma_wait3A_465, %dma_wait3A_466] : memref<16x128xi32, #tpu.memory_space<vmem>> -> memref<1x128xi32, #tpu.memory_space<vmem>>
      %dma_wait3A_468 = tpu.memref_squeeze %dma_wait3A_467 : memref<1x128xi32, #tpu.memory_space<vmem>> -> memref<128xi32, #tpu.memory_space<vmem>>
      %dma_wait3A_469 = arith.constant 0 : i32
      %dma_wait3A_470 = arith.constant 0 : i32
      %dma_wait3A_471 = tpu.memref_slice %arg11[%dma_wait3A_469, %dma_wait3A_470] : memref<10240x128xf32, #tpu.memory_space<vmem_shared>> -> memref<10240x128xf32, #tpu.memory_space<vmem_shared>>
      tpu.wait_indirect_dma semaphore(%arg15 : memref<!tpu.dma_semaphore, #tpu.memory_space<semaphore_mem>>) src(%arg10 : memref<128x128xf32, #tpu.memory_space<vmem>>) dst(%dma_wait3A_471 : memref<10240x128xf32, #tpu.memory_space<vmem_shared>>)
    }
    %scan3A_10 = arith.constant 5 : i32
    %barrier3A_11 = arith.constant 0 : index
    tpu.barrier barrier_id(%barrier3A_11)
    %mul3A = arith.constant 640 : i32
    %mul3A_12 = arith.muli %arg1, %mul3A : i32
    %mul3A_13 = arith.constant 10240 : i32
    %mul3A_14 = arith.muli %arg0, %mul3A_13 : i32
    %mul3A_15 = arith.constant 640 : i32
    %mul3A_16 = arith.muli %arg1, %mul3A_15 : i32
    %add3A = arith.addi %mul3A_14, %mul3A_16 : i32
    "tpu.region"() ({
      %run_scoped3A = tpu.sem_alloc : memref<!tpu.dma_semaphore, #tpu.memory_space<semaphore_mem>>
      %dma_start3A = arith.constant 0 : i32
      %dma_start3A_17 = tpu.memref_slice %arg6[%add3A, %dma_start3A] : memref<20480x128xf32, #tpu.memory_space<hbm>> -> memref<640x128xf32, #tpu.memory_space<hbm>>
      %dma_start3A_18 = arith.constant 0 : i32
      %dma_start3A_19 = tpu.memref_slice %arg11[%mul3A_12, %dma_start3A_18] : memref<10240x128xf32, #tpu.memory_space<vmem_shared>> -> memref<640x128xf32, #tpu.memory_space<vmem_shared>>
      tpu.enqueue_dma source(%dma_start3A_19 : memref<640x128xf32, #tpu.memory_space<vmem_shared>>) target(%dma_start3A_17 : memref<640x128xf32, #tpu.memory_space<hbm>>) target_semaphore(%run_scoped3A : memref<!tpu.dma_semaphore, #tpu.memory_space<semaphore_mem>>)
      %dma_wait3A = arith.constant 0 : i32
      %dma_wait3A_20 = tpu.memref_slice %arg6[%add3A, %dma_wait3A] : memref<20480x128xf32, #tpu.memory_space<hbm>> -> memref<640x128xf32, #tpu.memory_space<hbm>>
      %dma_wait3A_21 = arith.constant 0 : i32
      %dma_wait3A_22 = tpu.memref_slice %arg11[%mul3A_12, %dma_wait3A_21] : memref<10240x128xf32, #tpu.memory_space<vmem_shared>> -> memref<640x128xf32, #tpu.memory_space<vmem_shared>>
      tpu.wait_dma2 semaphore(%run_scoped3A : memref<!tpu.dma_semaphore, #tpu.memory_space<semaphore_mem>>) src(%dma_wait3A_22 : memref<640x128xf32, #tpu.memory_space<vmem_shared>>) dst(%dma_wait3A_20 : memref<640x128xf32, #tpu.memory_space<hbm>>)
      tpu.yield
    }) : () -> ()
    return
  }
}

module attributes {stable_mosaic.version = 14 : i64} {
  func.func @_tc1(%arg0: memref<20480x128xf32, #tpu.memory_space<vmem>>, %arg1: memref<10240x128xf32, #tpu.memory_space<vmem>>, %arg2: memref<10240x1xf32, #tpu.memory_space<vmem>>, %arg3: memref<10240x128xf32, #tpu.memory_space<vmem>>) attributes {dimension_semantics = [], scalar_prefetch = 0 : i64, scratch_operands = 0 : i64, tpu.core_type = #tpu.core_type<tc>} {
    %get3A = arith.constant 0 : index
    %get3A_0 = arith.constant 0 : index
    %get3A_1 = vector.load %arg0[%get3A, %get3A_0] : memref<20480x128xf32, #tpu.memory_space<vmem>>, vector<20480x128xf32>
    %slice3A = vector.extract_strided_slice %get3A_1 {offsets = [0, 0], sizes = [10240, 1], strides = [1, 1]} : vector<20480x128xf32> to vector<10240x1xf32>
    %slice3A_2 = vector.extract_strided_slice %get3A_1 {offsets = [10240, 0], sizes = [10240, 1], strides = [1, 1]} : vector<20480x128xf32> to vector<10240x1xf32>
    %add3A = arith.addf %slice3A, %slice3A_2 : vector<10240x1xf32>
    %add3A_3 = arith.constant 1.000000e+00 : f32
    %add3A_4 = vector.broadcast %add3A_3 : f32 to vector<10240x1xf32>
    %add3A_5 = arith.addf %add3A, %add3A_4 : vector<10240x1xf32>
    %rsqrt3A = math.rsqrt %add3A_5 : vector<10240x1xf32>
    %swap3A = arith.constant 0 : index
    %swap3A_6 = arith.constant 0 : index
    %swap3A_7 = vector.load %arg2[%swap3A, %swap3A_6] : memref<10240x1xf32, #tpu.memory_space<vmem>>, vector<10240x1xf32>
    tpu.vector_store %arg2[%swap3A, %swap3A_6], %rsqrt3A {strides = array<i32>} : memref<10240x1xf32, #tpu.memory_space<vmem>>, vector<10240x1xf32>,
    %get3A_8 = arith.constant 0 : index
    %get3A_9 = arith.constant 0 : index
    %get3A_10 = vector.load %arg1[%get3A_8, %get3A_9] : memref<10240x128xf32, #tpu.memory_space<vmem>>, vector<10240x128xf32>
    %mul3A = vector.broadcast %rsqrt3A : vector<10240x1xf32> to vector<10240x128xf32>
    %mul3A_11 = arith.mulf %get3A_10, %mul3A : vector<10240x128xf32>
    %swap3A_12 = arith.constant 0 : index
    %swap3A_13 = arith.constant 0 : index
    %swap3A_14 = vector.load %arg3[%swap3A_12, %swap3A_13] : memref<10240x128xf32, #tpu.memory_space<vmem>>, vector<10240x128xf32>
    tpu.vector_store %arg3[%swap3A_12, %swap3A_13], %mul3A_11 {strides = array<i32>} : memref<10240x128xf32, #tpu.memory_space<vmem>>, vector<10240x128xf32>,
    return
  }
}

module attributes {stable_mosaic.version = 14 : i64} {
  func.func @_tc2(%arg0: memref<20480x128xf32, #tpu.memory_space<vmem>>, %arg1: memref<10240x1xf32, #tpu.memory_space<vmem>>, %arg2: memref<128x256xf32, #tpu.memory_space<vmem>>, %arg3: memref<1x256xf32, #tpu.memory_space<vmem>>, %arg4: memref<20480x128xf32, #tpu.memory_space<vmem>>) attributes {dimension_semantics = [], scalar_prefetch = 0 : i64, scratch_operands = 0 : i64, tpu.core_type = #tpu.core_type<tc>} {
    %get3A = arith.constant 0 : index
    %get3A_0 = arith.constant 0 : index
    %get3A_1 = vector.load %arg1[%get3A, %get3A_0] : memref<10240x1xf32, #tpu.memory_space<vmem>>, vector<10240x1xf32>
    %get3A_2 = arith.constant 0 : index
    %get3A_3 = arith.constant 0 : index
    %get3A_4 = vector.load %arg0[%get3A_2, %get3A_3] : memref<20480x128xf32, #tpu.memory_space<vmem>>, vector<10240x128xf32>
    %get3A_5 = arith.constant 10240 : index
    %get3A_6 = arith.constant 0 : index
    %get3A_7 = vector.load %arg0[%get3A_5, %get3A_6] : memref<20480x128xf32, #tpu.memory_space<vmem>>, vector<10240x128xf32>
    %add3A = arith.addf %get3A_4, %get3A_7 : vector<10240x128xf32>
    %mul3A = vector.broadcast %get3A_1 : vector<10240x1xf32> to vector<10240x128xf32>
    %mul3A_8 = arith.mulf %add3A, %mul3A : vector<10240x128xf32>
    %get3A_9 = arith.constant 0 : index
    %get3A_10 = arith.constant 0 : index
    %get3A_11 = vector.load %arg2[%get3A_9, %get3A_10] : memref<128x256xf32, #tpu.memory_space<vmem>>, vector<128x256xf32>
    %dot_general3A = arith.constant dense<0.000000e+00> : vector<10240x256xf32>
    %dot_general3A_12 = tpu.matmul %mul3A_8, %get3A_11, %dot_general3A {dimension_numbers = #tpu.dot_dimension_numbers<[1], [0], [0], [1], [0, 0, 1, 1], [], []>, transpose_lhs_hint = false} : vector<10240x128xf32>, vector<128x256xf32>, vector<10240x256xf32> -> vector<10240x256xf32>
    %get3A_13 = arith.constant 0 : index
    %get3A_14 = arith.constant 0 : index
    %get3A_15 = vector.load %arg3[%get3A_13, %get3A_14] : memref<1x256xf32, #tpu.memory_space<vmem>>, vector<1x256xf32>
    %add3A_16 = vector.broadcast %get3A_15 : vector<1x256xf32> to vector<10240x256xf32>
    %add3A_17 = arith.addf %dot_general3A_12, %add3A_16 : vector<10240x256xf32>
    %max3A = arith.constant 0.000000e+00 : f32
    %max3A_18 = vector.broadcast %max3A : f32 to vector<10240x256xf32>
    %max3A_19 = arith.maximumf %add3A_17, %max3A_18 : vector<10240x256xf32>
    %mul3A_20 = vector.broadcast %get3A_1 : vector<10240x1xf32> to vector<10240x256xf32>
    %mul3A_21 = arith.mulf %max3A_19, %mul3A_20 : vector<10240x256xf32>
    %slice3A = vector.extract_strided_slice %mul3A_21 {offsets = [0, 0], sizes = [10240, 128], strides = [1, 1]} : vector<10240x256xf32> to vector<10240x128xf32>
    %swap3A = arith.constant 0 : index
    %swap3A_22 = arith.constant 0 : index
    %swap3A_23 = vector.load %arg4[%swap3A, %swap3A_22] : memref<20480x128xf32, #tpu.memory_space<vmem>>, vector<10240x128xf32>
    tpu.vector_store %arg4[%swap3A, %swap3A_22], %slice3A {strides = array<i32>} : memref<20480x128xf32, #tpu.memory_space<vmem>>, vector<10240x128xf32>,
    %slice3A_24 = vector.extract_strided_slice %mul3A_21 {offsets = [0, 128], sizes = [10240, 128], strides = [1, 1]} : vector<10240x256xf32> to vector<10240x128xf32>
    %swap3A_25 = arith.constant 10240 : index
    %swap3A_26 = arith.constant 0 : index
    %swap3A_27 = vector.load %arg4[%swap3A_25, %swap3A_26] : memref<20480x128xf32, #tpu.memory_space<vmem>>, vector<10240x128xf32>
    tpu.vector_store %arg4[%swap3A_25, %swap3A_26], %slice3A_24 {strides = array<i32>} : memref<20480x128xf32, #tpu.memory_space<vmem>>, vector<10240x128xf32>,
    return
  }
}

module attributes {stable_mosaic.version = 14 : i64} {
  func.func @_tc3(%arg0: memref<20480x128xf32, #tpu.memory_space<vmem>>, %arg1: memref<10240x1xf32, #tpu.memory_space<vmem>>, %arg2: memref<256x256xf32, #tpu.memory_space<vmem>>, %arg3: memref<1x256xf32, #tpu.memory_space<vmem>>, %arg4: memref<256x64xf32, #tpu.memory_space<vmem>>, %arg5: memref<10240x128xf32, #tpu.memory_space<vmem>>) attributes {dimension_semantics = [], scalar_prefetch = 0 : i64, scratch_operands = 0 : i64, tpu.core_type = #tpu.core_type<tc>} {
    %get3A = arith.constant 0 : index
    %get3A_0 = arith.constant 0 : index
    %get3A_1 = vector.load %arg1[%get3A, %get3A_0] : memref<10240x1xf32, #tpu.memory_space<vmem>>, vector<10240x1xf32>
    %get3A_2 = arith.constant 0 : index
    %get3A_3 = arith.constant 0 : index
    %get3A_4 = vector.load %arg0[%get3A_2, %get3A_3] : memref<20480x128xf32, #tpu.memory_space<vmem>>, vector<10240x128xf32>
    %mul3A = vector.broadcast %get3A_1 : vector<10240x1xf32> to vector<10240x128xf32>
    %mul3A_5 = arith.mulf %get3A_4, %mul3A : vector<10240x128xf32>
    %get3A_6 = arith.constant 10240 : index
    %get3A_7 = arith.constant 0 : index
    %get3A_8 = vector.load %arg0[%get3A_6, %get3A_7] : memref<20480x128xf32, #tpu.memory_space<vmem>>, vector<10240x128xf32>
    %mul3A_9 = vector.broadcast %get3A_1 : vector<10240x1xf32> to vector<10240x128xf32>
    %mul3A_10 = arith.mulf %get3A_8, %mul3A_9 : vector<10240x128xf32>
    %get3A_11 = arith.constant 0 : index
    %get3A_12 = arith.constant 0 : index
    %get3A_13 = vector.load %arg2[%get3A_11, %get3A_12] : memref<256x256xf32, #tpu.memory_space<vmem>>, vector<128x256xf32>
    %dot_general3A = arith.constant dense<0.000000e+00> : vector<10240x256xf32>
    %dot_general3A_14 = tpu.matmul %mul3A_5, %get3A_13, %dot_general3A {dimension_numbers = #tpu.dot_dimension_numbers<[1], [0], [0], [1], [0, 0, 1, 1], [], []>, transpose_lhs_hint = false} : vector<10240x128xf32>, vector<128x256xf32>, vector<10240x256xf32> -> vector<10240x256xf32>
    %get3A_15 = arith.constant 128 : index
    %get3A_16 = arith.constant 0 : index
    %get3A_17 = vector.load %arg2[%get3A_15, %get3A_16] : memref<256x256xf32, #tpu.memory_space<vmem>>, vector<128x256xf32>
    %dot_general3A_18 = arith.constant dense<0.000000e+00> : vector<10240x256xf32>
    %dot_general3A_19 = tpu.matmul %mul3A_10, %get3A_17, %dot_general3A_18 {dimension_numbers = #tpu.dot_dimension_numbers<[1], [0], [0], [1], [0, 0, 1, 1], [], []>, transpose_lhs_hint = false} : vector<10240x128xf32>, vector<128x256xf32>, vector<10240x256xf32> -> vector<10240x256xf32>
    %add3A = arith.addf %dot_general3A_14, %dot_general3A_19 : vector<10240x256xf32>
    %get3A_20 = arith.constant 0 : index
    %get3A_21 = arith.constant 0 : index
    %get3A_22 = vector.load %arg3[%get3A_20, %get3A_21] : memref<1x256xf32, #tpu.memory_space<vmem>>, vector<1x256xf32>
    %add3A_23 = vector.broadcast %get3A_22 : vector<1x256xf32> to vector<10240x256xf32>
    %add3A_24 = arith.addf %add3A, %add3A_23 : vector<10240x256xf32>
    %max3A = arith.constant 0.000000e+00 : f32
    %max3A_25 = vector.broadcast %max3A : f32 to vector<10240x256xf32>
    %max3A_26 = arith.maximumf %add3A_24, %max3A_25 : vector<10240x256xf32>
    %get3A_27 = arith.constant 0 : index
    %get3A_28 = arith.constant 0 : index
    %get3A_29 = vector.load %arg4[%get3A_27, %get3A_28] : memref<256x64xf32, #tpu.memory_space<vmem>>, vector<256x64xf32>
    %dot_general3A_30 = arith.constant dense<0.000000e+00> : vector<10240x64xf32>
    %dot_general3A_31 = tpu.matmul %max3A_26, %get3A_29, %dot_general3A_30 {dimension_numbers = #tpu.dot_dimension_numbers<[1], [0], [0], [1], [0, 0, 1, 1], [], []>, transpose_lhs_hint = false} : vector<10240x256xf32>, vector<256x64xf32>, vector<10240x64xf32> -> vector<10240x64xf32>
    %mul3A_32 = vector.broadcast %get3A_1 : vector<10240x1xf32> to vector<10240x64xf32>
    %mul3A_33 = arith.mulf %dot_general3A_31, %mul3A_32 : vector<10240x64xf32>
    %broadcast_in_dim3A = arith.constant 0.000000e+00 : f32
    %broadcast_in_dim3A_34 = vector.broadcast %broadcast_in_dim3A : f32 to vector<10240x64xf32>
    %concatenate3A = tpu.concatenate %mul3A_33, %broadcast_in_dim3A_34 in 1 : vector<10240x64xf32>, vector<10240x64xf32> -> vector<10240x128xf32>
    %swap3A = arith.constant 0 : index
    %swap3A_35 = arith.constant 0 : index
    %swap3A_36 = vector.load %arg5[%swap3A, %swap3A_35] : memref<10240x128xf32, #tpu.memory_space<vmem>>, vector<10240x128xf32>
    tpu.vector_store %arg5[%swap3A, %swap3A_35], %concatenate3A {strides = array<i32>} : memref<10240x128xf32, #tpu.memory_space<vmem>>, vector<10240x128xf32>,
    return
  }
}

module attributes {stable_mosaic.version = 14 : i64} {
  func.func @_tc4(%arg0: memref<20480x128xf32, #tpu.memory_space<vmem>>, %arg1: memref<10240x1xf32, #tpu.memory_space<vmem>>, %arg2: memref<1x64xf32, #tpu.memory_space<vmem>>, %arg3: memref<10000x64xf32, #tpu.memory_space<vmem>>) attributes {dimension_semantics = [], scalar_prefetch = 0 : i64, scratch_operands = 0 : i64, tpu.core_type = #tpu.core_type<tc>} {
    %get3A = arith.constant 0 : index
    %get3A_0 = arith.constant 0 : index
    %get3A_1 = vector.load %arg1[%get3A, %get3A_0] : memref<10240x1xf32, #tpu.memory_space<vmem>>, vector<10240x1xf32>
    %get3A_2 = arith.constant 0 : index
    %get3A_3 = arith.constant 0 : index
    %get3A_4 = vector.load %arg0[%get3A_2, %get3A_3] : memref<20480x128xf32, #tpu.memory_space<vmem>>, vector<10240x64xf32>
    %get3A_5 = arith.constant 10240 : index
    %get3A_6 = arith.constant 0 : index
    %get3A_7 = vector.load %arg0[%get3A_5, %get3A_6] : memref<20480x128xf32, #tpu.memory_space<vmem>>, vector<10240x64xf32>
    %add3A = arith.addf %get3A_4, %get3A_7 : vector<10240x64xf32>
    %mul3A = vector.broadcast %get3A_1 : vector<10240x1xf32> to vector<10240x64xf32>
    %mul3A_8 = arith.mulf %add3A, %mul3A : vector<10240x64xf32>
    %get3A_9 = arith.constant 0 : index
    %get3A_10 = arith.constant 0 : index
    %get3A_11 = vector.load %arg2[%get3A_9, %get3A_10] : memref<1x64xf32, #tpu.memory_space<vmem>>, vector<1x64xf32>
    %add3A_12 = vector.broadcast %get3A_11 : vector<1x64xf32> to vector<10240x64xf32>
    %add3A_13 = arith.addf %mul3A_8, %add3A_12 : vector<10240x64xf32>
    %reduce_max3A = arith.constant dense<0xFF800000> : vector<10240xf32>
    %reduce_max3A_14 = vector.multi_reduction <maximumf>, %add3A_13, %reduce_max3A [1] : vector<10240x64xf32> to vector<10240xf32>
    %broadcast_in_dim3A = vector.shape_cast %reduce_max3A_14 : vector<10240xf32> to vector<10240x1xf32>
    %sub3A = vector.broadcast %broadcast_in_dim3A : vector<10240x1xf32> to vector<10240x64xf32>
    %sub3A_15 = arith.subf %add3A_13, %sub3A : vector<10240x64xf32>
    %exp3A = math.exp %sub3A_15 : vector<10240x64xf32>
    %reduce_sum3A = arith.constant dense<0.000000e+00> : vector<10240xf32>
    %reduce_sum3A_16 = vector.multi_reduction <add>, %exp3A, %reduce_sum3A [1] : vector<10240x64xf32> to vector<10240xf32>
    %broadcast_in_dim3A_17 = vector.shape_cast %reduce_sum3A_16 : vector<10240xf32> to vector<10240x1xf32>
    %log3A = math.log %broadcast_in_dim3A_17 : vector<10240x1xf32>
    %sub3A_18 = vector.broadcast %log3A : vector<10240x1xf32> to vector<10240x64xf32>
    %sub3A_19 = arith.subf %sub3A_15, %sub3A_18 : vector<10240x64xf32>
    %slice3A = vector.extract_strided_slice %sub3A_19 {offsets = [0, 0], sizes = [10000, 64], strides = [1, 1]} : vector<10240x64xf32> to vector<10000x64xf32>
    %swap3A = arith.constant 0 : index
    %swap3A_20 = arith.constant 0 : index
    %swap3A_21 = vector.load %arg3[%swap3A, %swap3A_20] : memref<10000x64xf32, #tpu.memory_space<vmem>>, vector<10000x64xf32>
    tpu.vector_store %arg3[%swap3A, %swap3A_20], %slice3A {strides = array<i32>} : memref<10000x64xf32, #tpu.memory_space<vmem>>, vector<10000x64xf32>,
    return
  }
}

</mosaic_0001>

<sc_bundles>
// kernel: kernel.10.cloned.1.call-start
scs
__scs_entry_jumppad:
0x0: {  	(pc) =	sbr.rel $0x88, $3  }
0x1: {  	(tag) =	ssettag $0x0;
	lr =	simm.s32 $0x1  }
0x2: {  	[smem:$0x3F99] =	sst lr;
	_ =	strace $0xD0000000  }
0x3: {  	_ = 	snop  }
0x4: {  	_ = 	snop  }
0x5: {  	_ = 	snop  }
0x6: {  	_ = 	snop  }
0x7: {  	_ = 	snop  }
__scs_overlays_trampoline_lowered:
0x8: {  	[smem:$0x3FA8] =	sst s0  }
0x9: {  	[smem:$0x3FA9] =	sst s1  }
0xa: {  	[smem:$0x3FAA] =	sst s2  }
0xb: {  	[smem:$0x3FAB] =	sst s3  }
0xc: {  	[smem:$0x3FAC] =	sst s4  }
0xd: {  	[smem:$0x3FAD] =	sst s5  }
0xe: {  	[smem:$0x3FAE] =	sst s6  }
0xf: {  	[smem:$0x3FAF] =	sst s7  }
0x10: {  	[smem:$0x3FB0] =	sst s8  }
0x11: {  	[smem:$0x3FB1] =	sst s9;
	s0 =	simm.s32 @!p0 $0x0  }
0x12: {  	s1 =	sld [smem:$0x3F97];
	s0 =	simm.s32 @p0 $0x1  }
0x13: {  	[smem:$0x3FB2] =	sst s0;
	s0 =	simm.s32 @!p1 $0x0  }
0x14: {  	s2 =	sld [smem:$0x3F96];
	s0 =	simm.s32 @p1 $0x1  }
0x15: {  	[smem:$0x3FB3] =	sst s0;
	s0 =	simm.s32 @!p2 $0x0  }
0x16: {  	s3 =	sld [smem:$0x3FDB];
	s0 =	simm.s32 @p2 $0x1  }
0x17: {  	s4 =	simm.s32 $0x1BF5;
	[smem:$0x3FB5] =	sst s0  }
0x18: {  	s0 =	sld [smem:$0x3F98];
	_ =	swait.ge [sflag:s4], $0x0  }
0x19: {  	s7 =	sld [smem:$0x3F99]  }
0x1a: {  	s8 =	sadd.s32 $0xFFFFE003, lr  }
0x1b: {  	s9 =	sadd.s32 $0xFFFFFEF7, lr;
	s5 =	simm.s32 $0xFFFFFFFF;
	p2 =	slt.u32 s8, $0xFFFFF086  }
0x1c: {  	p1 =	slt.u32 s9, $0xF7A;
	s5 =	simm.s32 @!p2 $0x0  }
0x1d: {  	s5 =	simm.s32 @p1 $0x1;
	p0 =	seq.s32 s7, s2  }
0x1e: {  	s7 =	smul.u32 @!p0 $0xF7A, s2;
	p2 =	seq.s32 @!p0 s5, $0x0  }
0x1f: {  	s9 =	smul.u32 $0xF7A, s1;
	s8 =	simm.s32 @!p0 $0x1BF5;
	p2 =	por !p2, p0  }
0x20: {  	[sflag:s8] =	ssyncset.s32 @!p0 $0xFFFFF086;
	s6 =	sadd.s32 @!p0 s3, s7;
	s7 =	simm.s32 @!p0 $0x108  }
0x21: {  	s3 =	sadd.s32 s3, s9;
	s6 =	sadd.s32 @!p0 $0x88, s6;
	s7 =	simm.s32 @p2 $0x1082  }
0x22: {  	[simem:s7], [sflag:s8] =	dma.local @!p0 [hbm:s6], $0xF7A  }
0x23: {  	s9 =	sor.u32 $0xD0000000, s2;
	s6 =	simm.s32 $0x108;
	_ =	swait.ge @!p0 [sflag:s8], $0x0  }
0x24: {  	s3 =	sadd.s32 $0x88, s3;
	s6 =	simm.s32 @!p1 $0x1082;
	[sflag:s4] =	ssyncset.s32 $0xFFFFF086  }
0x25: {  	[simem:s6], [sflag:s4] =	dma.local [hbm:s3], $0xF7A  }
0x26: {  	[smem:$0x3F99] =	sst s1;
	(tag) =	ssettag s2;
	_ =	strace s9  }
0x27: {  	s1 =	sld [smem:$0x3FA9]  }
0x28: {  	s2 =	sld [smem:$0x3FAA]  }
0x29: {  	s4 =	sld [smem:$0x3FAC]  }
0x2a: {  	p0 =	seq.s32 s5, $0x0;
	s5 =	sld [smem:$0x3FAD]  }
0x2b: {  	s6 =	sld [smem:$0x3FAE]  }
0x2c: {  	s7 =	sld [smem:$0x3FAF]  }
0x2d: {  	s3 =	simm.s32 $0x108;
	s8 =	sld [smem:$0x3FB0]  }
0x2e: {  	s3 =	simm.s32 @!p0 $0x1082;
	s9 =	sld [smem:$0x3FB1]  }
0x2f: {  	lr =	sadd.s32 s0, s3;
	s0 =	sld [smem:$0x3FA8]  }
0x30: {  	s3 =	sld [smem:$0x3FAB]  }
0x31: {  	[smem:$0x3FB4] =	sst s10  }
0x32: {  	s10 =	sld [smem:$0x3FB2];
	_ =	sdelay $0x3  }
0x33: {  	p0 =	seq.s32 s10, $0x1;
	s10 =	sld [smem:$0x3FB4];
	_ =	sdelay $0x3  }
0x34: {  	[smem:$0x3FB4] =	sst s10  }
0x35: {  	s10 =	sld [smem:$0x3FB3];
	_ =	sdelay $0x3  }
0x36: {  	p1 =	seq.s32 s10, $0x1;
	s10 =	sld [smem:$0x3FB4];
	_ =	sdelay $0x3  }
0x37: {  	[smem:$0x3FB4] =	sst s10  }
0x38: {  	s10 =	sld [smem:$0x3FB5]  }
0x39: {  	_ = 	snop;
	(pc) =	sbr.ind lr, $3  }
0x3a: {  	_ = 	snop  }
0x3b: {  	_ = 	snop  }
0x3c: {  	p2 =	seq.s32 s10, $0x1;
	s10 =	sld [smem:$0x3FB4]  }
0x3d: {  	_ =	shalt  }
0x3e: {  	_ =	shalt  }
0x3f: {  	_ =	shalt  }
0x40: {  	_ =	shalt  }
0x41: {  	_ =	shalt  }
0x42: {  	_ =	shalt  }
0x43: {  	_ =	shalt  }
0x44: {  	_ =	shalt  }
0x45: {  	_ =	shalt  }
0x46: {  	_ =	shalt  }
0x47: {  	_ =	shalt  }
0x48: {  	_ =	shalt  }
0x49: {  	_ =	shalt  }
0x4a: {  	_ =	shalt  }
0x4b: {  	_ =	shalt  }
0x4c: {  	_ =	shalt  }
0x4d: {  	_ =	shalt  }
0x4e: {  	_ =	shalt  }
0x4f: {  	_ =	shalt  }
0x50: {  	_ =	shalt  }
0x51: {  	_ =	shalt  }
0x52: {  	_ =	shalt  }
0x53: {  	_ =	shalt  }
0x54: {  	_ =	shalt  }
0x55: {  	_ =	shalt  }
0x56: {  	_ =	shalt  }
0x57: {  	_ =	shalt  }
0x58: {  	_ =	shalt  }
0x59: {  	_ =	shalt  }
0x5a: {  	_ =	shalt  }
0x5b: {  	_ =	shalt  }
0x5c: {  	_ =	shalt  }
0x5d: {  	_ =	shalt  }
0x5e: {  	_ =	shalt  }
0x5f: {  	_ =	shalt  }
0x60: {  	_ =	shalt  }
0x61: {  	_ =	shalt  }
0x62: {  	_ =	shalt  }
0x63: {  	_ =	shalt  }
0x64: {  	_ =	shalt  }
0x65: {  	_ =	shalt  }
0x66: {  	_ =	shalt  }
0x67: {  	_ =	shalt  }
0x68: {  	_ =	shalt  }
0x69: {  	_ =	shalt  }
0x6a: {  	_ =	shalt  }
0x6b: {  	_ =	shalt  }
0x6c: {  	_ =	shalt  }
0x6d: {  	_ =	shalt  }
0x6e: {  	_ =	shalt  }
0x6f: {  	_ =	shalt  }
0x70: {  	_ =	shalt  }
0x71: {  	_ =	shalt  }
0x72: {  	_ =	shalt  }
0x73: {  	_ =	shalt  }
0x74: {  	_ =	shalt  }
0x75: {  	_ =	shalt  }
0x76: {  	_ =	shalt  }
0x77: {  	_ =	shalt  }
0x78: {  	_ =	shalt  }
0x79: {  	_ =	shalt  }
0x7a: {  	_ =	shalt  }
0x7b: {  	_ =	shalt  }
0x7c: {  	_ =	shalt  }
0x7d: {  	_ =	shalt  }
0x7e: {  	_ =	shalt  }
0x7f: {  	_ =	shalt  }
0x80: {  	_ =	shalt  }
0x81: {  	_ =	shalt  }
0x82: {  	_ =	shalt  }
0x83: {  	_ =	shalt  }
0x84: {  	_ =	shalt  }
0x85: {  	_ =	shalt  }
0x86: {  	_ =	shalt  }
0x87: {  	_ =	shalt  }
.Lfunc_end0:
.L_simem_size_0:
called_computation_lowered:
.L_overlay_start_0:
0x88: {  	s2 =	sld [smem:$0x3FD9]  }
0x89: {  	s3 =	sld [smem:$0x3FFE];
	_ =	sdelay $0x1  }
0x8a: {  	s1 =	srdreg.scid  }
0x8b: {  	s0 =	sand.u32 $0x1, s1  }
0x8c: {  	s16 =	sshll.u32 s0, $0xA;
	s2 =	sadd.s32 s3, s2  }
0x8d: {  	s2 =	sadd.s32 s2, s16  }
0x8e: {  	[smem:$0x3FC0] =	sst s2  }
0x8f: {  	_ = 	snop  }
0x90: {  	(tm) =	ssettm $0x1  }
0x91: {  	s17 =	sld [smem:$0x3FFB];
	_ =	sdelay $0x3  }
0x92: {  	_ =	strace s17  }
0x93: {  	s2 =	sld [smem:$0x3FFC];
	_ =	sdelay $0x3  }
0x94: {  	_ =	strace s2  }
0x95: {  	s2 =	sld [smem:$0x3FFD];
	_ =	sdelay $0x3  }
0x96: {  	_ =	strace s2  }
0x97: {  	_ =	strace $0x8FFFFFFF  }
0x98: {  	s18 =	sld [smem:$0x3FDB];
	_ =	sdelay $0x1  }
0x99: {  	s19 =	simm.s32 $_scs_section_size  }
0x9a: {  	s4 =	simm.s32 $_size__tile_overlayer_lowered;
	s5 =	simm.s32 $_tile_overlayer_lowered  }
0x9b: {  	s22 =	simm.s32 $0x1BFF;
	s21 =	sshll.u32 s5, $0x1;
	s2 =	sadd.s32 s19, s18  }
0x9c: {  	s6 =	simm.s32 $0x0;
	s20 =	sshll.u32 s4, $0x1;
	s4 =	sadd.s32 s21, s2  }
0x9d: {  	[timem:s6], [sflag:s22] =	dma.local [hbm:s4], s20  }
0x9e: {  	_ =	swait.ge [sflag:s22], s20  }
0x9f: {  	s3 =	ssub.s32 $0x0, s20;
	[sflag:s22] =	ssyncset.done $0x0  }
0xa0: {  	[sflag:s22] =	ssyncadd.s32 s3;
	_ =	sdelay $0x1  }
0xa1: {  	s23 =	simm.s32 $0x1B8B  }
0xa2: {  	_ =	swait.ge [sflag:s23], $0x1  }
0xa3: {  	[sflag:s23] =	ssyncset.done $0x0  }
0xa4: {  	s25 =	simm.s32 $0x1B8E;
	s24 =	sld [smem:$0x3FFE];
	[sflag:s23] =	ssyncadd.s32 $0xFFFFFFFF  }
0xa5: {  	s26 =	simm.s32 $execute0_lowered;
	[smem:$0x3FD2] =	sst s25  }
0xa6: {  	s4 =	sshll.u32 s26, $0x1;
	_ =	strace $0x80000046;
	[dreg:$0x1] =	wrdreg $0xFFFFFFFF  }
0xa7: {  	s28 =	simm.s32 $_size_execute0_lowered;
	s2 =	sadd.s32 s2, s4;
	[dreg:$0x0] =	wrdreg $0x0  }
0xa8: {  	s4 =	sshll.u32 s28, $0x1;
	[dreg:$0x2] =	wrdreg s2  }
0xa9: {  	[dreg:$0x3] =	wrdreg s4  }
0xaa: {  	[dreg:$0x4] =	wrdreg $0xC0  }
0xab: {  	_ =	task [dreg:s6], $0x5FFFF  }
0xac: {  	[dreg:$0x1] =	wrdreg $0xFFFFFFFF  }
0xad: {  	[dreg:$0x0] =	wrdreg $0x60  }
0xae: {  	[dreg:$0x2] =	wrdreg s24  }
0xaf: {  	[dreg:$0x3] =	wrdreg $0x68000  }
0xb0: {  	[dreg:$0x4] =	wrdreg $0x9  }
0xb1: {  	_ =	task.clear_ibuf [dreg:s6], $0x5FFFF;
	_ =	strace $0x90000046  }
0xb2: {  	s29 =	simm.s32 $0x9;
	_ =	strace $0x80000048  }
0xb3: {  	_ =	swait.ge [sflag:s29], $0x1  }
0xb4: {  	[sflag:s29] =	ssyncadd.s32 $0xFFFFFFFF  }
0xb5: {  	_ =	strace $0x90000048  }
0xb6: {  	_ =	sfence  }
0xb7: {  	s30 =	sld [smem:$0x0];
	_ =	sdelay $0x2  }
0xb8: {  	s31 =	sshll.u32 s1, $0xD;
	s1 =	sshrl.u32 s1, $0x2  }
0xb9: {  	s3 =	sand.u32 $0x4000, s31;
	s1 =	sadd.s32 s1, s30  }
0xba: {  	s0 =	sor.u32 s3, s0;
	s1 =	sshll.u32 s1, $0x11  }
0xbb: {  	s0 =	sor.u32 s1, s0  }
0xbc: {  	s0 =	sadd.s32 $0x8F2B, s0  }
0xbd: {  	[sflag:s0] =	ssyncadd.remote.s32 $0x1  }
0xbe: {  	_ =	sfence.sel $0xFFFF  }
0xbf: {  	[dreg:$0x0] =	wrdreg $0xFFFFFFFF;
	(pc) =	sbr.abs _section_cstart, $3  }
0xc0: {  	[dreg:$0x1] =	wrdreg $0xFFFFFFFF  }
0xc1: {  	_ =	task.clear_ibuf [dreg:s6], $0x2FFFF;
	_ =	strace $0x9FFFFFFF  }
0xc2: {  	(tm) =	ssettm $0x7FFFFFFF  }
0xc3: {  	_ =	shalt  }
tec
execute0_lowered:
.L_overlay_start_1:
0x0: {  	(tag) =	ssettag $0x1  }
0x1: {  	s6 =	rddreg [dreg:$0x0]  }
0x2: {  	s2 =	rddreg [dreg:$0x1]  }
0x3: {  	s0 =	srdreg.scid;
	s1 =	rddreg [dreg:$0x2]  }
0x4: {  	s3 =	simm.s32 $0x0;
	s13 =	simm.s32 $0x80;
	s4 =	sand.u32 $0x1, s0  }
0x5: {  	s14 =	simm.s32 $0x1;
	s0 =	stileid.u32;
	s5 =	smul.u32 $0x28000, s4  }
0x6: {  	s15 =	simm.s32 $0x0;
	[smem:$0x7FF] =	sst s3;
	s7 =	smul.u32 $0x2800, s0  }
0x7: {  	_ =	strace $0x80000047;
	s9 =	ssub.s32 $0x2, s4;
	s10 =	smul.u32 $0x50000, s0  }
0x8: {  	s4 =	sadd.s32 $0xF400, s6;
	s31 =	sshll.u32 s0, $0x6;
	s11 =	sshrl.u32 s9, $0x1  }
0x9: {  	s7 =	sadd.s32 s7, s5;
	s9 =	ssub.s32 s9, s11;
	s10 =	sshrl.u32 s10, $0x2  }
0xa: {  	s11 =	sor.u32 $0x1C02, s31;
	s5 =	sshrl.u32 s7, $0x3;
	s7 =	sadd.s32 s7, s6  }
0xb: {  	s12 =	sadd.s32 s10, s2;
	s10 =	simm.s32 $0x4000;
	s8 =	sadd.s32 s5, s6  }
0xc: {  	s5 =	sadd.s32 $0xCC00, s6;
	s7 =	sadd.s32 $0xFC00, s7;
	s12 =	sshrl.u32 s12, $0x3  }
0xd: {  	s6 =	sadd.s32 $0x2C00, s8;
	s8 =	smax.u32 s9, $0x1;
	s9 =	simm.s32 $0x2  }
.LBB2_1:
0xe: {  	[tilespmem:s3], [sflag:$0x2] =	stream.linear.gather [hbm4b:s4+s3], $0x4000, $0x38;
	[tilespmem:$0x1A800] =	vst v63  }
0xf: {  	_ =	swait.ge [sflag:s9], $0x4000  }
0x10: {  	[sflag:s9] =	ssyncset.done $0x0  }
0x11: {  	[sflag:s9] =	ssyncadd.s32 $0xFFFFC000  }
0x12: {  	[tilespmem:s10], [sflag:$0x2] =	stream.linear.gather [hbm4b:s6+s3], $0x2800, $0x38;
	[tilespmem:$0x1A800] =	vst v63  }
0x13: {  	_ =	swait.ge [sflag:s9], $0x2800  }
0x14: {  	[sflag:s9] =	ssyncset.done $0x0  }
0x15: {  	[sflag:s9] =	ssyncadd.s32 $0xFFFFD800  }
0x16: {  	[spmem:s12], [sflag:s11] =	dma.local [hbm:s5], $0x2800  }
0x17: {  	_ =	swait.ge [sflag:s9], $0x2800  }
0x18: {  	[sflag:s9] =	ssyncset.done $0x0  }
0x19: {  	[sflag:s9] =	ssyncadd.s32 $0xFFFFD800  }
0x1a: {  	s16 =	simm.s32 $0x4000;
	[bflag:$0x0] =	sbarrier.arrive $0xFFFF  }
0x1b: {  	[spmem:s2] =	stream.indirect.scatter.add.f32 [tilespmem:s3], [sflag:$0x1], $0x80, s16, s13, $0xb8;
	[tilespmem:$0x1A800] =	vst v63  }
0x1c: {  	s31 =	simm.s32 $0x4080  }
0x1d: {  	[spmem:s2] =	stream.indirect.scatter.add.f32 [tilespmem:s3], [sflag:$0x1], $0x80, s31, s13, $0xb8;
	[tilespmem:$0x1A800] =	vst v63  }
0x1e: {  	s17 =	simm.s32 $0x4100  }
0x1f: {  	[spmem:s2] =	stream.indirect.scatter.add.f32 [tilespmem:s3], [sflag:$0x1], $0x80, s17, s13, $0xb8;
	[tilespmem:$0x1A800] =	vst v63  }
0x20: {  	s18 =	simm.s32 $0x4180  }
0x21: {  	[spmem:s2] =	stream.indirect.scatter.add.f32 [tilespmem:s3], [sflag:$0x1], $0x80, s18, s13, $0xb8;
	[tilespmem:$0x1A800] =	vst v63  }
0x22: {  	s19 =	simm.s32 $0x4200  }
0x23: {  	[spmem:s2] =	stream.indirect.scatter.add.f32 [tilespmem:s3], [sflag:$0x1], $0x80, s19, s13, $0xb8;
	[tilespmem:$0x1A800] =	vst v63  }
0x24: {  	s20 =	simm.s32 $0x4280  }
0x25: {  	[spmem:s2] =	stream.indirect.scatter.add.f32 [tilespmem:s3], [sflag:$0x1], $0x80, s20, s13, $0xb8;
	[tilespmem:$0x1A800] =	vst v63  }
0x26: {  	s21 =	simm.s32 $0x4300  }
0x27: {  	[spmem:s2] =	stream.indirect.scatter.add.f32 [tilespmem:s3], [sflag:$0x1], $0x80, s21, s13, $0xb8;
	[tilespmem:$0x1A800] =	vst v63  }
0x28: {  	s22 =	simm.s32 $0x4380  }
0x29: {  	[spmem:s2] =	stream.indirect.scatter.add.f32 [tilespmem:s3], [sflag:$0x1], $0x80, s22, s13, $0xb8;
	[tilespmem:$0x1A800] =	vst v63  }
0x2a: {  	s23 =	simm.s32 $0x4400  }
0x2b: {  	[spmem:s2] =	stream.indirect.scatter.add.f32 [tilespmem:s3], [sflag:$0x1], $0x80, s23, s13, $0xb8;
	[tilespmem:$0x1A800] =	vst v63  }
0x2c: {  	s24 =	simm.s32 $0x4480  }
0x2d: {  	[spmem:s2] =	stream.indirect.scatter.add.f32 [tilespmem:s3], [sflag:$0x1], $0x80, s24, s13, $0xb8;
	[tilespmem:$0x1A800] =	vst v63  }
0x2e: {  	s25 =	simm.s32 $0x4500  }
0x2f: {  	[spmem:s2] =	stream.indirect.scatter.add.f32 [tilespmem:s3], [sflag:$0x1], $0x80, s25, s13, $0xb8;
	[tilespmem:$0x1A800] =	vst v63  }
0x30: {  	s26 =	simm.s32 $0x4580  }
0x31: {  	[spmem:s2] =	stream.indirect.scatter.add.f32 [tilespmem:s3], [sflag:$0x1], $0x80, s26, s13, $0xb8;
	[tilespmem:$0x1A800] =	vst v63  }
0x32: {  	s28 =	simm.s32 $0x4600  }
0x33: {  	[spmem:s2] =	stream.indirect.scatter.add.f32 [tilespmem:s3], [sflag:$0x1], $0x80, s28, s13, $0xb8;
	[tilespmem:$0x1A800] =	vst v63  }
0x34: {  	s29 =	simm.s32 $0x4680  }
0x35: {  	[spmem:s2] =	stream.indirect.scatter.add.f32 [tilespmem:s3], [sflag:$0x1], $0x80, s29, s13, $0xb8;
	[tilespmem:$0x1A800] =	vst v63  }
0x36: {  	s30 =	simm.s32 $0x4700  }
0x37: {  	[spmem:s2] =	stream.indirect.scatter.add.f32 [tilespmem:s3], [sflag:$0x1], $0x80, s30, s13, $0xb8;
	[tilespmem:$0x1A800] =	vst v63  }
0x38: {  	s31 =	simm.s32 $0x4780  }
0x39: {  	[spmem:s2] =	stream.indirect.scatter.add.f32 [tilespmem:s3], [sflag:$0x1], $0x80, s31, s13, $0xb8;
	[tilespmem:$0x1A800] =	vst v63  }
0x3a: {  	_ =	swait.ge [sflag:s14], $0x4000  }
0x3b: {  	[sflag:s14] =	ssyncset.done $0x0  }
0x3c: {  	[sflag:s14] =	ssyncadd.s32 $0xFFFFC000  }
0x3d: {  	_ =	swait.ge [sflag:s14], $0x4000  }
0x3e: {  	[sflag:s14] =	ssyncset.done $0x0  }
0x3f: {  	[sflag:s14] =	ssyncadd.s32 $0xFFFFC000  }
0x40: {  	_ =	swait.ge [sflag:s14], $0x4000  }
0x41: {  	[sflag:s14] =	ssyncset.done $0x0  }
0x42: {  	[sflag:s14] =	ssyncadd.s32 $0xFFFFC000  }
0x43: {  	_ =	swait.ge [sflag:s14], $0x4000  }
0x44: {  	[sflag:s14] =	ssyncset.done $0x0  }
0x45: {  	[sflag:s14] =	ssyncadd.s32 $0xFFFFC000  }
0x46: {  	_ =	swait.ge [sflag:s14], $0x4000  }
0x47: {  	[sflag:s14] =	ssyncset.done $0x0  }
0x48: {  	[sflag:s14] =	ssyncadd.s32 $0xFFFFC000  }
0x49: {  	_ =	swait.ge [sflag:s14], $0x4000  }
0x4a: {  	[sflag:s14] =	ssyncset.done $0x0  }
0x4b: {  	[sflag:s14] =	ssyncadd.s32 $0xFFFFC000  }
0x4c: {  	_ =	swait.ge [sflag:s14], $0x4000  }
0x4d: {  	[sflag:s14] =	ssyncset.done $0x0  }
0x4e: {  	[sflag:s14] =	ssyncadd.s32 $0xFFFFC000  }
0x4f: {  	_ =	swait.ge [sflag:s14], $0x4000  }
0x50: {  	[sflag:s14] =	ssyncset.done $0x0  }
0x51: {  	[sflag:s14] =	ssyncadd.s32 $0xFFFFC000  }
0x52: {  	_ =	swait.ge [sflag:s14], $0x4000  }
0x53: {  	[sflag:s14] =	ssyncset.done $0x0  }
0x54: {  	[sflag:s14] =	ssyncadd.s32 $0xFFFFC000  }
0x55: {  	_ =	swait.ge [sflag:s14], $0x4000  }
0x56: {  	[sflag:s14] =	ssyncset.done $0x0  }
0x57: {  	[sflag:s14] =	ssyncadd.s32 $0xFFFFC000  }
0x58: {  	_ =	swait.ge [sflag:s14], $0x4000  }
0x59: {  	[sflag:s14] =	ssyncset.done $0x0  }
0x5a: {  	[sflag:s14] =	ssyncadd.s32 $0xFFFFC000  }
0x5b: {  	_ =	swait.ge [sflag:s14], $0x4000  }
0x5c: {  	[sflag:s14] =	ssyncset.done $0x0  }
0x5d: {  	[sflag:s14] =	ssyncadd.s32 $0xFFFFC000  }
0x5e: {  	_ =	swait.ge [sflag:s14], $0x4000  }
0x5f: {  	[sflag:s14] =	ssyncset.done $0x0  }
0x60: {  	[sflag:s14] =	ssyncadd.s32 $0xFFFFC000  }
0x61: {  	_ =	swait.ge [sflag:s14], $0x4000  }
0x62: {  	[sflag:s14] =	ssyncset.done $0x0  }
0x63: {  	[sflag:s14] =	ssyncadd.s32 $0xFFFFC000  }
0x64: {  	_ =	swait.ge [sflag:s14], $0x4000  }
0x65: {  	[sflag:s14] =	ssyncset.done $0x0  }
0x66: {  	[sflag:s14] =	ssyncadd.s32 $0xFFFFC000  }
0x67: {  	_ =	swait.ge [sflag:s14], $0x4000  }
0x68: {  	s18 =	simm.s32 $0x800;
	s19 =	simm.s32 $0x4000;
	[sflag:s14] =	ssyncset.done $0x0  }
.LBB2_2:
0x69: {  	s20 =	sadd.s32 $0x4000, s18  }
0x6a: {  	[sflag:s14] =	ssyncadd.s32 $0xFFFFC000;
	s17 =	smov.u32 s19;
	s16 =	sadd.s32 $0x2000, s19  }
0x6b: {  	[spmem:s2] =	stream.indirect.scatter.add.f32 [tilespmem:s3], [sflag:$0x1], $0x80, s20, s13, $0xb8;
	[tilespmem:$0x1A800] =	vst v63  }
0x6c: {  	p0 =	sne.s32 s19, $0x8000;
	s19 =	sadd.s32 $0x4080, s18  }
0x6d: {  	[spmem:s2] =	stream.indirect.scatter.add.f32 [tilespmem:s3], [sflag:$0x1], $0x80, s19, s13, $0xb8;
	[tilespmem:$0x1A800] =	vst v63  }
0x6e: {  	s19 =	sadd.s32 $0x4100, s18  }
0x6f: {  	[spmem:s2] =	stream.indirect.scatter.add.f32 [tilespmem:s3], [sflag:$0x1], $0x80, s19, s13, $0xb8;
	[tilespmem:$0x1A800] =	vst v63  }
0x70: {  	s19 =	sadd.s32 $0x4180, s18  }
0x71: {  	[spmem:s2] =	stream.indirect.scatter.add.f32 [tilespmem:s3], [sflag:$0x1], $0x80, s19, s13, $0xb8;
	[tilespmem:$0x1A800] =	vst v63  }
0x72: {  	s19 =	sadd.s32 $0x4200, s18  }
0x73: {  	[spmem:s2] =	stream.indirect.scatter.add.f32 [tilespmem:s3], [sflag:$0x1], $0x80, s19, s13, $0xb8;
	[tilespmem:$0x1A800] =	vst v63  }
0x74: {  	s19 =	sadd.s32 $0x4280, s18  }
0x75: {  	[spmem:s2] =	stream.indirect.scatter.add.f32 [tilespmem:s3], [sflag:$0x1], $0x80, s19, s13, $0xb8;
	[tilespmem:$0x1A800] =	vst v63  }
0x76: {  	s19 =	sadd.s32 $0x4300, s18  }
0x77: {  	[spmem:s2] =	stream.indirect.scatter.add.f32 [tilespmem:s3], [sflag:$0x1], $0x80, s19, s13, $0xb8;
	[tilespmem:$0x1A800] =	vst v63  }
0x78: {  	s19 =	sadd.s32 $0x4380, s18  }
0x79: {  	[spmem:s2] =	stream.indirect.scatter.add.f32 [tilespmem:s3], [sflag:$0x1], $0x80, s19, s13, $0xb8;
	[tilespmem:$0x1A800] =	vst v63  }
0x7a: {  	s19 =	sadd.s32 $0x4400, s18  }
0x7b: {  	[spmem:s2] =	stream.indirect.scatter.add.f32 [tilespmem:s3], [sflag:$0x1], $0x80, s19, s13, $0xb8;
	[tilespmem:$0x1A800] =	vst v63  }
0x7c: {  	s19 =	sadd.s32 $0x4480, s18  }
0x7d: {  	[spmem:s2] =	stream.indirect.scatter.add.f32 [tilespmem:s3], [sflag:$0x1], $0x80, s19, s13, $0xb8;
	[tilespmem:$0x1A800] =	vst v63  }
0x7e: {  	s19 =	sadd.s32 $0x4500, s18  }
0x7f: {  	[spmem:s2] =	stream.indirect.scatter.add.f32 [tilespmem:s3], [sflag:$0x1], $0x80, s19, s13, $0xb8;
	[tilespmem:$0x1A800] =	vst v63  }
0x80: {  	s19 =	sadd.s32 $0x4580, s18  }
0x81: {  	[spmem:s2] =	stream.indirect.scatter.add.f32 [tilespmem:s3], [sflag:$0x1], $0x80, s19, s13, $0xb8;
	[tilespmem:$0x1A800] =	vst v63  }
0x82: {  	s19 =	sadd.s32 $0x4600, s18  }
0x83: {  	[spmem:s2] =	stream.indirect.scatter.add.f32 [tilespmem:s3], [sflag:$0x1], $0x80, s19, s13, $0xb8;
	[tilespmem:$0x1A800] =	vst v63  }
0x84: {  	s19 =	sadd.s32 $0x4680, s18  }
0x85: {  	[spmem:s2] =	stream.indirect.scatter.add.f32 [tilespmem:s3], [sflag:$0x1], $0x80, s19, s13, $0xb8;
	[tilespmem:$0x1A800] =	vst v63  }
0x86: {  	s19 =	sadd.s32 $0x4700, s18  }
0x87: {  	[spmem:s2] =	stream.indirect.scatter.add.f32 [tilespmem:s3], [sflag:$0x1], $0x80, s19, s13, $0xb8;
	[tilespmem:$0x1A800] =	vst v63  }
0x88: {  	s18 =	sadd.s32 $0x4780, s18  }
0x89: {  	[spmem:s2] =	stream.indirect.scatter.add.f32 [tilespmem:s3], [sflag:$0x1], $0x80, s18, s13, $0xb8;
	[tilespmem:$0x1A800] =	vst v63  }
0x8a: {  	_ =	swait.ge [sflag:s14], $0x4000  }
0x8b: {  	[sflag:s14] =	ssyncset.done $0x0  }
0x8c: {  	[sflag:s14] =	ssyncadd.s32 $0xFFFFC000  }
0x8d: {  	_ =	swait.ge [sflag:s14], $0x4000  }
0x8e: {  	[sflag:s14] =	ssyncset.done $0x0  }
0x8f: {  	[sflag:s14] =	ssyncadd.s32 $0xFFFFC000  }
0x90: {  	_ =	swait.ge [sflag:s14], $0x4000  }
0x91: {  	[sflag:s14] =	ssyncset.done $0x0  }
0x92: {  	[sflag:s14] =	ssyncadd.s32 $0xFFFFC000  }
0x93: {  	_ =	swait.ge [sflag:s14], $0x4000  }
0x94: {  	[sflag:s14] =	ssyncset.done $0x0  }
0x95: {  	[sflag:s14] =	ssyncadd.s32 $0xFFFFC000  }
0x96: {  	_ =	swait.ge [sflag:s14], $0x4000  }
0x97: {  	[sflag:s14] =	ssyncset.done $0x0  }
0x98: {  	[sflag:s14] =	ssyncadd.s32 $0xFFFFC000  }
0x99: {  	_ =	swait.ge [sflag:s14], $0x4000  }
0x9a: {  	[sflag:s14] =	ssyncset.done $0x0  }
0x9b: {  	[sflag:s14] =	ssyncadd.s32 $0xFFFFC000  }
0x9c: {  	_ =	swait.ge [sflag:s14], $0x4000  }
0x9d: {  	[sflag:s14] =	ssyncset.done $0x0  }
0x9e: {  	[sflag:s14] =	ssyncadd.s32 $0xFFFFC000  }
0x9f: {  	_ =	swait.ge [sflag:s14], $0x4000  }
0xa0: {  	[sflag:s14] =	ssyncset.done $0x0  }
0xa1: {  	[sflag:s14] =	ssyncadd.s32 $0xFFFFC000  }
0xa2: {  	_ =	swait.ge [sflag:s14], $0x4000  }
0xa3: {  	[sflag:s14] =	ssyncset.done $0x0  }
0xa4: {  	[sflag:s14] =	ssyncadd.s32 $0xFFFFC000  }
0xa5: {  	_ =	swait.ge [sflag:s14], $0x4000  }
0xa6: {  	[sflag:s14] =	ssyncset.done $0x0  }
0xa7: {  	[sflag:s14] =	ssyncadd.s32 $0xFFFFC000  }
0xa8: {  	_ =	swait.ge [sflag:s14], $0x4000  }
0xa9: {  	[sflag:s14] =	ssyncset.done $0x0  }
0xaa: {  	[sflag:s14] =	ssyncadd.s32 $0xFFFFC000  }
0xab: {  	_ =	swait.ge [sflag:s14], $0x4000  }
0xac: {  	[sflag:s14] =	ssyncset.done $0x0  }
0xad: {  	[sflag:s14] =	ssyncadd.s32 $0xFFFFC000  }
0xae: {  	_ =	swait.ge [sflag:s14], $0x4000  }
0xaf: {  	[sflag:s14] =	ssyncset.done $0x0  }
0xb0: {  	[sflag:s14] =	ssyncadd.s32 $0xFFFFC000  }
0xb1: {  	_ =	swait.ge [sflag:s14], $0x4000  }
0xb2: {  	[sflag:s14] =	ssyncset.done $0x0  }
0xb3: {  	[sflag:s14] =	ssyncadd.s32 $0xFFFFC000  }
.Ltmp0:
0xb4: {  	_ =	swait.ge [sflag:s14], $0x4000;
	(pc) =	sbr.rel @p0 .LBB2_2-.Ltmp0, $4  }
0xb5: {  	[sflag:s14] =	ssyncset.done $0x0  }
0xb6: {  	[sflag:s14] =	ssyncadd.s32 $0xFFFFC000  }
0xb7: {  	_ =	swait.ge [sflag:s14], $0x4000  }
0xb8: {  	s19 =	smov.u32 s16;
	s18 =	sshra.s32 s17, $0x2;
	[sflag:s14] =	ssyncset.done $0x0  }
0xb9: {  	s16 =	sadd.s32 $0x4000, s18;
	[sflag:s14] =	ssyncadd.s32 $0xFFFFC000  }
0xba: {  	[spmem:s2] =	stream.indirect.scatter.add.f32 [tilespmem:s3], [sflag:$0x1], $0x80, s16, s13, $0xb8;
	[tilespmem:$0x1A800] =	vst v63  }
0xbb: {  	s30 =	sadd.s32 $0x4080, s18  }
0xbc: {  	[spmem:s2] =	stream.indirect.scatter.add.f32 [tilespmem:s3], [sflag:$0x1], $0x80, s30, s13, $0xb8;
	[tilespmem:$0x1A800] =	vst v63  }
0xbd: {  	s31 =	sadd.s32 $0x4100, s18  }
0xbe: {  	[spmem:s2] =	stream.indirect.scatter.add.f32 [tilespmem:s3], [sflag:$0x1], $0x80, s31, s13, $0xb8;
	[tilespmem:$0x1A800] =	vst v63  }
0xbf: {  	s17 =	sadd.s32 $0x4180, s18  }
0xc0: {  	[spmem:s2] =	stream.indirect.scatter.add.f32 [tilespmem:s3], [sflag:$0x1], $0x80, s17, s13, $0xb8;
	[tilespmem:$0x1A800] =	vst v63  }
0xc1: {  	s19 =	sadd.s32 $0x4200, s18  }
0xc2: {  	[spmem:s2] =	stream.indirect.scatter.add.f32 [tilespmem:s3], [sflag:$0x1], $0x80, s19, s13, $0xb8;
	[tilespmem:$0x1A800] =	vst v63  }
0xc3: {  	s20 =	sadd.s32 $0x4280, s18  }
0xc4: {  	[spmem:s2] =	stream.indirect.scatter.add.f32 [tilespmem:s3], [sflag:$0x1], $0x80, s20, s13, $0xb8;
	[tilespmem:$0x1A800] =	vst v63  }
0xc5: {  	s21 =	sadd.s32 $0x4300, s18  }
0xc6: {  	[spmem:s2] =	stream.indirect.scatter.add.f32 [tilespmem:s3], [sflag:$0x1], $0x80, s21, s13, $0xb8;
	[tilespmem:$0x1A800] =	vst v63  }
0xc7: {  	s22 =	sadd.s32 $0x4380, s18  }
0xc8: {  	[spmem:s2] =	stream.indirect.scatter.add.f32 [tilespmem:s3], [sflag:$0x1], $0x80, s22, s13, $0xb8;
	[tilespmem:$0x1A800] =	vst v63  }
0xc9: {  	s23 =	sadd.s32 $0x4400, s18  }
0xca: {  	[spmem:s2] =	stream.indirect.scatter.add.f32 [tilespmem:s3], [sflag:$0x1], $0x80, s23, s13, $0xb8;
	[tilespmem:$0x1A800] =	vst v63  }
0xcb: {  	s24 =	sadd.s32 $0x4480, s18  }
0xcc: {  	[spmem:s2] =	stream.indirect.scatter.add.f32 [tilespmem:s3], [sflag:$0x1], $0x80, s24, s13, $0xb8;
	[tilespmem:$0x1A800] =	vst v63  }
0xcd: {  	s25 =	sadd.s32 $0x4500, s18  }
0xce: {  	[spmem:s2] =	stream.indirect.scatter.add.f32 [tilespmem:s3], [sflag:$0x1], $0x80, s25, s13, $0xb8;
	[tilespmem:$0x1A800] =	vst v63  }
0xcf: {  	s26 =	sadd.s32 $0x4580, s18  }
0xd0: {  	[spmem:s2] =	stream.indirect.scatter.add.f32 [tilespmem:s3], [sflag:$0x1], $0x80, s26, s13, $0xb8;
	[tilespmem:$0x1A800] =	vst v63  }
0xd1: {  	s28 =	sadd.s32 $0x4600, s18  }
0xd2: {  	[spmem:s2] =	stream.indirect.scatter.add.f32 [tilespmem:s3], [sflag:$0x1], $0x80, s28, s13, $0xb8;
	[tilespmem:$0x1A800] =	vst v63  }
0xd3: {  	s29 =	sadd.s32 $0x4680, s18  }
0xd4: {  	[spmem:s2] =	stream.indirect.scatter.add.f32 [tilespmem:s3], [sflag:$0x1], $0x80, s29, s13, $0xb8;
	[tilespmem:$0x1A800] =	vst v63  }
0xd5: {  	s30 =	sadd.s32 $0x4700, s18  }
0xd6: {  	[spmem:s2] =	stream.indirect.scatter.add.f32 [tilespmem:s3], [sflag:$0x1], $0x80, s30, s13, $0xb8;
	[tilespmem:$0x1A800] =	vst v63  }
0xd7: {  	s31 =	sadd.s32 $0x4780, s18  }
0xd8: {  	[spmem:s2] =	stream.indirect.scatter.add.f32 [tilespmem:s3], [sflag:$0x1], $0x80, s31, s13, $0xb8;
	[tilespmem:$0x1A800] =	vst v63  }
0xd9: {  	_ =	swait.ge [sflag:s14], $0x4000  }
0xda: {  	[sflag:s14] =	ssyncset.done $0x0  }
0xdb: {  	[sflag:s14] =	ssyncadd.s32 $0xFFFFC000  }
0xdc: {  	_ =	swait.ge [sflag:s14], $0x4000  }
0xdd: {  	[sflag:s14] =	ssyncset.done $0x0  }
0xde: {  	[sflag:s14] =	ssyncadd.s32 $0xFFFFC000  }
0xdf: {  	_ =	swait.ge [sflag:s14], $0x4000  }
0xe0: {  	[sflag:s14] =	ssyncset.done $0x0  }
0xe1: {  	[sflag:s14] =	ssyncadd.s32 $0xFFFFC000  }
0xe2: {  	_ =	swait.ge [sflag:s14], $0x4000  }
0xe3: {  	[sflag:s14] =	ssyncset.done $0x0  }
0xe4: {  	[sflag:s14] =	ssyncadd.s32 $0xFFFFC000  }
0xe5: {  	_ =	swait.ge [sflag:s14], $0x4000  }
0xe6: {  	[sflag:s14] =	ssyncset.done $0x0  }
0xe7: {  	[sflag:s14] =	ssyncadd.s32 $0xFFFFC000  }
0xe8: {  	_ =	swait.ge [sflag:s14], $0x4000  }
0xe9: {  	[sflag:s14] =	ssyncset.done $0x0  }
0xea: {  	[sflag:s14] =	ssyncadd.s32 $0xFFFFC000  }
0xeb: {  	_ =	swait.ge [sflag:s14], $0x4000  }
0xec: {  	[sflag:s14] =	ssyncset.done $0x0  }
0xed: {  	[sflag:s14] =	ssyncadd.s32 $0xFFFFC000  }
0xee: {  	_ =	swait.ge [sflag:s14], $0x4000  }
0xef: {  	[sflag:s14] =	ssyncset.done $0x0  }
0xf0: {  	[sflag:s14] =	ssyncadd.s32 $0xFFFFC000  }
0xf1: {  	_ =	swait.ge [sflag:s14], $0x4000  }
0xf2: {  	[sflag:s14] =	ssyncset.done $0x0  }
0xf3: {  	[sflag:s14] =	ssyncadd.s32 $0xFFFFC000  }
0xf4: {  	_ =	swait.ge [sflag:s14], $0x4000  }
0xf5: {  	[sflag:s14] =	ssyncset.done $0x0  }
0xf6: {  	[sflag:s14] =	ssyncadd.s32 $0xFFFFC000  }
0xf7: {  	_ =	swait.ge [sflag:s14], $0x4000  }
0xf8: {  	[sflag:s14] =	ssyncset.done $0x0  }
0xf9: {  	[sflag:s14] =	ssyncadd.s32 $0xFFFFC000  }
0xfa: {  	_ =	swait.ge [sflag:s14], $0x4000  }
0xfb: {  	[sflag:s14] =	ssyncset.done $0x0  }
0xfc: {  	[sflag:s14] =	ssyncadd.s32 $0xFFFFC000  }
0xfd: {  	_ =	swait.ge [sflag:s14], $0x4000  }
0xfe: {  	[sflag:s14] =	ssyncset.done $0x0  }
0xff: {  	[sflag:s14] =	ssyncadd.s32 $0xFFFFC000  }
0x100: {  	_ =	swait.ge [sflag:s14], $0x4000  }
0x101: {  	[sflag:s14] =	ssyncset.done $0x0  }
0x102: {  	[sflag:s14] =	ssyncadd.s32 $0xFFFFC000  }
0x103: {  	_ =	swait.ge [sflag:s14], $0x4000  }
0x104: {  	[sflag:s14] =	ssyncset.done $0x0  }
0x105: {  	[sflag:s14] =	ssyncadd.s32 $0xFFFFC000  }
0x106: {  	_ =	swait.ge [sflag:s14], $0x4000  }
0x107: {  	s15 =	sadd.s32 $0x1, s15;
	[sflag:s14] =	ssyncset.done $0x0  }
0x108: {  	p0 =	sne.s32 s15, s8;
	[sflag:s14] =	ssyncadd.s32 $0xFFFFC000  }
.Ltmp1:
0x109: {  	[bflag:$0x0] =	sbarrier.arrive $0xFFFF;
	(pc) =	sbr.rel @p0 .LBB2_1-.Ltmp1, $4  }
0x10a: {  	[hbm:s7], [sflag:s11] =	dma.local [spmem:s12], $0x2800  }
0x10b: {  	_ =	swait.ge [sflag:s9], $0x2800  }
0x10c: {  	[sflag:s9] =	ssyncset.done $0x0  }
0x10d: {  	[sflag:s9] =	ssyncadd.s32 $0xFFFFD800  }
0x10e: {  	_ =	sfence.sel $0x180000  }
0x10f: {  	[bflag:$0x0] =	sbarrier.arrive $0xFFFF  }
0x110: {  	p0 =	sne.s32 s0, $0x0;
	_ =	strace $0x90000047  }
0x111: {  	s0 =	sadd.s32 @!p0 $0x100000, s1;
	[bflag:$0x2] =	sbarrier.arrive $0xFFFF  }
0x112: {  	[sflag:s0] =	ssyncadd.tile.s32 @!p0 $0x1;
	_ =	shalt  }
.Lfunc_end2:
_tile_overlayer_lowered:
.L_overlay_start_2:
0x113: {  	(tag) =	ssettag $0x2  }
0x114: {  	s0 =	rddreg [dreg:$0x0];
	s2 =	stileid.u32  }
0x115: {  	s1 =	rddreg [dreg:$0x1];
	p0 =	sne.s32 s2, $0x0  }
0x116: {  	s3 =	rddreg [dreg:$0x2];
	[bflag:$0x3] =	sbarrier.arrive $0xFFFF;
	s2 =	simm.s32 @!p0 $0x1C02  }
0x117: {  	[timem:s3], [sflag:s2] =	dma.local @!p0 [hbm:s0], s1  }
0x118: {  	s0 =	simm.s32 @!p0 $0x2  }
0x119: {  	_ =	swait.ge @!p0 [sflag:s0], s1  }
0x11a: {  	s1 =	ssub.s32 @!p0 $0x0, s1;
	[sflag:s0] =	ssyncset.done @!p0 $0x0  }
0x11b: {  	[sflag:s0] =	ssyncadd.s32 @!p0 s1  }
0x11c: {  	[bflag:$0x3] =	sbarrier.arrive $0xFFFF  }
0x11d: {  	_ =	shalt  }

// kernel: kernel.13.cloned.1.call-start
scs
__scs_entry_jumppad:
0x0: {  	(pc) =	sbr.rel $0x88, $3  }
0x1: {  	(tag) =	ssettag $0x0;
	lr =	simm.s32 $0x1  }
0x2: {  	[smem:$0x3F99] =	sst lr;
	_ =	strace $0xD0000000  }
0x3: {  	_ = 	snop  }
0x4: {  	_ = 	snop  }
0x5: {  	_ = 	snop  }
0x6: {  	_ = 	snop  }
0x7: {  	_ = 	snop  }
__scs_overlays_trampoline_lowered:
0x8: {  	[smem:$0x3FA8] =	sst s0  }
0x9: {  	[smem:$0x3FA9] =	sst s1  }
0xa: {  	[smem:$0x3FAA] =	sst s2  }
0xb: {  	[smem:$0x3FAB] =	sst s3  }
0xc: {  	[smem:$0x3FAC] =	sst s4  }
0xd: {  	[smem:$0x3FAD] =	sst s5  }
0xe: {  	[smem:$0x3FAE] =	sst s6  }
0xf: {  	[smem:$0x3FAF] =	sst s7  }
0x10: {  	[smem:$0x3FB0] =	sst s8  }
0x11: {  	[smem:$0x3FB1] =	sst s9;
	s0 =	simm.s32 @!p0 $0x0  }
0x12: {  	s1 =	sld [smem:$0x3F97];
	s0 =	simm.s32 @p0 $0x1  }
0x13: {  	[smem:$0x3FB2] =	sst s0;
	s0 =	simm.s32 @!p1 $0x0  }
0x14: {  	s2 =	sld [smem:$0x3F96];
	s0 =	simm.s32 @p1 $0x1  }
0x15: {  	[smem:$0x3FB3] =	sst s0;
	s0 =	simm.s32 @!p2 $0x0  }
0x16: {  	s3 =	sld [smem:$0x3FDB];
	s0 =	simm.s32 @p2 $0x1  }
0x17: {  	s4 =	simm.s32 $0x1BF5;
	[smem:$0x3FB5] =	sst s0  }
0x18: {  	s0 =	sld [smem:$0x3F98];
	_ =	swait.ge [sflag:s4], $0x0  }
0x19: {  	s7 =	sld [smem:$0x3F99]  }
0x1a: {  	s8 =	sadd.s32 $0xFFFFE003, lr  }
0x1b: {  	s9 =	sadd.s32 $0xFFFFFEF7, lr;
	s5 =	simm.s32 $0xFFFFFFFF;
	p2 =	slt.u32 s8, $0xFFFFF086  }
0x1c: {  	p1 =	slt.u32 s9, $0xF7A;
	s5 =	simm.s32 @!p2 $0x0  }
0x1d: {  	s5 =	simm.s32 @p1 $0x1;
	p0 =	seq.s32 s7, s2  }
0x1e: {  	s7 =	smul.u32 @!p0 $0xF7A, s2;
	p2 =	seq.s32 @!p0 s5, $0x0  }
0x1f: {  	s9 =	smul.u32 $0xF7A, s1;
	s8 =	simm.s32 @!p0 $0x1BF5;
	p2 =	por !p2, p0  }
0x20: {  	[sflag:s8] =	ssyncset.s32 @!p0 $0xFFFFF086;
	s6 =	sadd.s32 @!p0 s3, s7;
	s7 =	simm.s32 @!p0 $0x108  }
0x21: {  	s3 =	sadd.s32 s3, s9;
	s6 =	sadd.s32 @!p0 $0x88, s6;
	s7 =	simm.s32 @p2 $0x1082  }
0x22: {  	[simem:s7], [sflag:s8] =	dma.local @!p0 [hbm:s6], $0xF7A  }
0x23: {  	s9 =	sor.u32 $0xD0000000, s2;
	s6 =	simm.s32 $0x108;
	_ =	swait.ge @!p0 [sflag:s8], $0x0  }
0x24: {  	s3 =	sadd.s32 $0x88, s3;
	s6 =	simm.s32 @!p1 $0x1082;
	[sflag:s4] =	ssyncset.s32 $0xFFFFF086  }
0x25: {  	[simem:s6], [sflag:s4] =	dma.local [hbm:s3], $0xF7A  }
0x26: {  	[smem:$0x3F99] =	sst s1;
	(tag) =	ssettag s2;
	_ =	strace s9  }
0x27: {  	s1 =	sld [smem:$0x3FA9]  }
0x28: {  	s2 =	sld [smem:$0x3FAA]  }
0x29: {  	s4 =	sld [smem:$0x3FAC]  }
0x2a: {  	p0 =	seq.s32 s5, $0x0;
	s5 =	sld [smem:$0x3FAD]  }
0x2b: {  	s6 =	sld [smem:$0x3FAE]  }
0x2c: {  	s7 =	sld [smem:$0x3FAF]  }
0x2d: {  	s3 =	simm.s32 $0x108;
	s8 =	sld [smem:$0x3FB0]  }
0x2e: {  	s3 =	simm.s32 @!p0 $0x1082;
	s9 =	sld [smem:$0x3FB1]  }
0x2f: {  	lr =	sadd.s32 s0, s3;
	s0 =	sld [smem:$0x3FA8]  }
0x30: {  	s3 =	sld [smem:$0x3FAB]  }
0x31: {  	[smem:$0x3FB4] =	sst s10  }
0x32: {  	s10 =	sld [smem:$0x3FB2];
	_ =	sdelay $0x3  }
0x33: {  	p0 =	seq.s32 s10, $0x1;
	s10 =	sld [smem:$0x3FB4];
	_ =	sdelay $0x3  }
0x34: {  	[smem:$0x3FB4] =	sst s10  }
0x35: {  	s10 =	sld [smem:$0x3FB3];
	_ =	sdelay $0x3  }
0x36: {  	p1 =	seq.s32 s10, $0x1;
	s10 =	sld [smem:$0x3FB4];
	_ =	sdelay $0x3  }
0x37: {  	[smem:$0x3FB4] =	sst s10  }
0x38: {  	s10 =	sld [smem:$0x3FB5]  }
0x39: {  	_ = 	snop;
	(pc) =	sbr.ind lr, $3  }
0x3a: {  	_ = 	snop  }
0x3b: {  	_ = 	snop  }
0x3c: {  	p2 =	seq.s32 s10, $0x1;
	s10 =	sld [smem:$0x3FB4]  }
0x3d: {  	_ =	shalt  }
0x3e: {  	_ =	shalt  }
0x3f: {  	_ =	shalt  }
0x40: {  	_ =	shalt  }
0x41: {  	_ =	shalt  }
0x42: {  	_ =	shalt  }
0x43: {  	_ =	shalt  }
0x44: {  	_ =	shalt  }
0x45: {  	_ =	shalt  }
0x46: {  	_ =	shalt  }
0x47: {  	_ =	shalt  }
0x48: {  	_ =	shalt  }
0x49: {  	_ =	shalt  }
0x4a: {  	_ =	shalt  }
0x4b: {  	_ =	shalt  }
0x4c: {  	_ =	shalt  }
0x4d: {  	_ =	shalt  }
0x4e: {  	_ =	shalt  }
0x4f: {  	_ =	shalt  }
0x50: {  	_ =	shalt  }
0x51: {  	_ =	shalt  }
0x52: {  	_ =	shalt  }
0x53: {  	_ =	shalt  }
0x54: {  	_ =	shalt  }
0x55: {  	_ =	shalt  }
0x56: {  	_ =	shalt  }
0x57: {  	_ =	shalt  }
0x58: {  	_ =	shalt  }
0x59: {  	_ =	shalt  }
0x5a: {  	_ =	shalt  }
0x5b: {  	_ =	shalt  }
0x5c: {  	_ =	shalt  }
0x5d: {  	_ =	shalt  }
0x5e: {  	_ =	shalt  }
0x5f: {  	_ =	shalt  }
0x60: {  	_ =	shalt  }
0x61: {  	_ =	shalt  }
0x62: {  	_ =	shalt  }
0x63: {  	_ =	shalt  }
0x64: {  	_ =	shalt  }
0x65: {  	_ =	shalt  }
0x66: {  	_ =	shalt  }
0x67: {  	_ =	shalt  }
0x68: {  	_ =	shalt  }
0x69: {  	_ =	shalt  }
0x6a: {  	_ =	shalt  }
0x6b: {  	_ =	shalt  }
0x6c: {  	_ =	shalt  }
0x6d: {  	_ =	shalt  }
0x6e: {  	_ =	shalt  }
0x6f: {  	_ =	shalt  }
0x70: {  	_ =	shalt  }
0x71: {  	_ =	shalt  }
0x72: {  	_ =	shalt  }
0x73: {  	_ =	shalt  }
0x74: {  	_ =	shalt  }
0x75: {  	_ =	shalt  }
0x76: {  	_ =	shalt  }
0x77: {  	_ =	shalt  }
0x78: {  	_ =	shalt  }
0x79: {  	_ =	shalt  }
0x7a: {  	_ =	shalt  }
0x7b: {  	_ =	shalt  }
0x7c: {  	_ =	shalt  }
0x7d: {  	_ =	shalt  }
0x7e: {  	_ =	shalt  }
0x7f: {  	_ =	shalt  }
0x80: {  	_ =	shalt  }
0x81: {  	_ =	shalt  }
0x82: {  	_ =	shalt  }
0x83: {  	_ =	shalt  }
0x84: {  	_ =	shalt  }
0x85: {  	_ =	shalt  }
0x86: {  	_ =	shalt  }
0x87: {  	_ =	shalt  }
.Lfunc_end0:
.L_simem_size_0:
called_computation.1_lowered:
.L_overlay_start_0:
0x88: {  	s2 =	sld [smem:$0x3FD9]  }
0x89: {  	s3 =	sld [smem:$0x3FFE];
	_ =	sdelay $0x1  }
0x8a: {  	s1 =	srdreg.scid  }
0x8b: {  	s0 =	sand.u32 $0x1, s1  }
0x8c: {  	s17 =	sshll.u32 s0, $0xA;
	s2 =	sadd.s32 s3, s2  }
0x8d: {  	s2 =	sadd.s32 s2, s17  }
0x8e: {  	[smem:$0x3FC0] =	sst s2  }
0x8f: {  	_ = 	snop  }
0x90: {  	s2 =	sld [smem:$0x3FD0];
	(tm) =	ssettm $0x1  }
0x91: {  	s18 =	sld [smem:$0x3FFB];
	_ =	sdelay $0x3  }
0x92: {  	_ =	strace s18  }
0x93: {  	s3 =	sld [smem:$0x3FFC];
	_ =	sdelay $0x3  }
0x94: {  	_ =	strace s3  }
0x95: {  	s3 =	sld [smem:$0x3FFD];
	_ =	sdelay $0x3  }
0x96: {  	_ =	strace s3  }
0x97: {  	_ =	strace $0x8FFFFFFF  }
0x98: {  	s19 =	sld [smem:$0x3FDB];
	_ =	sdelay $0x1  }
0x99: {  	s4 =	simm.s32 $_scs_section_size  }
0x9a: {  	s5 =	simm.s32 $_size__tile_overlayer_lowered;
	s6 =	simm.s32 $_tile_overlayer_lowered  }
0x9b: {  	s22 =	simm.s32 $0x1BFF;
	s21 =	sshll.u32 s6, $0x1;
	s3 =	sadd.s32 s4, s19  }
0x9c: {  	s7 =	simm.s32 $0x0;
	s20 =	sshll.u32 s5, $0x1;
	s5 =	sadd.s32 s21, s3  }
0x9d: {  	[timem:s7], [sflag:s22] =	dma.local [hbm:s5], s20  }
0x9e: {  	_ =	swait.ge [sflag:s22], s20  }
0x9f: {  	s4 =	ssub.s32 $0x0, s20;
	[sflag:s22] =	ssyncset.done $0x0  }
0xa0: {  	[sflag:s22] =	ssyncadd.s32 s4;
	_ =	sdelay $0x1  }
0xa1: {  	s23 =	simm.s32 $0x1B8B  }
0xa2: {  	_ =	swait.ge [sflag:s23], $0x1  }
0xa3: {  	[sflag:s23] =	ssyncset.done $0x0  }
0xa4: {  	s25 =	simm.s32 $0x1B8E;
	s24 =	sld [smem:$0x3FFE];
	[sflag:s23] =	ssyncadd.s32 $0xFFFFFFFF  }
0xa5: {  	s26 =	simm.s32 $execute0_lowered;
	[smem:$0x3FD2] =	sst s25  }
0xa6: {  	s5 =	sshll.u32 s26, $0x1;
	_ =	strace $0x80000049;
	[dreg:$0x1] =	wrdreg $0xFFFFFFFF  }
0xa7: {  	s28 =	simm.s32 $_size_execute0_lowered;
	s3 =	sadd.s32 s3, s5;
	[dreg:$0x0] =	wrdreg $0x0  }
0xa8: {  	s5 =	sshll.u32 s28, $0x1;
	[dreg:$0x2] =	wrdreg s3  }
0xa9: {  	[dreg:$0x3] =	wrdreg s5  }
0xaa: {  	[dreg:$0x4] =	wrdreg $0xC0  }
0xab: {  	_ =	task [dreg:s7], $0x5FFFF  }
0xac: {  	[dreg:$0x1] =	wrdreg $0xFFFFFFFF  }
0xad: {  	[dreg:$0x0] =	wrdreg $0x60  }
0xae: {  	[dreg:$0x2] =	wrdreg s24  }
0xaf: {  	[dreg:$0x3] =	wrdreg s2  }
0xb0: {  	[dreg:$0x4] =	wrdreg $0x90000  }
0xb1: {  	[dreg:$0x5] =	wrdreg $0x9  }
0xb2: {  	_ =	task.clear_ibuf [dreg:s7], $0x6FFFF;
	_ =	strace $0x90000049  }
0xb3: {  	s29 =	simm.s32 $0x9;
	_ =	strace $0x8000004B  }
0xb4: {  	_ =	swait.ge [sflag:s29], $0x1  }
0xb5: {  	[sflag:s29] =	ssyncadd.s32 $0xFFFFFFFF  }
0xb6: {  	_ =	strace $0x9000004B  }
0xb7: {  	_ =	sfence  }
0xb8: {  	s30 =	sld [smem:$0x0];
	_ =	sdelay $0x2  }
0xb9: {  	s31 =	sshll.u32 s1, $0xD;
	s1 =	sshrl.u32 s1, $0x2  }
0xba: {  	s3 =	sand.u32 $0x4000, s31;
	s1 =	sadd.s32 s1, s30  }
0xbb: {  	s0 =	sor.u32 s3, s0;
	s1 =	sshll.u32 s1, $0x11  }
0xbc: {  	s0 =	sor.u32 s1, s0  }
0xbd: {  	s0 =	sadd.s32 $0x8F2B, s0  }
0xbe: {  	[sflag:s0] =	ssyncadd.remote.s32 $0x1  }
0xbf: {  	_ =	sfence.sel $0xFFFF  }
0xc0: {  	[dreg:$0x0] =	wrdreg $0xFFFFFFFF;
	(pc) =	sbr.abs _section_cstart, $3  }
0xc1: {  	[dreg:$0x1] =	wrdreg $0xFFFFFFFF  }
0xc2: {  	_ =	task.clear_ibuf [dreg:s7], $0x2FFFF;
	_ =	strace $0x9FFFFFFF  }
0xc3: {  	(tm) =	ssettm $0x7FFFFFFF  }
tec
execute0_lowered:
.L_overlay_start_1:
0x0: {  	(tag) =	ssettag $0x1  }
0x1: {  	s0 =	rddreg [dreg:$0x0]  }
0x2: {  	s1 =	rddreg [dreg:$0x1];
	s3 =	srdreg.scid  }
0x3: {  	s14 =	stileid.u32;
	s2 =	rddreg [dreg:$0x2];
	s16 =	simm.s32 $0x900  }
0x4: {  	s17 =	simm.s32 $0x200;
	s18 =	simm.s32 $0x980;
	s19 =	simm.s32 $0x280  }
0x5: {  	s20 =	simm.s32 $0xA00;
	s21 =	simm.s32 $0x300;
	s22 =	simm.s32 $0xA80  }
0x6: {  	s28 =	simm.s32 $0x680;
	s5 =	sand.u32 $0x1, s3;
	s3 =	simm.s32 $0x0  }
0x7: {  	s29 =	simm.s32 $0xE00;
	s30 =	simm.s32 $0x700;
	[smem:$0x7FF] =	sst s3  }
0x8: {  	s31 =	simm.s32 $0xE80;
	_ =	strace $0x8000004A;
	[dreg:$0x9] =	wrdreg s16  }
0x9: {  	s6 =	smul.u32 $0x2800, s14;
	s4 =	sadd.s32 $0xF400, s0;
	[dreg:$0xa] =	wrdreg s17  }
0xa: {  	s10 =	smul.u32 $0x50000, s14;
	s12 =	sadd.s32 $0xCC00, s0;
	[dreg:$0xb] =	wrdreg s18  }
0xb: {  	s15 =	sshll.u32 s14, $0x6;
	s14 =	simm.s32 $0x5000;
	[dreg:$0xc] =	wrdreg s19  }
0xc: {  	s7 =	smul.u32 $0x28000, s5;
	s9 =	ssub.s32 $0x2, s5;
	[dreg:$0xd] =	wrdreg s20  }
0xd: {  	p0 =	seq.s32 s5, $0x1;
	s13 =	sshrl.u32 s9, $0x1;
	[dreg:$0xe] =	wrdreg s21  }
0xe: {  	s24 =	sshrl.u32 s10, $0x2;
	[dreg:$0xf] =	wrdreg s22;
	s16 =	simm.s32 $0x3  }
0xf: {  	s17 =	simm.s32 $0x2;
	s18 =	simm.s32 $0x4;
	s19 =	simm.s32 $0x480  }
0x10: {  	s20 =	simm.s32 $0xC00;
	s21 =	simm.s32 $0x500;
	s22 =	simm.s32 $0xC80  }
0x11: {  	s7 =	sadd.s32 s6, s7;
	s23 =	ssub.s32 s9, s13;
	s25 =	sadd.s32 s24, s2  }
0x12: {  	s6 =	sadd.s32 s4, s6;
	s9 =	simm.s32 $0x100;
	s13 =	simm.s32 $0x180  }
0x13: {  	s24 =	simm.s32 $0xB00;
	s8 =	sshrl.u32 s7, $0x3;
	[dreg:$0x6] =	wrdreg s9  }
0x14: {  	s10 =	smax.u32 s23, $0x1;
	s6 =	smov.u32 @p0 s12;
	[dreg:$0x8] =	wrdreg s13  }
0x15: {  	s12 =	simm.s32 $0x80;
	s13 =	simm.s32 $0x1000;
	[dreg:$0x11] =	wrdreg s24  }
0x16: {  	s23 =	simm.s32 $0x380;
	s24 =	simm.s32 $0xD00;
	[dreg:$0x16] =	wrdreg s10  }
0x17: {  	s9 =	simm.s32 $0x0;
	s11 =	sadd.s32 s8, s0;
	[dreg:$0x14] =	wrdreg s6  }
0x18: {  	s0 =	sadd.s32 s7, s0;
	s1 =	sadd.s32 s8, s1;
	[dreg:$0x10] =	wrdreg s23  }
0x19: {  	s8 =	sshrl.u32 s25, $0x3;
	s25 =	simm.s32 $0x400;
	[dreg:$0x5] =	wrdreg s1  }
0x1a: {  	s7 =	sor.u32 $0x1C05, s15;
	s10 =	simm.s32 $0x5;
	[dreg:$0x12] =	wrdreg s25  }
0x1b: {  	s15 =	simm.s32 $0x1;
	s23 =	simm.s32 $0x580;
	[dreg:$0x17] =	wrdreg s7  }
0x1c: {  	s6 =	simm.s32 $0xF80;
	s26 =	sadd.s32 $0x2C00, s11;
	[dreg:$0x18] =	wrdreg s8  }
0x1d: {  	s0 =	sadd.s32 $0x37400, s0;
	s11 =	simm.s32 $0x880;
	[dreg:$0x4] =	wrdreg s26  }
0x1e: {  	s25 =	simm.s32 $0x600;
	s1 =	simm.s32 $0x780;
	[dreg:$0x15] =	wrdreg s0  }
0x1f: {  	[dreg:$0x7] =	wrdreg s11;
	s11 =	simm.s32 $0x800;
	s26 =	simm.s32 $0xB80  }
0x20: {  	s0 =	simm.s32 $0xF00;
	[dreg:$0x13] =	wrdreg s26;
	s26 =	simm.s32 $0xD80  }
.LBB2_1:
0x21: {  	[dreg:$0x19] =	wrdreg s9  }
0x22: {  	s5 =	rddreg [dreg:$0x14]  }
0x23: {  	[spmem:s8], [sflag:s7] =	dma.local [hbm:s5], $0x2800  }
0x24: {  	_ =	swait.ge [sflag:s10], $0x2800  }
0x25: {  	[sflag:s10] =	ssyncset.done $0x0  }
0x26: {  	[sflag:s10] =	ssyncadd.s32 $0xFFFFD800  }
0x27: {  	[bflag:$0x0] =	sbarrier.arrive $0xFFFF  }
0x28: {  	s9 =	rddreg [dreg:$0x5]  }
0x29: {  	s5 =	sadd.s32 $0x0, s9  }
0x2a: {  	[tilespmem:s3], [sflag:$0x5] =	stream.linear.gather [hbm4b:s5+s3], $0x800, $0x38;
	[tilespmem:$0x1D000] =	vst v63  }
0x2b: {  	_ =	swait.ge [sflag:s10], $0x800  }
0x2c: {  	s7 =	rddreg [dreg:$0x4];
	[sflag:s10] =	ssyncset.done $0x0  }
0x2d: {  	[sflag:s10] =	ssyncadd.s32 $0xFFFFF800;
	s5 =	sadd.s32 $0x0, s7  }
0x2e: {  	[tilespmem:s11], [sflag:$0x5] =	stream.linear.gather [hbm4b:s5+s3], $0x800, $0x38;
	[tilespmem:$0x1D000] =	vst v63  }
0x2f: {  	_ =	swait.ge [sflag:s10], $0x800  }
0x30: {  	[sflag:s10] =	ssyncset.done $0x0  }
0x31: {  	[sflag:s10] =	ssyncadd.s32 $0xFFFFF800  }
0x32: {  	[tilespmem:s13], [sflag:$0x1] =	stream.indirect.gather [hbm4b:s4+s12], $0x80, s3, s12, $0xb8;
	[tilespmem:$0x1D000] =	vst v63  }
0x33: {  	_ = 	snop  }
0x34: {  	[tilespmem:s14], [sflag:$0x2] =	stream.indirect.gather [hbm4b:s4+s12], $0x80, s12, s12, $0xb8;
	[tilespmem:$0x1D000] =	vst v63  }
0x35: {  	_ =	swait.ge [sflag:s15], $0x4000  }
0x36: {  	[sflag:s15] =	ssyncset.done $0x0  }
0x37: {  	[sflag:s15] =	ssyncadd.s32 $0xFFFFC000  }
0x38: {  	[spmem:s2] =	stream.indirect.scatter.add.f32 [tilespmem:s13], [sflag:$0x3], $0x80, s11, s12, $0xb8;
	[tilespmem:$0x1D000] =	vst v63  }
0x39: {  	_ =	swait.ge [sflag:s16], $0x4000  }
0x3a: {  	[sflag:s16] =	ssyncset.done $0x0  }
0x3b: {  	s8 =	rddreg [dreg:$0x6];
	[sflag:s16] =	ssyncadd.s32 $0xFFFFC000  }
0x3c: {  	[tilespmem:s13], [sflag:$0x1] =	stream.indirect.gather [hbm4b:s4+s12], $0x80, s8, s12, $0xb8;
	[tilespmem:$0x1D000] =	vst v63  }
0x3d: {  	_ =	swait.ge [sflag:s17], $0x4000  }
0x3e: {  	[sflag:s17] =	ssyncset.done $0x0  }
0x3f: {  	s9 =	rddreg [dreg:$0x7];
	[sflag:s17] =	ssyncadd.s32 $0xFFFFC000  }
0x40: {  	[spmem:s2] =	stream.indirect.scatter.add.f32 [tilespmem:s14], [sflag:$0x4], $0x80, s9, s12, $0xb8;
	[tilespmem:$0x1D000] =	vst v63  }
0x41: {  	_ =	swait.ge [sflag:s18], $0x4000  }
0x42: {  	[sflag:s18] =	ssyncset.done $0x0  }
0x43: {  	s7 =	rddreg [dreg:$0x8];
	[sflag:s18] =	ssyncadd.s32 $0xFFFFC000  }
0x44: {  	[tilespmem:s14], [sflag:$0x2] =	stream.indirect.gather [hbm4b:s4+s12], $0x80, s7, s12, $0xb8;
	[tilespmem:$0x1D000] =	vst v63  }
0x45: {  	_ =	swait.ge [sflag:s15], $0x4000  }
0x46: {  	[sflag:s15] =	ssyncset.done $0x0  }
0x47: {  	s8 =	rddreg [dreg:$0x9];
	[sflag:s15] =	ssyncadd.s32 $0xFFFFC000  }
0x48: {  	[spmem:s2] =	stream.indirect.scatter.add.f32 [tilespmem:s13], [sflag:$0x3], $0x80, s8, s12, $0xb8;
	[tilespmem:$0x1D000] =	vst v63  }
0x49: {  	_ =	swait.ge [sflag:s16], $0x4000  }
0x4a: {  	[sflag:s16] =	ssyncset.done $0x0  }
0x4b: {  	s9 =	rddreg [dreg:$0xa];
	[sflag:s16] =	ssyncadd.s32 $0xFFFFC000  }
0x4c: {  	[tilespmem:s13], [sflag:$0x1] =	stream.indirect.gather [hbm4b:s4+s12], $0x80, s9, s12, $0xb8;
	[tilespmem:$0x1D000] =	vst v63  }
0x4d: {  	_ =	swait.ge [sflag:s17], $0x4000  }
0x4e: {  	[sflag:s17] =	ssyncset.done $0x0  }
0x4f: {  	s7 =	rddreg [dreg:$0xb];
	[sflag:s17] =	ssyncadd.s32 $0xFFFFC000  }
0x50: {  	[spmem:s2] =	stream.indirect.scatter.add.f32 [tilespmem:s14], [sflag:$0x4], $0x80, s7, s12, $0xb8;
	[tilespmem:$0x1D000] =	vst v63  }
0x51: {  	_ =	swait.ge [sflag:s18], $0x4000  }
0x52: {  	[sflag:s18] =	ssyncset.done $0x0  }
0x53: {  	s8 =	rddreg [dreg:$0xc];
	[sflag:s18] =	ssyncadd.s32 $0xFFFFC000  }
0x54: {  	[tilespmem:s14], [sflag:$0x2] =	stream.indirect.gather [hbm4b:s4+s12], $0x80, s8, s12, $0xb8;
	[tilespmem:$0x1D000] =	vst v63  }
0x55: {  	_ =	swait.ge [sflag:s15], $0x4000  }
0x56: {  	[sflag:s15] =	ssyncset.done $0x0  }
0x57: {  	s9 =	rddreg [dreg:$0xd];
	[sflag:s15] =	ssyncadd.s32 $0xFFFFC000  }
0x58: {  	[spmem:s2] =	stream.indirect.scatter.add.f32 [tilespmem:s13], [sflag:$0x3], $0x80, s9, s12, $0xb8;
	[tilespmem:$0x1D000] =	vst v63  }
0x59: {  	_ =	swait.ge [sflag:s16], $0x4000  }
0x5a: {  	[sflag:s16] =	ssyncset.done $0x0  }
0x5b: {  	s7 =	rddreg [dreg:$0xe];
	[sflag:s16] =	ssyncadd.s32 $0xFFFFC000  }
0x5c: {  	[tilespmem:s13], [sflag:$0x1] =	stream.indirect.gather [hbm4b:s4+s12], $0x80, s7, s12, $0xb8;
	[tilespmem:$0x1D000] =	vst v63  }
0x5d: {  	_ =	swait.ge [sflag:s17], $0x4000  }
0x5e: {  	[sflag:s17] =	ssyncset.done $0x0  }
0x5f: {  	s8 =	rddreg [dreg:$0xf];
	[sflag:s17] =	ssyncadd.s32 $0xFFFFC000  }
0x60: {  	[spmem:s2] =	stream.indirect.scatter.add.f32 [tilespmem:s14], [sflag:$0x4], $0x80, s8, s12, $0xb8;
	[tilespmem:$0x1D000] =	vst v63  }
0x61: {  	_ =	swait.ge [sflag:s18], $0x4000  }
0x62: {  	[sflag:s18] =	ssyncset.done $0x0  }
0x63: {  	s9 =	rddreg [dreg:$0x10];
	[sflag:s18] =	ssyncadd.s32 $0xFFFFC000  }
0x64: {  	[tilespmem:s14], [sflag:$0x2] =	stream.indirect.gather [hbm4b:s4+s12], $0x80, s9, s12, $0xb8;
	[tilespmem:$0x1D000] =	vst v63  }
0x65: {  	_ =	swait.ge [sflag:s15], $0x4000  }
0x66: {  	[sflag:s15] =	ssyncset.done $0x0  }
0x67: {  	s7 =	rddreg [dreg:$0x11];
	[sflag:s15] =	ssyncadd.s32 $0xFFFFC000  }
0x68: {  	[spmem:s2] =	stream.indirect.scatter.add.f32 [tilespmem:s13], [sflag:$0x3], $0x80, s7, s12, $0xb8;
	[tilespmem:$0x1D000] =	vst v63  }
0x69: {  	_ =	swait.ge [sflag:s16], $0x4000  }
0x6a: {  	[sflag:s16] =	ssyncset.done $0x0  }
0x6b: {  	s8 =	rddreg [dreg:$0x12];
	[sflag:s16] =	ssyncadd.s32 $0xFFFFC000  }
0x6c: {  	[tilespmem:s13], [sflag:$0x1] =	stream.indirect.gather [hbm4b:s4+s12], $0x80, s8, s12, $0xb8;
	[tilespmem:$0x1D000] =	vst v63  }
0x6d: {  	_ =	swait.ge [sflag:s17], $0x4000  }
0x6e: {  	[sflag:s17] =	ssyncset.done $0x0  }
0x6f: {  	s9 =	rddreg [dreg:$0x13];
	[sflag:s17] =	ssyncadd.s32 $0xFFFFC000  }
0x70: {  	[spmem:s2] =	stream.indirect.scatter.add.f32 [tilespmem:s14], [sflag:$0x4], $0x80, s9, s12, $0xb8;
	[tilespmem:$0x1D000] =	vst v63  }
0x71: {  	_ =	swait.ge [sflag:s18], $0x4000  }
0x72: {  	[sflag:s18] =	ssyncset.done $0x0  }
0x73: {  	[sflag:s18] =	ssyncadd.s32 $0xFFFFC000  }
0x74: {  	[tilespmem:s14], [sflag:$0x2] =	stream.indirect.gather [hbm4b:s4+s12], $0x80, s19, s12, $0xb8;
	[tilespmem:$0x1D000] =	vst v63  }
0x75: {  	_ =	swait.ge [sflag:s15], $0x4000  }
0x76: {  	[sflag:s15] =	ssyncset.done $0x0  }
0x77: {  	[sflag:s15] =	ssyncadd.s32 $0xFFFFC000  }
0x78: {  	[spmem:s2] =	stream.indirect.scatter.add.f32 [tilespmem:s13], [sflag:$0x3], $0x80, s20, s12, $0xb8;
	[tilespmem:$0x1D000] =	vst v63  }
0x79: {  	_ =	swait.ge [sflag:s16], $0x4000  }
0x7a: {  	[sflag:s16] =	ssyncset.done $0x0  }
0x7b: {  	[sflag:s16] =	ssyncadd.s32 $0xFFFFC000  }
0x7c: {  	[tilespmem:s13], [sflag:$0x1] =	stream.indirect.gather [hbm4b:s4+s12], $0x80, s21, s12, $0xb8;
	[tilespmem:$0x1D000] =	vst v63  }
0x7d: {  	_ =	swait.ge [sflag:s17], $0x4000  }
0x7e: {  	[sflag:s17] =	ssyncset.done $0x0  }
0x7f: {  	[sflag:s17] =	ssyncadd.s32 $0xFFFFC000  }
0x80: {  	[spmem:s2] =	stream.indirect.scatter.add.f32 [tilespmem:s14], [sflag:$0x4], $0x80, s22, s12, $0xb8;
	[tilespmem:$0x1D000] =	vst v63  }
0x81: {  	_ =	swait.ge [sflag:s18], $0x4000  }
0x82: {  	[sflag:s18] =	ssyncset.done $0x0  }
0x83: {  	[sflag:s18] =	ssyncadd.s32 $0xFFFFC000  }
0x84: {  	[tilespmem:s14], [sflag:$0x2] =	stream.indirect.gather [hbm4b:s4+s12], $0x80, s23, s12, $0xb8;
	[tilespmem:$0x1D000] =	vst v63  }
0x85: {  	_ =	swait.ge [sflag:s15], $0x4000  }
0x86: {  	[sflag:s15] =	ssyncset.done $0x0  }
0x87: {  	[sflag:s15] =	ssyncadd.s32 $0xFFFFC000  }
0x88: {  	[spmem:s2] =	stream.indirect.scatter.add.f32 [tilespmem:s13], [sflag:$0x3], $0x80, s24, s12, $0xb8;
	[tilespmem:$0x1D000] =	vst v63  }
0x89: {  	_ =	swait.ge [sflag:s16], $0x4000  }
0x8a: {  	[sflag:s16] =	ssyncset.done $0x0  }
0x8b: {  	[sflag:s16] =	ssyncadd.s32 $0xFFFFC000  }
0x8c: {  	[tilespmem:s13], [sflag:$0x1] =	stream.indirect.gather [hbm4b:s4+s12], $0x80, s25, s12, $0xb8;
	[tilespmem:$0x1D000] =	vst v63  }
0x8d: {  	_ =	swait.ge [sflag:s17], $0x4000  }
0x8e: {  	[sflag:s17] =	ssyncset.done $0x0  }
0x8f: {  	[sflag:s17] =	ssyncadd.s32 $0xFFFFC000  }
0x90: {  	[spmem:s2] =	stream.indirect.scatter.add.f32 [tilespmem:s14], [sflag:$0x4], $0x80, s26, s12, $0xb8;
	[tilespmem:$0x1D000] =	vst v63  }
0x91: {  	_ =	swait.ge [sflag:s18], $0x4000  }
0x92: {  	[sflag:s18] =	ssyncset.done $0x0  }
0x93: {  	[sflag:s18] =	ssyncadd.s32 $0xFFFFC000  }
0x94: {  	[tilespmem:s14], [sflag:$0x2] =	stream.indirect.gather [hbm4b:s4+s12], $0x80, s28, s12, $0xb8;
	[tilespmem:$0x1D000] =	vst v63  }
0x95: {  	_ =	swait.ge [sflag:s15], $0x4000  }
0x96: {  	[sflag:s15] =	ssyncset.done $0x0  }
0x97: {  	[sflag:s15] =	ssyncadd.s32 $0xFFFFC000  }
0x98: {  	[spmem:s2] =	stream.indirect.scatter.add.f32 [tilespmem:s13], [sflag:$0x3], $0x80, s29, s12, $0xb8;
	[tilespmem:$0x1D000] =	vst v63  }
0x99: {  	_ =	swait.ge [sflag:s16], $0x4000  }
0x9a: {  	[sflag:s16] =	ssyncset.done $0x0  }
0x9b: {  	[sflag:s16] =	ssyncadd.s32 $0xFFFFC000  }
0x9c: {  	[tilespmem:s13], [sflag:$0x1] =	stream.indirect.gather [hbm4b:s4+s12], $0x80, s30, s12, $0xb8;
	[tilespmem:$0x1D000] =	vst v63  }
0x9d: {  	_ =	swait.ge [sflag:s17], $0x4000  }
0x9e: {  	[sflag:s17] =	ssyncset.done $0x0  }
0x9f: {  	[sflag:s17] =	ssyncadd.s32 $0xFFFFC000  }
0xa0: {  	[spmem:s2] =	stream.indirect.scatter.add.f32 [tilespmem:s14], [sflag:$0x4], $0x80, s31, s12, $0xb8;
	[tilespmem:$0x1D000] =	vst v63  }
0xa1: {  	_ =	swait.ge [sflag:s18], $0x4000  }
0xa2: {  	[sflag:s18] =	ssyncset.done $0x0  }
0xa3: {  	[sflag:s18] =	ssyncadd.s32 $0xFFFFC000  }
0xa4: {  	[tilespmem:s14], [sflag:$0x2] =	stream.indirect.gather [hbm4b:s4+s12], $0x80, s1, s12, $0xb8;
	[tilespmem:$0x1D000] =	vst v63  }
0xa5: {  	_ =	swait.ge [sflag:s15], $0x4000  }
0xa6: {  	[sflag:s15] =	ssyncset.done $0x0  }
0xa7: {  	[sflag:s15] =	ssyncadd.s32 $0xFFFFC000  }
0xa8: {  	[spmem:s2] =	stream.indirect.scatter.add.f32 [tilespmem:s13], [sflag:$0x3], $0x80, s0, s12, $0xb8;
	[tilespmem:$0x1D000] =	vst v63  }
0xa9: {  	_ =	swait.ge [sflag:s17], $0x4000  }
0xaa: {  	[sflag:s17] =	ssyncset.done $0x0  }
0xab: {  	[sflag:s17] =	ssyncadd.s32 $0xFFFFC000  }
0xac: {  	[spmem:s2] =	stream.indirect.scatter.add.f32 [tilespmem:s14], [sflag:$0x4], $0x80, s6, s12, $0xb8;
	[tilespmem:$0x1D000] =	vst v63  }
0xad: {  	_ =	swait.ge [sflag:s16], $0x4000  }
0xae: {  	[sflag:s16] =	ssyncset.done $0x0  }
0xaf: {  	[sflag:s16] =	ssyncadd.s32 $0xFFFFC000  }
0xb0: {  	s5 =	simm.s32 $0x100;
	_ =	swait.ge [sflag:s18], $0x4000  }
0xb1: {  	s8 =	simm.s32 $0x200;
	s9 =	rddreg [dreg:$0x5];
	[sflag:s18] =	ssyncset.done $0x0  }
.LBB2_2:
0xb2: {  	[sflag:s18] =	ssyncadd.s32 $0xFFFFC000;
	s9 =	sadd.s32 s5, s9  }
0xb3: {  	[tilespmem:s3], [sflag:$0x5] =	stream.linear.gather [hbm4b:s9+s3], $0x800, $0x38;
	[tilespmem:$0x1D000] =	vst v63  }
0xb4: {  	_ =	swait.ge [sflag:s10], $0x800  }
0xb5: {  	s9 =	rddreg [dreg:$0x4];
	[sflag:s10] =	ssyncset.done $0x0  }
0xb6: {  	[sflag:s10] =	ssyncadd.s32 $0xFFFFF800;
	s9 =	sadd.s32 s5, s9  }
0xb7: {  	[tilespmem:s11], [sflag:$0x5] =	stream.linear.gather [hbm4b:s9+s3], $0x800, $0x38;
	[tilespmem:$0x1D000] =	vst v63  }
0xb8: {  	_ =	swait.ge [sflag:s10], $0x800  }
0xb9: {  	[sflag:s10] =	ssyncset.done $0x0  }
0xba: {  	[sflag:s10] =	ssyncadd.s32 $0xFFFFF800  }
0xbb: {  	[tilespmem:s13], [sflag:$0x1] =	stream.indirect.gather [hbm4b:s4+s12], $0x80, s3, s12, $0xb8;
	[tilespmem:$0x1D000] =	vst v63  }
0xbc: {  	_ = 	snop  }
0xbd: {  	[tilespmem:s14], [sflag:$0x2] =	stream.indirect.gather [hbm4b:s4+s12], $0x80, s12, s12, $0xb8;
	[tilespmem:$0x1D000] =	vst v63  }
0xbe: {  	_ =	swait.ge [sflag:s15], $0x4000  }
0xbf: {  	[sflag:s15] =	ssyncset.done $0x0  }
0xc0: {  	[sflag:s15] =	ssyncadd.s32 $0xFFFFC000  }
0xc1: {  	[spmem:s2] =	stream.indirect.scatter.add.f32 [tilespmem:s13], [sflag:$0x3], $0x80, s11, s12, $0xb8;
	[tilespmem:$0x1D000] =	vst v63  }
0xc2: {  	_ =	swait.ge [sflag:s16], $0x4000  }
0xc3: {  	[sflag:s16] =	ssyncset.done $0x0  }
0xc4: {  	s9 =	rddreg [dreg:$0x6];
	[sflag:s16] =	ssyncadd.s32 $0xFFFFC000  }
0xc5: {  	[tilespmem:s13], [sflag:$0x1] =	stream.indirect.gather [hbm4b:s4+s12], $0x80, s9, s12, $0xb8;
	[tilespmem:$0x1D000] =	vst v63  }
0xc6: {  	_ =	swait.ge [sflag:s17], $0x4000  }
0xc7: {  	[sflag:s17] =	ssyncset.done $0x0  }
0xc8: {  	s9 =	rddreg [dreg:$0x7];
	[sflag:s17] =	ssyncadd.s32 $0xFFFFC000  }
0xc9: {  	[spmem:s2] =	stream.indirect.scatter.add.f32 [tilespmem:s14], [sflag:$0x4], $0x80, s9, s12, $0xb8;
	[tilespmem:$0x1D000] =	vst v63  }
0xca: {  	_ =	swait.ge [sflag:s18], $0x4000  }
0xcb: {  	[sflag:s18] =	ssyncset.done $0x0  }
0xcc: {  	s9 =	rddreg [dreg:$0x8];
	[sflag:s18] =	ssyncadd.s32 $0xFFFFC000  }
0xcd: {  	[tilespmem:s14], [sflag:$0x2] =	stream.indirect.gather [hbm4b:s4+s12], $0x80, s9, s12, $0xb8;
	[tilespmem:$0x1D000] =	vst v63  }
0xce: {  	_ =	swait.ge [sflag:s15], $0x4000  }
0xcf: {  	[sflag:s15] =	ssyncset.done $0x0  }
0xd0: {  	s9 =	rddreg [dreg:$0x9];
	[sflag:s15] =	ssyncadd.s32 $0xFFFFC000  }
0xd1: {  	[spmem:s2] =	stream.indirect.scatter.add.f32 [tilespmem:s13], [sflag:$0x3], $0x80, s9, s12, $0xb8;
	[tilespmem:$0x1D000] =	vst v63  }
0xd2: {  	_ =	swait.ge [sflag:s16], $0x4000  }
0xd3: {  	[sflag:s16] =	ssyncset.done $0x0  }
0xd4: {  	s9 =	rddreg [dreg:$0xa];
	[sflag:s16] =	ssyncadd.s32 $0xFFFFC000  }
0xd5: {  	[tilespmem:s13], [sflag:$0x1] =	stream.indirect.gather [hbm4b:s4+s12], $0x80, s9, s12, $0xb8;
	[tilespmem:$0x1D000] =	vst v63  }
0xd6: {  	_ =	swait.ge [sflag:s17], $0x4000  }
0xd7: {  	[sflag:s17] =	ssyncset.done $0x0  }
0xd8: {  	s9 =	rddreg [dreg:$0xb];
	[sflag:s17] =	ssyncadd.s32 $0xFFFFC000  }
0xd9: {  	[spmem:s2] =	stream.indirect.scatter.add.f32 [tilespmem:s14], [sflag:$0x4], $0x80, s9, s12, $0xb8;
	[tilespmem:$0x1D000] =	vst v63  }
0xda: {  	_ =	swait.ge [sflag:s18], $0x4000  }
0xdb: {  	[sflag:s18] =	ssyncset.done $0x0  }
0xdc: {  	s9 =	rddreg [dreg:$0xc];
	[sflag:s18] =	ssyncadd.s32 $0xFFFFC000  }
0xdd: {  	[tilespmem:s14], [sflag:$0x2] =	stream.indirect.gather [hbm4b:s4+s12], $0x80, s9, s12, $0xb8;
	[tilespmem:$0x1D000] =	vst v63  }
0xde: {  	_ =	swait.ge [sflag:s15], $0x4000  }
0xdf: {  	[sflag:s15] =	ssyncset.done $0x0  }
0xe0: {  	s9 =	rddreg [dreg:$0xd];
	[sflag:s15] =	ssyncadd.s32 $0xFFFFC000  }
0xe1: {  	[spmem:s2] =	stream.indirect.scatter.add.f32 [tilespmem:s13], [sflag:$0x3], $0x80, s9, s12, $0xb8;
	[tilespmem:$0x1D000] =	vst v63  }
0xe2: {  	_ =	swait.ge [sflag:s16], $0x4000  }
0xe3: {  	[sflag:s16] =	ssyncset.done $0x0  }
0xe4: {  	s9 =	rddreg [dreg:$0xe];
	[sflag:s16] =	ssyncadd.s32 $0xFFFFC000  }
0xe5: {  	[tilespmem:s13], [sflag:$0x1] =	stream.indirect.gather [hbm4b:s4+s12], $0x80, s9, s12, $0xb8;
	[tilespmem:$0x1D000] =	vst v63  }
0xe6: {  	_ =	swait.ge [sflag:s17], $0x4000  }
0xe7: {  	[sflag:s17] =	ssyncset.done $0x0  }
0xe8: {  	s9 =	rddreg [dreg:$0xf];
	[sflag:s17] =	ssyncadd.s32 $0xFFFFC000  }
0xe9: {  	[spmem:s2] =	stream.indirect.scatter.add.f32 [tilespmem:s14], [sflag:$0x4], $0x80, s9, s12, $0xb8;
	[tilespmem:$0x1D000] =	vst v63  }
0xea: {  	_ =	swait.ge [sflag:s18], $0x4000  }
0xeb: {  	[sflag:s18] =	ssyncset.done $0x0  }
0xec: {  	s9 =	rddreg [dreg:$0x10];
	[sflag:s18] =	ssyncadd.s32 $0xFFFFC000  }
0xed: {  	[tilespmem:s14], [sflag:$0x2] =	stream.indirect.gather [hbm4b:s4+s12], $0x80, s9, s12, $0xb8;
	[tilespmem:$0x1D000] =	vst v63  }
0xee: {  	_ =	swait.ge [sflag:s15], $0x4000  }
0xef: {  	[sflag:s15] =	ssyncset.done $0x0  }
0xf0: {  	s9 =	rddreg [dreg:$0x11];
	[sflag:s15] =	ssyncadd.s32 $0xFFFFC000  }
0xf1: {  	[spmem:s2] =	stream.indirect.scatter.add.f32 [tilespmem:s13], [sflag:$0x3], $0x80, s9, s12, $0xb8;
	[tilespmem:$0x1D000] =	vst v63  }
0xf2: {  	_ =	swait.ge [sflag:s16], $0x4000  }
0xf3: {  	[sflag:s16] =	ssyncset.done $0x0  }
0xf4: {  	s9 =	rddreg [dreg:$0x12];
	[sflag:s16] =	ssyncadd.s32 $0xFFFFC000  }
0xf5: {  	[tilespmem:s13], [sflag:$0x1] =	stream.indirect.gather [hbm4b:s4+s12], $0x80, s9, s12, $0xb8;
	[tilespmem:$0x1D000] =	vst v63  }
0xf6: {  	_ =	swait.ge [sflag:s17], $0x4000  }
0xf7: {  	[sflag:s17] =	ssyncset.done $0x0  }
0xf8: {  	s9 =	rddreg [dreg:$0x13];
	[sflag:s17] =	ssyncadd.s32 $0xFFFFC000  }
0xf9: {  	[spmem:s2] =	stream.indirect.scatter.add.f32 [tilespmem:s14], [sflag:$0x4], $0x80, s9, s12, $0xb8;
	[tilespmem:$0x1D000] =	vst v63  }
0xfa: {  	_ =	swait.ge [sflag:s18], $0x4000  }
0xfb: {  	[sflag:s18] =	ssyncset.done $0x0  }
0xfc: {  	[sflag:s18] =	ssyncadd.s32 $0xFFFFC000  }
0xfd: {  	[tilespmem:s14], [sflag:$0x2] =	stream.indirect.gather [hbm4b:s4+s12], $0x80, s19, s12, $0xb8;
	[tilespmem:$0x1D000] =	vst v63  }
0xfe: {  	_ =	swait.ge [sflag:s15], $0x4000  }
0xff: {  	[sflag:s15] =	ssyncset.done $0x0  }
0x100: {  	[sflag:s15] =	ssyncadd.s32 $0xFFFFC000  }
0x101: {  	[spmem:s2] =	stream.indirect.scatter.add.f32 [tilespmem:s13], [sflag:$0x3], $0x80, s20, s12, $0xb8;
	[tilespmem:$0x1D000] =	vst v63  }
0x102: {  	_ =	swait.ge [sflag:s16], $0x4000  }
0x103: {  	[sflag:s16] =	ssyncset.done $0x0  }
0x104: {  	[sflag:s16] =	ssyncadd.s32 $0xFFFFC000  }
0x105: {  	[tilespmem:s13], [sflag:$0x1] =	stream.indirect.gather [hbm4b:s4+s12], $0x80, s21, s12, $0xb8;
	[tilespmem:$0x1D000] =	vst v63  }
0x106: {  	_ =	swait.ge [sflag:s17], $0x4000  }
0x107: {  	[sflag:s17] =	ssyncset.done $0x0  }
0x108: {  	[sflag:s17] =	ssyncadd.s32 $0xFFFFC000  }
0x109: {  	[spmem:s2] =	stream.indirect.scatter.add.f32 [tilespmem:s14], [sflag:$0x4], $0x80, s22, s12, $0xb8;
	[tilespmem:$0x1D000] =	vst v63  }
0x10a: {  	_ =	swait.ge [sflag:s18], $0x4000  }
0x10b: {  	[sflag:s18] =	ssyncset.done $0x0  }
0x10c: {  	[sflag:s18] =	ssyncadd.s32 $0xFFFFC000  }
0x10d: {  	[tilespmem:s14], [sflag:$0x2] =	stream.indirect.gather [hbm4b:s4+s12], $0x80, s23, s12, $0xb8;
	[tilespmem:$0x1D000] =	vst v63  }
0x10e: {  	_ =	swait.ge [sflag:s15], $0x4000  }
0x10f: {  	[sflag:s15] =	ssyncset.done $0x0  }
0x110: {  	[sflag:s15] =	ssyncadd.s32 $0xFFFFC000  }
0x111: {  	[spmem:s2] =	stream.indirect.scatter.add.f32 [tilespmem:s13], [sflag:$0x3], $0x80, s24, s12, $0xb8;
	[tilespmem:$0x1D000] =	vst v63  }
0x112: {  	_ =	swait.ge [sflag:s16], $0x4000  }
0x113: {  	[sflag:s16] =	ssyncset.done $0x0  }
0x114: {  	[sflag:s16] =	ssyncadd.s32 $0xFFFFC000  }
0x115: {  	[tilespmem:s13], [sflag:$0x1] =	stream.indirect.gather [hbm4b:s4+s12], $0x80, s25, s12, $0xb8;
	[tilespmem:$0x1D000] =	vst v63  }
0x116: {  	_ =	swait.ge [sflag:s17], $0x4000  }
0x117: {  	[sflag:s17] =	ssyncset.done $0x0  }
0x118: {  	[sflag:s17] =	ssyncadd.s32 $0xFFFFC000  }
0x119: {  	[spmem:s2] =	stream.indirect.scatter.add.f32 [tilespmem:s14], [sflag:$0x4], $0x80, s26, s12, $0xb8;
	[tilespmem:$0x1D000] =	vst v63  }
0x11a: {  	_ =	swait.ge [sflag:s18], $0x4000  }
0x11b: {  	[sflag:s18] =	ssyncset.done $0x0  }
0x11c: {  	[sflag:s18] =	ssyncadd.s32 $0xFFFFC000  }
0x11d: {  	[tilespmem:s14], [sflag:$0x2] =	stream.indirect.gather [hbm4b:s4+s12], $0x80, s28, s12, $0xb8;
	[tilespmem:$0x1D000] =	vst v63  }
0x11e: {  	_ =	swait.ge [sflag:s15], $0x4000  }
0x11f: {  	[sflag:s15] =	ssyncset.done $0x0  }
0x120: {  	[sflag:s15] =	ssyncadd.s32 $0xFFFFC000  }
0x121: {  	[spmem:s2] =	stream.indirect.scatter.add.f32 [tilespmem:s13], [sflag:$0x3], $0x80, s29, s12, $0xb8;
	[tilespmem:$0x1D000] =	vst v63  }
0x122: {  	_ =	swait.ge [sflag:s16], $0x4000  }
0x123: {  	[sflag:s16] =	ssyncset.done $0x0  }
0x124: {  	[sflag:s16] =	ssyncadd.s32 $0xFFFFC000  }
0x125: {  	[tilespmem:s13], [sflag:$0x1] =	stream.indirect.gather [hbm4b:s4+s12], $0x80, s30, s12, $0xb8;
	[tilespmem:$0x1D000] =	vst v63  }
0x126: {  	_ =	swait.ge [sflag:s17], $0x4000  }
0x127: {  	[sflag:s17] =	ssyncset.done $0x0  }
0x128: {  	[sflag:s17] =	ssyncadd.s32 $0xFFFFC000  }
0x129: {  	[spmem:s2] =	stream.indirect.scatter.add.f32 [tilespmem:s14], [sflag:$0x4], $0x80, s31, s12, $0xb8;
	[tilespmem:$0x1D000] =	vst v63  }
0x12a: {  	_ =	swait.ge [sflag:s18], $0x4000  }
0x12b: {  	[sflag:s18] =	ssyncset.done $0x0  }
0x12c: {  	[sflag:s18] =	ssyncadd.s32 $0xFFFFC000  }
0x12d: {  	[tilespmem:s14], [sflag:$0x2] =	stream.indirect.gather [hbm4b:s4+s12], $0x80, s1, s12, $0xb8;
	[tilespmem:$0x1D000] =	vst v63  }
0x12e: {  	_ =	swait.ge [sflag:s15], $0x4000  }
0x12f: {  	[sflag:s15] =	ssyncset.done $0x0  }
0x130: {  	[sflag:s15] =	ssyncadd.s32 $0xFFFFC000  }
0x131: {  	[spmem:s2] =	stream.indirect.scatter.add.f32 [tilespmem:s13], [sflag:$0x3], $0x80, s0, s12, $0xb8;
	[tilespmem:$0x1D000] =	vst v63  }
0x132: {  	_ =	swait.ge [sflag:s17], $0x4000  }
0x133: {  	[sflag:s17] =	ssyncset.done $0x0  }
0x134: {  	p0 =	sne.s32 s8, $0x400;
	[sflag:s17] =	ssyncadd.s32 $0xFFFFC000  }
0x135: {  	[spmem:s2] =	stream.indirect.scatter.add.f32 [tilespmem:s14], [sflag:$0x4], $0x80, s6, s12, $0xb8;
	[tilespmem:$0x1D000] =	vst v63  }
.Ltmp0:
0x136: {  	_ =	swait.ge [sflag:s16], $0x4000;
	(pc) =	sbr.rel @p0 .LBB2_2-.Ltmp0, $4  }
0x137: {  	[sflag:s16] =	ssyncset.done $0x0  }
0x138: {  	[sflag:s16] =	ssyncadd.s32 $0xFFFFC000  }
0x139: {  	s7 =	smov.u32 s8;
	s8 =	sadd.s32 $0x100, s8;
	_ =	swait.ge [sflag:s18], $0x4000  }
0x13a: {  	s5 =	smov.u32 s7;
	s9 =	rddreg [dreg:$0x5];
	[sflag:s18] =	ssyncset.done $0x0  }
0x13b: {  	[sflag:s18] =	ssyncadd.s32 $0xFFFFC000;
	s7 =	sadd.s32 s5, s9  }
0x13c: {  	[tilespmem:s3], [sflag:$0x5] =	stream.linear.gather [hbm4b:s7+s3], $0x800, $0x38;
	[tilespmem:$0x1D000] =	vst v63  }
0x13d: {  	_ =	swait.ge [sflag:s10], $0x800  }
0x13e: {  	s8 =	rddreg [dreg:$0x4];
	[sflag:s10] =	ssyncset.done $0x0  }
0x13f: {  	s9 =	sadd.s32 s5, s8;
	[sflag:s10] =	ssyncadd.s32 $0xFFFFF800  }
0x140: {  	[tilespmem:s11], [sflag:$0x5] =	stream.linear.gather [hbm4b:s9+s3], $0x800, $0x38;
	[tilespmem:$0x1D000] =	vst v63  }
0x141: {  	_ =	swait.ge [sflag:s10], $0x800  }
0x142: {  	[sflag:s10] =	ssyncset.done $0x0  }
0x143: {  	[sflag:s10] =	ssyncadd.s32 $0xFFFFF800  }
0x144: {  	[tilespmem:s13], [sflag:$0x1] =	stream.indirect.gather [hbm4b:s4+s12], $0x80, s3, s12, $0xb8;
	[tilespmem:$0x1D000] =	vst v63  }
0x145: {  	_ = 	snop  }
0x146: {  	[tilespmem:s14], [sflag:$0x2] =	stream.indirect.gather [hbm4b:s4+s12], $0x80, s12, s12, $0xb8;
	[tilespmem:$0x1D000] =	vst v63  }
0x147: {  	_ =	swait.ge [sflag:s15], $0x4000  }
0x148: {  	[sflag:s15] =	ssyncset.done $0x0  }
0x149: {  	[sflag:s15] =	ssyncadd.s32 $0xFFFFC000  }
0x14a: {  	[spmem:s2] =	stream.indirect.scatter.add.f32 [tilespmem:s13], [sflag:$0x3], $0x80, s11, s12, $0xb8;
	[tilespmem:$0x1D000] =	vst v63  }
0x14b: {  	_ =	swait.ge [sflag:s16], $0x4000  }
0x14c: {  	[sflag:s16] =	ssyncset.done $0x0  }
0x14d: {  	s7 =	rddreg [dreg:$0x6];
	[sflag:s16] =	ssyncadd.s32 $0xFFFFC000  }
0x14e: {  	[tilespmem:s13], [sflag:$0x1] =	stream.indirect.gather [hbm4b:s4+s12], $0x80, s7, s12, $0xb8;
	[tilespmem:$0x1D000] =	vst v63  }
0x14f: {  	_ =	swait.ge [sflag:s17], $0x4000  }
0x150: {  	[sflag:s17] =	ssyncset.done $0x0  }
0x151: {  	s8 =	rddreg [dreg:$0x7];
	[sflag:s17] =	ssyncadd.s32 $0xFFFFC000  }
0x152: {  	[spmem:s2] =	stream.indirect.scatter.add.f32 [tilespmem:s14], [sflag:$0x4], $0x80, s8, s12, $0xb8;
	[tilespmem:$0x1D000] =	vst v63  }
0x153: {  	_ =	swait.ge [sflag:s18], $0x4000  }
0x154: {  	[sflag:s18] =	ssyncset.done $0x0  }
0x155: {  	s9 =	rddreg [dreg:$0x8];
	[sflag:s18] =	ssyncadd.s32 $0xFFFFC000  }
0x156: {  	[tilespmem:s14], [sflag:$0x2] =	stream.indirect.gather [hbm4b:s4+s12], $0x80, s9, s12, $0xb8;
	[tilespmem:$0x1D000] =	vst v63  }
0x157: {  	_ =	swait.ge [sflag:s15], $0x4000  }
0x158: {  	[sflag:s15] =	ssyncset.done $0x0  }
0x159: {  	s7 =	rddreg [dreg:$0x9];
	[sflag:s15] =	ssyncadd.s32 $0xFFFFC000  }
0x15a: {  	[spmem:s2] =	stream.indirect.scatter.add.f32 [tilespmem:s13], [sflag:$0x3], $0x80, s7, s12, $0xb8;
	[tilespmem:$0x1D000] =	vst v63  }
0x15b: {  	_ =	swait.ge [sflag:s16], $0x4000  }
0x15c: {  	[sflag:s16] =	ssyncset.done $0x0  }
0x15d: {  	s8 =	rddreg [dreg:$0xa];
	[sflag:s16] =	ssyncadd.s32 $0xFFFFC000  }
0x15e: {  	[tilespmem:s13], [sflag:$0x1] =	stream.indirect.gather [hbm4b:s4+s12], $0x80, s8, s12, $0xb8;
	[tilespmem:$0x1D000] =	vst v63  }
0x15f: {  	_ =	swait.ge [sflag:s17], $0x4000  }
0x160: {  	[sflag:s17] =	ssyncset.done $0x0  }
0x161: {  	s9 =	rddreg [dreg:$0xb];
	[sflag:s17] =	ssyncadd.s32 $0xFFFFC000  }
0x162: {  	[spmem:s2] =	stream.indirect.scatter.add.f32 [tilespmem:s14], [sflag:$0x4], $0x80, s9, s12, $0xb8;
	[tilespmem:$0x1D000] =	vst v63  }
0x163: {  	_ =	swait.ge [sflag:s18], $0x4000  }
0x164: {  	[sflag:s18] =	ssyncset.done $0x0  }
0x165: {  	s7 =	rddreg [dreg:$0xc];
	[sflag:s18] =	ssyncadd.s32 $0xFFFFC000  }
0x166: {  	[tilespmem:s14], [sflag:$0x2] =	stream.indirect.gather [hbm4b:s4+s12], $0x80, s7, s12, $0xb8;
	[tilespmem:$0x1D000] =	vst v63  }
0x167: {  	_ =	swait.ge [sflag:s15], $0x4000  }
0x168: {  	[sflag:s15] =	ssyncset.done $0x0  }
0x169: {  	s8 =	rddreg [dreg:$0xd];
	[sflag:s15] =	ssyncadd.s32 $0xFFFFC000  }
0x16a: {  	[spmem:s2] =	stream.indirect.scatter.add.f32 [tilespmem:s13], [sflag:$0x3], $0x80, s8, s12, $0xb8;
	[tilespmem:$0x1D000] =	vst v63  }
0x16b: {  	_ =	swait.ge [sflag:s16], $0x4000  }
0x16c: {  	[sflag:s16] =	ssyncset.done $0x0  }
0x16d: {  	s9 =	rddreg [dreg:$0xe];
	[sflag:s16] =	ssyncadd.s32 $0xFFFFC000  }
0x16e: {  	[tilespmem:s13], [sflag:$0x1] =	stream.indirect.gather [hbm4b:s4+s12], $0x80, s9, s12, $0xb8;
	[tilespmem:$0x1D000] =	vst v63  }
0x16f: {  	_ =	swait.ge [sflag:s17], $0x4000  }
0x170: {  	[sflag:s17] =	ssyncset.done $0x0  }
0x171: {  	s7 =	rddreg [dreg:$0xf];
	[sflag:s17] =	ssyncadd.s32 $0xFFFFC000  }
0x172: {  	[spmem:s2] =	stream.indirect.scatter.add.f32 [tilespmem:s14], [sflag:$0x4], $0x80, s7, s12, $0xb8;
	[tilespmem:$0x1D000] =	vst v63  }
0x173: {  	_ =	swait.ge [sflag:s18], $0x4000  }
0x174: {  	[sflag:s18] =	ssyncset.done $0x0  }
0x175: {  	s8 =	rddreg [dreg:$0x10];
	[sflag:s18] =	ssyncadd.s32 $0xFFFFC000  }
0x176: {  	[tilespmem:s14], [sflag:$0x2] =	stream.indirect.gather [hbm4b:s4+s12], $0x80, s8, s12, $0xb8;
	[tilespmem:$0x1D000] =	vst v63  }
0x177: {  	_ =	swait.ge [sflag:s15], $0x4000  }
0x178: {  	[sflag:s15] =	ssyncset.done $0x0  }
0x179: {  	s9 =	rddreg [dreg:$0x11];
	[sflag:s15] =	ssyncadd.s32 $0xFFFFC000  }
0x17a: {  	[spmem:s2] =	stream.indirect.scatter.add.f32 [tilespmem:s13], [sflag:$0x3], $0x80, s9, s12, $0xb8;
	[tilespmem:$0x1D000] =	vst v63  }
0x17b: {  	_ =	swait.ge [sflag:s16], $0x4000  }
0x17c: {  	[sflag:s16] =	ssyncset.done $0x0  }
0x17d: {  	s7 =	rddreg [dreg:$0x12];
	[sflag:s16] =	ssyncadd.s32 $0xFFFFC000  }
0x17e: {  	[tilespmem:s13], [sflag:$0x1] =	stream.indirect.gather [hbm4b:s4+s12], $0x80, s7, s12, $0xb8;
	[tilespmem:$0x1D000] =	vst v63  }
0x17f: {  	_ =	swait.ge [sflag:s17], $0x4000  }
0x180: {  	[sflag:s17] =	ssyncset.done $0x0  }
0x181: {  	s8 =	rddreg [dreg:$0x13];
	[sflag:s17] =	ssyncadd.s32 $0xFFFFC000  }
0x182: {  	[spmem:s2] =	stream.indirect.scatter.add.f32 [tilespmem:s14], [sflag:$0x4], $0x80, s8, s12, $0xb8;
	[tilespmem:$0x1D000] =	vst v63  }
0x183: {  	_ =	swait.ge [sflag:s18], $0x4000  }
0x184: {  	[sflag:s18] =	ssyncset.done $0x0  }
0x185: {  	[sflag:s18] =	ssyncadd.s32 $0xFFFFC000  }
0x186: {  	[tilespmem:s14], [sflag:$0x2] =	stream.indirect.gather [hbm4b:s4+s12], $0x80, s19, s12, $0xb8;
	[tilespmem:$0x1D000] =	vst v63  }
0x187: {  	_ =	swait.ge [sflag:s15], $0x4000  }
0x188: {  	[sflag:s15] =	ssyncset.done $0x0  }
0x189: {  	[sflag:s15] =	ssyncadd.s32 $0xFFFFC000  }
0x18a: {  	[spmem:s2] =	stream.indirect.scatter.add.f32 [tilespmem:s13], [sflag:$0x3], $0x80, s20, s12, $0xb8;
	[tilespmem:$0x1D000] =	vst v63  }
0x18b: {  	_ =	swait.ge [sflag:s16], $0x4000  }
0x18c: {  	[sflag:s16] =	ssyncset.done $0x0  }
0x18d: {  	[sflag:s16] =	ssyncadd.s32 $0xFFFFC000  }
0x18e: {  	[tilespmem:s13], [sflag:$0x1] =	stream.indirect.gather [hbm4b:s4+s12], $0x80, s21, s12, $0xb8;
	[tilespmem:$0x1D000] =	vst v63  }
0x18f: {  	_ =	swait.ge [sflag:s17], $0x4000  }
0x190: {  	[sflag:s17] =	ssyncset.done $0x0  }
0x191: {  	[sflag:s17] =	ssyncadd.s32 $0xFFFFC000  }
0x192: {  	[spmem:s2] =	stream.indirect.scatter.add.f32 [tilespmem:s14], [sflag:$0x4], $0x80, s22, s12, $0xb8;
	[tilespmem:$0x1D000] =	vst v63  }
0x193: {  	_ =	swait.ge [sflag:s18], $0x4000  }
0x194: {  	[sflag:s18] =	ssyncset.done $0x0  }
0x195: {  	[sflag:s18] =	ssyncadd.s32 $0xFFFFC000  }
0x196: {  	[tilespmem:s14], [sflag:$0x2] =	stream.indirect.gather [hbm4b:s4+s12], $0x80, s23, s12, $0xb8;
	[tilespmem:$0x1D000] =	vst v63  }
0x197: {  	_ =	swait.ge [sflag:s15], $0x4000  }
0x198: {  	[sflag:s15] =	ssyncset.done $0x0  }
0x199: {  	[sflag:s15] =	ssyncadd.s32 $0xFFFFC000  }
0x19a: {  	[spmem:s2] =	stream.indirect.scatter.add.f32 [tilespmem:s13], [sflag:$0x3], $0x80, s24, s12, $0xb8;
	[tilespmem:$0x1D000] =	vst v63  }
0x19b: {  	_ =	swait.ge [sflag:s16], $0x4000  }
0x19c: {  	[sflag:s16] =	ssyncset.done $0x0  }
0x19d: {  	[sflag:s16] =	ssyncadd.s32 $0xFFFFC000  }
0x19e: {  	[tilespmem:s13], [sflag:$0x1] =	stream.indirect.gather [hbm4b:s4+s12], $0x80, s25, s12, $0xb8;
	[tilespmem:$0x1D000] =	vst v63  }
0x19f: {  	_ =	swait.ge [sflag:s17], $0x4000  }
0x1a0: {  	[sflag:s17] =	ssyncset.done $0x0  }
0x1a1: {  	[sflag:s17] =	ssyncadd.s32 $0xFFFFC000  }
0x1a2: {  	[spmem:s2] =	stream.indirect.scatter.add.f32 [tilespmem:s14], [sflag:$0x4], $0x80, s26, s12, $0xb8;
	[tilespmem:$0x1D000] =	vst v63  }
0x1a3: {  	_ =	swait.ge [sflag:s18], $0x4000  }
0x1a4: {  	[sflag:s18] =	ssyncset.done $0x0  }
0x1a5: {  	[sflag:s18] =	ssyncadd.s32 $0xFFFFC000  }
0x1a6: {  	[tilespmem:s14], [sflag:$0x2] =	stream.indirect.gather [hbm4b:s4+s12], $0x80, s28, s12, $0xb8;
	[tilespmem:$0x1D000] =	vst v63  }
0x1a7: {  	_ =	swait.ge [sflag:s15], $0x4000  }
0x1a8: {  	[sflag:s15] =	ssyncset.done $0x0  }
0x1a9: {  	[sflag:s15] =	ssyncadd.s32 $0xFFFFC000  }
0x1aa: {  	[spmem:s2] =	stream.indirect.scatter.add.f32 [tilespmem:s13], [sflag:$0x3], $0x80, s29, s12, $0xb8;
	[tilespmem:$0x1D000] =	vst v63  }
0x1ab: {  	_ =	swait.ge [sflag:s16], $0x4000  }
0x1ac: {  	[sflag:s16] =	ssyncset.done $0x0  }
0x1ad: {  	[sflag:s16] =	ssyncadd.s32 $0xFFFFC000  }
0x1ae: {  	[tilespmem:s13], [sflag:$0x1] =	stream.indirect.gather [hbm4b:s4+s12], $0x80, s30, s12, $0xb8;
	[tilespmem:$0x1D000] =	vst v63  }
0x1af: {  	_ =	swait.ge [sflag:s17], $0x4000  }
0x1b0: {  	[sflag:s17] =	ssyncset.done $0x0  }
0x1b1: {  	[sflag:s17] =	ssyncadd.s32 $0xFFFFC000  }
0x1b2: {  	[spmem:s2] =	stream.indirect.scatter.add.f32 [tilespmem:s14], [sflag:$0x4], $0x80, s31, s12, $0xb8;
	[tilespmem:$0x1D000] =	vst v63  }
0x1b3: {  	_ =	swait.ge [sflag:s18], $0x4000  }
0x1b4: {  	[sflag:s18] =	ssyncset.done $0x0  }
0x1b5: {  	[sflag:s18] =	ssyncadd.s32 $0xFFFFC000  }
0x1b6: {  	[tilespmem:s14], [sflag:$0x2] =	stream.indirect.gather [hbm4b:s4+s12], $0x80, s1, s12, $0xb8;
	[tilespmem:$0x1D000] =	vst v63  }
0x1b7: {  	_ =	swait.ge [sflag:s15], $0x4000  }
0x1b8: {  	[sflag:s15] =	ssyncset.done $0x0  }
0x1b9: {  	[sflag:s15] =	ssyncadd.s32 $0xFFFFC000  }
0x1ba: {  	[spmem:s2] =	stream.indirect.scatter.add.f32 [tilespmem:s13], [sflag:$0x3], $0x80, s0, s12, $0xb8;
	[tilespmem:$0x1D000] =	vst v63  }
0x1bb: {  	_ =	swait.ge [sflag:s17], $0x4000  }
0x1bc: {  	[sflag:s17] =	ssyncset.done $0x0  }
0x1bd: {  	[sflag:s17] =	ssyncadd.s32 $0xFFFFC000  }
0x1be: {  	[spmem:s2] =	stream.indirect.scatter.add.f32 [tilespmem:s14], [sflag:$0x4], $0x80, s6, s12, $0xb8;
	[tilespmem:$0x1D000] =	vst v63  }
0x1bf: {  	_ =	swait.ge [sflag:s16], $0x4000  }
0x1c0: {  	[sflag:s16] =	ssyncset.done $0x0  }
0x1c1: {  	[sflag:s16] =	ssyncadd.s32 $0xFFFFC000  }
0x1c2: {  	_ =	swait.ge [sflag:s18], $0x4000  }
0x1c3: {  	[sflag:s18] =	ssyncset.done $0x0  }
0x1c4: {  	[sflag:s18] =	ssyncadd.s32 $0xFFFFC000  }
0x1c5: {  	[bflag:$0x0] =	sbarrier.arrive $0xFFFF  }
0x1c6: {  	s9 =	rddreg [dreg:$0x15]  }
0x1c7: {  	s7 =	rddreg [dreg:$0x17]  }
0x1c8: {  	s8 =	rddreg [dreg:$0x18]  }
0x1c9: {  	[hbm:s9], [sflag:s7] =	dma.local [spmem:s8], $0x2800  }
0x1ca: {  	_ =	swait.ge [sflag:s10], $0x2800  }
0x1cb: {  	s5 =	rddreg [dreg:$0x19]  }
0x1cc: {  	s9 =	sadd.s32 $0x1, s5;
	s5 =	rddreg [dreg:$0x16]  }
0x1cd: {  	p0 =	sne.s32 s9, s5  }
.Ltmp1:
0x1ce: {  	_ = 	snop;
	(pc) =	sbr.rel @p0 .LBB2_1-.Ltmp1, $3  }
0x1cf: {  	_ =	sdelay $0x1  }
0x1d0: {  	[sflag:s10] =	ssyncset.done $0x0  }
0x1d1: {  	[sflag:s10] =	ssyncadd.s32 $0xFFFFD800  }
0x1d2: {  	_ =	sfence.sel $0x180000  }
0x1d3: {  	[bflag:$0x0] =	sbarrier.arrive $0xFFFF  }
0x1d4: {  	_ =	strace $0x9000004A  }
0x1d5: {  	s0 =	stileid.u32;
	[bflag:$0x2] =	sbarrier.arrive $0xFFFF  }
0x1d6: {  	p0 =	sne.s32 s0, $0x0;
	s0 =	rddreg [dreg:$0x3]  }
0x1d7: {  	s0 =	sadd.s32 @!p0 $0x100000, s0  }
0x1d8: {  	[sflag:s0] =	ssyncadd.tile.s32 @!p0 $0x1;
	_ =	shalt  }
.Lfunc_end2:
_tile_overlayer_lowered:
.L_overlay_start_2:
0x1d9: {  	(tag) =	ssettag $0x2  }
0x1da: {  	s0 =	rddreg [dreg:$0x0];
	s2 =	stileid.u32  }
0x1db: {  	s1 =	rddreg [dreg:$0x1];
	p0 =	sne.s32 s2, $0x0  }
0x1dc: {  	s3 =	rddreg [dreg:$0x2];
	[bflag:$0x3] =	sbarrier.arrive $0xFFFF;
	s2 =	simm.s32 @!p0 $0x1C05  }
0x1dd: {  	[timem:s3], [sflag:s2] =	dma.local @!p0 [hbm:s0], s1  }
0x1de: {  	s0 =	simm.s32 @!p0 $0x5  }
0x1df: {  	_ =	swait.ge @!p0 [sflag:s0], s1  }
0x1e0: {  	s1 =	ssub.s32 @!p0 $0x0, s1;
	[sflag:s0] =	ssyncset.done @!p0 $0x0  }
0x1e1: {  	[sflag:s0] =	ssyncadd.s32 @!p0 s1  }
0x1e2: {  	[bflag:$0x3] =	sbarrier.arrive $0xFFFF  }
0x1e3: {  	_ =	shalt  }

// kernel: kernel.16.cloned.1.call-start
scs
__scs_entry_jumppad:
0x0: {  	(pc) =	sbr.rel $0x88, $3  }
0x1: {  	(tag) =	ssettag $0x0;
	lr =	simm.s32 $0x1  }
0x2: {  	[smem:$0x3F99] =	sst lr;
	_ =	strace $0xD0000000  }
0x3: {  	_ = 	snop  }
0x4: {  	_ = 	snop  }
0x5: {  	_ = 	snop  }
0x6: {  	_ = 	snop  }
0x7: {  	_ = 	snop  }
__scs_overlays_trampoline_lowered:
0x8: {  	[smem:$0x3FA8] =	sst s0  }
0x9: {  	[smem:$0x3FA9] =	sst s1  }
0xa: {  	[smem:$0x3FAA] =	sst s2  }
0xb: {  	[smem:$0x3FAB] =	sst s3  }
0xc: {  	[smem:$0x3FAC] =	sst s4  }
0xd: {  	[smem:$0x3FAD] =	sst s5  }
0xe: {  	[smem:$0x3FAE] =	sst s6  }
0xf: {  	[smem:$0x3FAF] =	sst s7  }
0x10: {  	[smem:$0x3FB0] =	sst s8  }
0x11: {  	[smem:$0x3FB1] =	sst s9;
	s0 =	simm.s32 @!p0 $0x0  }
0x12: {  	s1 =	sld [smem:$0x3F97];
	s0 =	simm.s32 @p0 $0x1  }
0x13: {  	[smem:$0x3FB2] =	sst s0;
	s0 =	simm.s32 @!p1 $0x0  }
0x14: {  	s2 =	sld [smem:$0x3F96];
	s0 =	simm.s32 @p1 $0x1  }
0x15: {  	[smem:$0x3FB3] =	sst s0;
	s0 =	simm.s32 @!p2 $0x0  }
0x16: {  	s3 =	sld [smem:$0x3FDB];
	s0 =	simm.s32 @p2 $0x1  }
0x17: {  	s4 =	simm.s32 $0x1BF5;
	[smem:$0x3FB5] =	sst s0  }
0x18: {  	s0 =	sld [smem:$0x3F98];
	_ =	swait.ge [sflag:s4], $0x0  }
0x19: {  	s7 =	sld [smem:$0x3F99]  }
0x1a: {  	s8 =	sadd.s32 $0xFFFFE003, lr  }
0x1b: {  	s9 =	sadd.s32 $0xFFFFFEF7, lr;
	s5 =	simm.s32 $0xFFFFFFFF;
	p2 =	slt.u32 s8, $0xFFFFF086  }
0x1c: {  	p1 =	slt.u32 s9, $0xF7A;
	s5 =	simm.s32 @!p2 $0x0  }
0x1d: {  	s5 =	simm.s32 @p1 $0x1;
	p0 =	seq.s32 s7, s2  }
0x1e: {  	s7 =	smul.u32 @!p0 $0xF7A, s2;
	p2 =	seq.s32 @!p0 s5, $0x0  }
0x1f: {  	s9 =	smul.u32 $0xF7A, s1;
	s8 =	simm.s32 @!p0 $0x1BF5;
	p2 =	por !p2, p0  }
0x20: {  	[sflag:s8] =	ssyncset.s32 @!p0 $0xFFFFF086;
	s6 =	sadd.s32 @!p0 s3, s7;
	s7 =	simm.s32 @!p0 $0x108  }
0x21: {  	s3 =	sadd.s32 s3, s9;
	s6 =	sadd.s32 @!p0 $0x88, s6;
	s7 =	simm.s32 @p2 $0x1082  }
0x22: {  	[simem:s7], [sflag:s8] =	dma.local @!p0 [hbm:s6], $0xF7A  }
0x23: {  	s9 =	sor.u32 $0xD0000000, s2;
	s6 =	simm.s32 $0x108;
	_ =	swait.ge @!p0 [sflag:s8], $0x0  }
0x24: {  	s3 =	sadd.s32 $0x88, s3;
	s6 =	simm.s32 @!p1 $0x1082;
	[sflag:s4] =	ssyncset.s32 $0xFFFFF086  }
0x25: {  	[simem:s6], [sflag:s4] =	dma.local [hbm:s3], $0xF7A  }
0x26: {  	[smem:$0x3F99] =	sst s1;
	(tag) =	ssettag s2;
	_ =	strace s9  }
0x27: {  	s1 =	sld [smem:$0x3FA9]  }
0x28: {  	s2 =	sld [smem:$0x3FAA]  }
0x29: {  	s4 =	sld [smem:$0x3FAC]  }
0x2a: {  	p0 =	seq.s32 s5, $0x0;
	s5 =	sld [smem:$0x3FAD]  }
0x2b: {  	s6 =	sld [smem:$0x3FAE]  }
0x2c: {  	s7 =	sld [smem:$0x3FAF]  }
0x2d: {  	s3 =	simm.s32 $0x108;
	s8 =	sld [smem:$0x3FB0]  }
0x2e: {  	s3 =	simm.s32 @!p0 $0x1082;
	s9 =	sld [smem:$0x3FB1]  }
0x2f: {  	lr =	sadd.s32 s0, s3;
	s0 =	sld [smem:$0x3FA8]  }
0x30: {  	s3 =	sld [smem:$0x3FAB]  }
0x31: {  	[smem:$0x3FB4] =	sst s10  }
0x32: {  	s10 =	sld [smem:$0x3FB2];
	_ =	sdelay $0x3  }
0x33: {  	p0 =	seq.s32 s10, $0x1;
	s10 =	sld [smem:$0x3FB4];
	_ =	sdelay $0x3  }
0x34: {  	[smem:$0x3FB4] =	sst s10  }
0x35: {  	s10 =	sld [smem:$0x3FB3];
	_ =	sdelay $0x3  }
0x36: {  	p1 =	seq.s32 s10, $0x1;
	s10 =	sld [smem:$0x3FB4];
	_ =	sdelay $0x3  }
0x37: {  	[smem:$0x3FB4] =	sst s10  }
0x38: {  	s10 =	sld [smem:$0x3FB5]  }
0x39: {  	_ = 	snop;
	(pc) =	sbr.ind lr, $3  }
0x3a: {  	_ = 	snop  }
0x3b: {  	_ = 	snop  }
0x3c: {  	p2 =	seq.s32 s10, $0x1;
	s10 =	sld [smem:$0x3FB4]  }
0x3d: {  	_ =	shalt  }
0x3e: {  	_ =	shalt  }
0x3f: {  	_ =	shalt  }
0x40: {  	_ =	shalt  }
0x41: {  	_ =	shalt  }
0x42: {  	_ =	shalt  }
0x43: {  	_ =	shalt  }
0x44: {  	_ =	shalt  }
0x45: {  	_ =	shalt  }
0x46: {  	_ =	shalt  }
0x47: {  	_ =	shalt  }
0x48: {  	_ =	shalt  }
0x49: {  	_ =	shalt  }
0x4a: {  	_ =	shalt  }
0x4b: {  	_ =	shalt  }
0x4c: {  	_ =	shalt  }
0x4d: {  	_ =	shalt  }
0x4e: {  	_ =	shalt  }
0x4f: {  	_ =	shalt  }
0x50: {  	_ =	shalt  }
0x51: {  	_ =	shalt  }
0x52: {  	_ =	shalt  }
0x53: {  	_ =	shalt  }
0x54: {  	_ =	shalt  }
0x55: {  	_ =	shalt  }
0x56: {  	_ =	shalt  }
0x57: {  	_ =	shalt  }
0x58: {  	_ =	shalt  }
0x59: {  	_ =	shalt  }
0x5a: {  	_ =	shalt  }
0x5b: {  	_ =	shalt  }
0x5c: {  	_ =	shalt  }
0x5d: {  	_ =	shalt  }
0x5e: {  	_ =	shalt  }
0x5f: {  	_ =	shalt  }
0x60: {  	_ =	shalt  }
0x61: {  	_ =	shalt  }
0x62: {  	_ =	shalt  }
0x63: {  	_ =	shalt  }
0x64: {  	_ =	shalt  }
0x65: {  	_ =	shalt  }
0x66: {  	_ =	shalt  }
0x67: {  	_ =	shalt  }
0x68: {  	_ =	shalt  }
0x69: {  	_ =	shalt  }
0x6a: {  	_ =	shalt  }
0x6b: {  	_ =	shalt  }
0x6c: {  	_ =	shalt  }
0x6d: {  	_ =	shalt  }
0x6e: {  	_ =	shalt  }
0x6f: {  	_ =	shalt  }
0x70: {  	_ =	shalt  }
0x71: {  	_ =	shalt  }
0x72: {  	_ =	shalt  }
0x73: {  	_ =	shalt  }
0x74: {  	_ =	shalt  }
0x75: {  	_ =	shalt  }
0x76: {  	_ =	shalt  }
0x77: {  	_ =	shalt  }
0x78: {  	_ =	shalt  }
0x79: {  	_ =	shalt  }
0x7a: {  	_ =	shalt  }
0x7b: {  	_ =	shalt  }
0x7c: {  	_ =	shalt  }
0x7d: {  	_ =	shalt  }
0x7e: {  	_ =	shalt  }
0x7f: {  	_ =	shalt  }
0x80: {  	_ =	shalt  }
0x81: {  	_ =	shalt  }
0x82: {  	_ =	shalt  }
0x83: {  	_ =	shalt  }
0x84: {  	_ =	shalt  }
0x85: {  	_ =	shalt  }
0x86: {  	_ =	shalt  }
0x87: {  	_ =	shalt  }
.Lfunc_end0:
.L_simem_size_0:
called_computation.2_lowered:
.L_overlay_start_0:
0x88: {  	s2 =	sld [smem:$0x3FD9]  }
0x89: {  	s3 =	sld [smem:$0x3FFE];
	_ =	sdelay $0x1  }
0x8a: {  	s1 =	srdreg.scid  }
0x8b: {  	s0 =	sand.u32 $0x1, s1  }
0x8c: {  	s16 =	sshll.u32 s0, $0xA;
	s2 =	sadd.s32 s3, s2  }
0x8d: {  	s2 =	sadd.s32 s2, s16  }
0x8e: {  	[smem:$0x3FC0] =	sst s2  }
0x8f: {  	_ = 	snop  }
0x90: {  	(tm) =	ssettm $0x1  }
0x91: {  	s17 =	sld [smem:$0x3FFB];
	_ =	sdelay $0x3  }
0x92: {  	_ =	strace s17  }
0x93: {  	s2 =	sld [smem:$0x3FFC];
	_ =	sdelay $0x3  }
0x94: {  	_ =	strace s2  }
0x95: {  	s2 =	sld [smem:$0x3FFD];
	_ =	sdelay $0x3  }
0x96: {  	_ =	strace s2  }
0x97: {  	_ =	strace $0x8FFFFFFF  }
0x98: {  	s18 =	sld [smem:$0x3FDB];
	_ =	sdelay $0x1  }
0x99: {  	s19 =	simm.s32 $_scs_section_size  }
0x9a: {  	s4 =	simm.s32 $_size__tile_overlayer_lowered;
	s5 =	simm.s32 $_tile_overlayer_lowered  }
0x9b: {  	s22 =	simm.s32 $0x1BFF;
	s21 =	sshll.u32 s5, $0x1;
	s2 =	sadd.s32 s19, s18  }
0x9c: {  	s6 =	simm.s32 $0x0;
	s20 =	sshll.u32 s4, $0x1;
	s4 =	sadd.s32 s21, s2  }
0x9d: {  	[timem:s6], [sflag:s22] =	dma.local [hbm:s4], s20  }
0x9e: {  	_ =	swait.ge [sflag:s22], s20  }
0x9f: {  	s3 =	ssub.s32 $0x0, s20;
	[sflag:s22] =	ssyncset.done $0x0  }
0xa0: {  	[sflag:s22] =	ssyncadd.s32 s3;
	_ =	sdelay $0x1  }
0xa1: {  	s23 =	simm.s32 $0x1B8B  }
0xa2: {  	_ =	swait.ge [sflag:s23], $0x1  }
0xa3: {  	[sflag:s23] =	ssyncset.done $0x0  }
0xa4: {  	s25 =	simm.s32 $0x1B8E;
	s24 =	sld [smem:$0x3FFE];
	[sflag:s23] =	ssyncadd.s32 $0xFFFFFFFF  }
0xa5: {  	s26 =	simm.s32 $execute0_lowered;
	[smem:$0x3FD2] =	sst s25  }
0xa6: {  	s4 =	sshll.u32 s26, $0x1;
	_ =	strace $0x8000004C;
	[dreg:$0x1] =	wrdreg $0xFFFFFFFF  }
0xa7: {  	s28 =	simm.s32 $_size_execute0_lowered;
	s2 =	sadd.s32 s2, s4;
	[dreg:$0x0] =	wrdreg $0x0  }
0xa8: {  	s4 =	sshll.u32 s28, $0x1;
	[dreg:$0x2] =	wrdreg s2  }
0xa9: {  	[dreg:$0x3] =	wrdreg s4  }
0xaa: {  	[dreg:$0x4] =	wrdreg $0xC0  }
0xab: {  	_ =	task [dreg:s6], $0x5FFFF  }
0xac: {  	[dreg:$0x1] =	wrdreg $0xFFFFFFFF  }
0xad: {  	[dreg:$0x0] =	wrdreg $0x60  }
0xae: {  	[dreg:$0x2] =	wrdreg s24  }
0xaf: {  	[dreg:$0x3] =	wrdreg $0x90000  }
0xb0: {  	[dreg:$0x4] =	wrdreg $0x9  }
0xb1: {  	_ =	task.clear_ibuf [dreg:s6], $0x5FFFF;
	_ =	strace $0x9000004C  }
0xb2: {  	s29 =	simm.s32 $0x9;
	_ =	strace $0x8000004E  }
0xb3: {  	_ =	swait.ge [sflag:s29], $0x1  }
0xb4: {  	[sflag:s29] =	ssyncadd.s32 $0xFFFFFFFF  }
0xb5: {  	_ =	strace $0x9000004E  }
0xb6: {  	_ =	sfence  }
0xb7: {  	s30 =	sld [smem:$0x0];
	_ =	sdelay $0x2  }
0xb8: {  	s31 =	sshll.u32 s1, $0xD;
	s1 =	sshrl.u32 s1, $0x2  }
0xb9: {  	s3 =	sand.u32 $0x4000, s31;
	s1 =	sadd.s32 s1, s30  }
0xba: {  	s0 =	sor.u32 s3, s0;
	s1 =	sshll.u32 s1, $0x11  }
0xbb: {  	s0 =	sor.u32 s1, s0  }
0xbc: {  	s0 =	sadd.s32 $0x8F2B, s0  }
0xbd: {  	[sflag:s0] =	ssyncadd.remote.s32 $0x1  }
0xbe: {  	_ =	sfence.sel $0xFFFF  }
0xbf: {  	[dreg:$0x0] =	wrdreg $0xFFFFFFFF;
	(pc) =	sbr.abs _section_cstart, $3  }
0xc0: {  	[dreg:$0x1] =	wrdreg $0xFFFFFFFF  }
0xc1: {  	_ =	task.clear_ibuf [dreg:s6], $0x2FFFF;
	_ =	strace $0x9FFFFFFF  }
0xc2: {  	(tm) =	ssettm $0x7FFFFFFF  }
0xc3: {  	_ =	shalt  }
tec
execute0_lowered:
.L_overlay_start_1:
0x0: {  	(tag) =	ssettag $0x1  }
0x1: {  	s0 =	srdreg.scid;
	s1 =	rddreg [dreg:$0x0]  }
0x2: {  	s10 =	stileid.u32;
	s2 =	rddreg [dreg:$0x1];
	s3 =	simm.s32 $0x0  }
0x3: {  	s12 =	simm.s32 $0x100;
	s14 =	simm.s32 $0x880;
	s15 =	simm.s32 $0x180  }
0x4: {  	s16 =	simm.s32 $0x900;
	s17 =	simm.s32 $0x200;
	s18 =	simm.s32 $0x980  }
0x5: {  	s19 =	simm.s32 $0x280;
	s20 =	simm.s32 $0xA00;
	[smem:$0x7FF] =	sst s3  }
0x6: {  	s21 =	simm.s32 $0x300;
	_ =	strace $0x8000004D;
	[dreg:$0x5] =	wrdreg s12  }
0x7: {  	s22 =	simm.s32 $0xA80;
	s23 =	simm.s32 $0x380;
	[dreg:$0x6] =	wrdreg s14  }
0x8: {  	s24 =	simm.s32 $0xB00;
	s25 =	simm.s32 $0x400;
	[dreg:$0x7] =	wrdreg s15  }
0x9: {  	s28 =	simm.s32 $0x680;
	s29 =	simm.s32 $0xE00;
	[dreg:$0x8] =	wrdreg s16  }
0xa: {  	s30 =	simm.s32 $0x700;
	s5 =	smul.u32 $0x5000, s10;
	[dreg:$0x9] =	wrdreg s17  }
0xb: {  	s31 =	simm.s32 $0xE80;
	s7 =	smul.u32 $0x280, s10;
	[dreg:$0xa] =	wrdreg s18  }
0xc: {  	s0 =	sand.u32 $0x1, s0;
	s8 =	smul.u32 $0xA00, s10;
	[dreg:$0xb] =	wrdreg s19  }
0xd: {  	s26 =	smul.u32 $0x50000, s10;
	s13 =	sshll.u32 s10, $0x6;
	[dreg:$0xc] =	wrdreg s20  }
0xe: {  	s10 =	simm.s32 $0x5;
	s4 =	smul.u32 $0x50000, s0;
	[dreg:$0xd] =	wrdreg s21  }
0xf: {  	s6 =	smul.u32 $0x2800, s0;
	s0 =	ssub.s32 $0x2, s0;
	[dreg:$0xe] =	wrdreg s22  }
0x10: {  	s12 =	simm.s32 $0x80;
	s14 =	simm.s32 $0x5000;
	[dreg:$0xf] =	wrdreg s23  }
0x11: {  	s15 =	simm.s32 $0x1;
	s16 =	simm.s32 $0x3;
	[dreg:$0x10] =	wrdreg s24  }
0x12: {  	s17 =	simm.s32 $0x2;
	[dreg:$0x11] =	wrdreg s25;
	s18 =	simm.s32 $0x4  }
0x13: {  	s19 =	simm.s32 $0x480;
	s20 =	simm.s32 $0xC00;
	s21 =	simm.s32 $0x500  }
0x14: {  	s22 =	simm.s32 $0xC80;
	s23 =	simm.s32 $0x580;
	s24 =	simm.s32 $0xD00  }
0x15: {  	s25 =	simm.s32 $0x600;
	s8 =	sadd.s32 s8, s1;
	s9 =	sshrl.u32 s0, $0x1  }
0x16: {  	s5 =	sadd.s32 s4, s5;
	s4 =	sadd.s32 $0xF400, s1;
	s6 =	sadd.s32 s7, s6  }
0x17: {  	s0 =	ssub.s32 s0, s9;
	s7 =	sshrl.u32 s26, $0x2;
	s11 =	sadd.s32 $0x2C00, s8  }
0x18: {  	s8 =	sor.u32 $0x1C05, s13;
	s13 =	simm.s32 $0x1000;
	s26 =	simm.s32 $0xB80  }
0x19: {  	s9 =	simm.s32 $0x0;
	s5 =	sshrl.u32 s5, $0x3;
	[dreg:$0x4] =	wrdreg s11  }
0x1a: {  	s6 =	sshll.u32 s6, $0x4;
	s7 =	sadd.s32 s7, s2;
	[dreg:$0x12] =	wrdreg s26  }
0x1b: {  	s0 =	smax.u32 s0, $0x1;
	[dreg:$0x14] =	wrdreg s8;
	s5 =	sadd.s32 s5, s1  }
0x1c: {  	s1 =	sadd.s32 s6, s1;
	s6 =	sadd.s32 s4, s6;
	[dreg:$0x16] =	wrdreg s0  }
0x1d: {  	s11 =	simm.s32 $0x800;
	s7 =	sshrl.u32 s7, $0x3;
	[dreg:$0x13] =	wrdreg s6  }
0x1e: {  	s26 =	simm.s32 $0xD80;
	s5 =	sadd.s32 $0x87400, s5;
	[dreg:$0x17] =	wrdreg s7  }
0x1f: {  	s0 =	simm.s32 $0xF00;
	s1 =	sadd.s32 $0x9B400, s1;
	[dreg:$0x3] =	wrdreg s5  }
0x20: {  	[dreg:$0x15] =	wrdreg s1;
	s1 =	simm.s32 $0x780;
	s5 =	simm.s32 $0xF80  }
.LBB2_1:
0x21: {  	[dreg:$0x18] =	wrdreg s9  }
0x22: {  	s6 =	rddreg [dreg:$0x13]  }
0x23: {  	[spmem:s7], [sflag:s8] =	dma.local [hbm:s6], $0x2800  }
0x24: {  	_ =	swait.ge [sflag:s10], $0x2800  }
0x25: {  	[sflag:s10] =	ssyncset.done $0x0  }
0x26: {  	[sflag:s10] =	ssyncadd.s32 $0xFFFFD800  }
0x27: {  	[bflag:$0x0] =	sbarrier.arrive $0xFFFF  }
0x28: {  	s9 =	rddreg [dreg:$0x3]  }
0x29: {  	s6 =	sadd.s32 $0x0, s9  }
0x2a: {  	[tilespmem:s3], [sflag:$0x5] =	stream.linear.gather [hbm4b:s6+s3], $0x800, $0x38;
	[tilespmem:$0x1D000] =	vst v63  }
0x2b: {  	_ =	swait.ge [sflag:s10], $0x800  }
0x2c: {  	s7 =	rddreg [dreg:$0x4];
	[sflag:s10] =	ssyncset.done $0x0  }
0x2d: {  	[sflag:s10] =	ssyncadd.s32 $0xFFFFF800;
	s6 =	sadd.s32 $0x0, s7  }
0x2e: {  	[tilespmem:s11], [sflag:$0x5] =	stream.linear.gather [hbm4b:s6+s3], $0x800, $0x38;
	[tilespmem:$0x1D000] =	vst v63  }
0x2f: {  	_ =	swait.ge [sflag:s10], $0x800  }
0x30: {  	[sflag:s10] =	ssyncset.done $0x0  }
0x31: {  	[sflag:s10] =	ssyncadd.s32 $0xFFFFF800  }
0x32: {  	[tilespmem:s13], [sflag:$0x1] =	stream.indirect.gather [hbm4b:s4+s12], $0x80, s3, s12, $0xb8;
	[tilespmem:$0x1D000] =	vst v63  }
0x33: {  	_ = 	snop  }
0x34: {  	[tilespmem:s14], [sflag:$0x2] =	stream.indirect.gather [hbm4b:s4+s12], $0x80, s12, s12, $0xb8;
	[tilespmem:$0x1D000] =	vst v63  }
0x35: {  	_ =	swait.ge [sflag:s15], $0x4000  }
0x36: {  	[sflag:s15] =	ssyncset.done $0x0  }
0x37: {  	[sflag:s15] =	ssyncadd.s32 $0xFFFFC000  }
0x38: {  	[spmem:s2] =	stream.indirect.scatter.add.f32 [tilespmem:s13], [sflag:$0x3], $0x80, s11, s12, $0xb8;
	[tilespmem:$0x1D000] =	vst v63  }
0x39: {  	_ =	swait.ge [sflag:s16], $0x4000  }
0x3a: {  	[sflag:s16] =	ssyncset.done $0x0  }
0x3b: {  	s8 =	rddreg [dreg:$0x5];
	[sflag:s16] =	ssyncadd.s32 $0xFFFFC000  }
0x3c: {  	[tilespmem:s13], [sflag:$0x1] =	stream.indirect.gather [hbm4b:s4+s12], $0x80, s8, s12, $0xb8;
	[tilespmem:$0x1D000] =	vst v63  }
0x3d: {  	_ =	swait.ge [sflag:s17], $0x4000  }
0x3e: {  	[sflag:s17] =	ssyncset.done $0x0  }
0x3f: {  	s9 =	rddreg [dreg:$0x6];
	[sflag:s17] =	ssyncadd.s32 $0xFFFFC000  }
0x40: {  	[spmem:s2] =	stream.indirect.scatter.add.f32 [tilespmem:s14], [sflag:$0x4], $0x80, s9, s12, $0xb8;
	[tilespmem:$0x1D000] =	vst v63  }
0x41: {  	_ =	swait.ge [sflag:s18], $0x4000  }
0x42: {  	[sflag:s18] =	ssyncset.done $0x0  }
0x43: {  	s7 =	rddreg [dreg:$0x7];
	[sflag:s18] =	ssyncadd.s32 $0xFFFFC000  }
0x44: {  	[tilespmem:s14], [sflag:$0x2] =	stream.indirect.gather [hbm4b:s4+s12], $0x80, s7, s12, $0xb8;
	[tilespmem:$0x1D000] =	vst v63  }
0x45: {  	_ =	swait.ge [sflag:s15], $0x4000  }
0x46: {  	[sflag:s15] =	ssyncset.done $0x0  }
0x47: {  	s8 =	rddreg [dreg:$0x8];
	[sflag:s15] =	ssyncadd.s32 $0xFFFFC000  }
0x48: {  	[spmem:s2] =	stream.indirect.scatter.add.f32 [tilespmem:s13], [sflag:$0x3], $0x80, s8, s12, $0xb8;
	[tilespmem:$0x1D000] =	vst v63  }
0x49: {  	_ =	swait.ge [sflag:s16], $0x4000  }
0x4a: {  	[sflag:s16] =	ssyncset.done $0x0  }
0x4b: {  	s9 =	rddreg [dreg:$0x9];
	[sflag:s16] =	ssyncadd.s32 $0xFFFFC000  }
0x4c: {  	[tilespmem:s13], [sflag:$0x1] =	stream.indirect.gather [hbm4b:s4+s12], $0x80, s9, s12, $0xb8;
	[tilespmem:$0x1D000] =	vst v63  }
0x4d: {  	_ =	swait.ge [sflag:s17], $0x4000  }
0x4e: {  	[sflag:s17] =	ssyncset.done $0x0  }
0x4f: {  	s7 =	rddreg [dreg:$0xa];
	[sflag:s17] =	ssyncadd.s32 $0xFFFFC000  }
0x50: {  	[spmem:s2] =	stream.indirect.scatter.add.f32 [tilespmem:s14], [sflag:$0x4], $0x80, s7, s12, $0xb8;
	[tilespmem:$0x1D000] =	vst v63  }
0x51: {  	_ =	swait.ge [sflag:s18], $0x4000  }
0x52: {  	[sflag:s18] =	ssyncset.done $0x0  }
0x53: {  	s8 =	rddreg [dreg:$0xb];
	[sflag:s18] =	ssyncadd.s32 $0xFFFFC000  }
0x54: {  	[tilespmem:s14], [sflag:$0x2] =	stream.indirect.gather [hbm4b:s4+s12], $0x80, s8, s12, $0xb8;
	[tilespmem:$0x1D000] =	vst v63  }
0x55: {  	_ =	swait.ge [sflag:s15], $0x4000  }
0x56: {  	[sflag:s15] =	ssyncset.done $0x0  }
0x57: {  	s9 =	rddreg [dreg:$0xc];
	[sflag:s15] =	ssyncadd.s32 $0xFFFFC000  }
0x58: {  	[spmem:s2] =	stream.indirect.scatter.add.f32 [tilespmem:s13], [sflag:$0x3], $0x80, s9, s12, $0xb8;
	[tilespmem:$0x1D000] =	vst v63  }
0x59: {  	_ =	swait.ge [sflag:s16], $0x4000  }
0x5a: {  	[sflag:s16] =	ssyncset.done $0x0  }
0x5b: {  	s7 =	rddreg [dreg:$0xd];
	[sflag:s16] =	ssyncadd.s32 $0xFFFFC000  }
0x5c: {  	[tilespmem:s13], [sflag:$0x1] =	stream.indirect.gather [hbm4b:s4+s12], $0x80, s7, s12, $0xb8;
	[tilespmem:$0x1D000] =	vst v63  }
0x5d: {  	_ =	swait.ge [sflag:s17], $0x4000  }
0x5e: {  	[sflag:s17] =	ssyncset.done $0x0  }
0x5f: {  	s8 =	rddreg [dreg:$0xe];
	[sflag:s17] =	ssyncadd.s32 $0xFFFFC000  }
0x60: {  	[spmem:s2] =	stream.indirect.scatter.add.f32 [tilespmem:s14], [sflag:$0x4], $0x80, s8, s12, $0xb8;
	[tilespmem:$0x1D000] =	vst v63  }
0x61: {  	_ =	swait.ge [sflag:s18], $0x4000  }
0x62: {  	[sflag:s18] =	ssyncset.done $0x0  }
0x63: {  	s9 =	rddreg [dreg:$0xf];
	[sflag:s18] =	ssyncadd.s32 $0xFFFFC000  }
0x64: {  	[tilespmem:s14], [sflag:$0x2] =	stream.indirect.gather [hbm4b:s4+s12], $0x80, s9, s12, $0xb8;
	[tilespmem:$0x1D000] =	vst v63  }
0x65: {  	_ =	swait.ge [sflag:s15], $0x4000  }
0x66: {  	[sflag:s15] =	ssyncset.done $0x0  }
0x67: {  	s7 =	rddreg [dreg:$0x10];
	[sflag:s15] =	ssyncadd.s32 $0xFFFFC000  }
0x68: {  	[spmem:s2] =	stream.indirect.scatter.add.f32 [tilespmem:s13], [sflag:$0x3], $0x80, s7, s12, $0xb8;
	[tilespmem:$0x1D000] =	vst v63  }
0x69: {  	_ =	swait.ge [sflag:s16], $0x4000  }
0x6a: {  	[sflag:s16] =	ssyncset.done $0x0  }
0x6b: {  	s8 =	rddreg [dreg:$0x11];
	[sflag:s16] =	ssyncadd.s32 $0xFFFFC000  }
0x6c: {  	[tilespmem:s13], [sflag:$0x1] =	stream.indirect.gather [hbm4b:s4+s12], $0x80, s8, s12, $0xb8;
	[tilespmem:$0x1D000] =	vst v63  }
0x6d: {  	_ =	swait.ge [sflag:s17], $0x4000  }
0x6e: {  	[sflag:s17] =	ssyncset.done $0x0  }
0x6f: {  	s9 =	rddreg [dreg:$0x12];
	[sflag:s17] =	ssyncadd.s32 $0xFFFFC000  }
0x70: {  	[spmem:s2] =	stream.indirect.scatter.add.f32 [tilespmem:s14], [sflag:$0x4], $0x80, s9, s12, $0xb8;
	[tilespmem:$0x1D000] =	vst v63  }
0x71: {  	_ =	swait.ge [sflag:s18], $0x4000  }
0x72: {  	[sflag:s18] =	ssyncset.done $0x0  }
0x73: {  	[sflag:s18] =	ssyncadd.s32 $0xFFFFC000  }
0x74: {  	[tilespmem:s14], [sflag:$0x2] =	stream.indirect.gather [hbm4b:s4+s12], $0x80, s19, s12, $0xb8;
	[tilespmem:$0x1D000] =	vst v63  }
0x75: {  	_ =	swait.ge [sflag:s15], $0x4000  }
0x76: {  	[sflag:s15] =	ssyncset.done $0x0  }
0x77: {  	[sflag:s15] =	ssyncadd.s32 $0xFFFFC000  }
0x78: {  	[spmem:s2] =	stream.indirect.scatter.add.f32 [tilespmem:s13], [sflag:$0x3], $0x80, s20, s12, $0xb8;
	[tilespmem:$0x1D000] =	vst v63  }
0x79: {  	_ =	swait.ge [sflag:s16], $0x4000  }
0x7a: {  	[sflag:s16] =	ssyncset.done $0x0  }
0x7b: {  	[sflag:s16] =	ssyncadd.s32 $0xFFFFC000  }
0x7c: {  	[tilespmem:s13], [sflag:$0x1] =	stream.indirect.gather [hbm4b:s4+s12], $0x80, s21, s12, $0xb8;
	[tilespmem:$0x1D000] =	vst v63  }
0x7d: {  	_ =	swait.ge [sflag:s17], $0x4000  }
0x7e: {  	[sflag:s17] =	ssyncset.done $0x0  }
0x7f: {  	[sflag:s17] =	ssyncadd.s32 $0xFFFFC000  }
0x80: {  	[spmem:s2] =	stream.indirect.scatter.add.f32 [tilespmem:s14], [sflag:$0x4], $0x80, s22, s12, $0xb8;
	[tilespmem:$0x1D000] =	vst v63  }
0x81: {  	_ =	swait.ge [sflag:s18], $0x4000  }
0x82: {  	[sflag:s18] =	ssyncset.done $0x0  }
0x83: {  	[sflag:s18] =	ssyncadd.s32 $0xFFFFC000  }
0x84: {  	[tilespmem:s14], [sflag:$0x2] =	stream.indirect.gather [hbm4b:s4+s12], $0x80, s23, s12, $0xb8;
	[tilespmem:$0x1D000] =	vst v63  }
0x85: {  	_ =	swait.ge [sflag:s15], $0x4000  }
0x86: {  	[sflag:s15] =	ssyncset.done $0x0  }
0x87: {  	[sflag:s15] =	ssyncadd.s32 $0xFFFFC000  }
0x88: {  	[spmem:s2] =	stream.indirect.scatter.add.f32 [tilespmem:s13], [sflag:$0x3], $0x80, s24, s12, $0xb8;
	[tilespmem:$0x1D000] =	vst v63  }
0x89: {  	_ =	swait.ge [sflag:s16], $0x4000  }
0x8a: {  	[sflag:s16] =	ssyncset.done $0x0  }
0x8b: {  	[sflag:s16] =	ssyncadd.s32 $0xFFFFC000  }
0x8c: {  	[tilespmem:s13], [sflag:$0x1] =	stream.indirect.gather [hbm4b:s4+s12], $0x80, s25, s12, $0xb8;
	[tilespmem:$0x1D000] =	vst v63  }
0x8d: {  	_ =	swait.ge [sflag:s17], $0x4000  }
0x8e: {  	[sflag:s17] =	ssyncset.done $0x0  }
0x8f: {  	[sflag:s17] =	ssyncadd.s32 $0xFFFFC000  }
0x90: {  	[spmem:s2] =	stream.indirect.scatter.add.f32 [tilespmem:s14], [sflag:$0x4], $0x80, s26, s12, $0xb8;
	[tilespmem:$0x1D000] =	vst v63  }
0x91: {  	_ =	swait.ge [sflag:s18], $0x4000  }
0x92: {  	[sflag:s18] =	ssyncset.done $0x0  }
0x93: {  	[sflag:s18] =	ssyncadd.s32 $0xFFFFC000  }
0x94: {  	[tilespmem:s14], [sflag:$0x2] =	stream.indirect.gather [hbm4b:s4+s12], $0x80, s28, s12, $0xb8;
	[tilespmem:$0x1D000] =	vst v63  }
0x95: {  	_ =	swait.ge [sflag:s15], $0x4000  }
0x96: {  	[sflag:s15] =	ssyncset.done $0x0  }
0x97: {  	[sflag:s15] =	ssyncadd.s32 $0xFFFFC000  }
0x98: {  	[spmem:s2] =	stream.indirect.scatter.add.f32 [tilespmem:s13], [sflag:$0x3], $0x80, s29, s12, $0xb8;
	[tilespmem:$0x1D000] =	vst v63  }
0x99: {  	_ =	swait.ge [sflag:s16], $0x4000  }
0x9a: {  	[sflag:s16] =	ssyncset.done $0x0  }
0x9b: {  	[sflag:s16] =	ssyncadd.s32 $0xFFFFC000  }
0x9c: {  	[tilespmem:s13], [sflag:$0x1] =	stream.indirect.gather [hbm4b:s4+s12], $0x80, s30, s12, $0xb8;
	[tilespmem:$0x1D000] =	vst v63  }
0x9d: {  	_ =	swait.ge [sflag:s17], $0x4000  }
0x9e: {  	[sflag:s17] =	ssyncset.done $0x0  }
0x9f: {  	[sflag:s17] =	ssyncadd.s32 $0xFFFFC000  }
0xa0: {  	[spmem:s2] =	stream.indirect.scatter.add.f32 [tilespmem:s14], [sflag:$0x4], $0x80, s31, s12, $0xb8;
	[tilespmem:$0x1D000] =	vst v63  }
0xa1: {  	_ =	swait.ge [sflag:s18], $0x4000  }
0xa2: {  	[sflag:s18] =	ssyncset.done $0x0  }
0xa3: {  	[sflag:s18] =	ssyncadd.s32 $0xFFFFC000  }
0xa4: {  	[tilespmem:s14], [sflag:$0x2] =	stream.indirect.gather [hbm4b:s4+s12], $0x80, s1, s12, $0xb8;
	[tilespmem:$0x1D000] =	vst v63  }
0xa5: {  	_ =	swait.ge [sflag:s15], $0x4000  }
0xa6: {  	[sflag:s15] =	ssyncset.done $0x0  }
0xa7: {  	[sflag:s15] =	ssyncadd.s32 $0xFFFFC000  }
0xa8: {  	[spmem:s2] =	stream.indirect.scatter.add.f32 [tilespmem:s13], [sflag:$0x3], $0x80, s0, s12, $0xb8;
	[tilespmem:$0x1D000] =	vst v63  }
0xa9: {  	_ =	swait.ge [sflag:s17], $0x4000  }
0xaa: {  	[sflag:s17] =	ssyncset.done $0x0  }
0xab: {  	[sflag:s17] =	ssyncadd.s32 $0xFFFFC000  }
0xac: {  	[spmem:s2] =	stream.indirect.scatter.add.f32 [tilespmem:s14], [sflag:$0x4], $0x80, s5, s12, $0xb8;
	[tilespmem:$0x1D000] =	vst v63  }
0xad: {  	_ =	swait.ge [sflag:s16], $0x4000  }
0xae: {  	[sflag:s16] =	ssyncset.done $0x0  }
0xaf: {  	[sflag:s16] =	ssyncadd.s32 $0xFFFFC000  }
0xb0: {  	s6 =	simm.s32 $0x200;
	_ =	swait.ge [sflag:s18], $0x4000  }
0xb1: {  	s8 =	simm.s32 $0x100;
	s9 =	rddreg [dreg:$0x3];
	[sflag:s18] =	ssyncset.done $0x0  }
.LBB2_2:
0xb2: {  	[sflag:s18] =	ssyncadd.s32 $0xFFFFC000;
	s9 =	sadd.s32 s8, s9  }
0xb3: {  	[tilespmem:s3], [sflag:$0x5] =	stream.linear.gather [hbm4b:s9+s3], $0x800, $0x38;
	[tilespmem:$0x1D000] =	vst v63  }
0xb4: {  	_ =	swait.ge [sflag:s10], $0x800  }
0xb5: {  	s9 =	rddreg [dreg:$0x4];
	[sflag:s10] =	ssyncset.done $0x0  }
0xb6: {  	[sflag:s10] =	ssyncadd.s32 $0xFFFFF800;
	s9 =	sadd.s32 s8, s9  }
0xb7: {  	[tilespmem:s11], [sflag:$0x5] =	stream.linear.gather [hbm4b:s9+s3], $0x800, $0x38;
	[tilespmem:$0x1D000] =	vst v63  }
0xb8: {  	_ =	swait.ge [sflag:s10], $0x800  }
0xb9: {  	[sflag:s10] =	ssyncset.done $0x0  }
0xba: {  	[sflag:s10] =	ssyncadd.s32 $0xFFFFF800  }
0xbb: {  	[tilespmem:s13], [sflag:$0x1] =	stream.indirect.gather [hbm4b:s4+s12], $0x80, s3, s12, $0xb8;
	[tilespmem:$0x1D000] =	vst v63  }
0xbc: {  	_ = 	snop  }
0xbd: {  	[tilespmem:s14], [sflag:$0x2] =	stream.indirect.gather [hbm4b:s4+s12], $0x80, s12, s12, $0xb8;
	[tilespmem:$0x1D000] =	vst v63  }
0xbe: {  	_ =	swait.ge [sflag:s15], $0x4000  }
0xbf: {  	[sflag:s15] =	ssyncset.done $0x0  }
0xc0: {  	[sflag:s15] =	ssyncadd.s32 $0xFFFFC000  }
0xc1: {  	[spmem:s2] =	stream.indirect.scatter.add.f32 [tilespmem:s13], [sflag:$0x3], $0x80, s11, s12, $0xb8;
	[tilespmem:$0x1D000] =	vst v63  }
0xc2: {  	_ =	swait.ge [sflag:s16], $0x4000  }
0xc3: {  	[sflag:s16] =	ssyncset.done $0x0  }
0xc4: {  	s9 =	rddreg [dreg:$0x5];
	[sflag:s16] =	ssyncadd.s32 $0xFFFFC000  }
0xc5: {  	[tilespmem:s13], [sflag:$0x1] =	stream.indirect.gather [hbm4b:s4+s12], $0x80, s9, s12, $0xb8;
	[tilespmem:$0x1D000] =	vst v63  }
0xc6: {  	_ =	swait.ge [sflag:s17], $0x4000  }
0xc7: {  	[sflag:s17] =	ssyncset.done $0x0  }
0xc8: {  	s9 =	rddreg [dreg:$0x6];
	[sflag:s17] =	ssyncadd.s32 $0xFFFFC000  }
0xc9: {  	[spmem:s2] =	stream.indirect.scatter.add.f32 [tilespmem:s14], [sflag:$0x4], $0x80, s9, s12, $0xb8;
	[tilespmem:$0x1D000] =	vst v63  }
0xca: {  	_ =	swait.ge [sflag:s18], $0x4000  }
0xcb: {  	[sflag:s18] =	ssyncset.done $0x0  }
0xcc: {  	s9 =	rddreg [dreg:$0x7];
	[sflag:s18] =	ssyncadd.s32 $0xFFFFC000  }
0xcd: {  	[tilespmem:s14], [sflag:$0x2] =	stream.indirect.gather [hbm4b:s4+s12], $0x80, s9, s12, $0xb8;
	[tilespmem:$0x1D000] =	vst v63  }
0xce: {  	_ =	swait.ge [sflag:s15], $0x4000  }
0xcf: {  	[sflag:s15] =	ssyncset.done $0x0  }
0xd0: {  	s9 =	rddreg [dreg:$0x8];
	[sflag:s15] =	ssyncadd.s32 $0xFFFFC000  }
0xd1: {  	[spmem:s2] =	stream.indirect.scatter.add.f32 [tilespmem:s13], [sflag:$0x3], $0x80, s9, s12, $0xb8;
	[tilespmem:$0x1D000] =	vst v63  }
0xd2: {  	_ =	swait.ge [sflag:s16], $0x4000  }
0xd3: {  	[sflag:s16] =	ssyncset.done $0x0  }
0xd4: {  	s9 =	rddreg [dreg:$0x9];
	[sflag:s16] =	ssyncadd.s32 $0xFFFFC000  }
0xd5: {  	[tilespmem:s13], [sflag:$0x1] =	stream.indirect.gather [hbm4b:s4+s12], $0x80, s9, s12, $0xb8;
	[tilespmem:$0x1D000] =	vst v63  }
0xd6: {  	_ =	swait.ge [sflag:s17], $0x4000  }
0xd7: {  	[sflag:s17] =	ssyncset.done $0x0  }
0xd8: {  	s9 =	rddreg [dreg:$0xa];
	[sflag:s17] =	ssyncadd.s32 $0xFFFFC000  }
0xd9: {  	[spmem:s2] =	stream.indirect.scatter.add.f32 [tilespmem:s14], [sflag:$0x4], $0x80, s9, s12, $0xb8;
	[tilespmem:$0x1D000] =	vst v63  }
0xda: {  	_ =	swait.ge [sflag:s18], $0x4000  }
0xdb: {  	[sflag:s18] =	ssyncset.done $0x0  }
0xdc: {  	s9 =	rddreg [dreg:$0xb];
	[sflag:s18] =	ssyncadd.s32 $0xFFFFC000  }
0xdd: {  	[tilespmem:s14], [sflag:$0x2] =	stream.indirect.gather [hbm4b:s4+s12], $0x80, s9, s12, $0xb8;
	[tilespmem:$0x1D000] =	vst v63  }
0xde: {  	_ =	swait.ge [sflag:s15], $0x4000  }
0xdf: {  	[sflag:s15] =	ssyncset.done $0x0  }
0xe0: {  	s9 =	rddreg [dreg:$0xc];
	[sflag:s15] =	ssyncadd.s32 $0xFFFFC000  }
0xe1: {  	[spmem:s2] =	stream.indirect.scatter.add.f32 [tilespmem:s13], [sflag:$0x3], $0x80, s9, s12, $0xb8;
	[tilespmem:$0x1D000] =	vst v63  }
0xe2: {  	_ =	swait.ge [sflag:s16], $0x4000  }
0xe3: {  	[sflag:s16] =	ssyncset.done $0x0  }
0xe4: {  	s9 =	rddreg [dreg:$0xd];
	[sflag:s16] =	ssyncadd.s32 $0xFFFFC000  }
0xe5: {  	[tilespmem:s13], [sflag:$0x1] =	stream.indirect.gather [hbm4b:s4+s12], $0x80, s9, s12, $0xb8;
	[tilespmem:$0x1D000] =	vst v63  }
0xe6: {  	_ =	swait.ge [sflag:s17], $0x4000  }
0xe7: {  	[sflag:s17] =	ssyncset.done $0x0  }
0xe8: {  	s9 =	rddreg [dreg:$0xe];
	[sflag:s17] =	ssyncadd.s32 $0xFFFFC000  }
0xe9: {  	[spmem:s2] =	stream.indirect.scatter.add.f32 [tilespmem:s14], [sflag:$0x4], $0x80, s9, s12, $0xb8;
	[tilespmem:$0x1D000] =	vst v63  }
0xea: {  	_ =	swait.ge [sflag:s18], $0x4000  }
0xeb: {  	[sflag:s18] =	ssyncset.done $0x0  }
0xec: {  	s9 =	rddreg [dreg:$0xf];
	[sflag:s18] =	ssyncadd.s32 $0xFFFFC000  }
0xed: {  	[tilespmem:s14], [sflag:$0x2] =	stream.indirect.gather [hbm4b:s4+s12], $0x80, s9, s12, $0xb8;
	[tilespmem:$0x1D000] =	vst v63  }
0xee: {  	_ =	swait.ge [sflag:s15], $0x4000  }
0xef: {  	[sflag:s15] =	ssyncset.done $0x0  }
0xf0: {  	s9 =	rddreg [dreg:$0x10];
	[sflag:s15] =	ssyncadd.s32 $0xFFFFC000  }
0xf1: {  	[spmem:s2] =	stream.indirect.scatter.add.f32 [tilespmem:s13], [sflag:$0x3], $0x80, s9, s12, $0xb8;
	[tilespmem:$0x1D000] =	vst v63  }
0xf2: {  	_ =	swait.ge [sflag:s16], $0x4000  }
0xf3: {  	[sflag:s16] =	ssyncset.done $0x0  }
0xf4: {  	s9 =	rddreg [dreg:$0x11];
	[sflag:s16] =	ssyncadd.s32 $0xFFFFC000  }
0xf5: {  	[tilespmem:s13], [sflag:$0x1] =	stream.indirect.gather [hbm4b:s4+s12], $0x80, s9, s12, $0xb8;
	[tilespmem:$0x1D000] =	vst v63  }
0xf6: {  	_ =	swait.ge [sflag:s17], $0x4000  }
0xf7: {  	[sflag:s17] =	ssyncset.done $0x0  }
0xf8: {  	s9 =	rddreg [dreg:$0x12];
	[sflag:s17] =	ssyncadd.s32 $0xFFFFC000  }
0xf9: {  	[spmem:s2] =	stream.indirect.scatter.add.f32 [tilespmem:s14], [sflag:$0x4], $0x80, s9, s12, $0xb8;
	[tilespmem:$0x1D000] =	vst v63  }
0xfa: {  	_ =	swait.ge [sflag:s18], $0x4000  }
0xfb: {  	[sflag:s18] =	ssyncset.done $0x0  }
0xfc: {  	[sflag:s18] =	ssyncadd.s32 $0xFFFFC000  }
0xfd: {  	[tilespmem:s14], [sflag:$0x2] =	stream.indirect.gather [hbm4b:s4+s12], $0x80, s19, s12, $0xb8;
	[tilespmem:$0x1D000] =	vst v63  }
0xfe: {  	_ =	swait.ge [sflag:s15], $0x4000  }
0xff: {  	[sflag:s15] =	ssyncset.done $0x0  }
0x100: {  	[sflag:s15] =	ssyncadd.s32 $0xFFFFC000  }
0x101: {  	[spmem:s2] =	stream.indirect.scatter.add.f32 [tilespmem:s13], [sflag:$0x3], $0x80, s20, s12, $0xb8;
	[tilespmem:$0x1D000] =	vst v63  }
0x102: {  	_ =	swait.ge [sflag:s16], $0x4000  }
0x103: {  	[sflag:s16] =	ssyncset.done $0x0  }
0x104: {  	[sflag:s16] =	ssyncadd.s32 $0xFFFFC000  }
0x105: {  	[tilespmem:s13], [sflag:$0x1] =	stream.indirect.gather [hbm4b:s4+s12], $0x80, s21, s12, $0xb8;
	[tilespmem:$0x1D000] =	vst v63  }
0x106: {  	_ =	swait.ge [sflag:s17], $0x4000  }
0x107: {  	[sflag:s17] =	ssyncset.done $0x0  }
0x108: {  	[sflag:s17] =	ssyncadd.s32 $0xFFFFC000  }
0x109: {  	[spmem:s2] =	stream.indirect.scatter.add.f32 [tilespmem:s14], [sflag:$0x4], $0x80, s22, s12, $0xb8;
	[tilespmem:$0x1D000] =	vst v63  }
0x10a: {  	_ =	swait.ge [sflag:s18], $0x4000  }
0x10b: {  	[sflag:s18] =	ssyncset.done $0x0  }
0x10c: {  	[sflag:s18] =	ssyncadd.s32 $0xFFFFC000  }
0x10d: {  	[tilespmem:s14], [sflag:$0x2] =	stream.indirect.gather [hbm4b:s4+s12], $0x80, s23, s12, $0xb8;
	[tilespmem:$0x1D000] =	vst v63  }
0x10e: {  	_ =	swait.ge [sflag:s15], $0x4000  }
0x10f: {  	[sflag:s15] =	ssyncset.done $0x0  }
0x110: {  	[sflag:s15] =	ssyncadd.s32 $0xFFFFC000  }
0x111: {  	[spmem:s2] =	stream.indirect.scatter.add.f32 [tilespmem:s13], [sflag:$0x3], $0x80, s24, s12, $0xb8;
	[tilespmem:$0x1D000] =	vst v63  }
0x112: {  	_ =	swait.ge [sflag:s16], $0x4000  }
0x113: {  	[sflag:s16] =	ssyncset.done $0x0  }
0x114: {  	[sflag:s16] =	ssyncadd.s32 $0xFFFFC000  }
0x115: {  	[tilespmem:s13], [sflag:$0x1] =	stream.indirect.gather [hbm4b:s4+s12], $0x80, s25, s12, $0xb8;
	[tilespmem:$0x1D000] =	vst v63  }
0x116: {  	_ =	swait.ge [sflag:s17], $0x4000  }
0x117: {  	[sflag:s17] =	ssyncset.done $0x0  }
0x118: {  	[sflag:s17] =	ssyncadd.s32 $0xFFFFC000  }
0x119: {  	[spmem:s2] =	stream.indirect.scatter.add.f32 [tilespmem:s14], [sflag:$0x4], $0x80, s26, s12, $0xb8;
	[tilespmem:$0x1D000] =	vst v63  }
0x11a: {  	_ =	swait.ge [sflag:s18], $0x4000  }
0x11b: {  	[sflag:s18] =	ssyncset.done $0x0  }
0x11c: {  	[sflag:s18] =	ssyncadd.s32 $0xFFFFC000  }
0x11d: {  	[tilespmem:s14], [sflag:$0x2] =	stream.indirect.gather [hbm4b:s4+s12], $0x80, s28, s12, $0xb8;
	[tilespmem:$0x1D000] =	vst v63  }
0x11e: {  	_ =	swait.ge [sflag:s15], $0x4000  }
0x11f: {  	[sflag:s15] =	ssyncset.done $0x0  }
0x120: {  	[sflag:s15] =	ssyncadd.s32 $0xFFFFC000  }
0x121: {  	[spmem:s2] =	stream.indirect.scatter.add.f32 [tilespmem:s13], [sflag:$0x3], $0x80, s29, s12, $0xb8;
	[tilespmem:$0x1D000] =	vst v63  }
0x122: {  	_ =	swait.ge [sflag:s16], $0x4000  }
0x123: {  	[sflag:s16] =	ssyncset.done $0x0  }
0x124: {  	[sflag:s16] =	ssyncadd.s32 $0xFFFFC000  }
0x125: {  	[tilespmem:s13], [sflag:$0x1] =	stream.indirect.gather [hbm4b:s4+s12], $0x80, s30, s12, $0xb8;
	[tilespmem:$0x1D000] =	vst v63  }
0x126: {  	_ =	swait.ge [sflag:s17], $0x4000  }
0x127: {  	[sflag:s17] =	ssyncset.done $0x0  }
0x128: {  	[sflag:s17] =	ssyncadd.s32 $0xFFFFC000  }
0x129: {  	[spmem:s2] =	stream.indirect.scatter.add.f32 [tilespmem:s14], [sflag:$0x4], $0x80, s31, s12, $0xb8;
	[tilespmem:$0x1D000] =	vst v63  }
0x12a: {  	_ =	swait.ge [sflag:s18], $0x4000  }
0x12b: {  	[sflag:s18] =	ssyncset.done $0x0  }
0x12c: {  	[sflag:s18] =	ssyncadd.s32 $0xFFFFC000  }
0x12d: {  	[tilespmem:s14], [sflag:$0x2] =	stream.indirect.gather [hbm4b:s4+s12], $0x80, s1, s12, $0xb8;
	[tilespmem:$0x1D000] =	vst v63  }
0x12e: {  	_ =	swait.ge [sflag:s15], $0x4000  }
0x12f: {  	[sflag:s15] =	ssyncset.done $0x0  }
0x130: {  	[sflag:s15] =	ssyncadd.s32 $0xFFFFC000  }
0x131: {  	[spmem:s2] =	stream.indirect.scatter.add.f32 [tilespmem:s13], [sflag:$0x3], $0x80, s0, s12, $0xb8;
	[tilespmem:$0x1D000] =	vst v63  }
0x132: {  	_ =	swait.ge [sflag:s17], $0x4000  }
0x133: {  	[sflag:s17] =	ssyncset.done $0x0  }
0x134: {  	p0 =	sne.s32 s6, $0x900;
	[sflag:s17] =	ssyncadd.s32 $0xFFFFC000  }
0x135: {  	[spmem:s2] =	stream.indirect.scatter.add.f32 [tilespmem:s14], [sflag:$0x4], $0x80, s5, s12, $0xb8;
	[tilespmem:$0x1D000] =	vst v63  }
.Ltmp0:
0x136: {  	_ =	swait.ge [sflag:s16], $0x4000;
	(pc) =	sbr.rel @p0 .LBB2_2-.Ltmp0, $4  }
0x137: {  	[sflag:s16] =	ssyncset.done $0x0  }
0x138: {  	[sflag:s16] =	ssyncadd.s32 $0xFFFFC000  }
0x139: {  	s7 =	smov.u32 s6;
	s6 =	sadd.s32 $0x100, s6;
	_ =	swait.ge [sflag:s18], $0x4000  }
0x13a: {  	s8 =	smov.u32 s7;
	s9 =	rddreg [dreg:$0x3];
	[sflag:s18] =	ssyncset.done $0x0  }
0x13b: {  	[sflag:s18] =	ssyncadd.s32 $0xFFFFC000;
	s6 =	sadd.s32 s8, s9  }
0x13c: {  	[tilespmem:s3], [sflag:$0x5] =	stream.linear.gather [hbm4b:s6+s3], $0x800, $0x38;
	[tilespmem:$0x1D000] =	vst v63  }
0x13d: {  	_ =	swait.ge [sflag:s10], $0x800  }
0x13e: {  	s9 =	rddreg [dreg:$0x4];
	[sflag:s10] =	ssyncset.done $0x0  }
0x13f: {  	s6 =	sadd.s32 s8, s9;
	[sflag:s10] =	ssyncadd.s32 $0xFFFFF800  }
0x140: {  	[tilespmem:s11], [sflag:$0x5] =	stream.linear.gather [hbm4b:s6+s3], $0x800, $0x38;
	[tilespmem:$0x1D000] =	vst v63  }
0x141: {  	_ =	swait.ge [sflag:s10], $0x800  }
0x142: {  	[sflag:s10] =	ssyncset.done $0x0  }
0x143: {  	[sflag:s10] =	ssyncadd.s32 $0xFFFFF800  }
0x144: {  	[tilespmem:s13], [sflag:$0x1] =	stream.indirect.gather [hbm4b:s4+s12], $0x80, s3, s12, $0xb8;
	[tilespmem:$0x1D000] =	vst v63  }
0x145: {  	_ = 	snop  }
0x146: {  	[tilespmem:s14], [sflag:$0x2] =	stream.indirect.gather [hbm4b:s4+s12], $0x80, s12, s12, $0xb8;
	[tilespmem:$0x1D000] =	vst v63  }
0x147: {  	_ =	swait.ge [sflag:s15], $0x4000  }
0x148: {  	[sflag:s15] =	ssyncset.done $0x0  }
0x149: {  	[sflag:s15] =	ssyncadd.s32 $0xFFFFC000  }
0x14a: {  	[spmem:s2] =	stream.indirect.scatter.add.f32 [tilespmem:s13], [sflag:$0x3], $0x80, s11, s12, $0xb8;
	[tilespmem:$0x1D000] =	vst v63  }
0x14b: {  	_ =	swait.ge [sflag:s16], $0x4000  }
0x14c: {  	[sflag:s16] =	ssyncset.done $0x0  }
0x14d: {  	s7 =	rddreg [dreg:$0x5];
	[sflag:s16] =	ssyncadd.s32 $0xFFFFC000  }
0x14e: {  	[tilespmem:s13], [sflag:$0x1] =	stream.indirect.gather [hbm4b:s4+s12], $0x80, s7, s12, $0xb8;
	[tilespmem:$0x1D000] =	vst v63  }
0x14f: {  	_ =	swait.ge [sflag:s17], $0x4000  }
0x150: {  	[sflag:s17] =	ssyncset.done $0x0  }
0x151: {  	s8 =	rddreg [dreg:$0x6];
	[sflag:s17] =	ssyncadd.s32 $0xFFFFC000  }
0x152: {  	[spmem:s2] =	stream.indirect.scatter.add.f32 [tilespmem:s14], [sflag:$0x4], $0x80, s8, s12, $0xb8;
	[tilespmem:$0x1D000] =	vst v63  }
0x153: {  	_ =	swait.ge [sflag:s18], $0x4000  }
0x154: {  	[sflag:s18] =	ssyncset.done $0x0  }
0x155: {  	s9 =	rddreg [dreg:$0x7];
	[sflag:s18] =	ssyncadd.s32 $0xFFFFC000  }
0x156: {  	[tilespmem:s14], [sflag:$0x2] =	stream.indirect.gather [hbm4b:s4+s12], $0x80, s9, s12, $0xb8;
	[tilespmem:$0x1D000] =	vst v63  }
0x157: {  	_ =	swait.ge [sflag:s15], $0x4000  }
0x158: {  	[sflag:s15] =	ssyncset.done $0x0  }
0x159: {  	s7 =	rddreg [dreg:$0x8];
	[sflag:s15] =	ssyncadd.s32 $0xFFFFC000  }
0x15a: {  	[spmem:s2] =	stream.indirect.scatter.add.f32 [tilespmem:s13], [sflag:$0x3], $0x80, s7, s12, $0xb8;
	[tilespmem:$0x1D000] =	vst v63  }
0x15b: {  	_ =	swait.ge [sflag:s16], $0x4000  }
0x15c: {  	[sflag:s16] =	ssyncset.done $0x0  }
0x15d: {  	s8 =	rddreg [dreg:$0x9];
	[sflag:s16] =	ssyncadd.s32 $0xFFFFC000  }
0x15e: {  	[tilespmem:s13], [sflag:$0x1] =	stream.indirect.gather [hbm4b:s4+s12], $0x80, s8, s12, $0xb8;
	[tilespmem:$0x1D000] =	vst v63  }
0x15f: {  	_ =	swait.ge [sflag:s17], $0x4000  }
0x160: {  	[sflag:s17] =	ssyncset.done $0x0  }
0x161: {  	s9 =	rddreg [dreg:$0xa];
	[sflag:s17] =	ssyncadd.s32 $0xFFFFC000  }
0x162: {  	[spmem:s2] =	stream.indirect.scatter.add.f32 [tilespmem:s14], [sflag:$0x4], $0x80, s9, s12, $0xb8;
	[tilespmem:$0x1D000] =	vst v63  }
0x163: {  	_ =	swait.ge [sflag:s18], $0x4000  }
0x164: {  	[sflag:s18] =	ssyncset.done $0x0  }
0x165: {  	s7 =	rddreg [dreg:$0xb];
	[sflag:s18] =	ssyncadd.s32 $0xFFFFC000  }
0x166: {  	[tilespmem:s14], [sflag:$0x2] =	stream.indirect.gather [hbm4b:s4+s12], $0x80, s7, s12, $0xb8;
	[tilespmem:$0x1D000] =	vst v63  }
0x167: {  	_ =	swait.ge [sflag:s15], $0x4000  }
0x168: {  	[sflag:s15] =	ssyncset.done $0x0  }
0x169: {  	s8 =	rddreg [dreg:$0xc];
	[sflag:s15] =	ssyncadd.s32 $0xFFFFC000  }
0x16a: {  	[spmem:s2] =	stream.indirect.scatter.add.f32 [tilespmem:s13], [sflag:$0x3], $0x80, s8, s12, $0xb8;
	[tilespmem:$0x1D000] =	vst v63  }
0x16b: {  	_ =	swait.ge [sflag:s16], $0x4000  }
0x16c: {  	[sflag:s16] =	ssyncset.done $0x0  }
0x16d: {  	s9 =	rddreg [dreg:$0xd];
	[sflag:s16] =	ssyncadd.s32 $0xFFFFC000  }
0x16e: {  	[tilespmem:s13], [sflag:$0x1] =	stream.indirect.gather [hbm4b:s4+s12], $0x80, s9, s12, $0xb8;
	[tilespmem:$0x1D000] =	vst v63  }
0x16f: {  	_ =	swait.ge [sflag:s17], $0x4000  }
0x170: {  	[sflag:s17] =	ssyncset.done $0x0  }
0x171: {  	s7 =	rddreg [dreg:$0xe];
	[sflag:s17] =	ssyncadd.s32 $0xFFFFC000  }
0x172: {  	[spmem:s2] =	stream.indirect.scatter.add.f32 [tilespmem:s14], [sflag:$0x4], $0x80, s7, s12, $0xb8;
	[tilespmem:$0x1D000] =	vst v63  }
0x173: {  	_ =	swait.ge [sflag:s18], $0x4000  }
0x174: {  	[sflag:s18] =	ssyncset.done $0x0  }
0x175: {  	s8 =	rddreg [dreg:$0xf];
	[sflag:s18] =	ssyncadd.s32 $0xFFFFC000  }
0x176: {  	[tilespmem:s14], [sflag:$0x2] =	stream.indirect.gather [hbm4b:s4+s12], $0x80, s8, s12, $0xb8;
	[tilespmem:$0x1D000] =	vst v63  }
0x177: {  	_ =	swait.ge [sflag:s15], $0x4000  }
0x178: {  	[sflag:s15] =	ssyncset.done $0x0  }
0x179: {  	s9 =	rddreg [dreg:$0x10];
	[sflag:s15] =	ssyncadd.s32 $0xFFFFC000  }
0x17a: {  	[spmem:s2] =	stream.indirect.scatter.add.f32 [tilespmem:s13], [sflag:$0x3], $0x80, s9, s12, $0xb8;
	[tilespmem:$0x1D000] =	vst v63  }
0x17b: {  	_ =	swait.ge [sflag:s16], $0x4000  }
0x17c: {  	[sflag:s16] =	ssyncset.done $0x0  }
0x17d: {  	s7 =	rddreg [dreg:$0x11];
	[sflag:s16] =	ssyncadd.s32 $0xFFFFC000  }
0x17e: {  	[tilespmem:s13], [sflag:$0x1] =	stream.indirect.gather [hbm4b:s4+s12], $0x80, s7, s12, $0xb8;
	[tilespmem:$0x1D000] =	vst v63  }
0x17f: {  	_ =	swait.ge [sflag:s17], $0x4000  }
0x180: {  	[sflag:s17] =	ssyncset.done $0x0  }
0x181: {  	s8 =	rddreg [dreg:$0x12];
	[sflag:s17] =	ssyncadd.s32 $0xFFFFC000  }
0x182: {  	[spmem:s2] =	stream.indirect.scatter.add.f32 [tilespmem:s14], [sflag:$0x4], $0x80, s8, s12, $0xb8;
	[tilespmem:$0x1D000] =	vst v63  }
0x183: {  	_ =	swait.ge [sflag:s18], $0x4000  }
0x184: {  	[sflag:s18] =	ssyncset.done $0x0  }
0x185: {  	[sflag:s18] =	ssyncadd.s32 $0xFFFFC000  }
0x186: {  	[tilespmem:s14], [sflag:$0x2] =	stream.indirect.gather [hbm4b:s4+s12], $0x80, s19, s12, $0xb8;
	[tilespmem:$0x1D000] =	vst v63  }
0x187: {  	_ =	swait.ge [sflag:s15], $0x4000  }
0x188: {  	[sflag:s15] =	ssyncset.done $0x0  }
0x189: {  	[sflag:s15] =	ssyncadd.s32 $0xFFFFC000  }
0x18a: {  	[spmem:s2] =	stream.indirect.scatter.add.f32 [tilespmem:s13], [sflag:$0x3], $0x80, s20, s12, $0xb8;
	[tilespmem:$0x1D000] =	vst v63  }
0x18b: {  	_ =	swait.ge [sflag:s16], $0x4000  }
0x18c: {  	[sflag:s16] =	ssyncset.done $0x0  }
0x18d: {  	[sflag:s16] =	ssyncadd.s32 $0xFFFFC000  }
0x18e: {  	[tilespmem:s13], [sflag:$0x1] =	stream.indirect.gather [hbm4b:s4+s12], $0x80, s21, s12, $0xb8;
	[tilespmem:$0x1D000] =	vst v63  }
0x18f: {  	_ =	swait.ge [sflag:s17], $0x4000  }
0x190: {  	[sflag:s17] =	ssyncset.done $0x0  }
0x191: {  	[sflag:s17] =	ssyncadd.s32 $0xFFFFC000  }
0x192: {  	[spmem:s2] =	stream.indirect.scatter.add.f32 [tilespmem:s14], [sflag:$0x4], $0x80, s22, s12, $0xb8;
	[tilespmem:$0x1D000] =	vst v63  }
0x193: {  	_ =	swait.ge [sflag:s18], $0x4000  }
0x194: {  	[sflag:s18] =	ssyncset.done $0x0  }
0x195: {  	[sflag:s18] =	ssyncadd.s32 $0xFFFFC000  }
0x196: {  	[tilespmem:s14], [sflag:$0x2] =	stream.indirect.gather [hbm4b:s4+s12], $0x80, s23, s12, $0xb8;
	[tilespmem:$0x1D000] =	vst v63  }
0x197: {  	_ =	swait.ge [sflag:s15], $0x4000  }
0x198: {  	[sflag:s15] =	ssyncset.done $0x0  }
0x199: {  	[sflag:s15] =	ssyncadd.s32 $0xFFFFC000  }
0x19a: {  	[spmem:s2] =	stream.indirect.scatter.add.f32 [tilespmem:s13], [sflag:$0x3], $0x80, s24, s12, $0xb8;
	[tilespmem:$0x1D000] =	vst v63  }
0x19b: {  	_ =	swait.ge [sflag:s16], $0x4000  }
0x19c: {  	[sflag:s16] =	ssyncset.done $0x0  }
0x19d: {  	[sflag:s16] =	ssyncadd.s32 $0xFFFFC000  }
0x19e: {  	[tilespmem:s13], [sflag:$0x1] =	stream.indirect.gather [hbm4b:s4+s12], $0x80, s25, s12, $0xb8;
	[tilespmem:$0x1D000] =	vst v63  }
0x19f: {  	_ =	swait.ge [sflag:s17], $0x4000  }
0x1a0: {  	[sflag:s17] =	ssyncset.done $0x0  }
0x1a1: {  	[sflag:s17] =	ssyncadd.s32 $0xFFFFC000  }
0x1a2: {  	[spmem:s2] =	stream.indirect.scatter.add.f32 [tilespmem:s14], [sflag:$0x4], $0x80, s26, s12, $0xb8;
	[tilespmem:$0x1D000] =	vst v63  }
0x1a3: {  	_ =	swait.ge [sflag:s18], $0x4000  }
0x1a4: {  	[sflag:s18] =	ssyncset.done $0x0  }
0x1a5: {  	[sflag:s18] =	ssyncadd.s32 $0xFFFFC000  }
0x1a6: {  	[tilespmem:s14], [sflag:$0x2] =	stream.indirect.gather [hbm4b:s4+s12], $0x80, s28, s12, $0xb8;
	[tilespmem:$0x1D000] =	vst v63  }
0x1a7: {  	_ =	swait.ge [sflag:s15], $0x4000  }
0x1a8: {  	[sflag:s15] =	ssyncset.done $0x0  }
0x1a9: {  	[sflag:s15] =	ssyncadd.s32 $0xFFFFC000  }
0x1aa: {  	[spmem:s2] =	stream.indirect.scatter.add.f32 [tilespmem:s13], [sflag:$0x3], $0x80, s29, s12, $0xb8;
	[tilespmem:$0x1D000] =	vst v63  }
0x1ab: {  	_ =	swait.ge [sflag:s16], $0x4000  }
0x1ac: {  	[sflag:s16] =	ssyncset.done $0x0  }
0x1ad: {  	[sflag:s16] =	ssyncadd.s32 $0xFFFFC000  }
0x1ae: {  	[tilespmem:s13], [sflag:$0x1] =	stream.indirect.gather [hbm4b:s4+s12], $0x80, s30, s12, $0xb8;
	[tilespmem:$0x1D000] =	vst v63  }
0x1af: {  	_ =	swait.ge [sflag:s17], $0x4000  }
0x1b0: {  	[sflag:s17] =	ssyncset.done $0x0  }
0x1b1: {  	[sflag:s17] =	ssyncadd.s32 $0xFFFFC000  }
0x1b2: {  	[spmem:s2] =	stream.indirect.scatter.add.f32 [tilespmem:s14], [sflag:$0x4], $0x80, s31, s12, $0xb8;
	[tilespmem:$0x1D000] =	vst v63  }
0x1b3: {  	_ =	swait.ge [sflag:s18], $0x4000  }
0x1b4: {  	[sflag:s18] =	ssyncset.done $0x0  }
0x1b5: {  	[sflag:s18] =	ssyncadd.s32 $0xFFFFC000  }
0x1b6: {  	[tilespmem:s14], [sflag:$0x2] =	stream.indirect.gather [hbm4b:s4+s12], $0x80, s1, s12, $0xb8;
	[tilespmem:$0x1D000] =	vst v63  }
0x1b7: {  	_ =	swait.ge [sflag:s15], $0x4000  }
0x1b8: {  	[sflag:s15] =	ssyncset.done $0x0  }
0x1b9: {  	[sflag:s15] =	ssyncadd.s32 $0xFFFFC000  }
0x1ba: {  	[spmem:s2] =	stream.indirect.scatter.add.f32 [tilespmem:s13], [sflag:$0x3], $0x80, s0, s12, $0xb8;
	[tilespmem:$0x1D000] =	vst v63  }
0x1bb: {  	_ =	swait.ge [sflag:s17], $0x4000  }
0x1bc: {  	[sflag:s17] =	ssyncset.done $0x0  }
0x1bd: {  	[sflag:s17] =	ssyncadd.s32 $0xFFFFC000  }
0x1be: {  	[spmem:s2] =	stream.indirect.scatter.add.f32 [tilespmem:s14], [sflag:$0x4], $0x80, s5, s12, $0xb8;
	[tilespmem:$0x1D000] =	vst v63  }
0x1bf: {  	_ =	swait.ge [sflag:s16], $0x4000  }
0x1c0: {  	[sflag:s16] =	ssyncset.done $0x0  }
0x1c1: {  	[sflag:s16] =	ssyncadd.s32 $0xFFFFC000  }
0x1c2: {  	_ =	swait.ge [sflag:s18], $0x4000  }
0x1c3: {  	[sflag:s18] =	ssyncset.done $0x0  }
0x1c4: {  	[sflag:s18] =	ssyncadd.s32 $0xFFFFC000  }
0x1c5: {  	[bflag:$0x0] =	sbarrier.arrive $0xFFFF  }
0x1c6: {  	s8 =	rddreg [dreg:$0x14]  }
0x1c7: {  	s9 =	rddreg [dreg:$0x15]  }
0x1c8: {  	s7 =	rddreg [dreg:$0x17]  }
0x1c9: {  	[hbm:s9], [sflag:s8] =	dma.local [spmem:s7], $0x2800  }
0x1ca: {  	_ =	swait.ge [sflag:s10], $0x2800  }
0x1cb: {  	s6 =	rddreg [dreg:$0x18]  }
0x1cc: {  	s9 =	sadd.s32 $0x1, s6;
	s6 =	rddreg [dreg:$0x16]  }
0x1cd: {  	p0 =	sne.s32 s9, s6  }
.Ltmp1:
0x1ce: {  	_ = 	snop;
	(pc) =	sbr.rel @p0 .LBB2_1-.Ltmp1, $3  }
0x1cf: {  	_ =	sdelay $0x1  }
0x1d0: {  	[sflag:s10] =	ssyncset.done $0x0  }
0x1d1: {  	[sflag:s10] =	ssyncadd.s32 $0xFFFFD800  }
0x1d2: {  	_ =	sfence.sel $0x180000  }
0x1d3: {  	[bflag:$0x0] =	sbarrier.arrive $0xFFFF  }
0x1d4: {  	_ =	strace $0x9000004D  }
0x1d5: {  	s0 =	stileid.u32;
	[bflag:$0x2] =	sbarrier.arrive $0xFFFF  }
0x1d6: {  	p0 =	sne.s32 s0, $0x0;
	s0 =	rddreg [dreg:$0x2]  }
0x1d7: {  	s0 =	sadd.s32 @!p0 $0x100000, s0  }
0x1d8: {  	[sflag:s0] =	ssyncadd.tile.s32 @!p0 $0x1;
	_ =	shalt  }
.Lfunc_end2:
_tile_overlayer_lowered:
.L_overlay_start_2:
0x1d9: {  	(tag) =	ssettag $0x2  }
0x1da: {  	s0 =	rddreg [dreg:$0x0];
	s2 =	stileid.u32  }
0x1db: {  	s1 =	rddreg [dreg:$0x1];
	p0 =	sne.s32 s2, $0x0  }
0x1dc: {  	s3 =	rddreg [dreg:$0x2];
	[bflag:$0x3] =	sbarrier.arrive $0xFFFF;
	s2 =	simm.s32 @!p0 $0x1C05  }
0x1dd: {  	[timem:s3], [sflag:s2] =	dma.local @!p0 [hbm:s0], s1  }
0x1de: {  	s0 =	simm.s32 @!p0 $0x5  }
0x1df: {  	_ =	swait.ge @!p0 [sflag:s0], s1  }
0x1e0: {  	s1 =	ssub.s32 @!p0 $0x0, s1;
	[sflag:s0] =	ssyncset.done @!p0 $0x0  }
0x1e1: {  	[sflag:s0] =	ssyncadd.s32 @!p0 s1  }
0x1e2: {  	[bflag:$0x3] =	sbarrier.arrive $0xFFFF  }
0x1e3: {  	_ =	shalt  }

// kernel: kernel.19.cloned.1.call-start
scs
__scs_entry_jumppad:
0x0: {  	(pc) =	sbr.rel $0x88, $3  }
0x1: {  	(tag) =	ssettag $0x0;
	lr =	simm.s32 $0x1  }
0x2: {  	[smem:$0x3F99] =	sst lr;
	_ =	strace $0xD0000000  }
0x3: {  	_ = 	snop  }
0x4: {  	_ = 	snop  }
0x5: {  	_ = 	snop  }
0x6: {  	_ = 	snop  }
0x7: {  	_ = 	snop  }
__scs_overlays_trampoline_lowered:
0x8: {  	[smem:$0x3FA8] =	sst s0  }
0x9: {  	[smem:$0x3FA9] =	sst s1  }
0xa: {  	[smem:$0x3FAA] =	sst s2  }
0xb: {  	[smem:$0x3FAB] =	sst s3  }
0xc: {  	[smem:$0x3FAC] =	sst s4  }
0xd: {  	[smem:$0x3FAD] =	sst s5  }
0xe: {  	[smem:$0x3FAE] =	sst s6  }
0xf: {  	[smem:$0x3FAF] =	sst s7  }
0x10: {  	[smem:$0x3FB0] =	sst s8  }
0x11: {  	[smem:$0x3FB1] =	sst s9;
	s0 =	simm.s32 @!p0 $0x0  }
0x12: {  	s1 =	sld [smem:$0x3F97];
	s0 =	simm.s32 @p0 $0x1  }
0x13: {  	[smem:$0x3FB2] =	sst s0;
	s0 =	simm.s32 @!p1 $0x0  }
0x14: {  	s2 =	sld [smem:$0x3F96];
	s0 =	simm.s32 @p1 $0x1  }
0x15: {  	[smem:$0x3FB3] =	sst s0;
	s0 =	simm.s32 @!p2 $0x0  }
0x16: {  	s3 =	sld [smem:$0x3FDB];
	s0 =	simm.s32 @p2 $0x1  }
0x17: {  	s4 =	simm.s32 $0x1BF5;
	[smem:$0x3FB5] =	sst s0  }
0x18: {  	s0 =	sld [smem:$0x3F98];
	_ =	swait.ge [sflag:s4], $0x0  }
0x19: {  	s7 =	sld [smem:$0x3F99]  }
0x1a: {  	s8 =	sadd.s32 $0xFFFFE003, lr  }
0x1b: {  	s9 =	sadd.s32 $0xFFFFFEF7, lr;
	s5 =	simm.s32 $0xFFFFFFFF;
	p2 =	slt.u32 s8, $0xFFFFF086  }
0x1c: {  	p1 =	slt.u32 s9, $0xF7A;
	s5 =	simm.s32 @!p2 $0x0  }
0x1d: {  	s5 =	simm.s32 @p1 $0x1;
	p0 =	seq.s32 s7, s2  }
0x1e: {  	s7 =	smul.u32 @!p0 $0xF7A, s2;
	p2 =	seq.s32 @!p0 s5, $0x0  }
0x1f: {  	s9 =	smul.u32 $0xF7A, s1;
	s8 =	simm.s32 @!p0 $0x1BF5;
	p2 =	por !p2, p0  }
0x20: {  	[sflag:s8] =	ssyncset.s32 @!p0 $0xFFFFF086;
	s6 =	sadd.s32 @!p0 s3, s7;
	s7 =	simm.s32 @!p0 $0x108  }
0x21: {  	s3 =	sadd.s32 s3, s9;
	s6 =	sadd.s32 @!p0 $0x88, s6;
	s7 =	simm.s32 @p2 $0x1082  }
0x22: {  	[simem:s7], [sflag:s8] =	dma.local @!p0 [hbm:s6], $0xF7A  }
0x23: {  	s9 =	sor.u32 $0xD0000000, s2;
	s6 =	simm.s32 $0x108;
	_ =	swait.ge @!p0 [sflag:s8], $0x0  }
0x24: {  	s3 =	sadd.s32 $0x88, s3;
	s6 =	simm.s32 @!p1 $0x1082;
	[sflag:s4] =	ssyncset.s32 $0xFFFFF086  }
0x25: {  	[simem:s6], [sflag:s4] =	dma.local [hbm:s3], $0xF7A  }
0x26: {  	[smem:$0x3F99] =	sst s1;
	(tag) =	ssettag s2;
	_ =	strace s9  }
0x27: {  	s1 =	sld [smem:$0x3FA9]  }
0x28: {  	s2 =	sld [smem:$0x3FAA]  }
0x29: {  	s4 =	sld [smem:$0x3FAC]  }
0x2a: {  	p0 =	seq.s32 s5, $0x0;
	s5 =	sld [smem:$0x3FAD]  }
0x2b: {  	s6 =	sld [smem:$0x3FAE]  }
0x2c: {  	s7 =	sld [smem:$0x3FAF]  }
0x2d: {  	s3 =	simm.s32 $0x108;
	s8 =	sld [smem:$0x3FB0]  }
0x2e: {  	s3 =	simm.s32 @!p0 $0x1082;
	s9 =	sld [smem:$0x3FB1]  }
0x2f: {  	lr =	sadd.s32 s0, s3;
	s0 =	sld [smem:$0x3FA8]  }
0x30: {  	s3 =	sld [smem:$0x3FAB]  }
0x31: {  	[smem:$0x3FB4] =	sst s10  }
0x32: {  	s10 =	sld [smem:$0x3FB2];
	_ =	sdelay $0x3  }
0x33: {  	p0 =	seq.s32 s10, $0x1;
	s10 =	sld [smem:$0x3FB4];
	_ =	sdelay $0x3  }
0x34: {  	[smem:$0x3FB4] =	sst s10  }
0x35: {  	s10 =	sld [smem:$0x3FB3];
	_ =	sdelay $0x3  }
0x36: {  	p1 =	seq.s32 s10, $0x1;
	s10 =	sld [smem:$0x3FB4];
	_ =	sdelay $0x3  }
0x37: {  	[smem:$0x3FB4] =	sst s10  }
0x38: {  	s10 =	sld [smem:$0x3FB5]  }
0x39: {  	_ = 	snop;
	(pc) =	sbr.ind lr, $3  }
0x3a: {  	_ = 	snop  }
0x3b: {  	_ = 	snop  }
0x3c: {  	p2 =	seq.s32 s10, $0x1;
	s10 =	sld [smem:$0x3FB4]  }
0x3d: {  	_ =	shalt  }
0x3e: {  	_ =	shalt  }
0x3f: {  	_ =	shalt  }
0x40: {  	_ =	shalt  }
0x41: {  	_ =	shalt  }
0x42: {  	_ =	shalt  }
0x43: {  	_ =	shalt  }
0x44: {  	_ =	shalt  }
0x45: {  	_ =	shalt  }
0x46: {  	_ =	shalt  }
0x47: {  	_ =	shalt  }
0x48: {  	_ =	shalt  }
0x49: {  	_ =	shalt  }
0x4a: {  	_ =	shalt  }
0x4b: {  	_ =	shalt  }
0x4c: {  	_ =	shalt  }
0x4d: {  	_ =	shalt  }
0x4e: {  	_ =	shalt  }
0x4f: {  	_ =	shalt  }
0x50: {  	_ =	shalt  }
0x51: {  	_ =	shalt  }
0x52: {  	_ =	shalt  }
0x53: {  	_ =	shalt  }
0x54: {  	_ =	shalt  }
0x55: {  	_ =	shalt  }
0x56: {  	_ =	shalt  }
0x57: {  	_ =	shalt  }
0x58: {  	_ =	shalt  }
0x59: {  	_ =	shalt  }
0x5a: {  	_ =	shalt  }
0x5b: {  	_ =	shalt  }
0x5c: {  	_ =	shalt  }
0x5d: {  	_ =	shalt  }
0x5e: {  	_ =	shalt  }
0x5f: {  	_ =	shalt  }
0x60: {  	_ =	shalt  }
0x61: {  	_ =	shalt  }
0x62: {  	_ =	shalt  }
0x63: {  	_ =	shalt  }
0x64: {  	_ =	shalt  }
0x65: {  	_ =	shalt  }
0x66: {  	_ =	shalt  }
0x67: {  	_ =	shalt  }
0x68: {  	_ =	shalt  }
0x69: {  	_ =	shalt  }
0x6a: {  	_ =	shalt  }
0x6b: {  	_ =	shalt  }
0x6c: {  	_ =	shalt  }
0x6d: {  	_ =	shalt  }
0x6e: {  	_ =	shalt  }
0x6f: {  	_ =	shalt  }
0x70: {  	_ =	shalt  }
0x71: {  	_ =	shalt  }
0x72: {  	_ =	shalt  }
0x73: {  	_ =	shalt  }
0x74: {  	_ =	shalt  }
0x75: {  	_ =	shalt  }
0x76: {  	_ =	shalt  }
0x77: {  	_ =	shalt  }
0x78: {  	_ =	shalt  }
0x79: {  	_ =	shalt  }
0x7a: {  	_ =	shalt  }
0x7b: {  	_ =	shalt  }
0x7c: {  	_ =	shalt  }
0x7d: {  	_ =	shalt  }
0x7e: {  	_ =	shalt  }
0x7f: {  	_ =	shalt  }
0x80: {  	_ =	shalt  }
0x81: {  	_ =	shalt  }
0x82: {  	_ =	shalt  }
0x83: {  	_ =	shalt  }
0x84: {  	_ =	shalt  }
0x85: {  	_ =	shalt  }
0x86: {  	_ =	shalt  }
0x87: {  	_ =	shalt  }
.Lfunc_end0:
.L_simem_size_0:
called_computation.3_lowered:
.L_overlay_start_0:
0x88: {  	s2 =	sld [smem:$0x3FD9]  }
0x89: {  	s3 =	sld [smem:$0x3FFE];
	_ =	sdelay $0x1  }
0x8a: {  	s1 =	srdreg.scid  }
0x8b: {  	s0 =	sand.u32 $0x1, s1  }
0x8c: {  	s17 =	sshll.u32 s0, $0xA;
	s2 =	sadd.s32 s3, s2  }
0x8d: {  	s2 =	sadd.s32 s2, s17  }
0x8e: {  	[smem:$0x3FC0] =	sst s2  }
0x8f: {  	_ = 	snop  }
0x90: {  	s2 =	sld [smem:$0x3FD0];
	(tm) =	ssettm $0x1  }
0x91: {  	s18 =	sld [smem:$0x3FFB];
	_ =	sdelay $0x3  }
0x92: {  	_ =	strace s18  }
0x93: {  	s3 =	sld [smem:$0x3FFC];
	_ =	sdelay $0x3  }
0x94: {  	_ =	strace s3  }
0x95: {  	s3 =	sld [smem:$0x3FFD];
	_ =	sdelay $0x3  }
0x96: {  	_ =	strace s3  }
0x97: {  	_ =	strace $0x8FFFFFFF  }
0x98: {  	s19 =	sld [smem:$0x3FDB];
	_ =	sdelay $0x1  }
0x99: {  	s4 =	simm.s32 $_scs_section_size  }
0x9a: {  	s5 =	simm.s32 $_size__tile_overlayer_lowered;
	s6 =	simm.s32 $_tile_overlayer_lowered  }
0x9b: {  	s22 =	simm.s32 $0x1BFF;
	s21 =	sshll.u32 s6, $0x1;
	s3 =	sadd.s32 s4, s19  }
0x9c: {  	s7 =	simm.s32 $0x0;
	s20 =	sshll.u32 s5, $0x1;
	s5 =	sadd.s32 s21, s3  }
0x9d: {  	[timem:s7], [sflag:s22] =	dma.local [hbm:s5], s20  }
0x9e: {  	_ =	swait.ge [sflag:s22], s20  }
0x9f: {  	s4 =	ssub.s32 $0x0, s20;
	[sflag:s22] =	ssyncset.done $0x0  }
0xa0: {  	[sflag:s22] =	ssyncadd.s32 s4;
	_ =	sdelay $0x1  }
0xa1: {  	s23 =	simm.s32 $0x1B8B  }
0xa2: {  	_ =	swait.ge [sflag:s23], $0x1  }
0xa3: {  	[sflag:s23] =	ssyncset.done $0x0  }
0xa4: {  	s25 =	simm.s32 $0x1B8E;
	s24 =	sld [smem:$0x3FFE];
	[sflag:s23] =	ssyncadd.s32 $0xFFFFFFFF  }
0xa5: {  	s26 =	simm.s32 $execute0_lowered;
	[smem:$0x3FD2] =	sst s25  }
0xa6: {  	s5 =	sshll.u32 s26, $0x1;
	_ =	strace $0x8000004F;
	[dreg:$0x1] =	wrdreg $0xFFFFFFFF  }
0xa7: {  	s28 =	simm.s32 $_size_execute0_lowered;
	s3 =	sadd.s32 s3, s5;
	[dreg:$0x0] =	wrdreg $0x0  }
0xa8: {  	s5 =	sshll.u32 s28, $0x1;
	[dreg:$0x2] =	wrdreg s3  }
0xa9: {  	[dreg:$0x3] =	wrdreg s5  }
0xaa: {  	[dreg:$0x4] =	wrdreg $0xC0  }
0xab: {  	_ =	task [dreg:s7], $0x5FFFF  }
0xac: {  	[dreg:$0x1] =	wrdreg $0xFFFFFFFF  }
0xad: {  	[dreg:$0x0] =	wrdreg $0x60  }
0xae: {  	[dreg:$0x2] =	wrdreg s24  }
0xaf: {  	[dreg:$0x3] =	wrdreg s2  }
0xb0: {  	[dreg:$0x4] =	wrdreg $0x90000  }
0xb1: {  	[dreg:$0x5] =	wrdreg $0x9  }
0xb2: {  	_ =	task.clear_ibuf [dreg:s7], $0x6FFFF;
	_ =	strace $0x9000004F  }
0xb3: {  	s29 =	simm.s32 $0x9;
	_ =	strace $0x80000051  }
0xb4: {  	_ =	swait.ge [sflag:s29], $0x1  }
0xb5: {  	[sflag:s29] =	ssyncadd.s32 $0xFFFFFFFF  }
0xb6: {  	_ =	strace $0x90000051  }
0xb7: {  	_ =	sfence  }
0xb8: {  	s30 =	sld [smem:$0x0];
	_ =	sdelay $0x2  }
0xb9: {  	s31 =	sshll.u32 s1, $0xD;
	s1 =	sshrl.u32 s1, $0x2  }
0xba: {  	s3 =	sand.u32 $0x4000, s31;
	s1 =	sadd.s32 s1, s30  }
0xbb: {  	s0 =	sor.u32 s3, s0;
	s1 =	sshll.u32 s1, $0x11  }
0xbc: {  	s0 =	sor.u32 s1, s0  }
0xbd: {  	s0 =	sadd.s32 $0x8F2B, s0  }
0xbe: {  	[sflag:s0] =	ssyncadd.remote.s32 $0x1  }
0xbf: {  	_ =	sfence.sel $0xFFFF  }
0xc0: {  	[dreg:$0x0] =	wrdreg $0xFFFFFFFF;
	(pc) =	sbr.abs _section_cstart, $3  }
0xc1: {  	[dreg:$0x1] =	wrdreg $0xFFFFFFFF  }
0xc2: {  	_ =	task.clear_ibuf [dreg:s7], $0x2FFFF;
	_ =	strace $0x9FFFFFFF  }
0xc3: {  	(tm) =	ssettm $0x7FFFFFFF  }
tec
execute0_lowered:
.L_overlay_start_1:
0x0: {  	(tag) =	ssettag $0x1  }
0x1: {  	s0 =	rddreg [dreg:$0x0]  }
0x2: {  	s1 =	rddreg [dreg:$0x1];
	s3 =	srdreg.scid  }
0x3: {  	s14 =	stileid.u32;
	s2 =	rddreg [dreg:$0x2];
	s16 =	simm.s32 $0x900  }
0x4: {  	s17 =	simm.s32 $0x200;
	s18 =	simm.s32 $0x980;
	s19 =	simm.s32 $0x280  }
0x5: {  	s20 =	simm.s32 $0xA00;
	s21 =	simm.s32 $0x300;
	s22 =	simm.s32 $0xA80  }
0x6: {  	s28 =	simm.s32 $0x680;
	s5 =	sand.u32 $0x1, s3;
	s3 =	simm.s32 $0x0  }
0x7: {  	s29 =	simm.s32 $0xE00;
	s30 =	simm.s32 $0x700;
	[smem:$0x7FF] =	sst s3  }
0x8: {  	s31 =	simm.s32 $0xE80;
	_ =	strace $0x80000050;
	[dreg:$0x9] =	wrdreg s16  }
0x9: {  	s6 =	smul.u32 $0x2800, s14;
	s4 =	sadd.s32 $0xF400, s0;
	[dreg:$0xa] =	wrdreg s17  }
0xa: {  	s10 =	smul.u32 $0x50000, s14;
	s12 =	sadd.s32 $0xCC00, s0;
	[dreg:$0xb] =	wrdreg s18  }
0xb: {  	s15 =	sshll.u32 s14, $0x6;
	s14 =	simm.s32 $0x5000;
	[dreg:$0xc] =	wrdreg s19  }
0xc: {  	s7 =	smul.u32 $0x28000, s5;
	s9 =	ssub.s32 $0x2, s5;
	[dreg:$0xd] =	wrdreg s20  }
0xd: {  	p0 =	seq.s32 s5, $0x1;
	s13 =	sshrl.u32 s9, $0x1;
	[dreg:$0xe] =	wrdreg s21  }
0xe: {  	s24 =	sshrl.u32 s10, $0x2;
	[dreg:$0xf] =	wrdreg s22;
	s16 =	simm.s32 $0x3  }
0xf: {  	s17 =	simm.s32 $0x2;
	s18 =	simm.s32 $0x4;
	s19 =	simm.s32 $0x480  }
0x10: {  	s20 =	simm.s32 $0xC00;
	s21 =	simm.s32 $0x500;
	s22 =	simm.s32 $0xC80  }
0x11: {  	s7 =	sadd.s32 s6, s7;
	s23 =	ssub.s32 s9, s13;
	s25 =	sadd.s32 s24, s2  }
0x12: {  	s6 =	sadd.s32 s4, s6;
	s9 =	simm.s32 $0x100;
	s13 =	simm.s32 $0x180  }
0x13: {  	s24 =	simm.s32 $0xB00;
	s8 =	sshrl.u32 s7, $0x3;
	[dreg:$0x6] =	wrdreg s9  }
0x14: {  	s10 =	smax.u32 s23, $0x1;
	s6 =	smov.u32 @p0 s12;
	[dreg:$0x8] =	wrdreg s13  }
0x15: {  	s12 =	simm.s32 $0x80;
	s13 =	simm.s32 $0x1000;
	[dreg:$0x11] =	wrdreg s24  }
0x16: {  	s23 =	simm.s32 $0x380;
	s24 =	simm.s32 $0xD00;
	[dreg:$0x16] =	wrdreg s10  }
0x17: {  	s9 =	simm.s32 $0x0;
	s11 =	sadd.s32 s8, s0;
	[dreg:$0x14] =	wrdreg s6  }
0x18: {  	s0 =	sadd.s32 s7, s0;
	s1 =	sadd.s32 s8, s1;
	[dreg:$0x10] =	wrdreg s23  }
0x19: {  	s8 =	sshrl.u32 s25, $0x3;
	s25 =	simm.s32 $0x400;
	[dreg:$0x5] =	wrdreg s1  }
0x1a: {  	s7 =	sor.u32 $0x1C05, s15;
	s10 =	simm.s32 $0x5;
	[dreg:$0x12] =	wrdreg s25  }
0x1b: {  	s15 =	simm.s32 $0x1;
	s23 =	simm.s32 $0x580;
	[dreg:$0x17] =	wrdreg s7  }
0x1c: {  	s6 =	simm.s32 $0xF80;
	s26 =	sadd.s32 $0x2C00, s11;
	[dreg:$0x18] =	wrdreg s8  }
0x1d: {  	s0 =	sadd.s32 $0x37400, s0;
	s11 =	simm.s32 $0x880;
	[dreg:$0x4] =	wrdreg s26  }
0x1e: {  	s25 =	simm.s32 $0x600;
	s1 =	simm.s32 $0x780;
	[dreg:$0x15] =	wrdreg s0  }
0x1f: {  	[dreg:$0x7] =	wrdreg s11;
	s11 =	simm.s32 $0x800;
	s26 =	simm.s32 $0xB80  }
0x20: {  	s0 =	simm.s32 $0xF00;
	[dreg:$0x13] =	wrdreg s26;
	s26 =	simm.s32 $0xD80  }
.LBB2_1:
0x21: {  	[dreg:$0x19] =	wrdreg s9  }
0x22: {  	s5 =	rddreg [dreg:$0x14]  }
0x23: {  	[spmem:s8], [sflag:s7] =	dma.local [hbm:s5], $0x2800  }
0x24: {  	_ =	swait.ge [sflag:s10], $0x2800  }
0x25: {  	[sflag:s10] =	ssyncset.done $0x0  }
0x26: {  	[sflag:s10] =	ssyncadd.s32 $0xFFFFD800  }
0x27: {  	[bflag:$0x0] =	sbarrier.arrive $0xFFFF  }
0x28: {  	s9 =	rddreg [dreg:$0x5]  }
0x29: {  	s5 =	sadd.s32 $0x0, s9  }
0x2a: {  	[tilespmem:s3], [sflag:$0x5] =	stream.linear.gather [hbm4b:s5+s3], $0x800, $0x38;
	[tilespmem:$0x1D000] =	vst v63  }
0x2b: {  	_ =	swait.ge [sflag:s10], $0x800  }
0x2c: {  	s7 =	rddreg [dreg:$0x4];
	[sflag:s10] =	ssyncset.done $0x0  }
0x2d: {  	[sflag:s10] =	ssyncadd.s32 $0xFFFFF800;
	s5 =	sadd.s32 $0x0, s7  }
0x2e: {  	[tilespmem:s11], [sflag:$0x5] =	stream.linear.gather [hbm4b:s5+s3], $0x800, $0x38;
	[tilespmem:$0x1D000] =	vst v63  }
0x2f: {  	_ =	swait.ge [sflag:s10], $0x800  }
0x30: {  	[sflag:s10] =	ssyncset.done $0x0  }
0x31: {  	[sflag:s10] =	ssyncadd.s32 $0xFFFFF800  }
0x32: {  	[tilespmem:s13], [sflag:$0x1] =	stream.indirect.gather [hbm4b:s4+s12], $0x80, s3, s12, $0xb8;
	[tilespmem:$0x1D000] =	vst v63  }
0x33: {  	_ = 	snop  }
0x34: {  	[tilespmem:s14], [sflag:$0x2] =	stream.indirect.gather [hbm4b:s4+s12], $0x80, s12, s12, $0xb8;
	[tilespmem:$0x1D000] =	vst v63  }
0x35: {  	_ =	swait.ge [sflag:s15], $0x4000  }
0x36: {  	[sflag:s15] =	ssyncset.done $0x0  }
0x37: {  	[sflag:s15] =	ssyncadd.s32 $0xFFFFC000  }
0x38: {  	[spmem:s2] =	stream.indirect.scatter.add.f32 [tilespmem:s13], [sflag:$0x3], $0x80, s11, s12, $0xb8;
	[tilespmem:$0x1D000] =	vst v63  }
0x39: {  	_ =	swait.ge [sflag:s16], $0x4000  }
0x3a: {  	[sflag:s16] =	ssyncset.done $0x0  }
0x3b: {  	s8 =	rddreg [dreg:$0x6];
	[sflag:s16] =	ssyncadd.s32 $0xFFFFC000  }
0x3c: {  	[tilespmem:s13], [sflag:$0x1] =	stream.indirect.gather [hbm4b:s4+s12], $0x80, s8, s12, $0xb8;
	[tilespmem:$0x1D000] =	vst v63  }
0x3d: {  	_ =	swait.ge [sflag:s17], $0x4000  }
0x3e: {  	[sflag:s17] =	ssyncset.done $0x0  }
0x3f: {  	s9 =	rddreg [dreg:$0x7];
	[sflag:s17] =	ssyncadd.s32 $0xFFFFC000  }
0x40: {  	[spmem:s2] =	stream.indirect.scatter.add.f32 [tilespmem:s14], [sflag:$0x4], $0x80, s9, s12, $0xb8;
	[tilespmem:$0x1D000] =	vst v63  }
0x41: {  	_ =	swait.ge [sflag:s18], $0x4000  }
0x42: {  	[sflag:s18] =	ssyncset.done $0x0  }
0x43: {  	s7 =	rddreg [dreg:$0x8];
	[sflag:s18] =	ssyncadd.s32 $0xFFFFC000  }
0x44: {  	[tilespmem:s14], [sflag:$0x2] =	stream.indirect.gather [hbm4b:s4+s12], $0x80, s7, s12, $0xb8;
	[tilespmem:$0x1D000] =	vst v63  }
0x45: {  	_ =	swait.ge [sflag:s15], $0x4000  }
0x46: {  	[sflag:s15] =	ssyncset.done $0x0  }
0x47: {  	s8 =	rddreg [dreg:$0x9];
	[sflag:s15] =	ssyncadd.s32 $0xFFFFC000  }
0x48: {  	[spmem:s2] =	stream.indirect.scatter.add.f32 [tilespmem:s13], [sflag:$0x3], $0x80, s8, s12, $0xb8;
	[tilespmem:$0x1D000] =	vst v63  }
0x49: {  	_ =	swait.ge [sflag:s16], $0x4000  }
0x4a: {  	[sflag:s16] =	ssyncset.done $0x0  }
0x4b: {  	s9 =	rddreg [dreg:$0xa];
	[sflag:s16] =	ssyncadd.s32 $0xFFFFC000  }
0x4c: {  	[tilespmem:s13], [sflag:$0x1] =	stream.indirect.gather [hbm4b:s4+s12], $0x80, s9, s12, $0xb8;
	[tilespmem:$0x1D000] =	vst v63  }
0x4d: {  	_ =	swait.ge [sflag:s17], $0x4000  }
0x4e: {  	[sflag:s17] =	ssyncset.done $0x0  }
0x4f: {  	s7 =	rddreg [dreg:$0xb];
	[sflag:s17] =	ssyncadd.s32 $0xFFFFC000  }
0x50: {  	[spmem:s2] =	stream.indirect.scatter.add.f32 [tilespmem:s14], [sflag:$0x4], $0x80, s7, s12, $0xb8;
	[tilespmem:$0x1D000] =	vst v63  }
0x51: {  	_ =	swait.ge [sflag:s18], $0x4000  }
0x52: {  	[sflag:s18] =	ssyncset.done $0x0  }
0x53: {  	s8 =	rddreg [dreg:$0xc];
	[sflag:s18] =	ssyncadd.s32 $0xFFFFC000  }
0x54: {  	[tilespmem:s14], [sflag:$0x2] =	stream.indirect.gather [hbm4b:s4+s12], $0x80, s8, s12, $0xb8;
	[tilespmem:$0x1D000] =	vst v63  }
0x55: {  	_ =	swait.ge [sflag:s15], $0x4000  }
0x56: {  	[sflag:s15] =	ssyncset.done $0x0  }
0x57: {  	s9 =	rddreg [dreg:$0xd];
	[sflag:s15] =	ssyncadd.s32 $0xFFFFC000  }
0x58: {  	[spmem:s2] =	stream.indirect.scatter.add.f32 [tilespmem:s13], [sflag:$0x3], $0x80, s9, s12, $0xb8;
	[tilespmem:$0x1D000] =	vst v63  }
0x59: {  	_ =	swait.ge [sflag:s16], $0x4000  }
0x5a: {  	[sflag:s16] =	ssyncset.done $0x0  }
0x5b: {  	s7 =	rddreg [dreg:$0xe];
	[sflag:s16] =	ssyncadd.s32 $0xFFFFC000  }
0x5c: {  	[tilespmem:s13], [sflag:$0x1] =	stream.indirect.gather [hbm4b:s4+s12], $0x80, s7, s12, $0xb8;
	[tilespmem:$0x1D000] =	vst v63  }
0x5d: {  	_ =	swait.ge [sflag:s17], $0x4000  }
0x5e: {  	[sflag:s17] =	ssyncset.done $0x0  }
0x5f: {  	s8 =	rddreg [dreg:$0xf];
	[sflag:s17] =	ssyncadd.s32 $0xFFFFC000  }
0x60: {  	[spmem:s2] =	stream.indirect.scatter.add.f32 [tilespmem:s14], [sflag:$0x4], $0x80, s8, s12, $0xb8;
	[tilespmem:$0x1D000] =	vst v63  }
0x61: {  	_ =	swait.ge [sflag:s18], $0x4000  }
0x62: {  	[sflag:s18] =	ssyncset.done $0x0  }
0x63: {  	s9 =	rddreg [dreg:$0x10];
	[sflag:s18] =	ssyncadd.s32 $0xFFFFC000  }
0x64: {  	[tilespmem:s14], [sflag:$0x2] =	stream.indirect.gather [hbm4b:s4+s12], $0x80, s9, s12, $0xb8;
	[tilespmem:$0x1D000] =	vst v63  }
0x65: {  	_ =	swait.ge [sflag:s15], $0x4000  }
0x66: {  	[sflag:s15] =	ssyncset.done $0x0  }
0x67: {  	s7 =	rddreg [dreg:$0x11];
	[sflag:s15] =	ssyncadd.s32 $0xFFFFC000  }
0x68: {  	[spmem:s2] =	stream.indirect.scatter.add.f32 [tilespmem:s13], [sflag:$0x3], $0x80, s7, s12, $0xb8;
	[tilespmem:$0x1D000] =	vst v63  }
0x69: {  	_ =	swait.ge [sflag:s16], $0x4000  }
0x6a: {  	[sflag:s16] =	ssyncset.done $0x0  }
0x6b: {  	s8 =	rddreg [dreg:$0x12];
	[sflag:s16] =	ssyncadd.s32 $0xFFFFC000  }
0x6c: {  	[tilespmem:s13], [sflag:$0x1] =	stream.indirect.gather [hbm4b:s4+s12], $0x80, s8, s12, $0xb8;
	[tilespmem:$0x1D000] =	vst v63  }
0x6d: {  	_ =	swait.ge [sflag:s17], $0x4000  }
0x6e: {  	[sflag:s17] =	ssyncset.done $0x0  }
0x6f: {  	s9 =	rddreg [dreg:$0x13];
	[sflag:s17] =	ssyncadd.s32 $0xFFFFC000  }
0x70: {  	[spmem:s2] =	stream.indirect.scatter.add.f32 [tilespmem:s14], [sflag:$0x4], $0x80, s9, s12, $0xb8;
	[tilespmem:$0x1D000] =	vst v63  }
0x71: {  	_ =	swait.ge [sflag:s18], $0x4000  }
0x72: {  	[sflag:s18] =	ssyncset.done $0x0  }
0x73: {  	[sflag:s18] =	ssyncadd.s32 $0xFFFFC000  }
0x74: {  	[tilespmem:s14], [sflag:$0x2] =	stream.indirect.gather [hbm4b:s4+s12], $0x80, s19, s12, $0xb8;
	[tilespmem:$0x1D000] =	vst v63  }
0x75: {  	_ =	swait.ge [sflag:s15], $0x4000  }
0x76: {  	[sflag:s15] =	ssyncset.done $0x0  }
0x77: {  	[sflag:s15] =	ssyncadd.s32 $0xFFFFC000  }
0x78: {  	[spmem:s2] =	stream.indirect.scatter.add.f32 [tilespmem:s13], [sflag:$0x3], $0x80, s20, s12, $0xb8;
	[tilespmem:$0x1D000] =	vst v63  }
0x79: {  	_ =	swait.ge [sflag:s16], $0x4000  }
0x7a: {  	[sflag:s16] =	ssyncset.done $0x0  }
0x7b: {  	[sflag:s16] =	ssyncadd.s32 $0xFFFFC000  }
0x7c: {  	[tilespmem:s13], [sflag:$0x1] =	stream.indirect.gather [hbm4b:s4+s12], $0x80, s21, s12, $0xb8;
	[tilespmem:$0x1D000] =	vst v63  }
0x7d: {  	_ =	swait.ge [sflag:s17], $0x4000  }
0x7e: {  	[sflag:s17] =	ssyncset.done $0x0  }
0x7f: {  	[sflag:s17] =	ssyncadd.s32 $0xFFFFC000  }
0x80: {  	[spmem:s2] =	stream.indirect.scatter.add.f32 [tilespmem:s14], [sflag:$0x4], $0x80, s22, s12, $0xb8;
	[tilespmem:$0x1D000] =	vst v63  }
0x81: {  	_ =	swait.ge [sflag:s18], $0x4000  }
0x82: {  	[sflag:s18] =	ssyncset.done $0x0  }
0x83: {  	[sflag:s18] =	ssyncadd.s32 $0xFFFFC000  }
0x84: {  	[tilespmem:s14], [sflag:$0x2] =	stream.indirect.gather [hbm4b:s4+s12], $0x80, s23, s12, $0xb8;
	[tilespmem:$0x1D000] =	vst v63  }
0x85: {  	_ =	swait.ge [sflag:s15], $0x4000  }
0x86: {  	[sflag:s15] =	ssyncset.done $0x0  }
0x87: {  	[sflag:s15] =	ssyncadd.s32 $0xFFFFC000  }
0x88: {  	[spmem:s2] =	stream.indirect.scatter.add.f32 [tilespmem:s13], [sflag:$0x3], $0x80, s24, s12, $0xb8;
	[tilespmem:$0x1D000] =	vst v63  }
0x89: {  	_ =	swait.ge [sflag:s16], $0x4000  }
0x8a: {  	[sflag:s16] =	ssyncset.done $0x0  }
0x8b: {  	[sflag:s16] =	ssyncadd.s32 $0xFFFFC000  }
0x8c: {  	[tilespmem:s13], [sflag:$0x1] =	stream.indirect.gather [hbm4b:s4+s12], $0x80, s25, s12, $0xb8;
	[tilespmem:$0x1D000] =	vst v63  }
0x8d: {  	_ =	swait.ge [sflag:s17], $0x4000  }
0x8e: {  	[sflag:s17] =	ssyncset.done $0x0  }
0x8f: {  	[sflag:s17] =	ssyncadd.s32 $0xFFFFC000  }
0x90: {  	[spmem:s2] =	stream.indirect.scatter.add.f32 [tilespmem:s14], [sflag:$0x4], $0x80, s26, s12, $0xb8;
	[tilespmem:$0x1D000] =	vst v63  }
0x91: {  	_ =	swait.ge [sflag:s18], $0x4000  }
0x92: {  	[sflag:s18] =	ssyncset.done $0x0  }
0x93: {  	[sflag:s18] =	ssyncadd.s32 $0xFFFFC000  }
0x94: {  	[tilespmem:s14], [sflag:$0x2] =	stream.indirect.gather [hbm4b:s4+s12], $0x80, s28, s12, $0xb8;
	[tilespmem:$0x1D000] =	vst v63  }
0x95: {  	_ =	swait.ge [sflag:s15], $0x4000  }
0x96: {  	[sflag:s15] =	ssyncset.done $0x0  }
0x97: {  	[sflag:s15] =	ssyncadd.s32 $0xFFFFC000  }
0x98: {  	[spmem:s2] =	stream.indirect.scatter.add.f32 [tilespmem:s13], [sflag:$0x3], $0x80, s29, s12, $0xb8;
	[tilespmem:$0x1D000] =	vst v63  }
0x99: {  	_ =	swait.ge [sflag:s16], $0x4000  }
0x9a: {  	[sflag:s16] =	ssyncset.done $0x0  }
0x9b: {  	[sflag:s16] =	ssyncadd.s32 $0xFFFFC000  }
0x9c: {  	[tilespmem:s13], [sflag:$0x1] =	stream.indirect.gather [hbm4b:s4+s12], $0x80, s30, s12, $0xb8;
	[tilespmem:$0x1D000] =	vst v63  }
0x9d: {  	_ =	swait.ge [sflag:s17], $0x4000  }
0x9e: {  	[sflag:s17] =	ssyncset.done $0x0  }
0x9f: {  	[sflag:s17] =	ssyncadd.s32 $0xFFFFC000  }
0xa0: {  	[spmem:s2] =	stream.indirect.scatter.add.f32 [tilespmem:s14], [sflag:$0x4], $0x80, s31, s12, $0xb8;
	[tilespmem:$0x1D000] =	vst v63  }
0xa1: {  	_ =	swait.ge [sflag:s18], $0x4000  }
0xa2: {  	[sflag:s18] =	ssyncset.done $0x0  }
0xa3: {  	[sflag:s18] =	ssyncadd.s32 $0xFFFFC000  }
0xa4: {  	[tilespmem:s14], [sflag:$0x2] =	stream.indirect.gather [hbm4b:s4+s12], $0x80, s1, s12, $0xb8;
	[tilespmem:$0x1D000] =	vst v63  }
0xa5: {  	_ =	swait.ge [sflag:s15], $0x4000  }
0xa6: {  	[sflag:s15] =	ssyncset.done $0x0  }
0xa7: {  	[sflag:s15] =	ssyncadd.s32 $0xFFFFC000  }
0xa8: {  	[spmem:s2] =	stream.indirect.scatter.add.f32 [tilespmem:s13], [sflag:$0x3], $0x80, s0, s12, $0xb8;
	[tilespmem:$0x1D000] =	vst v63  }
0xa9: {  	_ =	swait.ge [sflag:s17], $0x4000  }
0xaa: {  	[sflag:s17] =	ssyncset.done $0x0  }
0xab: {  	[sflag:s17] =	ssyncadd.s32 $0xFFFFC000  }
0xac: {  	[spmem:s2] =	stream.indirect.scatter.add.f32 [tilespmem:s14], [sflag:$0x4], $0x80, s6, s12, $0xb8;
	[tilespmem:$0x1D000] =	vst v63  }
0xad: {  	_ =	swait.ge [sflag:s16], $0x4000  }
0xae: {  	[sflag:s16] =	ssyncset.done $0x0  }
0xaf: {  	[sflag:s16] =	ssyncadd.s32 $0xFFFFC000  }
0xb0: {  	s5 =	simm.s32 $0x100;
	_ =	swait.ge [sflag:s18], $0x4000  }
0xb1: {  	s8 =	simm.s32 $0x200;
	s9 =	rddreg [dreg:$0x5];
	[sflag:s18] =	ssyncset.done $0x0  }
.LBB2_2:
0xb2: {  	[sflag:s18] =	ssyncadd.s32 $0xFFFFC000;
	s9 =	sadd.s32 s5, s9  }
0xb3: {  	[tilespmem:s3], [sflag:$0x5] =	stream.linear.gather [hbm4b:s9+s3], $0x800, $0x38;
	[tilespmem:$0x1D000] =	vst v63  }
0xb4: {  	_ =	swait.ge [sflag:s10], $0x800  }
0xb5: {  	s9 =	rddreg [dreg:$0x4];
	[sflag:s10] =	ssyncset.done $0x0  }
0xb6: {  	[sflag:s10] =	ssyncadd.s32 $0xFFFFF800;
	s9 =	sadd.s32 s5, s9  }
0xb7: {  	[tilespmem:s11], [sflag:$0x5] =	stream.linear.gather [hbm4b:s9+s3], $0x800, $0x38;
	[tilespmem:$0x1D000] =	vst v63  }
0xb8: {  	_ =	swait.ge [sflag:s10], $0x800  }
0xb9: {  	[sflag:s10] =	ssyncset.done $0x0  }
0xba: {  	[sflag:s10] =	ssyncadd.s32 $0xFFFFF800  }
0xbb: {  	[tilespmem:s13], [sflag:$0x1] =	stream.indirect.gather [hbm4b:s4+s12], $0x80, s3, s12, $0xb8;
	[tilespmem:$0x1D000] =	vst v63  }
0xbc: {  	_ = 	snop  }
0xbd: {  	[tilespmem:s14], [sflag:$0x2] =	stream.indirect.gather [hbm4b:s4+s12], $0x80, s12, s12, $0xb8;
	[tilespmem:$0x1D000] =	vst v63  }
0xbe: {  	_ =	swait.ge [sflag:s15], $0x4000  }
0xbf: {  	[sflag:s15] =	ssyncset.done $0x0  }
0xc0: {  	[sflag:s15] =	ssyncadd.s32 $0xFFFFC000  }
0xc1: {  	[spmem:s2] =	stream.indirect.scatter.add.f32 [tilespmem:s13], [sflag:$0x3], $0x80, s11, s12, $0xb8;
	[tilespmem:$0x1D000] =	vst v63  }
0xc2: {  	_ =	swait.ge [sflag:s16], $0x4000  }
0xc3: {  	[sflag:s16] =	ssyncset.done $0x0  }
0xc4: {  	s9 =	rddreg [dreg:$0x6];
	[sflag:s16] =	ssyncadd.s32 $0xFFFFC000  }
0xc5: {  	[tilespmem:s13], [sflag:$0x1] =	stream.indirect.gather [hbm4b:s4+s12], $0x80, s9, s12, $0xb8;
	[tilespmem:$0x1D000] =	vst v63  }
0xc6: {  	_ =	swait.ge [sflag:s17], $0x4000  }
0xc7: {  	[sflag:s17] =	ssyncset.done $0x0  }
0xc8: {  	s9 =	rddreg [dreg:$0x7];
	[sflag:s17] =	ssyncadd.s32 $0xFFFFC000  }
0xc9: {  	[spmem:s2] =	stream.indirect.scatter.add.f32 [tilespmem:s14], [sflag:$0x4], $0x80, s9, s12, $0xb8;
	[tilespmem:$0x1D000] =	vst v63  }
0xca: {  	_ =	swait.ge [sflag:s18], $0x4000  }
0xcb: {  	[sflag:s18] =	ssyncset.done $0x0  }
0xcc: {  	s9 =	rddreg [dreg:$0x8];
	[sflag:s18] =	ssyncadd.s32 $0xFFFFC000  }
0xcd: {  	[tilespmem:s14], [sflag:$0x2] =	stream.indirect.gather [hbm4b:s4+s12], $0x80, s9, s12, $0xb8;
	[tilespmem:$0x1D000] =	vst v63  }
0xce: {  	_ =	swait.ge [sflag:s15], $0x4000  }
0xcf: {  	[sflag:s15] =	ssyncset.done $0x0  }
0xd0: {  	s9 =	rddreg [dreg:$0x9];
	[sflag:s15] =	ssyncadd.s32 $0xFFFFC000  }
0xd1: {  	[spmem:s2] =	stream.indirect.scatter.add.f32 [tilespmem:s13], [sflag:$0x3], $0x80, s9, s12, $0xb8;
	[tilespmem:$0x1D000] =	vst v63  }
0xd2: {  	_ =	swait.ge [sflag:s16], $0x4000  }
0xd3: {  	[sflag:s16] =	ssyncset.done $0x0  }
0xd4: {  	s9 =	rddreg [dreg:$0xa];
	[sflag:s16] =	ssyncadd.s32 $0xFFFFC000  }
0xd5: {  	[tilespmem:s13], [sflag:$0x1] =	stream.indirect.gather [hbm4b:s4+s12], $0x80, s9, s12, $0xb8;
	[tilespmem:$0x1D000] =	vst v63  }
0xd6: {  	_ =	swait.ge [sflag:s17], $0x4000  }
0xd7: {  	[sflag:s17] =	ssyncset.done $0x0  }
0xd8: {  	s9 =	rddreg [dreg:$0xb];
	[sflag:s17] =	ssyncadd.s32 $0xFFFFC000  }
0xd9: {  	[spmem:s2] =	stream.indirect.scatter.add.f32 [tilespmem:s14], [sflag:$0x4], $0x80, s9, s12, $0xb8;
	[tilespmem:$0x1D000] =	vst v63  }
0xda: {  	_ =	swait.ge [sflag:s18], $0x4000  }
0xdb: {  	[sflag:s18] =	ssyncset.done $0x0  }
0xdc: {  	s9 =	rddreg [dreg:$0xc];
	[sflag:s18] =	ssyncadd.s32 $0xFFFFC000  }
0xdd: {  	[tilespmem:s14], [sflag:$0x2] =	stream.indirect.gather [hbm4b:s4+s12], $0x80, s9, s12, $0xb8;
	[tilespmem:$0x1D000] =	vst v63  }
0xde: {  	_ =	swait.ge [sflag:s15], $0x4000  }
0xdf: {  	[sflag:s15] =	ssyncset.done $0x0  }
0xe0: {  	s9 =	rddreg [dreg:$0xd];
	[sflag:s15] =	ssyncadd.s32 $0xFFFFC000  }
0xe1: {  	[spmem:s2] =	stream.indirect.scatter.add.f32 [tilespmem:s13], [sflag:$0x3], $0x80, s9, s12, $0xb8;
	[tilespmem:$0x1D000] =	vst v63  }
0xe2: {  	_ =	swait.ge [sflag:s16], $0x4000  }
0xe3: {  	[sflag:s16] =	ssyncset.done $0x0  }
0xe4: {  	s9 =	rddreg [dreg:$0xe];
	[sflag:s16] =	ssyncadd.s32 $0xFFFFC000  }
0xe5: {  	[tilespmem:s13], [sflag:$0x1] =	stream.indirect.gather [hbm4b:s4+s12], $0x80, s9, s12, $0xb8;
	[tilespmem:$0x1D000] =	vst v63  }
0xe6: {  	_ =	swait.ge [sflag:s17], $0x4000  }
0xe7: {  	[sflag:s17] =	ssyncset.done $0x0  }
0xe8: {  	s9 =	rddreg [dreg:$0xf];
	[sflag:s17] =	ssyncadd.s32 $0xFFFFC000  }
0xe9: {  	[spmem:s2] =	stream.indirect.scatter.add.f32 [tilespmem:s14], [sflag:$0x4], $0x80, s9, s12, $0xb8;
	[tilespmem:$0x1D000] =	vst v63  }
0xea: {  	_ =	swait.ge [sflag:s18], $0x4000  }
0xeb: {  	[sflag:s18] =	ssyncset.done $0x0  }
0xec: {  	s9 =	rddreg [dreg:$0x10];
	[sflag:s18] =	ssyncadd.s32 $0xFFFFC000  }
0xed: {  	[tilespmem:s14], [sflag:$0x2] =	stream.indirect.gather [hbm4b:s4+s12], $0x80, s9, s12, $0xb8;
	[tilespmem:$0x1D000] =	vst v63  }
0xee: {  	_ =	swait.ge [sflag:s15], $0x4000  }
0xef: {  	[sflag:s15] =	ssyncset.done $0x0  }
0xf0: {  	s9 =	rddreg [dreg:$0x11];
	[sflag:s15] =	ssyncadd.s32 $0xFFFFC000  }
0xf1: {  	[spmem:s2] =	stream.indirect.scatter.add.f32 [tilespmem:s13], [sflag:$0x3], $0x80, s9, s12, $0xb8;
	[tilespmem:$0x1D000] =	vst v63  }
0xf2: {  	_ =	swait.ge [sflag:s16], $0x4000  }
0xf3: {  	[sflag:s16] =	ssyncset.done $0x0  }
0xf4: {  	s9 =	rddreg [dreg:$0x12];
	[sflag:s16] =	ssyncadd.s32 $0xFFFFC000  }
0xf5: {  	[tilespmem:s13], [sflag:$0x1] =	stream.indirect.gather [hbm4b:s4+s12], $0x80, s9, s12, $0xb8;
	[tilespmem:$0x1D000] =	vst v63  }
0xf6: {  	_ =	swait.ge [sflag:s17], $0x4000  }
0xf7: {  	[sflag:s17] =	ssyncset.done $0x0  }
0xf8: {  	s9 =	rddreg [dreg:$0x13];
	[sflag:s17] =	ssyncadd.s32 $0xFFFFC000  }
0xf9: {  	[spmem:s2] =	stream.indirect.scatter.add.f32 [tilespmem:s14], [sflag:$0x4], $0x80, s9, s12, $0xb8;
	[tilespmem:$0x1D000] =	vst v63  }
0xfa: {  	_ =	swait.ge [sflag:s18], $0x4000  }
0xfb: {  	[sflag:s18] =	ssyncset.done $0x0  }
0xfc: {  	[sflag:s18] =	ssyncadd.s32 $0xFFFFC000  }
0xfd: {  	[tilespmem:s14], [sflag:$0x2] =	stream.indirect.gather [hbm4b:s4+s12], $0x80, s19, s12, $0xb8;
	[tilespmem:$0x1D000] =	vst v63  }
0xfe: {  	_ =	swait.ge [sflag:s15], $0x4000  }
0xff: {  	[sflag:s15] =	ssyncset.done $0x0  }
0x100: {  	[sflag:s15] =	ssyncadd.s32 $0xFFFFC000  }
0x101: {  	[spmem:s2] =	stream.indirect.scatter.add.f32 [tilespmem:s13], [sflag:$0x3], $0x80, s20, s12, $0xb8;
	[tilespmem:$0x1D000] =	vst v63  }
0x102: {  	_ =	swait.ge [sflag:s16], $0x4000  }
0x103: {  	[sflag:s16] =	ssyncset.done $0x0  }
0x104: {  	[sflag:s16] =	ssyncadd.s32 $0xFFFFC000  }
0x105: {  	[tilespmem:s13], [sflag:$0x1] =	stream.indirect.gather [hbm4b:s4+s12], $0x80, s21, s12, $0xb8;
	[tilespmem:$0x1D000] =	vst v63  }
0x106: {  	_ =	swait.ge [sflag:s17], $0x4000  }
0x107: {  	[sflag:s17] =	ssyncset.done $0x0  }
0x108: {  	[sflag:s17] =	ssyncadd.s32 $0xFFFFC000  }
0x109: {  	[spmem:s2] =	stream.indirect.scatter.add.f32 [tilespmem:s14], [sflag:$0x4], $0x80, s22, s12, $0xb8;
	[tilespmem:$0x1D000] =	vst v63  }
0x10a: {  	_ =	swait.ge [sflag:s18], $0x4000  }
0x10b: {  	[sflag:s18] =	ssyncset.done $0x0  }
0x10c: {  	[sflag:s18] =	ssyncadd.s32 $0xFFFFC000  }
0x10d: {  	[tilespmem:s14], [sflag:$0x2] =	stream.indirect.gather [hbm4b:s4+s12], $0x80, s23, s12, $0xb8;
	[tilespmem:$0x1D000] =	vst v63  }
0x10e: {  	_ =	swait.ge [sflag:s15], $0x4000  }
0x10f: {  	[sflag:s15] =	ssyncset.done $0x0  }
0x110: {  	[sflag:s15] =	ssyncadd.s32 $0xFFFFC000  }
0x111: {  	[spmem:s2] =	stream.indirect.scatter.add.f32 [tilespmem:s13], [sflag:$0x3], $0x80, s24, s12, $0xb8;
	[tilespmem:$0x1D000] =	vst v63  }
0x112: {  	_ =	swait.ge [sflag:s16], $0x4000  }
0x113: {  	[sflag:s16] =	ssyncset.done $0x0  }
0x114: {  	[sflag:s16] =	ssyncadd.s32 $0xFFFFC000  }
0x115: {  	[tilespmem:s13], [sflag:$0x1] =	stream.indirect.gather [hbm4b:s4+s12], $0x80, s25, s12, $0xb8;
	[tilespmem:$0x1D000] =	vst v63  }
0x116: {  	_ =	swait.ge [sflag:s17], $0x4000  }
0x117: {  	[sflag:s17] =	ssyncset.done $0x0  }
0x118: {  	[sflag:s17] =	ssyncadd.s32 $0xFFFFC000  }
0x119: {  	[spmem:s2] =	stream.indirect.scatter.add.f32 [tilespmem:s14], [sflag:$0x4], $0x80, s26, s12, $0xb8;
	[tilespmem:$0x1D000] =	vst v63  }
0x11a: {  	_ =	swait.ge [sflag:s18], $0x4000  }
0x11b: {  	[sflag:s18] =	ssyncset.done $0x0  }
0x11c: {  	[sflag:s18] =	ssyncadd.s32 $0xFFFFC000  }
0x11d: {  	[tilespmem:s14], [sflag:$0x2] =	stream.indirect.gather [hbm4b:s4+s12], $0x80, s28, s12, $0xb8;
	[tilespmem:$0x1D000] =	vst v63  }
0x11e: {  	_ =	swait.ge [sflag:s15], $0x4000  }
0x11f: {  	[sflag:s15] =	ssyncset.done $0x0  }
0x120: {  	[sflag:s15] =	ssyncadd.s32 $0xFFFFC000  }
0x121: {  	[spmem:s2] =	stream.indirect.scatter.add.f32 [tilespmem:s13], [sflag:$0x3], $0x80, s29, s12, $0xb8;
	[tilespmem:$0x1D000] =	vst v63  }
0x122: {  	_ =	swait.ge [sflag:s16], $0x4000  }
0x123: {  	[sflag:s16] =	ssyncset.done $0x0  }
0x124: {  	[sflag:s16] =	ssyncadd.s32 $0xFFFFC000  }
0x125: {  	[tilespmem:s13], [sflag:$0x1] =	stream.indirect.gather [hbm4b:s4+s12], $0x80, s30, s12, $0xb8;
	[tilespmem:$0x1D000] =	vst v63  }
0x126: {  	_ =	swait.ge [sflag:s17], $0x4000  }
0x127: {  	[sflag:s17] =	ssyncset.done $0x0  }
0x128: {  	[sflag:s17] =	ssyncadd.s32 $0xFFFFC000  }
0x129: {  	[spmem:s2] =	stream.indirect.scatter.add.f32 [tilespmem:s14], [sflag:$0x4], $0x80, s31, s12, $0xb8;
	[tilespmem:$0x1D000] =	vst v63  }
0x12a: {  	_ =	swait.ge [sflag:s18], $0x4000  }
0x12b: {  	[sflag:s18] =	ssyncset.done $0x0  }
0x12c: {  	[sflag:s18] =	ssyncadd.s32 $0xFFFFC000  }
0x12d: {  	[tilespmem:s14], [sflag:$0x2] =	stream.indirect.gather [hbm4b:s4+s12], $0x80, s1, s12, $0xb8;
	[tilespmem:$0x1D000] =	vst v63  }
0x12e: {  	_ =	swait.ge [sflag:s15], $0x4000  }
0x12f: {  	[sflag:s15] =	ssyncset.done $0x0  }
0x130: {  	[sflag:s15] =	ssyncadd.s32 $0xFFFFC000  }
0x131: {  	[spmem:s2] =	stream.indirect.scatter.add.f32 [tilespmem:s13], [sflag:$0x3], $0x80, s0, s12, $0xb8;
	[tilespmem:$0x1D000] =	vst v63  }
0x132: {  	_ =	swait.ge [sflag:s17], $0x4000  }
0x133: {  	[sflag:s17] =	ssyncset.done $0x0  }
0x134: {  	p0 =	sne.s32 s8, $0x400;
	[sflag:s17] =	ssyncadd.s32 $0xFFFFC000  }
0x135: {  	[spmem:s2] =	stream.indirect.scatter.add.f32 [tilespmem:s14], [sflag:$0x4], $0x80, s6, s12, $0xb8;
	[tilespmem:$0x1D000] =	vst v63  }
.Ltmp0:
0x136: {  	_ =	swait.ge [sflag:s16], $0x4000;
	(pc) =	sbr.rel @p0 .LBB2_2-.Ltmp0, $4  }
0x137: {  	[sflag:s16] =	ssyncset.done $0x0  }
0x138: {  	[sflag:s16] =	ssyncadd.s32 $0xFFFFC000  }
0x139: {  	s7 =	smov.u32 s8;
	s8 =	sadd.s32 $0x100, s8;
	_ =	swait.ge [sflag:s18], $0x4000  }
0x13a: {  	s5 =	smov.u32 s7;
	s9 =	rddreg [dreg:$0x5];
	[sflag:s18] =	ssyncset.done $0x0  }
0x13b: {  	[sflag:s18] =	ssyncadd.s32 $0xFFFFC000;
	s7 =	sadd.s32 s5, s9  }
0x13c: {  	[tilespmem:s3], [sflag:$0x5] =	stream.linear.gather [hbm4b:s7+s3], $0x800, $0x38;
	[tilespmem:$0x1D000] =	vst v63  }
0x13d: {  	_ =	swait.ge [sflag:s10], $0x800  }
0x13e: {  	s8 =	rddreg [dreg:$0x4];
	[sflag:s10] =	ssyncset.done $0x0  }
0x13f: {  	s9 =	sadd.s32 s5, s8;
	[sflag:s10] =	ssyncadd.s32 $0xFFFFF800  }
0x140: {  	[tilespmem:s11], [sflag:$0x5] =	stream.linear.gather [hbm4b:s9+s3], $0x800, $0x38;
	[tilespmem:$0x1D000] =	vst v63  }
0x141: {  	_ =	swait.ge [sflag:s10], $0x800  }
0x142: {  	[sflag:s10] =	ssyncset.done $0x0  }
0x143: {  	[sflag:s10] =	ssyncadd.s32 $0xFFFFF800  }
0x144: {  	[tilespmem:s13], [sflag:$0x1] =	stream.indirect.gather [hbm4b:s4+s12], $0x80, s3, s12, $0xb8;
	[tilespmem:$0x1D000] =	vst v63  }
0x145: {  	_ = 	snop  }
0x146: {  	[tilespmem:s14], [sflag:$0x2] =	stream.indirect.gather [hbm4b:s4+s12], $0x80, s12, s12, $0xb8;
	[tilespmem:$0x1D000] =	vst v63  }
0x147: {  	_ =	swait.ge [sflag:s15], $0x4000  }
0x148: {  	[sflag:s15] =	ssyncset.done $0x0  }
0x149: {  	[sflag:s15] =	ssyncadd.s32 $0xFFFFC000  }
0x14a: {  	[spmem:s2] =	stream.indirect.scatter.add.f32 [tilespmem:s13], [sflag:$0x3], $0x80, s11, s12, $0xb8;
	[tilespmem:$0x1D000] =	vst v63  }
0x14b: {  	_ =	swait.ge [sflag:s16], $0x4000  }
0x14c: {  	[sflag:s16] =	ssyncset.done $0x0  }
0x14d: {  	s7 =	rddreg [dreg:$0x6];
	[sflag:s16] =	ssyncadd.s32 $0xFFFFC000  }
0x14e: {  	[tilespmem:s13], [sflag:$0x1] =	stream.indirect.gather [hbm4b:s4+s12], $0x80, s7, s12, $0xb8;
	[tilespmem:$0x1D000] =	vst v63  }
0x14f: {  	_ =	swait.ge [sflag:s17], $0x4000  }
0x150: {  	[sflag:s17] =	ssyncset.done $0x0  }
0x151: {  	s8 =	rddreg [dreg:$0x7];
	[sflag:s17] =	ssyncadd.s32 $0xFFFFC000  }
0x152: {  	[spmem:s2] =	stream.indirect.scatter.add.f32 [tilespmem:s14], [sflag:$0x4], $0x80, s8, s12, $0xb8;
	[tilespmem:$0x1D000] =	vst v63  }
0x153: {  	_ =	swait.ge [sflag:s18], $0x4000  }
0x154: {  	[sflag:s18] =	ssyncset.done $0x0  }
0x155: {  	s9 =	rddreg [dreg:$0x8];
	[sflag:s18] =	ssyncadd.s32 $0xFFFFC000  }
0x156: {  	[tilespmem:s14], [sflag:$0x2] =	stream.indirect.gather [hbm4b:s4+s12], $0x80, s9, s12, $0xb8;
	[tilespmem:$0x1D000] =	vst v63  }
0x157: {  	_ =	swait.ge [sflag:s15], $0x4000  }
0x158: {  	[sflag:s15] =	ssyncset.done $0x0  }
0x159: {  	s7 =	rddreg [dreg:$0x9];
	[sflag:s15] =	ssyncadd.s32 $0xFFFFC000  }
0x15a: {  	[spmem:s2] =	stream.indirect.scatter.add.f32 [tilespmem:s13], [sflag:$0x3], $0x80, s7, s12, $0xb8;
	[tilespmem:$0x1D000] =	vst v63  }
0x15b: {  	_ =	swait.ge [sflag:s16], $0x4000  }
0x15c: {  	[sflag:s16] =	ssyncset.done $0x0  }
0x15d: {  	s8 =	rddreg [dreg:$0xa];
	[sflag:s16] =	ssyncadd.s32 $0xFFFFC000  }
0x15e: {  	[tilespmem:s13], [sflag:$0x1] =	stream.indirect.gather [hbm4b:s4+s12], $0x80, s8, s12, $0xb8;
	[tilespmem:$0x1D000] =	vst v63  }
0x15f: {  	_ =	swait.ge [sflag:s17], $0x4000  }
0x160: {  	[sflag:s17] =	ssyncset.done $0x0  }
0x161: {  	s9 =	rddreg [dreg:$0xb];
	[sflag:s17] =	ssyncadd.s32 $0xFFFFC000  }
0x162: {  	[spmem:s2] =	stream.indirect.scatter.add.f32 [tilespmem:s14], [sflag:$0x4], $0x80, s9, s12, $0xb8;
	[tilespmem:$0x1D000] =	vst v63  }
0x163: {  	_ =	swait.ge [sflag:s18], $0x4000  }
0x164: {  	[sflag:s18] =	ssyncset.done $0x0  }
0x165: {  	s7 =	rddreg [dreg:$0xc];
	[sflag:s18] =	ssyncadd.s32 $0xFFFFC000  }
0x166: {  	[tilespmem:s14], [sflag:$0x2] =	stream.indirect.gather [hbm4b:s4+s12], $0x80, s7, s12, $0xb8;
	[tilespmem:$0x1D000] =	vst v63  }
0x167: {  	_ =	swait.ge [sflag:s15], $0x4000  }
0x168: {  	[sflag:s15] =	ssyncset.done $0x0  }
0x169: {  	s8 =	rddreg [dreg:$0xd];
	[sflag:s15] =	ssyncadd.s32 $0xFFFFC000  }
0x16a: {  	[spmem:s2] =	stream.indirect.scatter.add.f32 [tilespmem:s13], [sflag:$0x3], $0x80, s8, s12, $0xb8;
	[tilespmem:$0x1D000] =	vst v63  }
0x16b: {  	_ =	swait.ge [sflag:s16], $0x4000  }
0x16c: {  	[sflag:s16] =	ssyncset.done $0x0  }
0x16d: {  	s9 =	rddreg [dreg:$0xe];
	[sflag:s16] =	ssyncadd.s32 $0xFFFFC000  }
0x16e: {  	[tilespmem:s13], [sflag:$0x1] =	stream.indirect.gather [hbm4b:s4+s12], $0x80, s9, s12, $0xb8;
	[tilespmem:$0x1D000] =	vst v63  }
0x16f: {  	_ =	swait.ge [sflag:s17], $0x4000  }
0x170: {  	[sflag:s17] =	ssyncset.done $0x0  }
0x171: {  	s7 =	rddreg [dreg:$0xf];
	[sflag:s17] =	ssyncadd.s32 $0xFFFFC000  }
0x172: {  	[spmem:s2] =	stream.indirect.scatter.add.f32 [tilespmem:s14], [sflag:$0x4], $0x80, s7, s12, $0xb8;
	[tilespmem:$0x1D000] =	vst v63  }
0x173: {  	_ =	swait.ge [sflag:s18], $0x4000  }
0x174: {  	[sflag:s18] =	ssyncset.done $0x0  }
0x175: {  	s8 =	rddreg [dreg:$0x10];
	[sflag:s18] =	ssyncadd.s32 $0xFFFFC000  }
0x176: {  	[tilespmem:s14], [sflag:$0x2] =	stream.indirect.gather [hbm4b:s4+s12], $0x80, s8, s12, $0xb8;
	[tilespmem:$0x1D000] =	vst v63  }
0x177: {  	_ =	swait.ge [sflag:s15], $0x4000  }
0x178: {  	[sflag:s15] =	ssyncset.done $0x0  }
0x179: {  	s9 =	rddreg [dreg:$0x11];
	[sflag:s15] =	ssyncadd.s32 $0xFFFFC000  }
0x17a: {  	[spmem:s2] =	stream.indirect.scatter.add.f32 [tilespmem:s13], [sflag:$0x3], $0x80, s9, s12, $0xb8;
	[tilespmem:$0x1D000] =	vst v63  }
0x17b: {  	_ =	swait.ge [sflag:s16], $0x4000  }
0x17c: {  	[sflag:s16] =	ssyncset.done $0x0  }
0x17d: {  	s7 =	rddreg [dreg:$0x12];
	[sflag:s16] =	ssyncadd.s32 $0xFFFFC000  }
0x17e: {  	[tilespmem:s13], [sflag:$0x1] =	stream.indirect.gather [hbm4b:s4+s12], $0x80, s7, s12, $0xb8;
	[tilespmem:$0x1D000] =	vst v63  }
0x17f: {  	_ =	swait.ge [sflag:s17], $0x4000  }
0x180: {  	[sflag:s17] =	ssyncset.done $0x0  }
0x181: {  	s8 =	rddreg [dreg:$0x13];
	[sflag:s17] =	ssyncadd.s32 $0xFFFFC000  }
0x182: {  	[spmem:s2] =	stream.indirect.scatter.add.f32 [tilespmem:s14], [sflag:$0x4], $0x80, s8, s12, $0xb8;
	[tilespmem:$0x1D000] =	vst v63  }
0x183: {  	_ =	swait.ge [sflag:s18], $0x4000  }
0x184: {  	[sflag:s18] =	ssyncset.done $0x0  }
0x185: {  	[sflag:s18] =	ssyncadd.s32 $0xFFFFC000  }
0x186: {  	[tilespmem:s14], [sflag:$0x2] =	stream.indirect.gather [hbm4b:s4+s12], $0x80, s19, s12, $0xb8;
	[tilespmem:$0x1D000] =	vst v63  }
0x187: {  	_ =	swait.ge [sflag:s15], $0x4000  }
0x188: {  	[sflag:s15] =	ssyncset.done $0x0  }
0x189: {  	[sflag:s15] =	ssyncadd.s32 $0xFFFFC000  }
0x18a: {  	[spmem:s2] =	stream.indirect.scatter.add.f32 [tilespmem:s13], [sflag:$0x3], $0x80, s20, s12, $0xb8;
	[tilespmem:$0x1D000] =	vst v63  }
0x18b: {  	_ =	swait.ge [sflag:s16], $0x4000  }
0x18c: {  	[sflag:s16] =	ssyncset.done $0x0  }
0x18d: {  	[sflag:s16] =	ssyncadd.s32 $0xFFFFC000  }
0x18e: {  	[tilespmem:s13], [sflag:$0x1] =	stream.indirect.gather [hbm4b:s4+s12], $0x80, s21, s12, $0xb8;
	[tilespmem:$0x1D000] =	vst v63  }
0x18f: {  	_ =	swait.ge [sflag:s17], $0x4000  }
0x190: {  	[sflag:s17] =	ssyncset.done $0x0  }
0x191: {  	[sflag:s17] =	ssyncadd.s32 $0xFFFFC000  }
0x192: {  	[spmem:s2] =	stream.indirect.scatter.add.f32 [tilespmem:s14], [sflag:$0x4], $0x80, s22, s12, $0xb8;
	[tilespmem:$0x1D000] =	vst v63  }
0x193: {  	_ =	swait.ge [sflag:s18], $0x4000  }
0x194: {  	[sflag:s18] =	ssyncset.done $0x0  }
0x195: {  	[sflag:s18] =	ssyncadd.s32 $0xFFFFC000  }
0x196: {  	[tilespmem:s14], [sflag:$0x2] =	stream.indirect.gather [hbm4b:s4+s12], $0x80, s23, s12, $0xb8;
	[tilespmem:$0x1D000] =	vst v63  }
0x197: {  	_ =	swait.ge [sflag:s15], $0x4000  }
0x198: {  	[sflag:s15] =	ssyncset.done $0x0  }
0x199: {  	[sflag:s15] =	ssyncadd.s32 $0xFFFFC000  }
0x19a: {  	[spmem:s2] =	stream.indirect.scatter.add.f32 [tilespmem:s13], [sflag:$0x3], $0x80, s24, s12, $0xb8;
	[tilespmem:$0x1D000] =	vst v63  }
0x19b: {  	_ =	swait.ge [sflag:s16], $0x4000  }
0x19c: {  	[sflag:s16] =	ssyncset.done $0x0  }
0x19d: {  	[sflag:s16] =	ssyncadd.s32 $0xFFFFC000  }
0x19e: {  	[tilespmem:s13], [sflag:$0x1] =	stream.indirect.gather [hbm4b:s4+s12], $0x80, s25, s12, $0xb8;
	[tilespmem:$0x1D000] =	vst v63  }
0x19f: {  	_ =	swait.ge [sflag:s17], $0x4000  }
0x1a0: {  	[sflag:s17] =	ssyncset.done $0x0  }
0x1a1: {  	[sflag:s17] =	ssyncadd.s32 $0xFFFFC000  }
0x1a2: {  	[spmem:s2] =	stream.indirect.scatter.add.f32 [tilespmem:s14], [sflag:$0x4], $0x80, s26, s12, $0xb8;
	[tilespmem:$0x1D000] =	vst v63  }
0x1a3: {  	_ =	swait.ge [sflag:s18], $0x4000  }
0x1a4: {  	[sflag:s18] =	ssyncset.done $0x0  }
0x1a5: {  	[sflag:s18] =	ssyncadd.s32 $0xFFFFC000  }
0x1a6: {  	[tilespmem:s14], [sflag:$0x2] =	stream.indirect.gather [hbm4b:s4+s12], $0x80, s28, s12, $0xb8;
	[tilespmem:$0x1D000] =	vst v63  }
0x1a7: {  	_ =	swait.ge [sflag:s15], $0x4000  }
0x1a8: {  	[sflag:s15] =	ssyncset.done $0x0  }
0x1a9: {  	[sflag:s15] =	ssyncadd.s32 $0xFFFFC000  }
0x1aa: {  	[spmem:s2] =	stream.indirect.scatter.add.f32 [tilespmem:s13], [sflag:$0x3], $0x80, s29, s12, $0xb8;
	[tilespmem:$0x1D000] =	vst v63  }
0x1ab: {  	_ =	swait.ge [sflag:s16], $0x4000  }
0x1ac: {  	[sflag:s16] =	ssyncset.done $0x0  }
0x1ad: {  	[sflag:s16] =	ssyncadd.s32 $0xFFFFC000  }
0x1ae: {  	[tilespmem:s13], [sflag:$0x1] =	stream.indirect.gather [hbm4b:s4+s12], $0x80, s30, s12, $0xb8;
	[tilespmem:$0x1D000] =	vst v63  }
0x1af: {  	_ =	swait.ge [sflag:s17], $0x4000  }
0x1b0: {  	[sflag:s17] =	ssyncset.done $0x0  }
0x1b1: {  	[sflag:s17] =	ssyncadd.s32 $0xFFFFC000  }
0x1b2: {  	[spmem:s2] =	stream.indirect.scatter.add.f32 [tilespmem:s14], [sflag:$0x4], $0x80, s31, s12, $0xb8;
	[tilespmem:$0x1D000] =	vst v63  }
0x1b3: {  	_ =	swait.ge [sflag:s18], $0x4000  }
0x1b4: {  	[sflag:s18] =	ssyncset.done $0x0  }
0x1b5: {  	[sflag:s18] =	ssyncadd.s32 $0xFFFFC000  }
0x1b6: {  	[tilespmem:s14], [sflag:$0x2] =	stream.indirect.gather [hbm4b:s4+s12], $0x80, s1, s12, $0xb8;
	[tilespmem:$0x1D000] =	vst v63  }
0x1b7: {  	_ =	swait.ge [sflag:s15], $0x4000  }
0x1b8: {  	[sflag:s15] =	ssyncset.done $0x0  }
0x1b9: {  	[sflag:s15] =	ssyncadd.s32 $0xFFFFC000  }
0x1ba: {  	[spmem:s2] =	stream.indirect.scatter.add.f32 [tilespmem:s13], [sflag:$0x3], $0x80, s0, s12, $0xb8;
	[tilespmem:$0x1D000] =	vst v63  }
0x1bb: {  	_ =	swait.ge [sflag:s17], $0x4000  }
0x1bc: {  	[sflag:s17] =	ssyncset.done $0x0  }
0x1bd: {  	[sflag:s17] =	ssyncadd.s32 $0xFFFFC000  }
0x1be: {  	[spmem:s2] =	stream.indirect.scatter.add.f32 [tilespmem:s14], [sflag:$0x4], $0x80, s6, s12, $0xb8;
	[tilespmem:$0x1D000] =	vst v63  }
0x1bf: {  	_ =	swait.ge [sflag:s16], $0x4000  }
0x1c0: {  	[sflag:s16] =	ssyncset.done $0x0  }
0x1c1: {  	[sflag:s16] =	ssyncadd.s32 $0xFFFFC000  }
0x1c2: {  	_ =	swait.ge [sflag:s18], $0x4000  }
0x1c3: {  	[sflag:s18] =	ssyncset.done $0x0  }
0x1c4: {  	[sflag:s18] =	ssyncadd.s32 $0xFFFFC000  }
0x1c5: {  	[bflag:$0x0] =	sbarrier.arrive $0xFFFF  }
0x1c6: {  	s9 =	rddreg [dreg:$0x15]  }
0x1c7: {  	s7 =	rddreg [dreg:$0x17]  }
0x1c8: {  	s8 =	rddreg [dreg:$0x18]  }
0x1c9: {  	[hbm:s9], [sflag:s7] =	dma.local [spmem:s8], $0x2800  }
0x1ca: {  	_ =	swait.ge [sflag:s10], $0x2800  }
0x1cb: {  	s5 =	rddreg [dreg:$0x19]  }
0x1cc: {  	s9 =	sadd.s32 $0x1, s5;
	s5 =	rddreg [dreg:$0x16]  }
0x1cd: {  	p0 =	sne.s32 s9, s5  }
.Ltmp1:
0x1ce: {  	_ = 	snop;
	(pc) =	sbr.rel @p0 .LBB2_1-.Ltmp1, $3  }
0x1cf: {  	_ =	sdelay $0x1  }
0x1d0: {  	[sflag:s10] =	ssyncset.done $0x0  }
0x1d1: {  	[sflag:s10] =	ssyncadd.s32 $0xFFFFD800  }
0x1d2: {  	_ =	sfence.sel $0x180000  }
0x1d3: {  	[bflag:$0x0] =	sbarrier.arrive $0xFFFF  }
0x1d4: {  	_ =	strace $0x90000050  }
0x1d5: {  	s0 =	stileid.u32;
	[bflag:$0x2] =	sbarrier.arrive $0xFFFF  }
0x1d6: {  	p0 =	sne.s32 s0, $0x0;
	s0 =	rddreg [dreg:$0x3]  }
0x1d7: {  	s0 =	sadd.s32 @!p0 $0x100000, s0  }
0x1d8: {  	[sflag:s0] =	ssyncadd.tile.s32 @!p0 $0x1;
	_ =	shalt  }
.Lfunc_end2:
_tile_overlayer_lowered:
.L_overlay_start_2:
0x1d9: {  	(tag) =	ssettag $0x2  }
0x1da: {  	s0 =	rddreg [dreg:$0x0];
	s2 =	stileid.u32  }
0x1db: {  	s1 =	rddreg [dreg:$0x1];
	p0 =	sne.s32 s2, $0x0  }
0x1dc: {  	s3 =	rddreg [dreg:$0x2];
	[bflag:$0x3] =	sbarrier.arrive $0xFFFF;
	s2 =	simm.s32 @!p0 $0x1C05  }
0x1dd: {  	[timem:s3], [sflag:s2] =	dma.local @!p0 [hbm:s0], s1  }
0x1de: {  	s0 =	simm.s32 @!p0 $0x5  }
0x1df: {  	_ =	swait.ge @!p0 [sflag:s0], s1  }
0x1e0: {  	s1 =	ssub.s32 @!p0 $0x0, s1;
	[sflag:s0] =	ssyncset.done @!p0 $0x0  }
0x1e1: {  	[sflag:s0] =	ssyncadd.s32 @!p0 s1  }
0x1e2: {  	[bflag:$0x3] =	sbarrier.arrive $0xFFFF  }
0x1e3: {  	_ =	shalt  }

</sc_bundles>
